<compile_context>
chip_gen: v7x
topology: tpu7x:2x2x1
jax: 0.10.2.dev20260603
libtpu: 0.0.44.dev20260713+nightly
codegen_flags: <defaults>
</compile_context>

<pallas_src>
import jax
import jax.numpy as jnp
from jax import lax
from jax.experimental import pallas as pl
from jax.experimental.pallas import tpu as pltpu
from jax.experimental.pallas import tpu_sc as plsc

N_ATOMS = 1000000
R = 8
G = 100000
L = 3
O = 4

NC = 2
NS = 16
NW = NC * NS
T = (R * G) // NW
K = 6240
NCH = 4
NGRP = K // 16
U = 6
TAIL = T - NCH * K
TGRP = 3
TB = TGRP * 16
FLAG = 1 << 21
IDXMASK = FLAG - 1


def _sc_body(tbl_hbm, pk0_hbm, pk1_hbm, pk2_hbm, part_hbm,
             pk_a0, pk_a1, pk_a2, pk_b0, pk_b1, pk_b2,
             idx_a, idx_b, p_a, p_b,
             pkt0_v, pkt1_v, pkt2_v, idxt_v, pt_v, acc_v,
             sem_a, sem_b, semg_a, semg_b):
    wid = lax.axis_index("s") * NC + lax.axis_index("c")
    g0 = wid * T

    iota = lax.iota(jnp.int32, 16)
    zero_v = jnp.zeros((16,), jnp.float32)
    zero_i = jnp.zeros((16,), jnp.int32)
    one_f = jnp.float32(1.0)

    pk_bufs = ((pk_a0, pk_a1, pk_a2), (pk_b0, pk_b1, pk_b2))
    idx_bufs = (idx_a, idx_b)
    p_bufs = (p_a, p_b)
    sems = (sem_a, sem_b)
    semgs = (semg_a, semg_b)

    pkt_refs = (pkt0_v, pkt1_v, pkt2_v)
    for l in range(L):
        pkt_refs[l][pl.ds(TB - 16, 16)] = zero_i

    def dma_start(ci, s):
        b = g0 + ci * K
        pk_v, sem = pk_bufs[s], sems[s]
        return [
            pltpu.async_copy(pk0_hbm.at[pl.ds(b, K)], pk_v[0], sem),
            pltpu.async_copy(pk1_hbm.at[pl.ds(b, K)], pk_v[1], sem),
            pltpu.async_copy(pk2_hbm.at[pl.ds(b, K)], pk_v[2], sem)]

    def unpack(s):
        pk_v, idx_v = pk_bufs[s], idx_bufs[s]

        def body(i, c):
            for u in range(U):
                j = i * U + u
                ds_ = pl.ds(j * 16, 16)
                v0 = pk_v[0][ds_]
                v1 = pk_v[1][ds_]
                v2 = pk_v[2][ds_]
                idx_v[pl.ds(j * 16, 16)] = (
                    lax.shift_right_logical(v0 & IDXMASK, 1))
                idx_v[pl.ds(K + j * 16, 16)] = lax.shift_right_logical(v1, 1)
                idx_v[pl.ds(2 * K + j * 16, 16)] = (
                    lax.shift_right_logical(v2, 1))
            return c
        lax.fori_loop(0, NGRP // U, body, 0)

    def accum(s, acc):
        pk_v, p_v = pk_bufs[s], p_bufs[s]

        def body(i, a):
            for u in range(U):
                j = i * U + u
                ds_ = pl.ds(j * 16, 16)
                v0 = pk_v[0][ds_]
                v1 = pk_v[1][ds_]
                v2 = pk_v[2][ds_]
                p0 = p_v[ds_]
                p1 = p_v[pl.ds(K + j * 16, 16)]
                p2 = p_v[pl.ds(2 * K + j * 16, 16)]
                sel0 = jnp.where((v0 & 1) == 1, p0, one_f - p0)
                sel1 = jnp.where((v1 & 1) == 1, p1, one_f - p1)
                sel2 = jnp.where((v2 & 1) == 1, p2, one_f - p2)
                prod = sel0 * sel1 * sel2
                a = a + jnp.where(v0 < FLAG, prod, zero_v)
            return a
        return lax.fori_loop(0, NGRP // U, body, acc)

    def gather_start(s):
        return pltpu.async_copy(tbl_hbm.at[idx_bufs[s]], p_bufs[s], semgs[s])

    acc = zero_v
    h = dma_start(0, 0)
    for x in h:
        x.wait()
    unpack(0)
    gh0 = gather_start(0)
    h = dma_start(1, 1)
    for x in h:
        x.wait()
    unpack(1)
    gh1 = gather_start(1)
    gh0.wait()
    acc = accum(0, acc)
    h = dma_start(2, 0)
    for x in h:
        x.wait()
    unpack(0)
    gh2 = gather_start(0)
    gh1.wait()
    acc = accum(1, acc)
    h = dma_start(3, 1)
    for x in h:
        x.wait()
    unpack(1)
    gh3 = gather_start(1)
    gh2.wait()
    acc = accum(0, acc)
    gh3.wait()
    acc = accum(1, acc)

    b = g0 + NCH * K
    pltpu.sync_copy(pk0_hbm.at[pl.ds(b, TAIL)], pkt0_v.at[pl.ds(0, TAIL)])
    pltpu.sync_copy(pk1_hbm.at[pl.ds(b, TAIL)], pkt1_v.at[pl.ds(0, TAIL)])
    pltpu.sync_copy(pk2_hbm.at[pl.ds(b, TAIL)], pkt2_v.at[pl.ds(0, TAIL)])
    for j in range(TGRP):
        ds_ = pl.ds(j * 16, 16)
        for l in range(L):
            v = pkt_refs[l][ds_]
            idxt_v[pl.ds(l * TB + j * 16, 16)] = (
                lax.shift_right_logical(v & IDXMASK, 1))
    pltpu.async_copy(tbl_hbm.at[idxt_v], pt_v, sem_a).wait()
    for j in range(TGRP):
        ds_ = pl.ds(j * 16, 16)
        prod = jnp.ones((16,), jnp.float32)
        v0 = pkt0_v[ds_]
        for l in range(L):
            v = pkt_refs[l][ds_] if l else v0
            pv = pt_v[pl.ds(l * TB + j * 16, 16)]
            prod = prod * jnp.where((v & 1) == 1, pv, one_f - pv)
        valid = ((j * 16 + iota) < TAIL) & (v0 < FLAG)
        acc = acc + jnp.where(valid, prod, zero_v)

    acc_v[...] = acc
    pltpu.sync_copy(acc_v, part_hbm.at[wid])


_sc_kernel = pl.kernel(
    _sc_body,
    out_type=jax.ShapeDtypeStruct((NW, 16), jnp.float32),
    mesh=plsc.VectorSubcoreMesh(core_axis_name="c", subcore_axis_name="s"),
    compiler_params=pltpu.CompilerParams(needs_layout_passes=False),
    scratch_types=[
        pltpu.VMEM((K,), jnp.int32),
        pltpu.VMEM((K,), jnp.int32),
        pltpu.VMEM((K,), jnp.int32),
        pltpu.VMEM((K,), jnp.int32),
        pltpu.VMEM((K,), jnp.int32),
        pltpu.VMEM((K,), jnp.int32),
        pltpu.VMEM((L * K,), jnp.int32),
        pltpu.VMEM((L * K,), jnp.int32),
        pltpu.VMEM((L * K,), jnp.float32),
        pltpu.VMEM((L * K,), jnp.float32),
        pltpu.VMEM((TB,), jnp.int32),
        pltpu.VMEM((TB,), jnp.int32),
        pltpu.VMEM((TB,), jnp.int32),
        pltpu.VMEM((L * TB,), jnp.int32),
        pltpu.VMEM((L * TB,), jnp.float32),
        pltpu.VMEM((16,), jnp.float32),
        pltpu.SemaphoreType.DMA,
        pltpu.SemaphoreType.DMA,
        pltpu.SemaphoreType.DMA,
        pltpu.SemaphoreType.DMA,
    ],
)


def _finish_body(part_ref, wrow_ref, cnt_ref, w_ref, out_ref):
    c0 = jnp.sum(w_ref[...] * (jnp.float32(G) + cnt_ref[...]))
    s = jnp.sum(part_ref[...] * wrow_ref[...])
    out_ref[...] = jnp.reshape(c0 - s, (1, 1))


_finish = pl.pallas_call(
    _finish_body,
    out_shape=jax.ShapeDtypeStruct((1, 1), jnp.float32),
)


def kernel(posterior_prob, latent_var_inds, latent_neg_mask, observed_neg_mask,
           observed_rule_cnts, rule_weights):
    base = latent_var_inds * 2 + latent_neg_mask
    obs_nz = jnp.sum(observed_neg_mask, axis=-1) != 0
    pk0 = (base[:, :, 0] + jnp.where(obs_nz, FLAG, 0)).reshape(-1)
    pk1 = base[:, :, 1].reshape(-1)
    pk2 = base[:, :, 2].reshape(-1)

    partials = _sc_kernel(posterior_prob, pk0, pk1, pk2)

    wrow = jnp.repeat(rule_weights[0], NW // R).reshape(NW, 1)
    out = _finish(partials, wrow, observed_rule_cnts.reshape(1, R),
                  rule_weights)
    return out.reshape(1)

# --- scband reference (transcript-rebuilt; emitter-appended) ---
"""Pipeline reference for scband-conditional-mln-71279277244794 (READ-ONLY COPY).

The authoritative reference and input builder live on the scoring server;
editing this copy changes nothing except your own understanding.
"""

import jax, jax.numpy as jnp
import numpy as np

N_ATOMS = 1000000
R = 8
G = 100000
L = 3
O = 4

def setup_inputs(seed: int = 0) -> dict:
    key = jax.random.key(seed)
    k1, k2, k3, k4, k5, k6 = jax.random.split(key, 6)
    posterior_prob = jax.random.uniform(k1, (N_ATOMS,), dtype=jnp.float32)
    latent_var_inds = jax.random.randint(k2, (R, G, L), 0, N_ATOMS, dtype=jnp.int32)
    latent_neg_mask = jax.random.randint(k3, (R, G, L), 0, 2, dtype=jnp.int32)
    observed_neg_mask = jax.random.randint(k4, (R, G, O), 0, 2, dtype=jnp.int32)
    observed_rule_cnts = jax.random.uniform(k5, (R,), dtype=jnp.float32) * 100.0
    rule_weights = jnp.ones((1, R), dtype=jnp.float32)  # nn.Linear(num_rules, 1, bias=False) weight, init from rule.weight
    return {
        'posterior_prob': posterior_prob,
        'latent_var_inds': latent_var_inds,
        'latent_neg_mask': latent_neg_mask,
        'observed_neg_mask': observed_neg_mask,
        'observed_rule_cnts': observed_rule_cnts,
        'rule_weights': rule_weights,
    }

def reference(posterior_prob, latent_var_inds, latent_neg_mask, observed_neg_mask, observed_rule_cnts, rule_weights):
    # gather posterior probabilities of the latent atoms in each grounding (memory-bound)
    p = jnp.take(posterior_prob, latent_var_inds, axis=0)            # [R, G, L]
    # z_probs = [1-p, p] per latent atom
    z = jnp.stack([1.0 - p, p], axis=-1)                             # [R, G, L, 2]
    # cartesian product over the L=3 latent atoms (torch.ger chain -> outer product tensor [2]*L)
    cp = (z[:, :, 0, :, None, None]
          * z[:, :, 1, None, :, None]
          * z[:, :, 2, None, None, :])                                # [R, G, 2, 2, 2]
    cp_flat = cp.reshape(cp.shape[0], cp.shape[1], 8)                 # [R, G, 8]
    m = latent_neg_mask
    idx = m[..., 0] * 4 + m[..., 1] * 2 + m[..., 2]                   # [R, G] flat index of latent_neg_mask entry
    # soft_logic=False branch: if sum(observed_neg_mask) == 0, zero the entry at tuple(latent_neg_mask)
    obs_zero = (jnp.sum(observed_neg_mask, axis=-1) == 0).astype(jnp.float32)  # [R, G]
    onehot = jax.nn.one_hot(idx, 8, dtype=jnp.float32)                # [R, G, 8]
    cp_flat = cp_flat * (1.0 - onehot * obs_zero[..., None])
    # scores[i] += cartesian_prod.sum() over all groundings, then += observed_rule_cnts[i]
    scores = jnp.sum(cp_flat, axis=(1, 2)) + observed_rule_cnts       # [R]
    # rule_weights_lin(scores)
    return rule_weights @ scores                                      # [1]

if __name__ == "__main__":
    import jax
    _d = setup_inputs()
    print(jax.jit(kernel)(*tuple(_d.values())))

</pallas_src>

<mosaic_0001>
#map = affine_map<(d0, d1) -> (0)>
#map1 = affine_map<(d0, d1) -> (0, 0)>
module attributes {stable_mosaic.version = 14 : i64} {
  func.func @_sc_body(%arg0: i32, %arg1: i32, %arg2: memref<1000000xf32, #tpu.memory_space<hbm>>, %arg3: memref<800000xi32, #tpu.memory_space<hbm>>, %arg4: memref<800000xi32, #tpu.memory_space<hbm>>, %arg5: memref<800000xi32, #tpu.memory_space<hbm>>, %arg6: memref<32x16xf32, #tpu.memory_space<hbm>>, %arg7: memref<6240xi32, #tpu.memory_space<vmem>>, %arg8: memref<6240xi32, #tpu.memory_space<vmem>>, %arg9: memref<6240xi32, #tpu.memory_space<vmem>>, %arg10: memref<6240xi32, #tpu.memory_space<vmem>>, %arg11: memref<6240xi32, #tpu.memory_space<vmem>>, %arg12: memref<6240xi32, #tpu.memory_space<vmem>>, %arg13: memref<18720xi32, #tpu.memory_space<vmem>>, %arg14: memref<18720xi32, #tpu.memory_space<vmem>>, %arg15: memref<18720xf32, #tpu.memory_space<vmem>>, %arg16: memref<18720xf32, #tpu.memory_space<vmem>>, %arg17: memref<48xi32, #tpu.memory_space<vmem>>, %arg18: memref<48xi32, #tpu.memory_space<vmem>>, %arg19: memref<48xi32, #tpu.memory_space<vmem>>, %arg20: memref<144xi32, #tpu.memory_space<vmem>>, %arg21: memref<144xf32, #tpu.memory_space<vmem>>, %arg22: memref<16xf32, #tpu.memory_space<vmem>>, %arg23: memref<!tpu.dma_semaphore, #tpu.memory_space<semaphore_mem>>, %arg24: memref<!tpu.dma_semaphore, #tpu.memory_space<semaphore_mem>>, %arg25: memref<!tpu.dma_semaphore, #tpu.memory_space<semaphore_mem>>, %arg26: memref<!tpu.dma_semaphore, #tpu.memory_space<semaphore_mem>>) attributes {dimension_semantics = [#tpu.dimension_semantics<core_parallel>, #tpu.dimension_semantics<subcore_parallel>], iteration_bounds = array<i64: 2, 16>, scalar_prefetch = 0 : i64, scratch_operands = 20 : i64, tpu.core_type = #tpu.core_type<sc_vector_subcore>, window_params = [{transform_indices = #map}, {transform_indices = #map}, {transform_indices = #map}, {transform_indices = #map}, {transform_indices = #map1}]} {
    %mul3A = arith.constant 2 : i32
    %mul3A_0 = arith.muli %arg1, %mul3A : i32
    %add3A = arith.addi %mul3A_0, %arg0 : i32
    %mul3A_1 = arith.constant 25000 : i32
    %mul3A_2 = arith.muli %add3A, %mul3A_1 : i32
    %iota3A = tpu.iota {dimensions = array<i32: 0>} : vector<16xi32>
    %broadcast_in_dim3A = arith.constant 0.000000e+00 : f32
    %broadcast_in_dim3A_3 = vector.broadcast %broadcast_in_dim3A : f32 to vector<16xf32>
    %broadcast_in_dim3A_4 = arith.constant 0 : i32
    %broadcast_in_dim3A_5 = vector.broadcast %broadcast_in_dim3A_4 : i32 to vector<16xi32>
    %swap3A = arith.constant 32 : index
    %swap3A_6 = tpu.vector_load %arg17[%swap3A] {strides = array<i32>} : memref<48xi32, #tpu.memory_space<vmem>>, vector<16xi32>,
    tpu.vector_store %arg17[%swap3A], %broadcast_in_dim3A_5 {strides = array<i32>} : memref<48xi32, #tpu.memory_space<vmem>>, vector<16xi32>,
    %swap3A_7 = arith.constant 32 : index
    %swap3A_8 = tpu.vector_load %arg18[%swap3A_7] {strides = array<i32>} : memref<48xi32, #tpu.memory_space<vmem>>, vector<16xi32>,
    tpu.vector_store %arg18[%swap3A_7], %broadcast_in_dim3A_5 {strides = array<i32>} : memref<48xi32, #tpu.memory_space<vmem>>, vector<16xi32>,
    %swap3A_9 = arith.constant 32 : index
    %swap3A_10 = tpu.vector_load %arg19[%swap3A_9] {strides = array<i32>} : memref<48xi32, #tpu.memory_space<vmem>>, vector<16xi32>,
    tpu.vector_store %arg19[%swap3A_9], %broadcast_in_dim3A_5 {strides = array<i32>} : memref<48xi32, #tpu.memory_space<vmem>>, vector<16xi32>,
    %add3A_11 = arith.constant 0 : i32
    %add3A_12 = arith.addi %mul3A_2, %add3A_11 : i32
    %dma_start3A = tpu.memref_slice %arg3[%add3A_12] : memref<800000xi32, #tpu.memory_space<hbm>> -> memref<6240xi32, #tpu.memory_space<hbm>>
    %dma_start3A_13 = tpu.memref_slice %arg3[%add3A_12] : memref<800000xi32, #tpu.memory_space<hbm>> -> memref<6240xi32, #tpu.memory_space<hbm>>
    tpu.enqueue_dma source(%dma_start3A_13 : memref<6240xi32, #tpu.memory_space<hbm>>) target(%arg7 : memref<6240xi32, #tpu.memory_space<vmem>>) target_semaphore(%arg23 : memref<!tpu.dma_semaphore, #tpu.memory_space<semaphore_mem>>)
    %dma_start3A_14 = tpu.memref_slice %arg4[%add3A_12] : memref<800000xi32, #tpu.memory_space<hbm>> -> memref<6240xi32, #tpu.memory_space<hbm>>
    %dma_start3A_15 = tpu.memref_slice %arg4[%add3A_12] : memref<800000xi32, #tpu.memory_space<hbm>> -> memref<6240xi32, #tpu.memory_space<hbm>>
    tpu.enqueue_dma source(%dma_start3A_15 : memref<6240xi32, #tpu.memory_space<hbm>>) target(%arg8 : memref<6240xi32, #tpu.memory_space<vmem>>) target_semaphore(%arg23 : memref<!tpu.dma_semaphore, #tpu.memory_space<semaphore_mem>>)
    %dma_start3A_16 = tpu.memref_slice %arg5[%add3A_12] : memref<800000xi32, #tpu.memory_space<hbm>> -> memref<6240xi32, #tpu.memory_space<hbm>>
    %dma_start3A_17 = tpu.memref_slice %arg5[%add3A_12] : memref<800000xi32, #tpu.memory_space<hbm>> -> memref<6240xi32, #tpu.memory_space<hbm>>
    tpu.enqueue_dma source(%dma_start3A_17 : memref<6240xi32, #tpu.memory_space<hbm>>) target(%arg9 : memref<6240xi32, #tpu.memory_space<vmem>>) target_semaphore(%arg23 : memref<!tpu.dma_semaphore, #tpu.memory_space<semaphore_mem>>)
    %dma_wait3A = tpu.memref_slice %arg3[%add3A_12] : memref<800000xi32, #tpu.memory_space<hbm>> -> memref<6240xi32, #tpu.memory_space<hbm>>
    %dma_wait3A_18 = tpu.memref_slice %arg3[%add3A_12] : memref<800000xi32, #tpu.memory_space<hbm>> -> memref<6240xi32, #tpu.memory_space<hbm>>
    tpu.wait_dma2 semaphore(%arg23 : memref<!tpu.dma_semaphore, #tpu.memory_space<semaphore_mem>>) src(%dma_wait3A_18 : memref<6240xi32, #tpu.memory_space<hbm>>) dst(%arg7 : memref<6240xi32, #tpu.memory_space<vmem>>)
    %dma_wait3A_19 = tpu.memref_slice %arg4[%add3A_12] : memref<800000xi32, #tpu.memory_space<hbm>> -> memref<6240xi32, #tpu.memory_space<hbm>>
    %dma_wait3A_20 = tpu.memref_slice %arg4[%add3A_12] : memref<800000xi32, #tpu.memory_space<hbm>> -> memref<6240xi32, #tpu.memory_space<hbm>>
    tpu.wait_dma2 semaphore(%arg23 : memref<!tpu.dma_semaphore, #tpu.memory_space<semaphore_mem>>) src(%dma_wait3A_20 : memref<6240xi32, #tpu.memory_space<hbm>>) dst(%arg8 : memref<6240xi32, #tpu.memory_space<vmem>>)
    %dma_wait3A_21 = tpu.memref_slice %arg5[%add3A_12] : memref<800000xi32, #tpu.memory_space<hbm>> -> memref<6240xi32, #tpu.memory_space<hbm>>
    %dma_wait3A_22 = tpu.memref_slice %arg5[%add3A_12] : memref<800000xi32, #tpu.memory_space<hbm>> -> memref<6240xi32, #tpu.memory_space<hbm>>
    tpu.wait_dma2 semaphore(%arg23 : memref<!tpu.dma_semaphore, #tpu.memory_space<semaphore_mem>>) src(%dma_wait3A_22 : memref<6240xi32, #tpu.memory_space<hbm>>) dst(%arg9 : memref<6240xi32, #tpu.memory_space<vmem>>)
    %scan3A = arith.constant 0 : i32
    %scan3A_23 = arith.constant 0 : i32
    %scan3A_24 = arith.constant 65 : i32
    %scan3A_25 = arith.addi %scan3A_23, %scan3A_24 : i32
    %scan3A_26 = arith.constant 1 : i32
    scf.for %scan3A_400 = %scan3A_23 to %scan3A_25 step %scan3A_26  : i32 {
      %mul3A_401 = arith.constant 6 : i32
      %mul3A_402 = arith.muli %scan3A_400, %mul3A_401 : i32
      %add3A_403 = arith.constant 0 : i32
      %add3A_404 = arith.addi %mul3A_402, %add3A_403 : i32
      %mul3A_405 = arith.constant 16 : i32
      %mul3A_406 = arith.muli %add3A_404, %mul3A_405 : i32
      %get3A_407 = arith.index_cast %mul3A_406 : i32 to index
      %get3A_408 = tpu.vector_load %arg7[%get3A_407] {strides = array<i32>} : memref<6240xi32, #tpu.memory_space<vmem>>, vector<16xi32>,
      %get3A_409 = arith.index_cast %mul3A_406 : i32 to index
      %get3A_410 = tpu.vector_load %arg8[%get3A_409] {strides = array<i32>} : memref<6240xi32, #tpu.memory_space<vmem>>, vector<16xi32>,
      %get3A_411 = arith.index_cast %mul3A_406 : i32 to index
      %get3A_412 = tpu.vector_load %arg9[%get3A_411] {strides = array<i32>} : memref<6240xi32, #tpu.memory_space<vmem>>, vector<16xi32>,
      %and3A_413 = arith.constant 2097151 : i32
      %and3A_414 = vector.broadcast %and3A_413 : i32 to vector<16xi32>
      %and3A_415 = arith.andi %get3A_408, %and3A_414 : vector<16xi32>
      %shift_right_logical3A_416 = arith.constant 1 : i32
      %shift_right_logical3A_417 = vector.broadcast %shift_right_logical3A_416 : i32 to vector<16xi32>
      %shift_right_logical3A_418 = arith.shrui %and3A_415, %shift_right_logical3A_417 : vector<16xi32>
      %mul3A_419 = arith.constant 16 : i32
      %mul3A_420 = arith.muli %add3A_404, %mul3A_419 : i32
      %swap3A_421 = arith.index_cast %mul3A_420 : i32 to index
      %swap3A_422 = tpu.vector_load %arg13[%swap3A_421] {strides = array<i32>} : memref<18720xi32, #tpu.memory_space<vmem>>, vector<16xi32>,
      tpu.vector_store %arg13[%swap3A_421], %shift_right_logical3A_418 {strides = array<i32>} : memref<18720xi32, #tpu.memory_space<vmem>>, vector<16xi32>,
      %shift_right_logical3A_423 = arith.constant 1 : i32
      %shift_right_logical3A_424 = vector.broadcast %shift_right_logical3A_423 : i32 to vector<16xi32>
      %shift_right_logical3A_425 = arith.shrui %get3A_410, %shift_right_logical3A_424 : vector<16xi32>
      %mul3A_426 = arith.constant 16 : i32
      %mul3A_427 = arith.muli %add3A_404, %mul3A_426 : i32
      %add3A_428 = arith.constant 6240 : i32
      %add3A_429 = arith.addi %add3A_428, %mul3A_427 : i32
      %swap3A_430 = arith.index_cast %add3A_429 : i32 to index
      %swap3A_431 = tpu.vector_load %arg13[%swap3A_430] {strides = array<i32>} : memref<18720xi32, #tpu.memory_space<vmem>>, vector<16xi32>,
      tpu.vector_store %arg13[%swap3A_430], %shift_right_logical3A_425 {strides = array<i32>} : memref<18720xi32, #tpu.memory_space<vmem>>, vector<16xi32>,
      %shift_right_logical3A_432 = arith.constant 1 : i32
      %shift_right_logical3A_433 = vector.broadcast %shift_right_logical3A_432 : i32 to vector<16xi32>
      %shift_right_logical3A_434 = arith.shrui %get3A_412, %shift_right_logical3A_433 : vector<16xi32>
      %mul3A_435 = arith.constant 16 : i32
      %mul3A_436 = arith.muli %add3A_404, %mul3A_435 : i32
      %add3A_437 = arith.constant 12480 : i32
      %add3A_438 = arith.addi %add3A_437, %mul3A_436 : i32
      %swap3A_439 = arith.index_cast %add3A_438 : i32 to index
      %swap3A_440 = tpu.vector_load %arg13[%swap3A_439] {strides = array<i32>} : memref<18720xi32, #tpu.memory_space<vmem>>, vector<16xi32>,
      tpu.vector_store %arg13[%swap3A_439], %shift_right_logical3A_434 {strides = array<i32>} : memref<18720xi32, #tpu.memory_space<vmem>>, vector<16xi32>,
      %mul3A_441 = arith.constant 6 : i32
      %mul3A_442 = arith.muli %scan3A_400, %mul3A_441 : i32
      %add3A_443 = arith.constant 1 : i32
      %add3A_444 = arith.addi %mul3A_442, %add3A_443 : i32
      %mul3A_445 = arith.constant 16 : i32
      %mul3A_446 = arith.muli %add3A_444, %mul3A_445 : i32
      %get3A_447 = arith.index_cast %mul3A_446 : i32 to index
      %get3A_448 = tpu.vector_load %arg7[%get3A_447] {strides = array<i32>} : memref<6240xi32, #tpu.memory_space<vmem>>, vector<16xi32>,
      %get3A_449 = arith.index_cast %mul3A_446 : i32 to index
      %get3A_450 = tpu.vector_load %arg8[%get3A_449] {strides = array<i32>} : memref<6240xi32, #tpu.memory_space<vmem>>, vector<16xi32>,
      %get3A_451 = arith.index_cast %mul3A_446 : i32 to index
      %get3A_452 = tpu.vector_load %arg9[%get3A_451] {strides = array<i32>} : memref<6240xi32, #tpu.memory_space<vmem>>, vector<16xi32>,
      %and3A_453 = arith.constant 2097151 : i32
      %and3A_454 = vector.broadcast %and3A_453 : i32 to vector<16xi32>
      %and3A_455 = arith.andi %get3A_448, %and3A_454 : vector<16xi32>
      %shift_right_logical3A_456 = arith.constant 1 : i32
      %shift_right_logical3A_457 = vector.broadcast %shift_right_logical3A_456 : i32 to vector<16xi32>
      %shift_right_logical3A_458 = arith.shrui %and3A_455, %shift_right_logical3A_457 : vector<16xi32>
      %mul3A_459 = arith.constant 16 : i32
      %mul3A_460 = arith.muli %add3A_444, %mul3A_459 : i32
      %swap3A_461 = arith.index_cast %mul3A_460 : i32 to index
      %swap3A_462 = tpu.vector_load %arg13[%swap3A_461] {strides = array<i32>} : memref<18720xi32, #tpu.memory_space<vmem>>, vector<16xi32>,
      tpu.vector_store %arg13[%swap3A_461], %shift_right_logical3A_458 {strides = array<i32>} : memref<18720xi32, #tpu.memory_space<vmem>>, vector<16xi32>,
      %shift_right_logical3A_463 = arith.constant 1 : i32
      %shift_right_logical3A_464 = vector.broadcast %shift_right_logical3A_463 : i32 to vector<16xi32>
      %shift_right_logical3A_465 = arith.shrui %get3A_450, %shift_right_logical3A_464 : vector<16xi32>
      %mul3A_466 = arith.constant 16 : i32
      %mul3A_467 = arith.muli %add3A_444, %mul3A_466 : i32
      %add3A_468 = arith.constant 6240 : i32
      %add3A_469 = arith.addi %add3A_468, %mul3A_467 : i32
      %swap3A_470 = arith.index_cast %add3A_469 : i32 to index
      %swap3A_471 = tpu.vector_load %arg13[%swap3A_470] {strides = array<i32>} : memref<18720xi32, #tpu.memory_space<vmem>>, vector<16xi32>,
      tpu.vector_store %arg13[%swap3A_470], %shift_right_logical3A_465 {strides = array<i32>} : memref<18720xi32, #tpu.memory_space<vmem>>, vector<16xi32>,
      %shift_right_logical3A_472 = arith.constant 1 : i32
      %shift_right_logical3A_473 = vector.broadcast %shift_right_logical3A_472 : i32 to vector<16xi32>
      %shift_right_logical3A_474 = arith.shrui %get3A_452, %shift_right_logical3A_473 : vector<16xi32>
      %mul3A_475 = arith.constant 16 : i32
      %mul3A_476 = arith.muli %add3A_444, %mul3A_475 : i32
      %add3A_477 = arith.constant 12480 : i32
      %add3A_478 = arith.addi %add3A_477, %mul3A_476 : i32
      %swap3A_479 = arith.index_cast %add3A_478 : i32 to index
      %swap3A_480 = tpu.vector_load %arg13[%swap3A_479] {strides = array<i32>} : memref<18720xi32, #tpu.memory_space<vmem>>, vector<16xi32>,
      tpu.vector_store %arg13[%swap3A_479], %shift_right_logical3A_474 {strides = array<i32>} : memref<18720xi32, #tpu.memory_space<vmem>>, vector<16xi32>,
      %mul3A_481 = arith.constant 6 : i32
      %mul3A_482 = arith.muli %scan3A_400, %mul3A_481 : i32
      %add3A_483 = arith.constant 2 : i32
      %add3A_484 = arith.addi %mul3A_482, %add3A_483 : i32
      %mul3A_485 = arith.constant 16 : i32
      %mul3A_486 = arith.muli %add3A_484, %mul3A_485 : i32
      %get3A_487 = arith.index_cast %mul3A_486 : i32 to index
      %get3A_488 = tpu.vector_load %arg7[%get3A_487] {strides = array<i32>} : memref<6240xi32, #tpu.memory_space<vmem>>, vector<16xi32>,
      %get3A_489 = arith.index_cast %mul3A_486 : i32 to index
      %get3A_490 = tpu.vector_load %arg8[%get3A_489] {strides = array<i32>} : memref<6240xi32, #tpu.memory_space<vmem>>, vector<16xi32>,
      %get3A_491 = arith.index_cast %mul3A_486 : i32 to index
      %get3A_492 = tpu.vector_load %arg9[%get3A_491] {strides = array<i32>} : memref<6240xi32, #tpu.memory_space<vmem>>, vector<16xi32>,
      %and3A_493 = arith.constant 2097151 : i32
      %and3A_494 = vector.broadcast %and3A_493 : i32 to vector<16xi32>
      %and3A_495 = arith.andi %get3A_488, %and3A_494 : vector<16xi32>
      %shift_right_logical3A_496 = arith.constant 1 : i32
      %shift_right_logical3A_497 = vector.broadcast %shift_right_logical3A_496 : i32 to vector<16xi32>
      %shift_right_logical3A_498 = arith.shrui %and3A_495, %shift_right_logical3A_497 : vector<16xi32>
      %mul3A_499 = arith.constant 16 : i32
      %mul3A_500 = arith.muli %add3A_484, %mul3A_499 : i32
      %swap3A_501 = arith.index_cast %mul3A_500 : i32 to index
      %swap3A_502 = tpu.vector_load %arg13[%swap3A_501] {strides = array<i32>} : memref<18720xi32, #tpu.memory_space<vmem>>, vector<16xi32>,
      tpu.vector_store %arg13[%swap3A_501], %shift_right_logical3A_498 {strides = array<i32>} : memref<18720xi32, #tpu.memory_space<vmem>>, vector<16xi32>,
      %shift_right_logical3A_503 = arith.constant 1 : i32
      %shift_right_logical3A_504 = vector.broadcast %shift_right_logical3A_503 : i32 to vector<16xi32>
      %shift_right_logical3A_505 = arith.shrui %get3A_490, %shift_right_logical3A_504 : vector<16xi32>
      %mul3A_506 = arith.constant 16 : i32
      %mul3A_507 = arith.muli %add3A_484, %mul3A_506 : i32
      %add3A_508 = arith.constant 6240 : i32
      %add3A_509 = arith.addi %add3A_508, %mul3A_507 : i32
      %swap3A_510 = arith.index_cast %add3A_509 : i32 to index
      %swap3A_511 = tpu.vector_load %arg13[%swap3A_510] {strides = array<i32>} : memref<18720xi32, #tpu.memory_space<vmem>>, vector<16xi32>,
      tpu.vector_store %arg13[%swap3A_510], %shift_right_logical3A_505 {strides = array<i32>} : memref<18720xi32, #tpu.memory_space<vmem>>, vector<16xi32>,
      %shift_right_logical3A_512 = arith.constant 1 : i32
      %shift_right_logical3A_513 = vector.broadcast %shift_right_logical3A_512 : i32 to vector<16xi32>
      %shift_right_logical3A_514 = arith.shrui %get3A_492, %shift_right_logical3A_513 : vector<16xi32>
      %mul3A_515 = arith.constant 16 : i32
      %mul3A_516 = arith.muli %add3A_484, %mul3A_515 : i32
      %add3A_517 = arith.constant 12480 : i32
      %add3A_518 = arith.addi %add3A_517, %mul3A_516 : i32
      %swap3A_519 = arith.index_cast %add3A_518 : i32 to index
      %swap3A_520 = tpu.vector_load %arg13[%swap3A_519] {strides = array<i32>} : memref<18720xi32, #tpu.memory_space<vmem>>, vector<16xi32>,
      tpu.vector_store %arg13[%swap3A_519], %shift_right_logical3A_514 {strides = array<i32>} : memref<18720xi32, #tpu.memory_space<vmem>>, vector<16xi32>,
      %mul3A_521 = arith.constant 6 : i32
      %mul3A_522 = arith.muli %scan3A_400, %mul3A_521 : i32
      %add3A_523 = arith.constant 3 : i32
      %add3A_524 = arith.addi %mul3A_522, %add3A_523 : i32
      %mul3A_525 = arith.constant 16 : i32
      %mul3A_526 = arith.muli %add3A_524, %mul3A_525 : i32
      %get3A_527 = arith.index_cast %mul3A_526 : i32 to index
      %get3A_528 = tpu.vector_load %arg7[%get3A_527] {strides = array<i32>} : memref<6240xi32, #tpu.memory_space<vmem>>, vector<16xi32>,
      %get3A_529 = arith.index_cast %mul3A_526 : i32 to index
      %get3A_530 = tpu.vector_load %arg8[%get3A_529] {strides = array<i32>} : memref<6240xi32, #tpu.memory_space<vmem>>, vector<16xi32>,
      %get3A_531 = arith.index_cast %mul3A_526 : i32 to index
      %get3A_532 = tpu.vector_load %arg9[%get3A_531] {strides = array<i32>} : memref<6240xi32, #tpu.memory_space<vmem>>, vector<16xi32>,
      %and3A_533 = arith.constant 2097151 : i32
      %and3A_534 = vector.broadcast %and3A_533 : i32 to vector<16xi32>
      %and3A_535 = arith.andi %get3A_528, %and3A_534 : vector<16xi32>
      %shift_right_logical3A_536 = arith.constant 1 : i32
      %shift_right_logical3A_537 = vector.broadcast %shift_right_logical3A_536 : i32 to vector<16xi32>
      %shift_right_logical3A_538 = arith.shrui %and3A_535, %shift_right_logical3A_537 : vector<16xi32>
      %mul3A_539 = arith.constant 16 : i32
      %mul3A_540 = arith.muli %add3A_524, %mul3A_539 : i32
      %swap3A_541 = arith.index_cast %mul3A_540 : i32 to index
      %swap3A_542 = tpu.vector_load %arg13[%swap3A_541] {strides = array<i32>} : memref<18720xi32, #tpu.memory_space<vmem>>, vector<16xi32>,
      tpu.vector_store %arg13[%swap3A_541], %shift_right_logical3A_538 {strides = array<i32>} : memref<18720xi32, #tpu.memory_space<vmem>>, vector<16xi32>,
      %shift_right_logical3A_543 = arith.constant 1 : i32
      %shift_right_logical3A_544 = vector.broadcast %shift_right_logical3A_543 : i32 to vector<16xi32>
      %shift_right_logical3A_545 = arith.shrui %get3A_530, %shift_right_logical3A_544 : vector<16xi32>
      %mul3A_546 = arith.constant 16 : i32
      %mul3A_547 = arith.muli %add3A_524, %mul3A_546 : i32
      %add3A_548 = arith.constant 6240 : i32
      %add3A_549 = arith.addi %add3A_548, %mul3A_547 : i32
      %swap3A_550 = arith.index_cast %add3A_549 : i32 to index
      %swap3A_551 = tpu.vector_load %arg13[%swap3A_550] {strides = array<i32>} : memref<18720xi32, #tpu.memory_space<vmem>>, vector<16xi32>,
      tpu.vector_store %arg13[%swap3A_550], %shift_right_logical3A_545 {strides = array<i32>} : memref<18720xi32, #tpu.memory_space<vmem>>, vector<16xi32>,
      %shift_right_logical3A_552 = arith.constant 1 : i32
      %shift_right_logical3A_553 = vector.broadcast %shift_right_logical3A_552 : i32 to vector<16xi32>
      %shift_right_logical3A_554 = arith.shrui %get3A_532, %shift_right_logical3A_553 : vector<16xi32>
      %mul3A_555 = arith.constant 16 : i32
      %mul3A_556 = arith.muli %add3A_524, %mul3A_555 : i32
      %add3A_557 = arith.constant 12480 : i32
      %add3A_558 = arith.addi %add3A_557, %mul3A_556 : i32
      %swap3A_559 = arith.index_cast %add3A_558 : i32 to index
      %swap3A_560 = tpu.vector_load %arg13[%swap3A_559] {strides = array<i32>} : memref<18720xi32, #tpu.memory_space<vmem>>, vector<16xi32>,
      tpu.vector_store %arg13[%swap3A_559], %shift_right_logical3A_554 {strides = array<i32>} : memref<18720xi32, #tpu.memory_space<vmem>>, vector<16xi32>,
      %mul3A_561 = arith.constant 6 : i32
      %mul3A_562 = arith.muli %scan3A_400, %mul3A_561 : i32
      %add3A_563 = arith.constant 4 : i32
      %add3A_564 = arith.addi %mul3A_562, %add3A_563 : i32
      %mul3A_565 = arith.constant 16 : i32
      %mul3A_566 = arith.muli %add3A_564, %mul3A_565 : i32
      %get3A_567 = arith.index_cast %mul3A_566 : i32 to index
      %get3A_568 = tpu.vector_load %arg7[%get3A_567] {strides = array<i32>} : memref<6240xi32, #tpu.memory_space<vmem>>, vector<16xi32>,
      %get3A_569 = arith.index_cast %mul3A_566 : i32 to index
      %get3A_570 = tpu.vector_load %arg8[%get3A_569] {strides = array<i32>} : memref<6240xi32, #tpu.memory_space<vmem>>, vector<16xi32>,
      %get3A_571 = arith.index_cast %mul3A_566 : i32 to index
      %get3A_572 = tpu.vector_load %arg9[%get3A_571] {strides = array<i32>} : memref<6240xi32, #tpu.memory_space<vmem>>, vector<16xi32>,
      %and3A_573 = arith.constant 2097151 : i32
      %and3A_574 = vector.broadcast %and3A_573 : i32 to vector<16xi32>
      %and3A_575 = arith.andi %get3A_568, %and3A_574 : vector<16xi32>
      %shift_right_logical3A_576 = arith.constant 1 : i32
      %shift_right_logical3A_577 = vector.broadcast %shift_right_logical3A_576 : i32 to vector<16xi32>
      %shift_right_logical3A_578 = arith.shrui %and3A_575, %shift_right_logical3A_577 : vector<16xi32>
      %mul3A_579 = arith.constant 16 : i32
      %mul3A_580 = arith.muli %add3A_564, %mul3A_579 : i32
      %swap3A_581 = arith.index_cast %mul3A_580 : i32 to index
      %swap3A_582 = tpu.vector_load %arg13[%swap3A_581] {strides = array<i32>} : memref<18720xi32, #tpu.memory_space<vmem>>, vector<16xi32>,
      tpu.vector_store %arg13[%swap3A_581], %shift_right_logical3A_578 {strides = array<i32>} : memref<18720xi32, #tpu.memory_space<vmem>>, vector<16xi32>,
      %shift_right_logical3A_583 = arith.constant 1 : i32
      %shift_right_logical3A_584 = vector.broadcast %shift_right_logical3A_583 : i32 to vector<16xi32>
      %shift_right_logical3A_585 = arith.shrui %get3A_570, %shift_right_logical3A_584 : vector<16xi32>
      %mul3A_586 = arith.constant 16 : i32
      %mul3A_587 = arith.muli %add3A_564, %mul3A_586 : i32
      %add3A_588 = arith.constant 6240 : i32
      %add3A_589 = arith.addi %add3A_588, %mul3A_587 : i32
      %swap3A_590 = arith.index_cast %add3A_589 : i32 to index
      %swap3A_591 = tpu.vector_load %arg13[%swap3A_590] {strides = array<i32>} : memref<18720xi32, #tpu.memory_space<vmem>>, vector<16xi32>,
      tpu.vector_store %arg13[%swap3A_590], %shift_right_logical3A_585 {strides = array<i32>} : memref<18720xi32, #tpu.memory_space<vmem>>, vector<16xi32>,
      %shift_right_logical3A_592 = arith.constant 1 : i32
      %shift_right_logical3A_593 = vector.broadcast %shift_right_logical3A_592 : i32 to vector<16xi32>
      %shift_right_logical3A_594 = arith.shrui %get3A_572, %shift_right_logical3A_593 : vector<16xi32>
      %mul3A_595 = arith.constant 16 : i32
      %mul3A_596 = arith.muli %add3A_564, %mul3A_595 : i32
      %add3A_597 = arith.constant 12480 : i32
      %add3A_598 = arith.addi %add3A_597, %mul3A_596 : i32
      %swap3A_599 = arith.index_cast %add3A_598 : i32 to index
      %swap3A_600 = tpu.vector_load %arg13[%swap3A_599] {strides = array<i32>} : memref<18720xi32, #tpu.memory_space<vmem>>, vector<16xi32>,
      tpu.vector_store %arg13[%swap3A_599], %shift_right_logical3A_594 {strides = array<i32>} : memref<18720xi32, #tpu.memory_space<vmem>>, vector<16xi32>,
      %mul3A_601 = arith.constant 6 : i32
      %mul3A_602 = arith.muli %scan3A_400, %mul3A_601 : i32
      %add3A_603 = arith.constant 5 : i32
      %add3A_604 = arith.addi %mul3A_602, %add3A_603 : i32
      %mul3A_605 = arith.constant 16 : i32
      %mul3A_606 = arith.muli %add3A_604, %mul3A_605 : i32
      %get3A_607 = arith.index_cast %mul3A_606 : i32 to index
      %get3A_608 = tpu.vector_load %arg7[%get3A_607] {strides = array<i32>} : memref<6240xi32, #tpu.memory_space<vmem>>, vector<16xi32>,
      %get3A_609 = arith.index_cast %mul3A_606 : i32 to index
      %get3A_610 = tpu.vector_load %arg8[%get3A_609] {strides = array<i32>} : memref<6240xi32, #tpu.memory_space<vmem>>, vector<16xi32>,
      %get3A_611 = arith.index_cast %mul3A_606 : i32 to index
      %get3A_612 = tpu.vector_load %arg9[%get3A_611] {strides = array<i32>} : memref<6240xi32, #tpu.memory_space<vmem>>, vector<16xi32>,
      %and3A_613 = arith.constant 2097151 : i32
      %and3A_614 = vector.broadcast %and3A_613 : i32 to vector<16xi32>
      %and3A_615 = arith.andi %get3A_608, %and3A_614 : vector<16xi32>
      %shift_right_logical3A_616 = arith.constant 1 : i32
      %shift_right_logical3A_617 = vector.broadcast %shift_right_logical3A_616 : i32 to vector<16xi32>
      %shift_right_logical3A_618 = arith.shrui %and3A_615, %shift_right_logical3A_617 : vector<16xi32>
      %mul3A_619 = arith.constant 16 : i32
      %mul3A_620 = arith.muli %add3A_604, %mul3A_619 : i32
      %swap3A_621 = arith.index_cast %mul3A_620 : i32 to index
      %swap3A_622 = tpu.vector_load %arg13[%swap3A_621] {strides = array<i32>} : memref<18720xi32, #tpu.memory_space<vmem>>, vector<16xi32>,
      tpu.vector_store %arg13[%swap3A_621], %shift_right_logical3A_618 {strides = array<i32>} : memref<18720xi32, #tpu.memory_space<vmem>>, vector<16xi32>,
      %shift_right_logical3A_623 = arith.constant 1 : i32
      %shift_right_logical3A_624 = vector.broadcast %shift_right_logical3A_623 : i32 to vector<16xi32>
      %shift_right_logical3A_625 = arith.shrui %get3A_610, %shift_right_logical3A_624 : vector<16xi32>
      %mul3A_626 = arith.constant 16 : i32
      %mul3A_627 = arith.muli %add3A_604, %mul3A_626 : i32
      %add3A_628 = arith.constant 6240 : i32
      %add3A_629 = arith.addi %add3A_628, %mul3A_627 : i32
      %swap3A_630 = arith.index_cast %add3A_629 : i32 to index
      %swap3A_631 = tpu.vector_load %arg13[%swap3A_630] {strides = array<i32>} : memref<18720xi32, #tpu.memory_space<vmem>>, vector<16xi32>,
      tpu.vector_store %arg13[%swap3A_630], %shift_right_logical3A_625 {strides = array<i32>} : memref<18720xi32, #tpu.memory_space<vmem>>, vector<16xi32>,
      %shift_right_logical3A_632 = arith.constant 1 : i32
      %shift_right_logical3A_633 = vector.broadcast %shift_right_logical3A_632 : i32 to vector<16xi32>
      %shift_right_logical3A_634 = arith.shrui %get3A_612, %shift_right_logical3A_633 : vector<16xi32>
      %mul3A_635 = arith.constant 16 : i32
      %mul3A_636 = arith.muli %add3A_604, %mul3A_635 : i32
      %add3A_637 = arith.constant 12480 : i32
      %add3A_638 = arith.addi %add3A_637, %mul3A_636 : i32
      %swap3A_639 = arith.index_cast %add3A_638 : i32 to index
      %swap3A_640 = tpu.vector_load %arg13[%swap3A_639] {strides = array<i32>} : memref<18720xi32, #tpu.memory_space<vmem>>, vector<16xi32>,
      tpu.vector_store %arg13[%swap3A_639], %shift_right_logical3A_634 {strides = array<i32>} : memref<18720xi32, #tpu.memory_space<vmem>>, vector<16xi32>,
    }
    %scan3A_27 = arith.constant 65 : i32
    %dma_start3A_28 = arith.constant 0 : i32
    %dma_start3A_29 = tpu.memref_slice %arg2[%dma_start3A_28] : memref<1000000xf32, #tpu.memory_space<hbm>> -> memref<1000000xf32, #tpu.memory_space<hbm>>
    tpu.enqueue_indirect_dma source(%dma_start3A_29 : memref<1000000xf32, #tpu.memory_space<hbm>>) target(%arg15 : memref<18720xf32, #tpu.memory_space<vmem>>) offsets(%arg13 : memref<18720xi32, #tpu.memory_space<vmem>>) semaphore(%arg25 : memref<!tpu.dma_semaphore, #tpu.memory_space<semaphore_mem>>)
    %add3A_30 = arith.constant 6240 : i32
    %add3A_31 = arith.addi %mul3A_2, %add3A_30 : i32
    %dma_start3A_32 = tpu.memref_slice %arg3[%add3A_31] : memref<800000xi32, #tpu.memory_space<hbm>> -> memref<6240xi32, #tpu.memory_space<hbm>>
    %dma_start3A_33 = tpu.memref_slice %arg3[%add3A_31] : memref<800000xi32, #tpu.memory_space<hbm>> -> memref<6240xi32, #tpu.memory_space<hbm>>
    tpu.enqueue_dma source(%dma_start3A_33 : memref<6240xi32, #tpu.memory_space<hbm>>) target(%arg10 : memref<6240xi32, #tpu.memory_space<vmem>>) target_semaphore(%arg24 : memref<!tpu.dma_semaphore, #tpu.memory_space<semaphore_mem>>)
    %dma_start3A_34 = tpu.memref_slice %arg4[%add3A_31] : memref<800000xi32, #tpu.memory_space<hbm>> -> memref<6240xi32, #tpu.memory_space<hbm>>
    %dma_start3A_35 = tpu.memref_slice %arg4[%add3A_31] : memref<800000xi32, #tpu.memory_space<hbm>> -> memref<6240xi32, #tpu.memory_space<hbm>>
    tpu.enqueue_dma source(%dma_start3A_35 : memref<6240xi32, #tpu.memory_space<hbm>>) target(%arg11 : memref<6240xi32, #tpu.memory_space<vmem>>) target_semaphore(%arg24 : memref<!tpu.dma_semaphore, #tpu.memory_space<semaphore_mem>>)
    %dma_start3A_36 = tpu.memref_slice %arg5[%add3A_31] : memref<800000xi32, #tpu.memory_space<hbm>> -> memref<6240xi32, #tpu.memory_space<hbm>>
    %dma_start3A_37 = tpu.memref_slice %arg5[%add3A_31] : memref<800000xi32, #tpu.memory_space<hbm>> -> memref<6240xi32, #tpu.memory_space<hbm>>
    tpu.enqueue_dma source(%dma_start3A_37 : memref<6240xi32, #tpu.memory_space<hbm>>) target(%arg12 : memref<6240xi32, #tpu.memory_space<vmem>>) target_semaphore(%arg24 : memref<!tpu.dma_semaphore, #tpu.memory_space<semaphore_mem>>)
    %dma_wait3A_38 = tpu.memref_slice %arg3[%add3A_31] : memref<800000xi32, #tpu.memory_space<hbm>> -> memref<6240xi32, #tpu.memory_space<hbm>>
    %dma_wait3A_39 = tpu.memref_slice %arg3[%add3A_31] : memref<800000xi32, #tpu.memory_space<hbm>> -> memref<6240xi32, #tpu.memory_space<hbm>>
    tpu.wait_dma2 semaphore(%arg24 : memref<!tpu.dma_semaphore, #tpu.memory_space<semaphore_mem>>) src(%dma_wait3A_39 : memref<6240xi32, #tpu.memory_space<hbm>>) dst(%arg10 : memref<6240xi32, #tpu.memory_space<vmem>>)
    %dma_wait3A_40 = tpu.memref_slice %arg4[%add3A_31] : memref<800000xi32, #tpu.memory_space<hbm>> -> memref<6240xi32, #tpu.memory_space<hbm>>
    %dma_wait3A_41 = tpu.memref_slice %arg4[%add3A_31] : memref<800000xi32, #tpu.memory_space<hbm>> -> memref<6240xi32, #tpu.memory_space<hbm>>
    tpu.wait_dma2 semaphore(%arg24 : memref<!tpu.dma_semaphore, #tpu.memory_space<semaphore_mem>>) src(%dma_wait3A_41 : memref<6240xi32, #tpu.memory_space<hbm>>) dst(%arg11 : memref<6240xi32, #tpu.memory_space<vmem>>)
    %dma_wait3A_42 = tpu.memref_slice %arg5[%add3A_31] : memref<800000xi32, #tpu.memory_space<hbm>> -> memref<6240xi32, #tpu.memory_space<hbm>>
    %dma_wait3A_43 = tpu.memref_slice %arg5[%add3A_31] : memref<800000xi32, #tpu.memory_space<hbm>> -> memref<6240xi32, #tpu.memory_space<hbm>>
    tpu.wait_dma2 semaphore(%arg24 : memref<!tpu.dma_semaphore, #tpu.memory_space<semaphore_mem>>) src(%dma_wait3A_43 : memref<6240xi32, #tpu.memory_space<hbm>>) dst(%arg12 : memref<6240xi32, #tpu.memory_space<vmem>>)
    %scan3A_44 = arith.constant 0 : i32
    %scan3A_45 = arith.constant 0 : i32
    %scan3A_46 = arith.constant 65 : i32
    %scan3A_47 = arith.addi %scan3A_45, %scan3A_46 : i32
    %scan3A_48 = arith.constant 1 : i32
    scf.for %scan3A_400 = %scan3A_45 to %scan3A_47 step %scan3A_48  : i32 {
      %mul3A_401 = arith.constant 6 : i32
      %mul3A_402 = arith.muli %scan3A_400, %mul3A_401 : i32
      %add3A_403 = arith.constant 0 : i32
      %add3A_404 = arith.addi %mul3A_402, %add3A_403 : i32
      %mul3A_405 = arith.constant 16 : i32
      %mul3A_406 = arith.muli %add3A_404, %mul3A_405 : i32
      %get3A_407 = arith.index_cast %mul3A_406 : i32 to index
      %get3A_408 = tpu.vector_load %arg10[%get3A_407] {strides = array<i32>} : memref<6240xi32, #tpu.memory_space<vmem>>, vector<16xi32>,
      %get3A_409 = arith.index_cast %mul3A_406 : i32 to index
      %get3A_410 = tpu.vector_load %arg11[%get3A_409] {strides = array<i32>} : memref<6240xi32, #tpu.memory_space<vmem>>, vector<16xi32>,
      %get3A_411 = arith.index_cast %mul3A_406 : i32 to index
      %get3A_412 = tpu.vector_load %arg12[%get3A_411] {strides = array<i32>} : memref<6240xi32, #tpu.memory_space<vmem>>, vector<16xi32>,
      %and3A_413 = arith.constant 2097151 : i32
      %and3A_414 = vector.broadcast %and3A_413 : i32 to vector<16xi32>
      %and3A_415 = arith.andi %get3A_408, %and3A_414 : vector<16xi32>
      %shift_right_logical3A_416 = arith.constant 1 : i32
      %shift_right_logical3A_417 = vector.broadcast %shift_right_logical3A_416 : i32 to vector<16xi32>
      %shift_right_logical3A_418 = arith.shrui %and3A_415, %shift_right_logical3A_417 : vector<16xi32>
      %mul3A_419 = arith.constant 16 : i32
      %mul3A_420 = arith.muli %add3A_404, %mul3A_419 : i32
      %swap3A_421 = arith.index_cast %mul3A_420 : i32 to index
      %swap3A_422 = tpu.vector_load %arg14[%swap3A_421] {strides = array<i32>} : memref<18720xi32, #tpu.memory_space<vmem>>, vector<16xi32>,
      tpu.vector_store %arg14[%swap3A_421], %shift_right_logical3A_418 {strides = array<i32>} : memref<18720xi32, #tpu.memory_space<vmem>>, vector<16xi32>,
      %shift_right_logical3A_423 = arith.constant 1 : i32
      %shift_right_logical3A_424 = vector.broadcast %shift_right_logical3A_423 : i32 to vector<16xi32>
      %shift_right_logical3A_425 = arith.shrui %get3A_410, %shift_right_logical3A_424 : vector<16xi32>
      %mul3A_426 = arith.constant 16 : i32
      %mul3A_427 = arith.muli %add3A_404, %mul3A_426 : i32
      %add3A_428 = arith.constant 6240 : i32
      %add3A_429 = arith.addi %add3A_428, %mul3A_427 : i32
      %swap3A_430 = arith.index_cast %add3A_429 : i32 to index
      %swap3A_431 = tpu.vector_load %arg14[%swap3A_430] {strides = array<i32>} : memref<18720xi32, #tpu.memory_space<vmem>>, vector<16xi32>,
      tpu.vector_store %arg14[%swap3A_430], %shift_right_logical3A_425 {strides = array<i32>} : memref<18720xi32, #tpu.memory_space<vmem>>, vector<16xi32>,
      %shift_right_logical3A_432 = arith.constant 1 : i32
      %shift_right_logical3A_433 = vector.broadcast %shift_right_logical3A_432 : i32 to vector<16xi32>
      %shift_right_logical3A_434 = arith.shrui %get3A_412, %shift_right_logical3A_433 : vector<16xi32>
      %mul3A_435 = arith.constant 16 : i32
      %mul3A_436 = arith.muli %add3A_404, %mul3A_435 : i32
      %add3A_437 = arith.constant 12480 : i32
      %add3A_438 = arith.addi %add3A_437, %mul3A_436 : i32
      %swap3A_439 = arith.index_cast %add3A_438 : i32 to index
      %swap3A_440 = tpu.vector_load %arg14[%swap3A_439] {strides = array<i32>} : memref<18720xi32, #tpu.memory_space<vmem>>, vector<16xi32>,
      tpu.vector_store %arg14[%swap3A_439], %shift_right_logical3A_434 {strides = array<i32>} : memref<18720xi32, #tpu.memory_space<vmem>>, vector<16xi32>,
      %mul3A_441 = arith.constant 6 : i32
      %mul3A_442 = arith.muli %scan3A_400, %mul3A_441 : i32
      %add3A_443 = arith.constant 1 : i32
      %add3A_444 = arith.addi %mul3A_442, %add3A_443 : i32
      %mul3A_445 = arith.constant 16 : i32
      %mul3A_446 = arith.muli %add3A_444, %mul3A_445 : i32
      %get3A_447 = arith.index_cast %mul3A_446 : i32 to index
      %get3A_448 = tpu.vector_load %arg10[%get3A_447] {strides = array<i32>} : memref<6240xi32, #tpu.memory_space<vmem>>, vector<16xi32>,
      %get3A_449 = arith.index_cast %mul3A_446 : i32 to index
      %get3A_450 = tpu.vector_load %arg11[%get3A_449] {strides = array<i32>} : memref<6240xi32, #tpu.memory_space<vmem>>, vector<16xi32>,
      %get3A_451 = arith.index_cast %mul3A_446 : i32 to index
      %get3A_452 = tpu.vector_load %arg12[%get3A_451] {strides = array<i32>} : memref<6240xi32, #tpu.memory_space<vmem>>, vector<16xi32>,
      %and3A_453 = arith.constant 2097151 : i32
      %and3A_454 = vector.broadcast %and3A_453 : i32 to vector<16xi32>
      %and3A_455 = arith.andi %get3A_448, %and3A_454 : vector<16xi32>
      %shift_right_logical3A_456 = arith.constant 1 : i32
      %shift_right_logical3A_457 = vector.broadcast %shift_right_logical3A_456 : i32 to vector<16xi32>
      %shift_right_logical3A_458 = arith.shrui %and3A_455, %shift_right_logical3A_457 : vector<16xi32>
      %mul3A_459 = arith.constant 16 : i32
      %mul3A_460 = arith.muli %add3A_444, %mul3A_459 : i32
      %swap3A_461 = arith.index_cast %mul3A_460 : i32 to index
      %swap3A_462 = tpu.vector_load %arg14[%swap3A_461] {strides = array<i32>} : memref<18720xi32, #tpu.memory_space<vmem>>, vector<16xi32>,
      tpu.vector_store %arg14[%swap3A_461], %shift_right_logical3A_458 {strides = array<i32>} : memref<18720xi32, #tpu.memory_space<vmem>>, vector<16xi32>,
      %shift_right_logical3A_463 = arith.constant 1 : i32
      %shift_right_logical3A_464 = vector.broadcast %shift_right_logical3A_463 : i32 to vector<16xi32>
      %shift_right_logical3A_465 = arith.shrui %get3A_450, %shift_right_logical3A_464 : vector<16xi32>
      %mul3A_466 = arith.constant 16 : i32
      %mul3A_467 = arith.muli %add3A_444, %mul3A_466 : i32
      %add3A_468 = arith.constant 6240 : i32
      %add3A_469 = arith.addi %add3A_468, %mul3A_467 : i32
      %swap3A_470 = arith.index_cast %add3A_469 : i32 to index
      %swap3A_471 = tpu.vector_load %arg14[%swap3A_470] {strides = array<i32>} : memref<18720xi32, #tpu.memory_space<vmem>>, vector<16xi32>,
      tpu.vector_store %arg14[%swap3A_470], %shift_right_logical3A_465 {strides = array<i32>} : memref<18720xi32, #tpu.memory_space<vmem>>, vector<16xi32>,
      %shift_right_logical3A_472 = arith.constant 1 : i32
      %shift_right_logical3A_473 = vector.broadcast %shift_right_logical3A_472 : i32 to vector<16xi32>
      %shift_right_logical3A_474 = arith.shrui %get3A_452, %shift_right_logical3A_473 : vector<16xi32>
      %mul3A_475 = arith.constant 16 : i32
      %mul3A_476 = arith.muli %add3A_444, %mul3A_475 : i32
      %add3A_477 = arith.constant 12480 : i32
      %add3A_478 = arith.addi %add3A_477, %mul3A_476 : i32
      %swap3A_479 = arith.index_cast %add3A_478 : i32 to index
      %swap3A_480 = tpu.vector_load %arg14[%swap3A_479] {strides = array<i32>} : memref<18720xi32, #tpu.memory_space<vmem>>, vector<16xi32>,
      tpu.vector_store %arg14[%swap3A_479], %shift_right_logical3A_474 {strides = array<i32>} : memref<18720xi32, #tpu.memory_space<vmem>>, vector<16xi32>,
      %mul3A_481 = arith.constant 6 : i32
      %mul3A_482 = arith.muli %scan3A_400, %mul3A_481 : i32
      %add3A_483 = arith.constant 2 : i32
      %add3A_484 = arith.addi %mul3A_482, %add3A_483 : i32
      %mul3A_485 = arith.constant 16 : i32
      %mul3A_486 = arith.muli %add3A_484, %mul3A_485 : i32
      %get3A_487 = arith.index_cast %mul3A_486 : i32 to index
      %get3A_488 = tpu.vector_load %arg10[%get3A_487] {strides = array<i32>} : memref<6240xi32, #tpu.memory_space<vmem>>, vector<16xi32>,
      %get3A_489 = arith.index_cast %mul3A_486 : i32 to index
      %get3A_490 = tpu.vector_load %arg11[%get3A_489] {strides = array<i32>} : memref<6240xi32, #tpu.memory_space<vmem>>, vector<16xi32>,
      %get3A_491 = arith.index_cast %mul3A_486 : i32 to index
      %get3A_492 = tpu.vector_load %arg12[%get3A_491] {strides = array<i32>} : memref<6240xi32, #tpu.memory_space<vmem>>, vector<16xi32>,
      %and3A_493 = arith.constant 2097151 : i32
      %and3A_494 = vector.broadcast %and3A_493 : i32 to vector<16xi32>
      %and3A_495 = arith.andi %get3A_488, %and3A_494 : vector<16xi32>
      %shift_right_logical3A_496 = arith.constant 1 : i32
      %shift_right_logical3A_497 = vector.broadcast %shift_right_logical3A_496 : i32 to vector<16xi32>
      %shift_right_logical3A_498 = arith.shrui %and3A_495, %shift_right_logical3A_497 : vector<16xi32>
      %mul3A_499 = arith.constant 16 : i32
      %mul3A_500 = arith.muli %add3A_484, %mul3A_499 : i32
      %swap3A_501 = arith.index_cast %mul3A_500 : i32 to index
      %swap3A_502 = tpu.vector_load %arg14[%swap3A_501] {strides = array<i32>} : memref<18720xi32, #tpu.memory_space<vmem>>, vector<16xi32>,
      tpu.vector_store %arg14[%swap3A_501], %shift_right_logical3A_498 {strides = array<i32>} : memref<18720xi32, #tpu.memory_space<vmem>>, vector<16xi32>,
      %shift_right_logical3A_503 = arith.constant 1 : i32
      %shift_right_logical3A_504 = vector.broadcast %shift_right_logical3A_503 : i32 to vector<16xi32>
      %shift_right_logical3A_505 = arith.shrui %get3A_490, %shift_right_logical3A_504 : vector<16xi32>
      %mul3A_506 = arith.constant 16 : i32
      %mul3A_507 = arith.muli %add3A_484, %mul3A_506 : i32
      %add3A_508 = arith.constant 6240 : i32
      %add3A_509 = arith.addi %add3A_508, %mul3A_507 : i32
      %swap3A_510 = arith.index_cast %add3A_509 : i32 to index
      %swap3A_511 = tpu.vector_load %arg14[%swap3A_510] {strides = array<i32>} : memref<18720xi32, #tpu.memory_space<vmem>>, vector<16xi32>,
      tpu.vector_store %arg14[%swap3A_510], %shift_right_logical3A_505 {strides = array<i32>} : memref<18720xi32, #tpu.memory_space<vmem>>, vector<16xi32>,
      %shift_right_logical3A_512 = arith.constant 1 : i32
      %shift_right_logical3A_513 = vector.broadcast %shift_right_logical3A_512 : i32 to vector<16xi32>
      %shift_right_logical3A_514 = arith.shrui %get3A_492, %shift_right_logical3A_513 : vector<16xi32>
      %mul3A_515 = arith.constant 16 : i32
      %mul3A_516 = arith.muli %add3A_484, %mul3A_515 : i32
      %add3A_517 = arith.constant 12480 : i32
      %add3A_518 = arith.addi %add3A_517, %mul3A_516 : i32
      %swap3A_519 = arith.index_cast %add3A_518 : i32 to index
      %swap3A_520 = tpu.vector_load %arg14[%swap3A_519] {strides = array<i32>} : memref<18720xi32, #tpu.memory_space<vmem>>, vector<16xi32>,
      tpu.vector_store %arg14[%swap3A_519], %shift_right_logical3A_514 {strides = array<i32>} : memref<18720xi32, #tpu.memory_space<vmem>>, vector<16xi32>,
      %mul3A_521 = arith.constant 6 : i32
      %mul3A_522 = arith.muli %scan3A_400, %mul3A_521 : i32
      %add3A_523 = arith.constant 3 : i32
      %add3A_524 = arith.addi %mul3A_522, %add3A_523 : i32
      %mul3A_525 = arith.constant 16 : i32
      %mul3A_526 = arith.muli %add3A_524, %mul3A_525 : i32
      %get3A_527 = arith.index_cast %mul3A_526 : i32 to index
      %get3A_528 = tpu.vector_load %arg10[%get3A_527] {strides = array<i32>} : memref<6240xi32, #tpu.memory_space<vmem>>, vector<16xi32>,
      %get3A_529 = arith.index_cast %mul3A_526 : i32 to index
      %get3A_530 = tpu.vector_load %arg11[%get3A_529] {strides = array<i32>} : memref<6240xi32, #tpu.memory_space<vmem>>, vector<16xi32>,
      %get3A_531 = arith.index_cast %mul3A_526 : i32 to index
      %get3A_532 = tpu.vector_load %arg12[%get3A_531] {strides = array<i32>} : memref<6240xi32, #tpu.memory_space<vmem>>, vector<16xi32>,
      %and3A_533 = arith.constant 2097151 : i32
      %and3A_534 = vector.broadcast %and3A_533 : i32 to vector<16xi32>
      %and3A_535 = arith.andi %get3A_528, %and3A_534 : vector<16xi32>
      %shift_right_logical3A_536 = arith.constant 1 : i32
      %shift_right_logical3A_537 = vector.broadcast %shift_right_logical3A_536 : i32 to vector<16xi32>
      %shift_right_logical3A_538 = arith.shrui %and3A_535, %shift_right_logical3A_537 : vector<16xi32>
      %mul3A_539 = arith.constant 16 : i32
      %mul3A_540 = arith.muli %add3A_524, %mul3A_539 : i32
      %swap3A_541 = arith.index_cast %mul3A_540 : i32 to index
      %swap3A_542 = tpu.vector_load %arg14[%swap3A_541] {strides = array<i32>} : memref<18720xi32, #tpu.memory_space<vmem>>, vector<16xi32>,
      tpu.vector_store %arg14[%swap3A_541], %shift_right_logical3A_538 {strides = array<i32>} : memref<18720xi32, #tpu.memory_space<vmem>>, vector<16xi32>,
      %shift_right_logical3A_543 = arith.constant 1 : i32
      %shift_right_logical3A_544 = vector.broadcast %shift_right_logical3A_543 : i32 to vector<16xi32>
      %shift_right_logical3A_545 = arith.shrui %get3A_530, %shift_right_logical3A_544 : vector<16xi32>
      %mul3A_546 = arith.constant 16 : i32
      %mul3A_547 = arith.muli %add3A_524, %mul3A_546 : i32
      %add3A_548 = arith.constant 6240 : i32
      %add3A_549 = arith.addi %add3A_548, %mul3A_547 : i32
      %swap3A_550 = arith.index_cast %add3A_549 : i32 to index
      %swap3A_551 = tpu.vector_load %arg14[%swap3A_550] {strides = array<i32>} : memref<18720xi32, #tpu.memory_space<vmem>>, vector<16xi32>,
      tpu.vector_store %arg14[%swap3A_550], %shift_right_logical3A_545 {strides = array<i32>} : memref<18720xi32, #tpu.memory_space<vmem>>, vector<16xi32>,
      %shift_right_logical3A_552 = arith.constant 1 : i32
      %shift_right_logical3A_553 = vector.broadcast %shift_right_logical3A_552 : i32 to vector<16xi32>
      %shift_right_logical3A_554 = arith.shrui %get3A_532, %shift_right_logical3A_553 : vector<16xi32>
      %mul3A_555 = arith.constant 16 : i32
      %mul3A_556 = arith.muli %add3A_524, %mul3A_555 : i32
      %add3A_557 = arith.constant 12480 : i32
      %add3A_558 = arith.addi %add3A_557, %mul3A_556 : i32
      %swap3A_559 = arith.index_cast %add3A_558 : i32 to index
      %swap3A_560 = tpu.vector_load %arg14[%swap3A_559] {strides = array<i32>} : memref<18720xi32, #tpu.memory_space<vmem>>, vector<16xi32>,
      tpu.vector_store %arg14[%swap3A_559], %shift_right_logical3A_554 {strides = array<i32>} : memref<18720xi32, #tpu.memory_space<vmem>>, vector<16xi32>,
      %mul3A_561 = arith.constant 6 : i32
      %mul3A_562 = arith.muli %scan3A_400, %mul3A_561 : i32
      %add3A_563 = arith.constant 4 : i32
      %add3A_564 = arith.addi %mul3A_562, %add3A_563 : i32
      %mul3A_565 = arith.constant 16 : i32
      %mul3A_566 = arith.muli %add3A_564, %mul3A_565 : i32
      %get3A_567 = arith.index_cast %mul3A_566 : i32 to index
      %get3A_568 = tpu.vector_load %arg10[%get3A_567] {strides = array<i32>} : memref<6240xi32, #tpu.memory_space<vmem>>, vector<16xi32>,
      %get3A_569 = arith.index_cast %mul3A_566 : i32 to index
      %get3A_570 = tpu.vector_load %arg11[%get3A_569] {strides = array<i32>} : memref<6240xi32, #tpu.memory_space<vmem>>, vector<16xi32>,
      %get3A_571 = arith.index_cast %mul3A_566 : i32 to index
      %get3A_572 = tpu.vector_load %arg12[%get3A_571] {strides = array<i32>} : memref<6240xi32, #tpu.memory_space<vmem>>, vector<16xi32>,
      %and3A_573 = arith.constant 2097151 : i32
      %and3A_574 = vector.broadcast %and3A_573 : i32 to vector<16xi32>
      %and3A_575 = arith.andi %get3A_568, %and3A_574 : vector<16xi32>
      %shift_right_logical3A_576 = arith.constant 1 : i32
      %shift_right_logical3A_577 = vector.broadcast %shift_right_logical3A_576 : i32 to vector<16xi32>
      %shift_right_logical3A_578 = arith.shrui %and3A_575, %shift_right_logical3A_577 : vector<16xi32>
      %mul3A_579 = arith.constant 16 : i32
      %mul3A_580 = arith.muli %add3A_564, %mul3A_579 : i32
      %swap3A_581 = arith.index_cast %mul3A_580 : i32 to index
      %swap3A_582 = tpu.vector_load %arg14[%swap3A_581] {strides = array<i32>} : memref<18720xi32, #tpu.memory_space<vmem>>, vector<16xi32>,
      tpu.vector_store %arg14[%swap3A_581], %shift_right_logical3A_578 {strides = array<i32>} : memref<18720xi32, #tpu.memory_space<vmem>>, vector<16xi32>,
      %shift_right_logical3A_583 = arith.constant 1 : i32
      %shift_right_logical3A_584 = vector.broadcast %shift_right_logical3A_583 : i32 to vector<16xi32>
      %shift_right_logical3A_585 = arith.shrui %get3A_570, %shift_right_logical3A_584 : vector<16xi32>
      %mul3A_586 = arith.constant 16 : i32
      %mul3A_587 = arith.muli %add3A_564, %mul3A_586 : i32
      %add3A_588 = arith.constant 6240 : i32
      %add3A_589 = arith.addi %add3A_588, %mul3A_587 : i32
      %swap3A_590 = arith.index_cast %add3A_589 : i32 to index
      %swap3A_591 = tpu.vector_load %arg14[%swap3A_590] {strides = array<i32>} : memref<18720xi32, #tpu.memory_space<vmem>>, vector<16xi32>,
      tpu.vector_store %arg14[%swap3A_590], %shift_right_logical3A_585 {strides = array<i32>} : memref<18720xi32, #tpu.memory_space<vmem>>, vector<16xi32>,
      %shift_right_logical3A_592 = arith.constant 1 : i32
      %shift_right_logical3A_593 = vector.broadcast %shift_right_logical3A_592 : i32 to vector<16xi32>
      %shift_right_logical3A_594 = arith.shrui %get3A_572, %shift_right_logical3A_593 : vector<16xi32>
      %mul3A_595 = arith.constant 16 : i32
      %mul3A_596 = arith.muli %add3A_564, %mul3A_595 : i32
      %add3A_597 = arith.constant 12480 : i32
      %add3A_598 = arith.addi %add3A_597, %mul3A_596 : i32
      %swap3A_599 = arith.index_cast %add3A_598 : i32 to index
      %swap3A_600 = tpu.vector_load %arg14[%swap3A_599] {strides = array<i32>} : memref<18720xi32, #tpu.memory_space<vmem>>, vector<16xi32>,
      tpu.vector_store %arg14[%swap3A_599], %shift_right_logical3A_594 {strides = array<i32>} : memref<18720xi32, #tpu.memory_space<vmem>>, vector<16xi32>,
      %mul3A_601 = arith.constant 6 : i32
      %mul3A_602 = arith.muli %scan3A_400, %mul3A_601 : i32
      %add3A_603 = arith.constant 5 : i32
      %add3A_604 = arith.addi %mul3A_602, %add3A_603 : i32
      %mul3A_605 = arith.constant 16 : i32
      %mul3A_606 = arith.muli %add3A_604, %mul3A_605 : i32
      %get3A_607 = arith.index_cast %mul3A_606 : i32 to index
      %get3A_608 = tpu.vector_load %arg10[%get3A_607] {strides = array<i32>} : memref<6240xi32, #tpu.memory_space<vmem>>, vector<16xi32>,
      %get3A_609 = arith.index_cast %mul3A_606 : i32 to index
      %get3A_610 = tpu.vector_load %arg11[%get3A_609] {strides = array<i32>} : memref<6240xi32, #tpu.memory_space<vmem>>, vector<16xi32>,
      %get3A_611 = arith.index_cast %mul3A_606 : i32 to index
      %get3A_612 = tpu.vector_load %arg12[%get3A_611] {strides = array<i32>} : memref<6240xi32, #tpu.memory_space<vmem>>, vector<16xi32>,
      %and3A_613 = arith.constant 2097151 : i32
      %and3A_614 = vector.broadcast %and3A_613 : i32 to vector<16xi32>
      %and3A_615 = arith.andi %get3A_608, %and3A_614 : vector<16xi32>
      %shift_right_logical3A_616 = arith.constant 1 : i32
      %shift_right_logical3A_617 = vector.broadcast %shift_right_logical3A_616 : i32 to vector<16xi32>
      %shift_right_logical3A_618 = arith.shrui %and3A_615, %shift_right_logical3A_617 : vector<16xi32>
      %mul3A_619 = arith.constant 16 : i32
      %mul3A_620 = arith.muli %add3A_604, %mul3A_619 : i32
      %swap3A_621 = arith.index_cast %mul3A_620 : i32 to index
      %swap3A_622 = tpu.vector_load %arg14[%swap3A_621] {strides = array<i32>} : memref<18720xi32, #tpu.memory_space<vmem>>, vector<16xi32>,
      tpu.vector_store %arg14[%swap3A_621], %shift_right_logical3A_618 {strides = array<i32>} : memref<18720xi32, #tpu.memory_space<vmem>>, vector<16xi32>,
      %shift_right_logical3A_623 = arith.constant 1 : i32
      %shift_right_logical3A_624 = vector.broadcast %shift_right_logical3A_623 : i32 to vector<16xi32>
      %shift_right_logical3A_625 = arith.shrui %get3A_610, %shift_right_logical3A_624 : vector<16xi32>
      %mul3A_626 = arith.constant 16 : i32
      %mul3A_627 = arith.muli %add3A_604, %mul3A_626 : i32
      %add3A_628 = arith.constant 6240 : i32
      %add3A_629 = arith.addi %add3A_628, %mul3A_627 : i32
      %swap3A_630 = arith.index_cast %add3A_629 : i32 to index
      %swap3A_631 = tpu.vector_load %arg14[%swap3A_630] {strides = array<i32>} : memref<18720xi32, #tpu.memory_space<vmem>>, vector<16xi32>,
      tpu.vector_store %arg14[%swap3A_630], %shift_right_logical3A_625 {strides = array<i32>} : memref<18720xi32, #tpu.memory_space<vmem>>, vector<16xi32>,
      %shift_right_logical3A_632 = arith.constant 1 : i32
      %shift_right_logical3A_633 = vector.broadcast %shift_right_logical3A_632 : i32 to vector<16xi32>
      %shift_right_logical3A_634 = arith.shrui %get3A_612, %shift_right_logical3A_633 : vector<16xi32>
      %mul3A_635 = arith.constant 16 : i32
      %mul3A_636 = arith.muli %add3A_604, %mul3A_635 : i32
      %add3A_637 = arith.constant 12480 : i32
      %add3A_638 = arith.addi %add3A_637, %mul3A_636 : i32
      %swap3A_639 = arith.index_cast %add3A_638 : i32 to index
      %swap3A_640 = tpu.vector_load %arg14[%swap3A_639] {strides = array<i32>} : memref<18720xi32, #tpu.memory_space<vmem>>, vector<16xi32>,
      tpu.vector_store %arg14[%swap3A_639], %shift_right_logical3A_634 {strides = array<i32>} : memref<18720xi32, #tpu.memory_space<vmem>>, vector<16xi32>,
    }
    %scan3A_49 = arith.constant 65 : i32
    %dma_start3A_50 = arith.constant 0 : i32
    %dma_start3A_51 = tpu.memref_slice %arg2[%dma_start3A_50] : memref<1000000xf32, #tpu.memory_space<hbm>> -> memref<1000000xf32, #tpu.memory_space<hbm>>
    tpu.enqueue_indirect_dma source(%dma_start3A_51 : memref<1000000xf32, #tpu.memory_space<hbm>>) target(%arg16 : memref<18720xf32, #tpu.memory_space<vmem>>) offsets(%arg14 : memref<18720xi32, #tpu.memory_space<vmem>>) semaphore(%arg26 : memref<!tpu.dma_semaphore, #tpu.memory_space<semaphore_mem>>)
    %dma_wait3A_52 = arith.constant 0 : i32
    %dma_wait3A_53 = tpu.memref_slice %arg2[%dma_wait3A_52] : memref<1000000xf32, #tpu.memory_space<hbm>> -> memref<1000000xf32, #tpu.memory_space<hbm>>
    tpu.wait_indirect_dma semaphore(%arg25 : memref<!tpu.dma_semaphore, #tpu.memory_space<semaphore_mem>>) src(%dma_wait3A_53 : memref<1000000xf32, #tpu.memory_space<hbm>>) dst(%arg15 : memref<18720xf32, #tpu.memory_space<vmem>>)
    %scan3A_54 = arith.constant 1.000000e+00 : f32
    %scan3A_55 = arith.constant 0 : i32
    %scan3A_56 = arith.constant 65 : i32
    %scan3A_57 = arith.addi %scan3A_55, %scan3A_56 : i32
    %scan3A_58 = arith.constant 1 : i32
    %scan3A_59 = scf.for %scan3A_400 = %scan3A_55 to %scan3A_57 step %scan3A_58 iter_args(%scan3A_401 = %broadcast_in_dim3A_3) -> (vector<16xf32>)  : i32 {
      %mul3A_402 = arith.constant 6 : i32
      %mul3A_403 = arith.muli %scan3A_400, %mul3A_402 : i32
      %add3A_404 = arith.constant 0 : i32
      %add3A_405 = arith.addi %mul3A_403, %add3A_404 : i32
      %mul3A_406 = arith.constant 16 : i32
      %mul3A_407 = arith.muli %add3A_405, %mul3A_406 : i32
      %get3A_408 = arith.index_cast %mul3A_407 : i32 to index
      %get3A_409 = tpu.vector_load %arg7[%get3A_408] {strides = array<i32>} : memref<6240xi32, #tpu.memory_space<vmem>>, vector<16xi32>,
      %get3A_410 = arith.index_cast %mul3A_407 : i32 to index
      %get3A_411 = tpu.vector_load %arg8[%get3A_410] {strides = array<i32>} : memref<6240xi32, #tpu.memory_space<vmem>>, vector<16xi32>,
      %get3A_412 = arith.index_cast %mul3A_407 : i32 to index
      %get3A_413 = tpu.vector_load %arg9[%get3A_412] {strides = array<i32>} : memref<6240xi32, #tpu.memory_space<vmem>>, vector<16xi32>,
      %get3A_414 = arith.index_cast %mul3A_407 : i32 to index
      %get3A_415 = tpu.vector_load %arg15[%get3A_414] {strides = array<i32>} : memref<18720xf32, #tpu.memory_space<vmem>>, vector<16xf32>,
      %mul3A_416 = arith.constant 16 : i32
      %mul3A_417 = arith.muli %add3A_405, %mul3A_416 : i32
      %add3A_418 = arith.constant 6240 : i32
      %add3A_419 = arith.addi %add3A_418, %mul3A_417 : i32
      %get3A_420 = arith.index_cast %add3A_419 : i32 to index
      %get3A_421 = tpu.vector_load %arg15[%get3A_420] {strides = array<i32>} : memref<18720xf32, #tpu.memory_space<vmem>>, vector<16xf32>,
      %mul3A_422 = arith.constant 16 : i32
      %mul3A_423 = arith.muli %add3A_405, %mul3A_422 : i32
      %add3A_424 = arith.constant 12480 : i32
      %add3A_425 = arith.addi %add3A_424, %mul3A_423 : i32
      %get3A_426 = arith.index_cast %add3A_425 : i32 to index
      %get3A_427 = tpu.vector_load %arg15[%get3A_426] {strides = array<i32>} : memref<18720xf32, #tpu.memory_space<vmem>>, vector<16xf32>,
      %and3A_428 = arith.constant 1 : i32
      %and3A_429 = vector.broadcast %and3A_428 : i32 to vector<16xi32>
      %and3A_430 = arith.andi %get3A_409, %and3A_429 : vector<16xi32>
      %eq3A_431 = arith.constant 1 : i32
      %eq3A_432 = vector.broadcast %eq3A_431 : i32 to vector<16xi32>
      %eq3A_433 = arith.cmpi eq, %and3A_430, %eq3A_432 : vector<16xi32>
      %sub3A_434 = vector.broadcast %scan3A_54 : f32 to vector<16xf32>
      %sub3A_435 = arith.subf %sub3A_434, %get3A_415 : vector<16xf32>
      %select_n3A_436 = arith.select %eq3A_433, %get3A_415, %sub3A_435 : vector<16xi1>, vector<16xf32>
      %and3A_437 = arith.constant 1 : i32
      %and3A_438 = vector.broadcast %and3A_437 : i32 to vector<16xi32>
      %and3A_439 = arith.andi %get3A_411, %and3A_438 : vector<16xi32>
      %eq3A_440 = arith.constant 1 : i32
      %eq3A_441 = vector.broadcast %eq3A_440 : i32 to vector<16xi32>
      %eq3A_442 = arith.cmpi eq, %and3A_439, %eq3A_441 : vector<16xi32>
      %sub3A_443 = vector.broadcast %scan3A_54 : f32 to vector<16xf32>
      %sub3A_444 = arith.subf %sub3A_443, %get3A_421 : vector<16xf32>
      %select_n3A_445 = arith.select %eq3A_442, %get3A_421, %sub3A_444 : vector<16xi1>, vector<16xf32>
      %and3A_446 = arith.constant 1 : i32
      %and3A_447 = vector.broadcast %and3A_446 : i32 to vector<16xi32>
      %and3A_448 = arith.andi %get3A_413, %and3A_447 : vector<16xi32>
      %eq3A_449 = arith.constant 1 : i32
      %eq3A_450 = vector.broadcast %eq3A_449 : i32 to vector<16xi32>
      %eq3A_451 = arith.cmpi eq, %and3A_448, %eq3A_450 : vector<16xi32>
      %sub3A_452 = vector.broadcast %scan3A_54 : f32 to vector<16xf32>
      %sub3A_453 = arith.subf %sub3A_452, %get3A_427 : vector<16xf32>
      %select_n3A_454 = arith.select %eq3A_451, %get3A_427, %sub3A_453 : vector<16xi1>, vector<16xf32>
      %mul3A_455 = arith.mulf %select_n3A_436, %select_n3A_445 : vector<16xf32>
      %mul3A_456 = arith.mulf %mul3A_455, %select_n3A_454 : vector<16xf32>
      %lt3A_457 = arith.constant 2097152 : i32
      %lt3A_458 = vector.broadcast %lt3A_457 : i32 to vector<16xi32>
      %lt3A_459 = arith.cmpi slt, %get3A_409, %lt3A_458 : vector<16xi32>
      %select_n3A_460 = arith.select %lt3A_459, %mul3A_456, %broadcast_in_dim3A_3 : vector<16xi1>, vector<16xf32>
      %add3A_461 = arith.addf %scan3A_401, %select_n3A_460 : vector<16xf32>
      %mul3A_462 = arith.constant 6 : i32
      %mul3A_463 = arith.muli %scan3A_400, %mul3A_462 : i32
      %add3A_464 = arith.constant 1 : i32
      %add3A_465 = arith.addi %mul3A_463, %add3A_464 : i32
      %mul3A_466 = arith.constant 16 : i32
      %mul3A_467 = arith.muli %add3A_465, %mul3A_466 : i32
      %get3A_468 = arith.index_cast %mul3A_467 : i32 to index
      %get3A_469 = tpu.vector_load %arg7[%get3A_468] {strides = array<i32>} : memref<6240xi32, #tpu.memory_space<vmem>>, vector<16xi32>,
      %get3A_470 = arith.index_cast %mul3A_467 : i32 to index
      %get3A_471 = tpu.vector_load %arg8[%get3A_470] {strides = array<i32>} : memref<6240xi32, #tpu.memory_space<vmem>>, vector<16xi32>,
      %get3A_472 = arith.index_cast %mul3A_467 : i32 to index
      %get3A_473 = tpu.vector_load %arg9[%get3A_472] {strides = array<i32>} : memref<6240xi32, #tpu.memory_space<vmem>>, vector<16xi32>,
      %get3A_474 = arith.index_cast %mul3A_467 : i32 to index
      %get3A_475 = tpu.vector_load %arg15[%get3A_474] {strides = array<i32>} : memref<18720xf32, #tpu.memory_space<vmem>>, vector<16xf32>,
      %mul3A_476 = arith.constant 16 : i32
      %mul3A_477 = arith.muli %add3A_465, %mul3A_476 : i32
      %add3A_478 = arith.constant 6240 : i32
      %add3A_479 = arith.addi %add3A_478, %mul3A_477 : i32
      %get3A_480 = arith.index_cast %add3A_479 : i32 to index
      %get3A_481 = tpu.vector_load %arg15[%get3A_480] {strides = array<i32>} : memref<18720xf32, #tpu.memory_space<vmem>>, vector<16xf32>,
      %mul3A_482 = arith.constant 16 : i32
      %mul3A_483 = arith.muli %add3A_465, %mul3A_482 : i32
      %add3A_484 = arith.constant 12480 : i32
      %add3A_485 = arith.addi %add3A_484, %mul3A_483 : i32
      %get3A_486 = arith.index_cast %add3A_485 : i32 to index
      %get3A_487 = tpu.vector_load %arg15[%get3A_486] {strides = array<i32>} : memref<18720xf32, #tpu.memory_space<vmem>>, vector<16xf32>,
      %and3A_488 = arith.constant 1 : i32
      %and3A_489 = vector.broadcast %and3A_488 : i32 to vector<16xi32>
      %and3A_490 = arith.andi %get3A_469, %and3A_489 : vector<16xi32>
      %eq3A_491 = arith.constant 1 : i32
      %eq3A_492 = vector.broadcast %eq3A_491 : i32 to vector<16xi32>
      %eq3A_493 = arith.cmpi eq, %and3A_490, %eq3A_492 : vector<16xi32>
      %sub3A_494 = vector.broadcast %scan3A_54 : f32 to vector<16xf32>
      %sub3A_495 = arith.subf %sub3A_494, %get3A_475 : vector<16xf32>
      %select_n3A_496 = arith.select %eq3A_493, %get3A_475, %sub3A_495 : vector<16xi1>, vector<16xf32>
      %and3A_497 = arith.constant 1 : i32
      %and3A_498 = vector.broadcast %and3A_497 : i32 to vector<16xi32>
      %and3A_499 = arith.andi %get3A_471, %and3A_498 : vector<16xi32>
      %eq3A_500 = arith.constant 1 : i32
      %eq3A_501 = vector.broadcast %eq3A_500 : i32 to vector<16xi32>
      %eq3A_502 = arith.cmpi eq, %and3A_499, %eq3A_501 : vector<16xi32>
      %sub3A_503 = vector.broadcast %scan3A_54 : f32 to vector<16xf32>
      %sub3A_504 = arith.subf %sub3A_503, %get3A_481 : vector<16xf32>
      %select_n3A_505 = arith.select %eq3A_502, %get3A_481, %sub3A_504 : vector<16xi1>, vector<16xf32>
      %and3A_506 = arith.constant 1 : i32
      %and3A_507 = vector.broadcast %and3A_506 : i32 to vector<16xi32>
      %and3A_508 = arith.andi %get3A_473, %and3A_507 : vector<16xi32>
      %eq3A_509 = arith.constant 1 : i32
      %eq3A_510 = vector.broadcast %eq3A_509 : i32 to vector<16xi32>
      %eq3A_511 = arith.cmpi eq, %and3A_508, %eq3A_510 : vector<16xi32>
      %sub3A_512 = vector.broadcast %scan3A_54 : f32 to vector<16xf32>
      %sub3A_513 = arith.subf %sub3A_512, %get3A_487 : vector<16xf32>
      %select_n3A_514 = arith.select %eq3A_511, %get3A_487, %sub3A_513 : vector<16xi1>, vector<16xf32>
      %mul3A_515 = arith.mulf %select_n3A_496, %select_n3A_505 : vector<16xf32>
      %mul3A_516 = arith.mulf %mul3A_515, %select_n3A_514 : vector<16xf32>
      %lt3A_517 = arith.constant 2097152 : i32
      %lt3A_518 = vector.broadcast %lt3A_517 : i32 to vector<16xi32>
      %lt3A_519 = arith.cmpi slt, %get3A_469, %lt3A_518 : vector<16xi32>
      %select_n3A_520 = arith.select %lt3A_519, %mul3A_516, %broadcast_in_dim3A_3 : vector<16xi1>, vector<16xf32>
      %add3A_521 = arith.addf %add3A_461, %select_n3A_520 : vector<16xf32>
      %mul3A_522 = arith.constant 6 : i32
      %mul3A_523 = arith.muli %scan3A_400, %mul3A_522 : i32
      %add3A_524 = arith.constant 2 : i32
      %add3A_525 = arith.addi %mul3A_523, %add3A_524 : i32
      %mul3A_526 = arith.constant 16 : i32
      %mul3A_527 = arith.muli %add3A_525, %mul3A_526 : i32
      %get3A_528 = arith.index_cast %mul3A_527 : i32 to index
      %get3A_529 = tpu.vector_load %arg7[%get3A_528] {strides = array<i32>} : memref<6240xi32, #tpu.memory_space<vmem>>, vector<16xi32>,
      %get3A_530 = arith.index_cast %mul3A_527 : i32 to index
      %get3A_531 = tpu.vector_load %arg8[%get3A_530] {strides = array<i32>} : memref<6240xi32, #tpu.memory_space<vmem>>, vector<16xi32>,
      %get3A_532 = arith.index_cast %mul3A_527 : i32 to index
      %get3A_533 = tpu.vector_load %arg9[%get3A_532] {strides = array<i32>} : memref<6240xi32, #tpu.memory_space<vmem>>, vector<16xi32>,
      %get3A_534 = arith.index_cast %mul3A_527 : i32 to index
      %get3A_535 = tpu.vector_load %arg15[%get3A_534] {strides = array<i32>} : memref<18720xf32, #tpu.memory_space<vmem>>, vector<16xf32>,
      %mul3A_536 = arith.constant 16 : i32
      %mul3A_537 = arith.muli %add3A_525, %mul3A_536 : i32
      %add3A_538 = arith.constant 6240 : i32
      %add3A_539 = arith.addi %add3A_538, %mul3A_537 : i32
      %get3A_540 = arith.index_cast %add3A_539 : i32 to index
      %get3A_541 = tpu.vector_load %arg15[%get3A_540] {strides = array<i32>} : memref<18720xf32, #tpu.memory_space<vmem>>, vector<16xf32>,
      %mul3A_542 = arith.constant 16 : i32
      %mul3A_543 = arith.muli %add3A_525, %mul3A_542 : i32
      %add3A_544 = arith.constant 12480 : i32
      %add3A_545 = arith.addi %add3A_544, %mul3A_543 : i32
      %get3A_546 = arith.index_cast %add3A_545 : i32 to index
      %get3A_547 = tpu.vector_load %arg15[%get3A_546] {strides = array<i32>} : memref<18720xf32, #tpu.memory_space<vmem>>, vector<16xf32>,
      %and3A_548 = arith.constant 1 : i32
      %and3A_549 = vector.broadcast %and3A_548 : i32 to vector<16xi32>
      %and3A_550 = arith.andi %get3A_529, %and3A_549 : vector<16xi32>
      %eq3A_551 = arith.constant 1 : i32
      %eq3A_552 = vector.broadcast %eq3A_551 : i32 to vector<16xi32>
      %eq3A_553 = arith.cmpi eq, %and3A_550, %eq3A_552 : vector<16xi32>
      %sub3A_554 = vector.broadcast %scan3A_54 : f32 to vector<16xf32>
      %sub3A_555 = arith.subf %sub3A_554, %get3A_535 : vector<16xf32>
      %select_n3A_556 = arith.select %eq3A_553, %get3A_535, %sub3A_555 : vector<16xi1>, vector<16xf32>
      %and3A_557 = arith.constant 1 : i32
      %and3A_558 = vector.broadcast %and3A_557 : i32 to vector<16xi32>
      %and3A_559 = arith.andi %get3A_531, %and3A_558 : vector<16xi32>
      %eq3A_560 = arith.constant 1 : i32
      %eq3A_561 = vector.broadcast %eq3A_560 : i32 to vector<16xi32>
      %eq3A_562 = arith.cmpi eq, %and3A_559, %eq3A_561 : vector<16xi32>
      %sub3A_563 = vector.broadcast %scan3A_54 : f32 to vector<16xf32>
      %sub3A_564 = arith.subf %sub3A_563, %get3A_541 : vector<16xf32>
      %select_n3A_565 = arith.select %eq3A_562, %get3A_541, %sub3A_564 : vector<16xi1>, vector<16xf32>
      %and3A_566 = arith.constant 1 : i32
      %and3A_567 = vector.broadcast %and3A_566 : i32 to vector<16xi32>
      %and3A_568 = arith.andi %get3A_533, %and3A_567 : vector<16xi32>
      %eq3A_569 = arith.constant 1 : i32
      %eq3A_570 = vector.broadcast %eq3A_569 : i32 to vector<16xi32>
      %eq3A_571 = arith.cmpi eq, %and3A_568, %eq3A_570 : vector<16xi32>
      %sub3A_572 = vector.broadcast %scan3A_54 : f32 to vector<16xf32>
      %sub3A_573 = arith.subf %sub3A_572, %get3A_547 : vector<16xf32>
      %select_n3A_574 = arith.select %eq3A_571, %get3A_547, %sub3A_573 : vector<16xi1>, vector<16xf32>
      %mul3A_575 = arith.mulf %select_n3A_556, %select_n3A_565 : vector<16xf32>
      %mul3A_576 = arith.mulf %mul3A_575, %select_n3A_574 : vector<16xf32>
      %lt3A_577 = arith.constant 2097152 : i32
      %lt3A_578 = vector.broadcast %lt3A_577 : i32 to vector<16xi32>
      %lt3A_579 = arith.cmpi slt, %get3A_529, %lt3A_578 : vector<16xi32>
      %select_n3A_580 = arith.select %lt3A_579, %mul3A_576, %broadcast_in_dim3A_3 : vector<16xi1>, vector<16xf32>
      %add3A_581 = arith.addf %add3A_521, %select_n3A_580 : vector<16xf32>
      %mul3A_582 = arith.constant 6 : i32
      %mul3A_583 = arith.muli %scan3A_400, %mul3A_582 : i32
      %add3A_584 = arith.constant 3 : i32
      %add3A_585 = arith.addi %mul3A_583, %add3A_584 : i32
      %mul3A_586 = arith.constant 16 : i32
      %mul3A_587 = arith.muli %add3A_585, %mul3A_586 : i32
      %get3A_588 = arith.index_cast %mul3A_587 : i32 to index
      %get3A_589 = tpu.vector_load %arg7[%get3A_588] {strides = array<i32>} : memref<6240xi32, #tpu.memory_space<vmem>>, vector<16xi32>,
      %get3A_590 = arith.index_cast %mul3A_587 : i32 to index
      %get3A_591 = tpu.vector_load %arg8[%get3A_590] {strides = array<i32>} : memref<6240xi32, #tpu.memory_space<vmem>>, vector<16xi32>,
      %get3A_592 = arith.index_cast %mul3A_587 : i32 to index
      %get3A_593 = tpu.vector_load %arg9[%get3A_592] {strides = array<i32>} : memref<6240xi32, #tpu.memory_space<vmem>>, vector<16xi32>,
      %get3A_594 = arith.index_cast %mul3A_587 : i32 to index
      %get3A_595 = tpu.vector_load %arg15[%get3A_594] {strides = array<i32>} : memref<18720xf32, #tpu.memory_space<vmem>>, vector<16xf32>,
      %mul3A_596 = arith.constant 16 : i32
      %mul3A_597 = arith.muli %add3A_585, %mul3A_596 : i32
      %add3A_598 = arith.constant 6240 : i32
      %add3A_599 = arith.addi %add3A_598, %mul3A_597 : i32
      %get3A_600 = arith.index_cast %add3A_599 : i32 to index
      %get3A_601 = tpu.vector_load %arg15[%get3A_600] {strides = array<i32>} : memref<18720xf32, #tpu.memory_space<vmem>>, vector<16xf32>,
      %mul3A_602 = arith.constant 16 : i32
      %mul3A_603 = arith.muli %add3A_585, %mul3A_602 : i32
      %add3A_604 = arith.constant 12480 : i32
      %add3A_605 = arith.addi %add3A_604, %mul3A_603 : i32
      %get3A_606 = arith.index_cast %add3A_605 : i32 to index
      %get3A_607 = tpu.vector_load %arg15[%get3A_606] {strides = array<i32>} : memref<18720xf32, #tpu.memory_space<vmem>>, vector<16xf32>,
      %and3A_608 = arith.constant 1 : i32
      %and3A_609 = vector.broadcast %and3A_608 : i32 to vector<16xi32>
      %and3A_610 = arith.andi %get3A_589, %and3A_609 : vector<16xi32>
      %eq3A_611 = arith.constant 1 : i32
      %eq3A_612 = vector.broadcast %eq3A_611 : i32 to vector<16xi32>
      %eq3A_613 = arith.cmpi eq, %and3A_610, %eq3A_612 : vector<16xi32>
      %sub3A_614 = vector.broadcast %scan3A_54 : f32 to vector<16xf32>
      %sub3A_615 = arith.subf %sub3A_614, %get3A_595 : vector<16xf32>
      %select_n3A_616 = arith.select %eq3A_613, %get3A_595, %sub3A_615 : vector<16xi1>, vector<16xf32>
      %and3A_617 = arith.constant 1 : i32
      %and3A_618 = vector.broadcast %and3A_617 : i32 to vector<16xi32>
      %and3A_619 = arith.andi %get3A_591, %and3A_618 : vector<16xi32>
      %eq3A_620 = arith.constant 1 : i32
      %eq3A_621 = vector.broadcast %eq3A_620 : i32 to vector<16xi32>
      %eq3A_622 = arith.cmpi eq, %and3A_619, %eq3A_621 : vector<16xi32>
      %sub3A_623 = vector.broadcast %scan3A_54 : f32 to vector<16xf32>
      %sub3A_624 = arith.subf %sub3A_623, %get3A_601 : vector<16xf32>
      %select_n3A_625 = arith.select %eq3A_622, %get3A_601, %sub3A_624 : vector<16xi1>, vector<16xf32>
      %and3A_626 = arith.constant 1 : i32
      %and3A_627 = vector.broadcast %and3A_626 : i32 to vector<16xi32>
      %and3A_628 = arith.andi %get3A_593, %and3A_627 : vector<16xi32>
      %eq3A_629 = arith.constant 1 : i32
      %eq3A_630 = vector.broadcast %eq3A_629 : i32 to vector<16xi32>
      %eq3A_631 = arith.cmpi eq, %and3A_628, %eq3A_630 : vector<16xi32>
      %sub3A_632 = vector.broadcast %scan3A_54 : f32 to vector<16xf32>
      %sub3A_633 = arith.subf %sub3A_632, %get3A_607 : vector<16xf32>
      %select_n3A_634 = arith.select %eq3A_631, %get3A_607, %sub3A_633 : vector<16xi1>, vector<16xf32>
      %mul3A_635 = arith.mulf %select_n3A_616, %select_n3A_625 : vector<16xf32>
      %mul3A_636 = arith.mulf %mul3A_635, %select_n3A_634 : vector<16xf32>
      %lt3A_637 = arith.constant 2097152 : i32
      %lt3A_638 = vector.broadcast %lt3A_637 : i32 to vector<16xi32>
      %lt3A_639 = arith.cmpi slt, %get3A_589, %lt3A_638 : vector<16xi32>
      %select_n3A_640 = arith.select %lt3A_639, %mul3A_636, %broadcast_in_dim3A_3 : vector<16xi1>, vector<16xf32>
      %add3A_641 = arith.addf %add3A_581, %select_n3A_640 : vector<16xf32>
      %mul3A_642 = arith.constant 6 : i32
      %mul3A_643 = arith.muli %scan3A_400, %mul3A_642 : i32
      %add3A_644 = arith.constant 4 : i32
      %add3A_645 = arith.addi %mul3A_643, %add3A_644 : i32
      %mul3A_646 = arith.constant 16 : i32
      %mul3A_647 = arith.muli %add3A_645, %mul3A_646 : i32
      %get3A_648 = arith.index_cast %mul3A_647 : i32 to index
      %get3A_649 = tpu.vector_load %arg7[%get3A_648] {strides = array<i32>} : memref<6240xi32, #tpu.memory_space<vmem>>, vector<16xi32>,
      %get3A_650 = arith.index_cast %mul3A_647 : i32 to index
      %get3A_651 = tpu.vector_load %arg8[%get3A_650] {strides = array<i32>} : memref<6240xi32, #tpu.memory_space<vmem>>, vector<16xi32>,
      %get3A_652 = arith.index_cast %mul3A_647 : i32 to index
      %get3A_653 = tpu.vector_load %arg9[%get3A_652] {strides = array<i32>} : memref<6240xi32, #tpu.memory_space<vmem>>, vector<16xi32>,
      %get3A_654 = arith.index_cast %mul3A_647 : i32 to index
      %get3A_655 = tpu.vector_load %arg15[%get3A_654] {strides = array<i32>} : memref<18720xf32, #tpu.memory_space<vmem>>, vector<16xf32>,
      %mul3A_656 = arith.constant 16 : i32
      %mul3A_657 = arith.muli %add3A_645, %mul3A_656 : i32
      %add3A_658 = arith.constant 6240 : i32
      %add3A_659 = arith.addi %add3A_658, %mul3A_657 : i32
      %get3A_660 = arith.index_cast %add3A_659 : i32 to index
      %get3A_661 = tpu.vector_load %arg15[%get3A_660] {strides = array<i32>} : memref<18720xf32, #tpu.memory_space<vmem>>, vector<16xf32>,
      %mul3A_662 = arith.constant 16 : i32
      %mul3A_663 = arith.muli %add3A_645, %mul3A_662 : i32
      %add3A_664 = arith.constant 12480 : i32
      %add3A_665 = arith.addi %add3A_664, %mul3A_663 : i32
      %get3A_666 = arith.index_cast %add3A_665 : i32 to index
      %get3A_667 = tpu.vector_load %arg15[%get3A_666] {strides = array<i32>} : memref<18720xf32, #tpu.memory_space<vmem>>, vector<16xf32>,
      %and3A_668 = arith.constant 1 : i32
      %and3A_669 = vector.broadcast %and3A_668 : i32 to vector<16xi32>
      %and3A_670 = arith.andi %get3A_649, %and3A_669 : vector<16xi32>
      %eq3A_671 = arith.constant 1 : i32
      %eq3A_672 = vector.broadcast %eq3A_671 : i32 to vector<16xi32>
      %eq3A_673 = arith.cmpi eq, %and3A_670, %eq3A_672 : vector<16xi32>
      %sub3A_674 = vector.broadcast %scan3A_54 : f32 to vector<16xf32>
      %sub3A_675 = arith.subf %sub3A_674, %get3A_655 : vector<16xf32>
      %select_n3A_676 = arith.select %eq3A_673, %get3A_655, %sub3A_675 : vector<16xi1>, vector<16xf32>
      %and3A_677 = arith.constant 1 : i32
      %and3A_678 = vector.broadcast %and3A_677 : i32 to vector<16xi32>
      %and3A_679 = arith.andi %get3A_651, %and3A_678 : vector<16xi32>
      %eq3A_680 = arith.constant 1 : i32
      %eq3A_681 = vector.broadcast %eq3A_680 : i32 to vector<16xi32>
      %eq3A_682 = arith.cmpi eq, %and3A_679, %eq3A_681 : vector<16xi32>
      %sub3A_683 = vector.broadcast %scan3A_54 : f32 to vector<16xf32>
      %sub3A_684 = arith.subf %sub3A_683, %get3A_661 : vector<16xf32>
      %select_n3A_685 = arith.select %eq3A_682, %get3A_661, %sub3A_684 : vector<16xi1>, vector<16xf32>
      %and3A_686 = arith.constant 1 : i32
      %and3A_687 = vector.broadcast %and3A_686 : i32 to vector<16xi32>
      %and3A_688 = arith.andi %get3A_653, %and3A_687 : vector<16xi32>
      %eq3A_689 = arith.constant 1 : i32
      %eq3A_690 = vector.broadcast %eq3A_689 : i32 to vector<16xi32>
      %eq3A_691 = arith.cmpi eq, %and3A_688, %eq3A_690 : vector<16xi32>
      %sub3A_692 = vector.broadcast %scan3A_54 : f32 to vector<16xf32>
      %sub3A_693 = arith.subf %sub3A_692, %get3A_667 : vector<16xf32>
      %select_n3A_694 = arith.select %eq3A_691, %get3A_667, %sub3A_693 : vector<16xi1>, vector<16xf32>
      %mul3A_695 = arith.mulf %select_n3A_676, %select_n3A_685 : vector<16xf32>
      %mul3A_696 = arith.mulf %mul3A_695, %select_n3A_694 : vector<16xf32>
      %lt3A_697 = arith.constant 2097152 : i32
      %lt3A_698 = vector.broadcast %lt3A_697 : i32 to vector<16xi32>
      %lt3A_699 = arith.cmpi slt, %get3A_649, %lt3A_698 : vector<16xi32>
      %select_n3A_700 = arith.select %lt3A_699, %mul3A_696, %broadcast_in_dim3A_3 : vector<16xi1>, vector<16xf32>
      %add3A_701 = arith.addf %add3A_641, %select_n3A_700 : vector<16xf32>
      %mul3A_702 = arith.constant 6 : i32
      %mul3A_703 = arith.muli %scan3A_400, %mul3A_702 : i32
      %add3A_704 = arith.constant 5 : i32
      %add3A_705 = arith.addi %mul3A_703, %add3A_704 : i32
      %mul3A_706 = arith.constant 16 : i32
      %mul3A_707 = arith.muli %add3A_705, %mul3A_706 : i32
      %get3A_708 = arith.index_cast %mul3A_707 : i32 to index
      %get3A_709 = tpu.vector_load %arg7[%get3A_708] {strides = array<i32>} : memref<6240xi32, #tpu.memory_space<vmem>>, vector<16xi32>,
      %get3A_710 = arith.index_cast %mul3A_707 : i32 to index
      %get3A_711 = tpu.vector_load %arg8[%get3A_710] {strides = array<i32>} : memref<6240xi32, #tpu.memory_space<vmem>>, vector<16xi32>,
      %get3A_712 = arith.index_cast %mul3A_707 : i32 to index
      %get3A_713 = tpu.vector_load %arg9[%get3A_712] {strides = array<i32>} : memref<6240xi32, #tpu.memory_space<vmem>>, vector<16xi32>,
      %get3A_714 = arith.index_cast %mul3A_707 : i32 to index
      %get3A_715 = tpu.vector_load %arg15[%get3A_714] {strides = array<i32>} : memref<18720xf32, #tpu.memory_space<vmem>>, vector<16xf32>,
      %mul3A_716 = arith.constant 16 : i32
      %mul3A_717 = arith.muli %add3A_705, %mul3A_716 : i32
      %add3A_718 = arith.constant 6240 : i32
      %add3A_719 = arith.addi %add3A_718, %mul3A_717 : i32
      %get3A_720 = arith.index_cast %add3A_719 : i32 to index
      %get3A_721 = tpu.vector_load %arg15[%get3A_720] {strides = array<i32>} : memref<18720xf32, #tpu.memory_space<vmem>>, vector<16xf32>,
      %mul3A_722 = arith.constant 16 : i32
      %mul3A_723 = arith.muli %add3A_705, %mul3A_722 : i32
      %add3A_724 = arith.constant 12480 : i32
      %add3A_725 = arith.addi %add3A_724, %mul3A_723 : i32
      %get3A_726 = arith.index_cast %add3A_725 : i32 to index
      %get3A_727 = tpu.vector_load %arg15[%get3A_726] {strides = array<i32>} : memref<18720xf32, #tpu.memory_space<vmem>>, vector<16xf32>,
      %and3A_728 = arith.constant 1 : i32
      %and3A_729 = vector.broadcast %and3A_728 : i32 to vector<16xi32>
      %and3A_730 = arith.andi %get3A_709, %and3A_729 : vector<16xi32>
      %eq3A_731 = arith.constant 1 : i32
      %eq3A_732 = vector.broadcast %eq3A_731 : i32 to vector<16xi32>
      %eq3A_733 = arith.cmpi eq, %and3A_730, %eq3A_732 : vector<16xi32>
      %sub3A_734 = vector.broadcast %scan3A_54 : f32 to vector<16xf32>
      %sub3A_735 = arith.subf %sub3A_734, %get3A_715 : vector<16xf32>
      %select_n3A_736 = arith.select %eq3A_733, %get3A_715, %sub3A_735 : vector<16xi1>, vector<16xf32>
      %and3A_737 = arith.constant 1 : i32
      %and3A_738 = vector.broadcast %and3A_737 : i32 to vector<16xi32>
      %and3A_739 = arith.andi %get3A_711, %and3A_738 : vector<16xi32>
      %eq3A_740 = arith.constant 1 : i32
      %eq3A_741 = vector.broadcast %eq3A_740 : i32 to vector<16xi32>
      %eq3A_742 = arith.cmpi eq, %and3A_739, %eq3A_741 : vector<16xi32>
      %sub3A_743 = vector.broadcast %scan3A_54 : f32 to vector<16xf32>
      %sub3A_744 = arith.subf %sub3A_743, %get3A_721 : vector<16xf32>
      %select_n3A_745 = arith.select %eq3A_742, %get3A_721, %sub3A_744 : vector<16xi1>, vector<16xf32>
      %and3A_746 = arith.constant 1 : i32
      %and3A_747 = vector.broadcast %and3A_746 : i32 to vector<16xi32>
      %and3A_748 = arith.andi %get3A_713, %and3A_747 : vector<16xi32>
      %eq3A_749 = arith.constant 1 : i32
      %eq3A_750 = vector.broadcast %eq3A_749 : i32 to vector<16xi32>
      %eq3A_751 = arith.cmpi eq, %and3A_748, %eq3A_750 : vector<16xi32>
      %sub3A_752 = vector.broadcast %scan3A_54 : f32 to vector<16xf32>
      %sub3A_753 = arith.subf %sub3A_752, %get3A_727 : vector<16xf32>
      %select_n3A_754 = arith.select %eq3A_751, %get3A_727, %sub3A_753 : vector<16xi1>, vector<16xf32>
      %mul3A_755 = arith.mulf %select_n3A_736, %select_n3A_745 : vector<16xf32>
      %mul3A_756 = arith.mulf %mul3A_755, %select_n3A_754 : vector<16xf32>
      %lt3A_757 = arith.constant 2097152 : i32
      %lt3A_758 = vector.broadcast %lt3A_757 : i32 to vector<16xi32>
      %lt3A_759 = arith.cmpi slt, %get3A_709, %lt3A_758 : vector<16xi32>
      %select_n3A_760 = arith.select %lt3A_759, %mul3A_756, %broadcast_in_dim3A_3 : vector<16xi1>, vector<16xf32>
      %add3A_761 = arith.addf %add3A_701, %select_n3A_760 : vector<16xf32>
      scf.yield %add3A_761 : vector<16xf32>
    }
    %scan3A_60 = arith.constant 65 : i32
    %add3A_61 = arith.constant 12480 : i32
    %add3A_62 = arith.addi %mul3A_2, %add3A_61 : i32
    %dma_start3A_63 = tpu.memref_slice %arg3[%add3A_62] : memref<800000xi32, #tpu.memory_space<hbm>> -> memref<6240xi32, #tpu.memory_space<hbm>>
    %dma_start3A_64 = tpu.memref_slice %arg3[%add3A_62] : memref<800000xi32, #tpu.memory_space<hbm>> -> memref<6240xi32, #tpu.memory_space<hbm>>
    tpu.enqueue_dma source(%dma_start3A_64 : memref<6240xi32, #tpu.memory_space<hbm>>) target(%arg7 : memref<6240xi32, #tpu.memory_space<vmem>>) target_semaphore(%arg23 : memref<!tpu.dma_semaphore, #tpu.memory_space<semaphore_mem>>)
    %dma_start3A_65 = tpu.memref_slice %arg4[%add3A_62] : memref<800000xi32, #tpu.memory_space<hbm>> -> memref<6240xi32, #tpu.memory_space<hbm>>
    %dma_start3A_66 = tpu.memref_slice %arg4[%add3A_62] : memref<800000xi32, #tpu.memory_space<hbm>> -> memref<6240xi32, #tpu.memory_space<hbm>>
    tpu.enqueue_dma source(%dma_start3A_66 : memref<6240xi32, #tpu.memory_space<hbm>>) target(%arg8 : memref<6240xi32, #tpu.memory_space<vmem>>) target_semaphore(%arg23 : memref<!tpu.dma_semaphore, #tpu.memory_space<semaphore_mem>>)
    %dma_start3A_67 = tpu.memref_slice %arg5[%add3A_62] : memref<800000xi32, #tpu.memory_space<hbm>> -> memref<6240xi32, #tpu.memory_space<hbm>>
    %dma_start3A_68 = tpu.memref_slice %arg5[%add3A_62] : memref<800000xi32, #tpu.memory_space<hbm>> -> memref<6240xi32, #tpu.memory_space<hbm>>
    tpu.enqueue_dma source(%dma_start3A_68 : memref<6240xi32, #tpu.memory_space<hbm>>) target(%arg9 : memref<6240xi32, #tpu.memory_space<vmem>>) target_semaphore(%arg23 : memref<!tpu.dma_semaphore, #tpu.memory_space<semaphore_mem>>)
    %dma_wait3A_69 = tpu.memref_slice %arg3[%add3A_62] : memref<800000xi32, #tpu.memory_space<hbm>> -> memref<6240xi32, #tpu.memory_space<hbm>>
    %dma_wait3A_70 = tpu.memref_slice %arg3[%add3A_62] : memref<800000xi32, #tpu.memory_space<hbm>> -> memref<6240xi32, #tpu.memory_space<hbm>>
    tpu.wait_dma2 semaphore(%arg23 : memref<!tpu.dma_semaphore, #tpu.memory_space<semaphore_mem>>) src(%dma_wait3A_70 : memref<6240xi32, #tpu.memory_space<hbm>>) dst(%arg7 : memref<6240xi32, #tpu.memory_space<vmem>>)
    %dma_wait3A_71 = tpu.memref_slice %arg4[%add3A_62] : memref<800000xi32, #tpu.memory_space<hbm>> -> memref<6240xi32, #tpu.memory_space<hbm>>
    %dma_wait3A_72 = tpu.memref_slice %arg4[%add3A_62] : memref<800000xi32, #tpu.memory_space<hbm>> -> memref<6240xi32, #tpu.memory_space<hbm>>
    tpu.wait_dma2 semaphore(%arg23 : memref<!tpu.dma_semaphore, #tpu.memory_space<semaphore_mem>>) src(%dma_wait3A_72 : memref<6240xi32, #tpu.memory_space<hbm>>) dst(%arg8 : memref<6240xi32, #tpu.memory_space<vmem>>)
    %dma_wait3A_73 = tpu.memref_slice %arg5[%add3A_62] : memref<800000xi32, #tpu.memory_space<hbm>> -> memref<6240xi32, #tpu.memory_space<hbm>>
    %dma_wait3A_74 = tpu.memref_slice %arg5[%add3A_62] : memref<800000xi32, #tpu.memory_space<hbm>> -> memref<6240xi32, #tpu.memory_space<hbm>>
    tpu.wait_dma2 semaphore(%arg23 : memref<!tpu.dma_semaphore, #tpu.memory_space<semaphore_mem>>) src(%dma_wait3A_74 : memref<6240xi32, #tpu.memory_space<hbm>>) dst(%arg9 : memref<6240xi32, #tpu.memory_space<vmem>>)
    %scan3A_75 = arith.constant 0 : i32
    %scan3A_76 = arith.constant 0 : i32
    %scan3A_77 = arith.constant 65 : i32
    %scan3A_78 = arith.addi %scan3A_76, %scan3A_77 : i32
    %scan3A_79 = arith.constant 1 : i32
    scf.for %scan3A_400 = %scan3A_76 to %scan3A_78 step %scan3A_79  : i32 {
      %mul3A_401 = arith.constant 6 : i32
      %mul3A_402 = arith.muli %scan3A_400, %mul3A_401 : i32
      %add3A_403 = arith.constant 0 : i32
      %add3A_404 = arith.addi %mul3A_402, %add3A_403 : i32
      %mul3A_405 = arith.constant 16 : i32
      %mul3A_406 = arith.muli %add3A_404, %mul3A_405 : i32
      %get3A_407 = arith.index_cast %mul3A_406 : i32 to index
      %get3A_408 = tpu.vector_load %arg7[%get3A_407] {strides = array<i32>} : memref<6240xi32, #tpu.memory_space<vmem>>, vector<16xi32>,
      %get3A_409 = arith.index_cast %mul3A_406 : i32 to index
      %get3A_410 = tpu.vector_load %arg8[%get3A_409] {strides = array<i32>} : memref<6240xi32, #tpu.memory_space<vmem>>, vector<16xi32>,
      %get3A_411 = arith.index_cast %mul3A_406 : i32 to index
      %get3A_412 = tpu.vector_load %arg9[%get3A_411] {strides = array<i32>} : memref<6240xi32, #tpu.memory_space<vmem>>, vector<16xi32>,
      %and3A_413 = arith.constant 2097151 : i32
      %and3A_414 = vector.broadcast %and3A_413 : i32 to vector<16xi32>
      %and3A_415 = arith.andi %get3A_408, %and3A_414 : vector<16xi32>
      %shift_right_logical3A_416 = arith.constant 1 : i32
      %shift_right_logical3A_417 = vector.broadcast %shift_right_logical3A_416 : i32 to vector<16xi32>
      %shift_right_logical3A_418 = arith.shrui %and3A_415, %shift_right_logical3A_417 : vector<16xi32>
      %mul3A_419 = arith.constant 16 : i32
      %mul3A_420 = arith.muli %add3A_404, %mul3A_419 : i32
      %swap3A_421 = arith.index_cast %mul3A_420 : i32 to index
      %swap3A_422 = tpu.vector_load %arg13[%swap3A_421] {strides = array<i32>} : memref<18720xi32, #tpu.memory_space<vmem>>, vector<16xi32>,
      tpu.vector_store %arg13[%swap3A_421], %shift_right_logical3A_418 {strides = array<i32>} : memref<18720xi32, #tpu.memory_space<vmem>>, vector<16xi32>,
      %shift_right_logical3A_423 = arith.constant 1 : i32
      %shift_right_logical3A_424 = vector.broadcast %shift_right_logical3A_423 : i32 to vector<16xi32>
      %shift_right_logical3A_425 = arith.shrui %get3A_410, %shift_right_logical3A_424 : vector<16xi32>
      %mul3A_426 = arith.constant 16 : i32
      %mul3A_427 = arith.muli %add3A_404, %mul3A_426 : i32
      %add3A_428 = arith.constant 6240 : i32
      %add3A_429 = arith.addi %add3A_428, %mul3A_427 : i32
      %swap3A_430 = arith.index_cast %add3A_429 : i32 to index
      %swap3A_431 = tpu.vector_load %arg13[%swap3A_430] {strides = array<i32>} : memref<18720xi32, #tpu.memory_space<vmem>>, vector<16xi32>,
      tpu.vector_store %arg13[%swap3A_430], %shift_right_logical3A_425 {strides = array<i32>} : memref<18720xi32, #tpu.memory_space<vmem>>, vector<16xi32>,
      %shift_right_logical3A_432 = arith.constant 1 : i32
      %shift_right_logical3A_433 = vector.broadcast %shift_right_logical3A_432 : i32 to vector<16xi32>
      %shift_right_logical3A_434 = arith.shrui %get3A_412, %shift_right_logical3A_433 : vector<16xi32>
      %mul3A_435 = arith.constant 16 : i32
      %mul3A_436 = arith.muli %add3A_404, %mul3A_435 : i32
      %add3A_437 = arith.constant 12480 : i32
      %add3A_438 = arith.addi %add3A_437, %mul3A_436 : i32
      %swap3A_439 = arith.index_cast %add3A_438 : i32 to index
      %swap3A_440 = tpu.vector_load %arg13[%swap3A_439] {strides = array<i32>} : memref<18720xi32, #tpu.memory_space<vmem>>, vector<16xi32>,
      tpu.vector_store %arg13[%swap3A_439], %shift_right_logical3A_434 {strides = array<i32>} : memref<18720xi32, #tpu.memory_space<vmem>>, vector<16xi32>,
      %mul3A_441 = arith.constant 6 : i32
      %mul3A_442 = arith.muli %scan3A_400, %mul3A_441 : i32
      %add3A_443 = arith.constant 1 : i32
      %add3A_444 = arith.addi %mul3A_442, %add3A_443 : i32
      %mul3A_445 = arith.constant 16 : i32
      %mul3A_446 = arith.muli %add3A_444, %mul3A_445 : i32
      %get3A_447 = arith.index_cast %mul3A_446 : i32 to index
      %get3A_448 = tpu.vector_load %arg7[%get3A_447] {strides = array<i32>} : memref<6240xi32, #tpu.memory_space<vmem>>, vector<16xi32>,
      %get3A_449 = arith.index_cast %mul3A_446 : i32 to index
      %get3A_450 = tpu.vector_load %arg8[%get3A_449] {strides = array<i32>} : memref<6240xi32, #tpu.memory_space<vmem>>, vector<16xi32>,
      %get3A_451 = arith.index_cast %mul3A_446 : i32 to index
      %get3A_452 = tpu.vector_load %arg9[%get3A_451] {strides = array<i32>} : memref<6240xi32, #tpu.memory_space<vmem>>, vector<16xi32>,
      %and3A_453 = arith.constant 2097151 : i32
      %and3A_454 = vector.broadcast %and3A_453 : i32 to vector<16xi32>
      %and3A_455 = arith.andi %get3A_448, %and3A_454 : vector<16xi32>
      %shift_right_logical3A_456 = arith.constant 1 : i32
      %shift_right_logical3A_457 = vector.broadcast %shift_right_logical3A_456 : i32 to vector<16xi32>
      %shift_right_logical3A_458 = arith.shrui %and3A_455, %shift_right_logical3A_457 : vector<16xi32>
      %mul3A_459 = arith.constant 16 : i32
      %mul3A_460 = arith.muli %add3A_444, %mul3A_459 : i32
      %swap3A_461 = arith.index_cast %mul3A_460 : i32 to index
      %swap3A_462 = tpu.vector_load %arg13[%swap3A_461] {strides = array<i32>} : memref<18720xi32, #tpu.memory_space<vmem>>, vector<16xi32>,
      tpu.vector_store %arg13[%swap3A_461], %shift_right_logical3A_458 {strides = array<i32>} : memref<18720xi32, #tpu.memory_space<vmem>>, vector<16xi32>,
      %shift_right_logical3A_463 = arith.constant 1 : i32
      %shift_right_logical3A_464 = vector.broadcast %shift_right_logical3A_463 : i32 to vector<16xi32>
      %shift_right_logical3A_465 = arith.shrui %get3A_450, %shift_right_logical3A_464 : vector<16xi32>
      %mul3A_466 = arith.constant 16 : i32
      %mul3A_467 = arith.muli %add3A_444, %mul3A_466 : i32
      %add3A_468 = arith.constant 6240 : i32
      %add3A_469 = arith.addi %add3A_468, %mul3A_467 : i32
      %swap3A_470 = arith.index_cast %add3A_469 : i32 to index
      %swap3A_471 = tpu.vector_load %arg13[%swap3A_470] {strides = array<i32>} : memref<18720xi32, #tpu.memory_space<vmem>>, vector<16xi32>,
      tpu.vector_store %arg13[%swap3A_470], %shift_right_logical3A_465 {strides = array<i32>} : memref<18720xi32, #tpu.memory_space<vmem>>, vector<16xi32>,
      %shift_right_logical3A_472 = arith.constant 1 : i32
      %shift_right_logical3A_473 = vector.broadcast %shift_right_logical3A_472 : i32 to vector<16xi32>
      %shift_right_logical3A_474 = arith.shrui %get3A_452, %shift_right_logical3A_473 : vector<16xi32>
      %mul3A_475 = arith.constant 16 : i32
      %mul3A_476 = arith.muli %add3A_444, %mul3A_475 : i32
      %add3A_477 = arith.constant 12480 : i32
      %add3A_478 = arith.addi %add3A_477, %mul3A_476 : i32
      %swap3A_479 = arith.index_cast %add3A_478 : i32 to index
      %swap3A_480 = tpu.vector_load %arg13[%swap3A_479] {strides = array<i32>} : memref<18720xi32, #tpu.memory_space<vmem>>, vector<16xi32>,
      tpu.vector_store %arg13[%swap3A_479], %shift_right_logical3A_474 {strides = array<i32>} : memref<18720xi32, #tpu.memory_space<vmem>>, vector<16xi32>,
      %mul3A_481 = arith.constant 6 : i32
      %mul3A_482 = arith.muli %scan3A_400, %mul3A_481 : i32
      %add3A_483 = arith.constant 2 : i32
      %add3A_484 = arith.addi %mul3A_482, %add3A_483 : i32
      %mul3A_485 = arith.constant 16 : i32
      %mul3A_486 = arith.muli %add3A_484, %mul3A_485 : i32
      %get3A_487 = arith.index_cast %mul3A_486 : i32 to index
      %get3A_488 = tpu.vector_load %arg7[%get3A_487] {strides = array<i32>} : memref<6240xi32, #tpu.memory_space<vmem>>, vector<16xi32>,
      %get3A_489 = arith.index_cast %mul3A_486 : i32 to index
      %get3A_490 = tpu.vector_load %arg8[%get3A_489] {strides = array<i32>} : memref<6240xi32, #tpu.memory_space<vmem>>, vector<16xi32>,
      %get3A_491 = arith.index_cast %mul3A_486 : i32 to index
      %get3A_492 = tpu.vector_load %arg9[%get3A_491] {strides = array<i32>} : memref<6240xi32, #tpu.memory_space<vmem>>, vector<16xi32>,
      %and3A_493 = arith.constant 2097151 : i32
      %and3A_494 = vector.broadcast %and3A_493 : i32 to vector<16xi32>
      %and3A_495 = arith.andi %get3A_488, %and3A_494 : vector<16xi32>
      %shift_right_logical3A_496 = arith.constant 1 : i32
      %shift_right_logical3A_497 = vector.broadcast %shift_right_logical3A_496 : i32 to vector<16xi32>
      %shift_right_logical3A_498 = arith.shrui %and3A_495, %shift_right_logical3A_497 : vector<16xi32>
      %mul3A_499 = arith.constant 16 : i32
      %mul3A_500 = arith.muli %add3A_484, %mul3A_499 : i32
      %swap3A_501 = arith.index_cast %mul3A_500 : i32 to index
      %swap3A_502 = tpu.vector_load %arg13[%swap3A_501] {strides = array<i32>} : memref<18720xi32, #tpu.memory_space<vmem>>, vector<16xi32>,
      tpu.vector_store %arg13[%swap3A_501], %shift_right_logical3A_498 {strides = array<i32>} : memref<18720xi32, #tpu.memory_space<vmem>>, vector<16xi32>,
      %shift_right_logical3A_503 = arith.constant 1 : i32
      %shift_right_logical3A_504 = vector.broadcast %shift_right_logical3A_503 : i32 to vector<16xi32>
      %shift_right_logical3A_505 = arith.shrui %get3A_490, %shift_right_logical3A_504 : vector<16xi32>
      %mul3A_506 = arith.constant 16 : i32
      %mul3A_507 = arith.muli %add3A_484, %mul3A_506 : i32
      %add3A_508 = arith.constant 6240 : i32
      %add3A_509 = arith.addi %add3A_508, %mul3A_507 : i32
      %swap3A_510 = arith.index_cast %add3A_509 : i32 to index
      %swap3A_511 = tpu.vector_load %arg13[%swap3A_510] {strides = array<i32>} : memref<18720xi32, #tpu.memory_space<vmem>>, vector<16xi32>,
      tpu.vector_store %arg13[%swap3A_510], %shift_right_logical3A_505 {strides = array<i32>} : memref<18720xi32, #tpu.memory_space<vmem>>, vector<16xi32>,
      %shift_right_logical3A_512 = arith.constant 1 : i32
      %shift_right_logical3A_513 = vector.broadcast %shift_right_logical3A_512 : i32 to vector<16xi32>
      %shift_right_logical3A_514 = arith.shrui %get3A_492, %shift_right_logical3A_513 : vector<16xi32>
      %mul3A_515 = arith.constant 16 : i32
      %mul3A_516 = arith.muli %add3A_484, %mul3A_515 : i32
      %add3A_517 = arith.constant 12480 : i32
      %add3A_518 = arith.addi %add3A_517, %mul3A_516 : i32
      %swap3A_519 = arith.index_cast %add3A_518 : i32 to index
      %swap3A_520 = tpu.vector_load %arg13[%swap3A_519] {strides = array<i32>} : memref<18720xi32, #tpu.memory_space<vmem>>, vector<16xi32>,
      tpu.vector_store %arg13[%swap3A_519], %shift_right_logical3A_514 {strides = array<i32>} : memref<18720xi32, #tpu.memory_space<vmem>>, vector<16xi32>,
      %mul3A_521 = arith.constant 6 : i32
      %mul3A_522 = arith.muli %scan3A_400, %mul3A_521 : i32
      %add3A_523 = arith.constant 3 : i32
      %add3A_524 = arith.addi %mul3A_522, %add3A_523 : i32
      %mul3A_525 = arith.constant 16 : i32
      %mul3A_526 = arith.muli %add3A_524, %mul3A_525 : i32
      %get3A_527 = arith.index_cast %mul3A_526 : i32 to index
      %get3A_528 = tpu.vector_load %arg7[%get3A_527] {strides = array<i32>} : memref<6240xi32, #tpu.memory_space<vmem>>, vector<16xi32>,
      %get3A_529 = arith.index_cast %mul3A_526 : i32 to index
      %get3A_530 = tpu.vector_load %arg8[%get3A_529] {strides = array<i32>} : memref<6240xi32, #tpu.memory_space<vmem>>, vector<16xi32>,
      %get3A_531 = arith.index_cast %mul3A_526 : i32 to index
      %get3A_532 = tpu.vector_load %arg9[%get3A_531] {strides = array<i32>} : memref<6240xi32, #tpu.memory_space<vmem>>, vector<16xi32>,
      %and3A_533 = arith.constant 2097151 : i32
      %and3A_534 = vector.broadcast %and3A_533 : i32 to vector<16xi32>
      %and3A_535 = arith.andi %get3A_528, %and3A_534 : vector<16xi32>
      %shift_right_logical3A_536 = arith.constant 1 : i32
      %shift_right_logical3A_537 = vector.broadcast %shift_right_logical3A_536 : i32 to vector<16xi32>
      %shift_right_logical3A_538 = arith.shrui %and3A_535, %shift_right_logical3A_537 : vector<16xi32>
      %mul3A_539 = arith.constant 16 : i32
      %mul3A_540 = arith.muli %add3A_524, %mul3A_539 : i32
      %swap3A_541 = arith.index_cast %mul3A_540 : i32 to index
      %swap3A_542 = tpu.vector_load %arg13[%swap3A_541] {strides = array<i32>} : memref<18720xi32, #tpu.memory_space<vmem>>, vector<16xi32>,
      tpu.vector_store %arg13[%swap3A_541], %shift_right_logical3A_538 {strides = array<i32>} : memref<18720xi32, #tpu.memory_space<vmem>>, vector<16xi32>,
      %shift_right_logical3A_543 = arith.constant 1 : i32
      %shift_right_logical3A_544 = vector.broadcast %shift_right_logical3A_543 : i32 to vector<16xi32>
      %shift_right_logical3A_545 = arith.shrui %get3A_530, %shift_right_logical3A_544 : vector<16xi32>
      %mul3A_546 = arith.constant 16 : i32
      %mul3A_547 = arith.muli %add3A_524, %mul3A_546 : i32
      %add3A_548 = arith.constant 6240 : i32
      %add3A_549 = arith.addi %add3A_548, %mul3A_547 : i32
      %swap3A_550 = arith.index_cast %add3A_549 : i32 to index
      %swap3A_551 = tpu.vector_load %arg13[%swap3A_550] {strides = array<i32>} : memref<18720xi32, #tpu.memory_space<vmem>>, vector<16xi32>,
      tpu.vector_store %arg13[%swap3A_550], %shift_right_logical3A_545 {strides = array<i32>} : memref<18720xi32, #tpu.memory_space<vmem>>, vector<16xi32>,
      %shift_right_logical3A_552 = arith.constant 1 : i32
      %shift_right_logical3A_553 = vector.broadcast %shift_right_logical3A_552 : i32 to vector<16xi32>
      %shift_right_logical3A_554 = arith.shrui %get3A_532, %shift_right_logical3A_553 : vector<16xi32>
      %mul3A_555 = arith.constant 16 : i32
      %mul3A_556 = arith.muli %add3A_524, %mul3A_555 : i32
      %add3A_557 = arith.constant 12480 : i32
      %add3A_558 = arith.addi %add3A_557, %mul3A_556 : i32
      %swap3A_559 = arith.index_cast %add3A_558 : i32 to index
      %swap3A_560 = tpu.vector_load %arg13[%swap3A_559] {strides = array<i32>} : memref<18720xi32, #tpu.memory_space<vmem>>, vector<16xi32>,
      tpu.vector_store %arg13[%swap3A_559], %shift_right_logical3A_554 {strides = array<i32>} : memref<18720xi32, #tpu.memory_space<vmem>>, vector<16xi32>,
      %mul3A_561 = arith.constant 6 : i32
      %mul3A_562 = arith.muli %scan3A_400, %mul3A_561 : i32
      %add3A_563 = arith.constant 4 : i32
      %add3A_564 = arith.addi %mul3A_562, %add3A_563 : i32
      %mul3A_565 = arith.constant 16 : i32
      %mul3A_566 = arith.muli %add3A_564, %mul3A_565 : i32
      %get3A_567 = arith.index_cast %mul3A_566 : i32 to index
      %get3A_568 = tpu.vector_load %arg7[%get3A_567] {strides = array<i32>} : memref<6240xi32, #tpu.memory_space<vmem>>, vector<16xi32>,
      %get3A_569 = arith.index_cast %mul3A_566 : i32 to index
      %get3A_570 = tpu.vector_load %arg8[%get3A_569] {strides = array<i32>} : memref<6240xi32, #tpu.memory_space<vmem>>, vector<16xi32>,
      %get3A_571 = arith.index_cast %mul3A_566 : i32 to index
      %get3A_572 = tpu.vector_load %arg9[%get3A_571] {strides = array<i32>} : memref<6240xi32, #tpu.memory_space<vmem>>, vector<16xi32>,
      %and3A_573 = arith.constant 2097151 : i32
      %and3A_574 = vector.broadcast %and3A_573 : i32 to vector<16xi32>
      %and3A_575 = arith.andi %get3A_568, %and3A_574 : vector<16xi32>
      %shift_right_logical3A_576 = arith.constant 1 : i32
      %shift_right_logical3A_577 = vector.broadcast %shift_right_logical3A_576 : i32 to vector<16xi32>
      %shift_right_logical3A_578 = arith.shrui %and3A_575, %shift_right_logical3A_577 : vector<16xi32>
      %mul3A_579 = arith.constant 16 : i32
      %mul3A_580 = arith.muli %add3A_564, %mul3A_579 : i32
      %swap3A_581 = arith.index_cast %mul3A_580 : i32 to index
      %swap3A_582 = tpu.vector_load %arg13[%swap3A_581] {strides = array<i32>} : memref<18720xi32, #tpu.memory_space<vmem>>, vector<16xi32>,
      tpu.vector_store %arg13[%swap3A_581], %shift_right_logical3A_578 {strides = array<i32>} : memref<18720xi32, #tpu.memory_space<vmem>>, vector<16xi32>,
      %shift_right_logical3A_583 = arith.constant 1 : i32
      %shift_right_logical3A_584 = vector.broadcast %shift_right_logical3A_583 : i32 to vector<16xi32>
      %shift_right_logical3A_585 = arith.shrui %get3A_570, %shift_right_logical3A_584 : vector<16xi32>
      %mul3A_586 = arith.constant 16 : i32
      %mul3A_587 = arith.muli %add3A_564, %mul3A_586 : i32
      %add3A_588 = arith.constant 6240 : i32
      %add3A_589 = arith.addi %add3A_588, %mul3A_587 : i32
      %swap3A_590 = arith.index_cast %add3A_589 : i32 to index
      %swap3A_591 = tpu.vector_load %arg13[%swap3A_590] {strides = array<i32>} : memref<18720xi32, #tpu.memory_space<vmem>>, vector<16xi32>,
      tpu.vector_store %arg13[%swap3A_590], %shift_right_logical3A_585 {strides = array<i32>} : memref<18720xi32, #tpu.memory_space<vmem>>, vector<16xi32>,
      %shift_right_logical3A_592 = arith.constant 1 : i32
      %shift_right_logical3A_593 = vector.broadcast %shift_right_logical3A_592 : i32 to vector<16xi32>
      %shift_right_logical3A_594 = arith.shrui %get3A_572, %shift_right_logical3A_593 : vector<16xi32>
      %mul3A_595 = arith.constant 16 : i32
      %mul3A_596 = arith.muli %add3A_564, %mul3A_595 : i32
      %add3A_597 = arith.constant 12480 : i32
      %add3A_598 = arith.addi %add3A_597, %mul3A_596 : i32
      %swap3A_599 = arith.index_cast %add3A_598 : i32 to index
      %swap3A_600 = tpu.vector_load %arg13[%swap3A_599] {strides = array<i32>} : memref<18720xi32, #tpu.memory_space<vmem>>, vector<16xi32>,
      tpu.vector_store %arg13[%swap3A_599], %shift_right_logical3A_594 {strides = array<i32>} : memref<18720xi32, #tpu.memory_space<vmem>>, vector<16xi32>,
      %mul3A_601 = arith.constant 6 : i32
      %mul3A_602 = arith.muli %scan3A_400, %mul3A_601 : i32
      %add3A_603 = arith.constant 5 : i32
      %add3A_604 = arith.addi %mul3A_602, %add3A_603 : i32
      %mul3A_605 = arith.constant 16 : i32
      %mul3A_606 = arith.muli %add3A_604, %mul3A_605 : i32
      %get3A_607 = arith.index_cast %mul3A_606 : i32 to index
      %get3A_608 = tpu.vector_load %arg7[%get3A_607] {strides = array<i32>} : memref<6240xi32, #tpu.memory_space<vmem>>, vector<16xi32>,
      %get3A_609 = arith.index_cast %mul3A_606 : i32 to index
      %get3A_610 = tpu.vector_load %arg8[%get3A_609] {strides = array<i32>} : memref<6240xi32, #tpu.memory_space<vmem>>, vector<16xi32>,
      %get3A_611 = arith.index_cast %mul3A_606 : i32 to index
      %get3A_612 = tpu.vector_load %arg9[%get3A_611] {strides = array<i32>} : memref<6240xi32, #tpu.memory_space<vmem>>, vector<16xi32>,
      %and3A_613 = arith.constant 2097151 : i32
      %and3A_614 = vector.broadcast %and3A_613 : i32 to vector<16xi32>
      %and3A_615 = arith.andi %get3A_608, %and3A_614 : vector<16xi32>
      %shift_right_logical3A_616 = arith.constant 1 : i32
      %shift_right_logical3A_617 = vector.broadcast %shift_right_logical3A_616 : i32 to vector<16xi32>
      %shift_right_logical3A_618 = arith.shrui %and3A_615, %shift_right_logical3A_617 : vector<16xi32>
      %mul3A_619 = arith.constant 16 : i32
      %mul3A_620 = arith.muli %add3A_604, %mul3A_619 : i32
      %swap3A_621 = arith.index_cast %mul3A_620 : i32 to index
      %swap3A_622 = tpu.vector_load %arg13[%swap3A_621] {strides = array<i32>} : memref<18720xi32, #tpu.memory_space<vmem>>, vector<16xi32>,
      tpu.vector_store %arg13[%swap3A_621], %shift_right_logical3A_618 {strides = array<i32>} : memref<18720xi32, #tpu.memory_space<vmem>>, vector<16xi32>,
      %shift_right_logical3A_623 = arith.constant 1 : i32
      %shift_right_logical3A_624 = vector.broadcast %shift_right_logical3A_623 : i32 to vector<16xi32>
      %shift_right_logical3A_625 = arith.shrui %get3A_610, %shift_right_logical3A_624 : vector<16xi32>
      %mul3A_626 = arith.constant 16 : i32
      %mul3A_627 = arith.muli %add3A_604, %mul3A_626 : i32
      %add3A_628 = arith.constant 6240 : i32
      %add3A_629 = arith.addi %add3A_628, %mul3A_627 : i32
      %swap3A_630 = arith.index_cast %add3A_629 : i32 to index
      %swap3A_631 = tpu.vector_load %arg13[%swap3A_630] {strides = array<i32>} : memref<18720xi32, #tpu.memory_space<vmem>>, vector<16xi32>,
      tpu.vector_store %arg13[%swap3A_630], %shift_right_logical3A_625 {strides = array<i32>} : memref<18720xi32, #tpu.memory_space<vmem>>, vector<16xi32>,
      %shift_right_logical3A_632 = arith.constant 1 : i32
      %shift_right_logical3A_633 = vector.broadcast %shift_right_logical3A_632 : i32 to vector<16xi32>
      %shift_right_logical3A_634 = arith.shrui %get3A_612, %shift_right_logical3A_633 : vector<16xi32>
      %mul3A_635 = arith.constant 16 : i32
      %mul3A_636 = arith.muli %add3A_604, %mul3A_635 : i32
      %add3A_637 = arith.constant 12480 : i32
      %add3A_638 = arith.addi %add3A_637, %mul3A_636 : i32
      %swap3A_639 = arith.index_cast %add3A_638 : i32 to index
      %swap3A_640 = tpu.vector_load %arg13[%swap3A_639] {strides = array<i32>} : memref<18720xi32, #tpu.memory_space<vmem>>, vector<16xi32>,
      tpu.vector_store %arg13[%swap3A_639], %shift_right_logical3A_634 {strides = array<i32>} : memref<18720xi32, #tpu.memory_space<vmem>>, vector<16xi32>,
    }
    %scan3A_80 = arith.constant 65 : i32
    %dma_start3A_81 = arith.constant 0 : i32
    %dma_start3A_82 = tpu.memref_slice %arg2[%dma_start3A_81] : memref<1000000xf32, #tpu.memory_space<hbm>> -> memref<1000000xf32, #tpu.memory_space<hbm>>
    tpu.enqueue_indirect_dma source(%dma_start3A_82 : memref<1000000xf32, #tpu.memory_space<hbm>>) target(%arg15 : memref<18720xf32, #tpu.memory_space<vmem>>) offsets(%arg13 : memref<18720xi32, #tpu.memory_space<vmem>>) semaphore(%arg25 : memref<!tpu.dma_semaphore, #tpu.memory_space<semaphore_mem>>)
    %dma_wait3A_83 = arith.constant 0 : i32
    %dma_wait3A_84 = tpu.memref_slice %arg2[%dma_wait3A_83] : memref<1000000xf32, #tpu.memory_space<hbm>> -> memref<1000000xf32, #tpu.memory_space<hbm>>
    tpu.wait_indirect_dma semaphore(%arg26 : memref<!tpu.dma_semaphore, #tpu.memory_space<semaphore_mem>>) src(%dma_wait3A_84 : memref<1000000xf32, #tpu.memory_space<hbm>>) dst(%arg16 : memref<18720xf32, #tpu.memory_space<vmem>>)
    %scan3A_85 = arith.constant 1.000000e+00 : f32
    %scan3A_86 = arith.constant 0 : i32
    %scan3A_87 = arith.constant 65 : i32
    %scan3A_88 = arith.addi %scan3A_86, %scan3A_87 : i32
    %scan3A_89 = arith.constant 1 : i32
    %scan3A_90 = scf.for %scan3A_400 = %scan3A_86 to %scan3A_88 step %scan3A_89 iter_args(%scan3A_401 = %scan3A_59) -> (vector<16xf32>)  : i32 {
      %mul3A_402 = arith.constant 6 : i32
      %mul3A_403 = arith.muli %scan3A_400, %mul3A_402 : i32
      %add3A_404 = arith.constant 0 : i32
      %add3A_405 = arith.addi %mul3A_403, %add3A_404 : i32
      %mul3A_406 = arith.constant 16 : i32
      %mul3A_407 = arith.muli %add3A_405, %mul3A_406 : i32
      %get3A_408 = arith.index_cast %mul3A_407 : i32 to index
      %get3A_409 = tpu.vector_load %arg10[%get3A_408] {strides = array<i32>} : memref<6240xi32, #tpu.memory_space<vmem>>, vector<16xi32>,
      %get3A_410 = arith.index_cast %mul3A_407 : i32 to index
      %get3A_411 = tpu.vector_load %arg11[%get3A_410] {strides = array<i32>} : memref<6240xi32, #tpu.memory_space<vmem>>, vector<16xi32>,
      %get3A_412 = arith.index_cast %mul3A_407 : i32 to index
      %get3A_413 = tpu.vector_load %arg12[%get3A_412] {strides = array<i32>} : memref<6240xi32, #tpu.memory_space<vmem>>, vector<16xi32>,
      %get3A_414 = arith.index_cast %mul3A_407 : i32 to index
      %get3A_415 = tpu.vector_load %arg16[%get3A_414] {strides = array<i32>} : memref<18720xf32, #tpu.memory_space<vmem>>, vector<16xf32>,
      %mul3A_416 = arith.constant 16 : i32
      %mul3A_417 = arith.muli %add3A_405, %mul3A_416 : i32
      %add3A_418 = arith.constant 6240 : i32
      %add3A_419 = arith.addi %add3A_418, %mul3A_417 : i32
      %get3A_420 = arith.index_cast %add3A_419 : i32 to index
      %get3A_421 = tpu.vector_load %arg16[%get3A_420] {strides = array<i32>} : memref<18720xf32, #tpu.memory_space<vmem>>, vector<16xf32>,
      %mul3A_422 = arith.constant 16 : i32
      %mul3A_423 = arith.muli %add3A_405, %mul3A_422 : i32
      %add3A_424 = arith.constant 12480 : i32
      %add3A_425 = arith.addi %add3A_424, %mul3A_423 : i32
      %get3A_426 = arith.index_cast %add3A_425 : i32 to index
      %get3A_427 = tpu.vector_load %arg16[%get3A_426] {strides = array<i32>} : memref<18720xf32, #tpu.memory_space<vmem>>, vector<16xf32>,
      %and3A_428 = arith.constant 1 : i32
      %and3A_429 = vector.broadcast %and3A_428 : i32 to vector<16xi32>
      %and3A_430 = arith.andi %get3A_409, %and3A_429 : vector<16xi32>
      %eq3A_431 = arith.constant 1 : i32
      %eq3A_432 = vector.broadcast %eq3A_431 : i32 to vector<16xi32>
      %eq3A_433 = arith.cmpi eq, %and3A_430, %eq3A_432 : vector<16xi32>
      %sub3A_434 = vector.broadcast %scan3A_85 : f32 to vector<16xf32>
      %sub3A_435 = arith.subf %sub3A_434, %get3A_415 : vector<16xf32>
      %select_n3A_436 = arith.select %eq3A_433, %get3A_415, %sub3A_435 : vector<16xi1>, vector<16xf32>
      %and3A_437 = arith.constant 1 : i32
      %and3A_438 = vector.broadcast %and3A_437 : i32 to vector<16xi32>
      %and3A_439 = arith.andi %get3A_411, %and3A_438 : vector<16xi32>
      %eq3A_440 = arith.constant 1 : i32
      %eq3A_441 = vector.broadcast %eq3A_440 : i32 to vector<16xi32>
      %eq3A_442 = arith.cmpi eq, %and3A_439, %eq3A_441 : vector<16xi32>
      %sub3A_443 = vector.broadcast %scan3A_85 : f32 to vector<16xf32>
      %sub3A_444 = arith.subf %sub3A_443, %get3A_421 : vector<16xf32>
      %select_n3A_445 = arith.select %eq3A_442, %get3A_421, %sub3A_444 : vector<16xi1>, vector<16xf32>
      %and3A_446 = arith.constant 1 : i32
      %and3A_447 = vector.broadcast %and3A_446 : i32 to vector<16xi32>
      %and3A_448 = arith.andi %get3A_413, %and3A_447 : vector<16xi32>
      %eq3A_449 = arith.constant 1 : i32
      %eq3A_450 = vector.broadcast %eq3A_449 : i32 to vector<16xi32>
      %eq3A_451 = arith.cmpi eq, %and3A_448, %eq3A_450 : vector<16xi32>
      %sub3A_452 = vector.broadcast %scan3A_85 : f32 to vector<16xf32>
      %sub3A_453 = arith.subf %sub3A_452, %get3A_427 : vector<16xf32>
      %select_n3A_454 = arith.select %eq3A_451, %get3A_427, %sub3A_453 : vector<16xi1>, vector<16xf32>
      %mul3A_455 = arith.mulf %select_n3A_436, %select_n3A_445 : vector<16xf32>
      %mul3A_456 = arith.mulf %mul3A_455, %select_n3A_454 : vector<16xf32>
      %lt3A_457 = arith.constant 2097152 : i32
      %lt3A_458 = vector.broadcast %lt3A_457 : i32 to vector<16xi32>
      %lt3A_459 = arith.cmpi slt, %get3A_409, %lt3A_458 : vector<16xi32>
      %select_n3A_460 = arith.select %lt3A_459, %mul3A_456, %broadcast_in_dim3A_3 : vector<16xi1>, vector<16xf32>
      %add3A_461 = arith.addf %scan3A_401, %select_n3A_460 : vector<16xf32>
      %mul3A_462 = arith.constant 6 : i32
      %mul3A_463 = arith.muli %scan3A_400, %mul3A_462 : i32
      %add3A_464 = arith.constant 1 : i32
      %add3A_465 = arith.addi %mul3A_463, %add3A_464 : i32
      %mul3A_466 = arith.constant 16 : i32
      %mul3A_467 = arith.muli %add3A_465, %mul3A_466 : i32
      %get3A_468 = arith.index_cast %mul3A_467 : i32 to index
      %get3A_469 = tpu.vector_load %arg10[%get3A_468] {strides = array<i32>} : memref<6240xi32, #tpu.memory_space<vmem>>, vector<16xi32>,
      %get3A_470 = arith.index_cast %mul3A_467 : i32 to index
      %get3A_471 = tpu.vector_load %arg11[%get3A_470] {strides = array<i32>} : memref<6240xi32, #tpu.memory_space<vmem>>, vector<16xi32>,
      %get3A_472 = arith.index_cast %mul3A_467 : i32 to index
      %get3A_473 = tpu.vector_load %arg12[%get3A_472] {strides = array<i32>} : memref<6240xi32, #tpu.memory_space<vmem>>, vector<16xi32>,
      %get3A_474 = arith.index_cast %mul3A_467 : i32 to index
      %get3A_475 = tpu.vector_load %arg16[%get3A_474] {strides = array<i32>} : memref<18720xf32, #tpu.memory_space<vmem>>, vector<16xf32>,
      %mul3A_476 = arith.constant 16 : i32
      %mul3A_477 = arith.muli %add3A_465, %mul3A_476 : i32
      %add3A_478 = arith.constant 6240 : i32
      %add3A_479 = arith.addi %add3A_478, %mul3A_477 : i32
      %get3A_480 = arith.index_cast %add3A_479 : i32 to index
      %get3A_481 = tpu.vector_load %arg16[%get3A_480] {strides = array<i32>} : memref<18720xf32, #tpu.memory_space<vmem>>, vector<16xf32>,
      %mul3A_482 = arith.constant 16 : i32
      %mul3A_483 = arith.muli %add3A_465, %mul3A_482 : i32
      %add3A_484 = arith.constant 12480 : i32
      %add3A_485 = arith.addi %add3A_484, %mul3A_483 : i32
      %get3A_486 = arith.index_cast %add3A_485 : i32 to index
      %get3A_487 = tpu.vector_load %arg16[%get3A_486] {strides = array<i32>} : memref<18720xf32, #tpu.memory_space<vmem>>, vector<16xf32>,
      %and3A_488 = arith.constant 1 : i32
      %and3A_489 = vector.broadcast %and3A_488 : i32 to vector<16xi32>
      %and3A_490 = arith.andi %get3A_469, %and3A_489 : vector<16xi32>
      %eq3A_491 = arith.constant 1 : i32
      %eq3A_492 = vector.broadcast %eq3A_491 : i32 to vector<16xi32>
      %eq3A_493 = arith.cmpi eq, %and3A_490, %eq3A_492 : vector<16xi32>
      %sub3A_494 = vector.broadcast %scan3A_85 : f32 to vector<16xf32>
      %sub3A_495 = arith.subf %sub3A_494, %get3A_475 : vector<16xf32>
      %select_n3A_496 = arith.select %eq3A_493, %get3A_475, %sub3A_495 : vector<16xi1>, vector<16xf32>
      %and3A_497 = arith.constant 1 : i32
      %and3A_498 = vector.broadcast %and3A_497 : i32 to vector<16xi32>
      %and3A_499 = arith.andi %get3A_471, %and3A_498 : vector<16xi32>
      %eq3A_500 = arith.constant 1 : i32
      %eq3A_501 = vector.broadcast %eq3A_500 : i32 to vector<16xi32>
      %eq3A_502 = arith.cmpi eq, %and3A_499, %eq3A_501 : vector<16xi32>
      %sub3A_503 = vector.broadcast %scan3A_85 : f32 to vector<16xf32>
      %sub3A_504 = arith.subf %sub3A_503, %get3A_481 : vector<16xf32>
      %select_n3A_505 = arith.select %eq3A_502, %get3A_481, %sub3A_504 : vector<16xi1>, vector<16xf32>
      %and3A_506 = arith.constant 1 : i32
      %and3A_507 = vector.broadcast %and3A_506 : i32 to vector<16xi32>
      %and3A_508 = arith.andi %get3A_473, %and3A_507 : vector<16xi32>
      %eq3A_509 = arith.constant 1 : i32
      %eq3A_510 = vector.broadcast %eq3A_509 : i32 to vector<16xi32>
      %eq3A_511 = arith.cmpi eq, %and3A_508, %eq3A_510 : vector<16xi32>
      %sub3A_512 = vector.broadcast %scan3A_85 : f32 to vector<16xf32>
      %sub3A_513 = arith.subf %sub3A_512, %get3A_487 : vector<16xf32>
      %select_n3A_514 = arith.select %eq3A_511, %get3A_487, %sub3A_513 : vector<16xi1>, vector<16xf32>
      %mul3A_515 = arith.mulf %select_n3A_496, %select_n3A_505 : vector<16xf32>
      %mul3A_516 = arith.mulf %mul3A_515, %select_n3A_514 : vector<16xf32>
      %lt3A_517 = arith.constant 2097152 : i32
      %lt3A_518 = vector.broadcast %lt3A_517 : i32 to vector<16xi32>
      %lt3A_519 = arith.cmpi slt, %get3A_469, %lt3A_518 : vector<16xi32>
      %select_n3A_520 = arith.select %lt3A_519, %mul3A_516, %broadcast_in_dim3A_3 : vector<16xi1>, vector<16xf32>
      %add3A_521 = arith.addf %add3A_461, %select_n3A_520 : vector<16xf32>
      %mul3A_522 = arith.constant 6 : i32
      %mul3A_523 = arith.muli %scan3A_400, %mul3A_522 : i32
      %add3A_524 = arith.constant 2 : i32
      %add3A_525 = arith.addi %mul3A_523, %add3A_524 : i32
      %mul3A_526 = arith.constant 16 : i32
      %mul3A_527 = arith.muli %add3A_525, %mul3A_526 : i32
      %get3A_528 = arith.index_cast %mul3A_527 : i32 to index
      %get3A_529 = tpu.vector_load %arg10[%get3A_528] {strides = array<i32>} : memref<6240xi32, #tpu.memory_space<vmem>>, vector<16xi32>,
      %get3A_530 = arith.index_cast %mul3A_527 : i32 to index
      %get3A_531 = tpu.vector_load %arg11[%get3A_530] {strides = array<i32>} : memref<6240xi32, #tpu.memory_space<vmem>>, vector<16xi32>,
      %get3A_532 = arith.index_cast %mul3A_527 : i32 to index
      %get3A_533 = tpu.vector_load %arg12[%get3A_532] {strides = array<i32>} : memref<6240xi32, #tpu.memory_space<vmem>>, vector<16xi32>,
      %get3A_534 = arith.index_cast %mul3A_527 : i32 to index
      %get3A_535 = tpu.vector_load %arg16[%get3A_534] {strides = array<i32>} : memref<18720xf32, #tpu.memory_space<vmem>>, vector<16xf32>,
      %mul3A_536 = arith.constant 16 : i32
      %mul3A_537 = arith.muli %add3A_525, %mul3A_536 : i32
      %add3A_538 = arith.constant 6240 : i32
      %add3A_539 = arith.addi %add3A_538, %mul3A_537 : i32
      %get3A_540 = arith.index_cast %add3A_539 : i32 to index
      %get3A_541 = tpu.vector_load %arg16[%get3A_540] {strides = array<i32>} : memref<18720xf32, #tpu.memory_space<vmem>>, vector<16xf32>,
      %mul3A_542 = arith.constant 16 : i32
      %mul3A_543 = arith.muli %add3A_525, %mul3A_542 : i32
      %add3A_544 = arith.constant 12480 : i32
      %add3A_545 = arith.addi %add3A_544, %mul3A_543 : i32
      %get3A_546 = arith.index_cast %add3A_545 : i32 to index
      %get3A_547 = tpu.vector_load %arg16[%get3A_546] {strides = array<i32>} : memref<18720xf32, #tpu.memory_space<vmem>>, vector<16xf32>,
      %and3A_548 = arith.constant 1 : i32
      %and3A_549 = vector.broadcast %and3A_548 : i32 to vector<16xi32>
      %and3A_550 = arith.andi %get3A_529, %and3A_549 : vector<16xi32>
      %eq3A_551 = arith.constant 1 : i32
      %eq3A_552 = vector.broadcast %eq3A_551 : i32 to vector<16xi32>
      %eq3A_553 = arith.cmpi eq, %and3A_550, %eq3A_552 : vector<16xi32>
      %sub3A_554 = vector.broadcast %scan3A_85 : f32 to vector<16xf32>
      %sub3A_555 = arith.subf %sub3A_554, %get3A_535 : vector<16xf32>
      %select_n3A_556 = arith.select %eq3A_553, %get3A_535, %sub3A_555 : vector<16xi1>, vector<16xf32>
      %and3A_557 = arith.constant 1 : i32
      %and3A_558 = vector.broadcast %and3A_557 : i32 to vector<16xi32>
      %and3A_559 = arith.andi %get3A_531, %and3A_558 : vector<16xi32>
      %eq3A_560 = arith.constant 1 : i32
      %eq3A_561 = vector.broadcast %eq3A_560 : i32 to vector<16xi32>
      %eq3A_562 = arith.cmpi eq, %and3A_559, %eq3A_561 : vector<16xi32>
      %sub3A_563 = vector.broadcast %scan3A_85 : f32 to vector<16xf32>
      %sub3A_564 = arith.subf %sub3A_563, %get3A_541 : vector<16xf32>
      %select_n3A_565 = arith.select %eq3A_562, %get3A_541, %sub3A_564 : vector<16xi1>, vector<16xf32>
      %and3A_566 = arith.constant 1 : i32
      %and3A_567 = vector.broadcast %and3A_566 : i32 to vector<16xi32>
      %and3A_568 = arith.andi %get3A_533, %and3A_567 : vector<16xi32>
      %eq3A_569 = arith.constant 1 : i32
      %eq3A_570 = vector.broadcast %eq3A_569 : i32 to vector<16xi32>
      %eq3A_571 = arith.cmpi eq, %and3A_568, %eq3A_570 : vector<16xi32>
      %sub3A_572 = vector.broadcast %scan3A_85 : f32 to vector<16xf32>
      %sub3A_573 = arith.subf %sub3A_572, %get3A_547 : vector<16xf32>
      %select_n3A_574 = arith.select %eq3A_571, %get3A_547, %sub3A_573 : vector<16xi1>, vector<16xf32>
      %mul3A_575 = arith.mulf %select_n3A_556, %select_n3A_565 : vector<16xf32>
      %mul3A_576 = arith.mulf %mul3A_575, %select_n3A_574 : vector<16xf32>
      %lt3A_577 = arith.constant 2097152 : i32
      %lt3A_578 = vector.broadcast %lt3A_577 : i32 to vector<16xi32>
      %lt3A_579 = arith.cmpi slt, %get3A_529, %lt3A_578 : vector<16xi32>
      %select_n3A_580 = arith.select %lt3A_579, %mul3A_576, %broadcast_in_dim3A_3 : vector<16xi1>, vector<16xf32>
      %add3A_581 = arith.addf %add3A_521, %select_n3A_580 : vector<16xf32>
      %mul3A_582 = arith.constant 6 : i32
      %mul3A_583 = arith.muli %scan3A_400, %mul3A_582 : i32
      %add3A_584 = arith.constant 3 : i32
      %add3A_585 = arith.addi %mul3A_583, %add3A_584 : i32
      %mul3A_586 = arith.constant 16 : i32
      %mul3A_587 = arith.muli %add3A_585, %mul3A_586 : i32
      %get3A_588 = arith.index_cast %mul3A_587 : i32 to index
      %get3A_589 = tpu.vector_load %arg10[%get3A_588] {strides = array<i32>} : memref<6240xi32, #tpu.memory_space<vmem>>, vector<16xi32>,
      %get3A_590 = arith.index_cast %mul3A_587 : i32 to index
      %get3A_591 = tpu.vector_load %arg11[%get3A_590] {strides = array<i32>} : memref<6240xi32, #tpu.memory_space<vmem>>, vector<16xi32>,
      %get3A_592 = arith.index_cast %mul3A_587 : i32 to index
      %get3A_593 = tpu.vector_load %arg12[%get3A_592] {strides = array<i32>} : memref<6240xi32, #tpu.memory_space<vmem>>, vector<16xi32>,
      %get3A_594 = arith.index_cast %mul3A_587 : i32 to index
      %get3A_595 = tpu.vector_load %arg16[%get3A_594] {strides = array<i32>} : memref<18720xf32, #tpu.memory_space<vmem>>, vector<16xf32>,
      %mul3A_596 = arith.constant 16 : i32
      %mul3A_597 = arith.muli %add3A_585, %mul3A_596 : i32
      %add3A_598 = arith.constant 6240 : i32
      %add3A_599 = arith.addi %add3A_598, %mul3A_597 : i32
      %get3A_600 = arith.index_cast %add3A_599 : i32 to index
      %get3A_601 = tpu.vector_load %arg16[%get3A_600] {strides = array<i32>} : memref<18720xf32, #tpu.memory_space<vmem>>, vector<16xf32>,
      %mul3A_602 = arith.constant 16 : i32
      %mul3A_603 = arith.muli %add3A_585, %mul3A_602 : i32
      %add3A_604 = arith.constant 12480 : i32
      %add3A_605 = arith.addi %add3A_604, %mul3A_603 : i32
      %get3A_606 = arith.index_cast %add3A_605 : i32 to index
      %get3A_607 = tpu.vector_load %arg16[%get3A_606] {strides = array<i32>} : memref<18720xf32, #tpu.memory_space<vmem>>, vector<16xf32>,
      %and3A_608 = arith.constant 1 : i32
      %and3A_609 = vector.broadcast %and3A_608 : i32 to vector<16xi32>
      %and3A_610 = arith.andi %get3A_589, %and3A_609 : vector<16xi32>
      %eq3A_611 = arith.constant 1 : i32
      %eq3A_612 = vector.broadcast %eq3A_611 : i32 to vector<16xi32>
      %eq3A_613 = arith.cmpi eq, %and3A_610, %eq3A_612 : vector<16xi32>
      %sub3A_614 = vector.broadcast %scan3A_85 : f32 to vector<16xf32>
      %sub3A_615 = arith.subf %sub3A_614, %get3A_595 : vector<16xf32>
      %select_n3A_616 = arith.select %eq3A_613, %get3A_595, %sub3A_615 : vector<16xi1>, vector<16xf32>
      %and3A_617 = arith.constant 1 : i32
      %and3A_618 = vector.broadcast %and3A_617 : i32 to vector<16xi32>
      %and3A_619 = arith.andi %get3A_591, %and3A_618 : vector<16xi32>
      %eq3A_620 = arith.constant 1 : i32
      %eq3A_621 = vector.broadcast %eq3A_620 : i32 to vector<16xi32>
      %eq3A_622 = arith.cmpi eq, %and3A_619, %eq3A_621 : vector<16xi32>
      %sub3A_623 = vector.broadcast %scan3A_85 : f32 to vector<16xf32>
      %sub3A_624 = arith.subf %sub3A_623, %get3A_601 : vector<16xf32>
      %select_n3A_625 = arith.select %eq3A_622, %get3A_601, %sub3A_624 : vector<16xi1>, vector<16xf32>
      %and3A_626 = arith.constant 1 : i32
      %and3A_627 = vector.broadcast %and3A_626 : i32 to vector<16xi32>
      %and3A_628 = arith.andi %get3A_593, %and3A_627 : vector<16xi32>
      %eq3A_629 = arith.constant 1 : i32
      %eq3A_630 = vector.broadcast %eq3A_629 : i32 to vector<16xi32>
      %eq3A_631 = arith.cmpi eq, %and3A_628, %eq3A_630 : vector<16xi32>
      %sub3A_632 = vector.broadcast %scan3A_85 : f32 to vector<16xf32>
      %sub3A_633 = arith.subf %sub3A_632, %get3A_607 : vector<16xf32>
      %select_n3A_634 = arith.select %eq3A_631, %get3A_607, %sub3A_633 : vector<16xi1>, vector<16xf32>
      %mul3A_635 = arith.mulf %select_n3A_616, %select_n3A_625 : vector<16xf32>
      %mul3A_636 = arith.mulf %mul3A_635, %select_n3A_634 : vector<16xf32>
      %lt3A_637 = arith.constant 2097152 : i32
      %lt3A_638 = vector.broadcast %lt3A_637 : i32 to vector<16xi32>
      %lt3A_639 = arith.cmpi slt, %get3A_589, %lt3A_638 : vector<16xi32>
      %select_n3A_640 = arith.select %lt3A_639, %mul3A_636, %broadcast_in_dim3A_3 : vector<16xi1>, vector<16xf32>
      %add3A_641 = arith.addf %add3A_581, %select_n3A_640 : vector<16xf32>
      %mul3A_642 = arith.constant 6 : i32
      %mul3A_643 = arith.muli %scan3A_400, %mul3A_642 : i32
      %add3A_644 = arith.constant 4 : i32
      %add3A_645 = arith.addi %mul3A_643, %add3A_644 : i32
      %mul3A_646 = arith.constant 16 : i32
      %mul3A_647 = arith.muli %add3A_645, %mul3A_646 : i32
      %get3A_648 = arith.index_cast %mul3A_647 : i32 to index
      %get3A_649 = tpu.vector_load %arg10[%get3A_648] {strides = array<i32>} : memref<6240xi32, #tpu.memory_space<vmem>>, vector<16xi32>,
      %get3A_650 = arith.index_cast %mul3A_647 : i32 to index
      %get3A_651 = tpu.vector_load %arg11[%get3A_650] {strides = array<i32>} : memref<6240xi32, #tpu.memory_space<vmem>>, vector<16xi32>,
      %get3A_652 = arith.index_cast %mul3A_647 : i32 to index
      %get3A_653 = tpu.vector_load %arg12[%get3A_652] {strides = array<i32>} : memref<6240xi32, #tpu.memory_space<vmem>>, vector<16xi32>,
      %get3A_654 = arith.index_cast %mul3A_647 : i32 to index
      %get3A_655 = tpu.vector_load %arg16[%get3A_654] {strides = array<i32>} : memref<18720xf32, #tpu.memory_space<vmem>>, vector<16xf32>,
      %mul3A_656 = arith.constant 16 : i32
      %mul3A_657 = arith.muli %add3A_645, %mul3A_656 : i32
      %add3A_658 = arith.constant 6240 : i32
      %add3A_659 = arith.addi %add3A_658, %mul3A_657 : i32
      %get3A_660 = arith.index_cast %add3A_659 : i32 to index
      %get3A_661 = tpu.vector_load %arg16[%get3A_660] {strides = array<i32>} : memref<18720xf32, #tpu.memory_space<vmem>>, vector<16xf32>,
      %mul3A_662 = arith.constant 16 : i32
      %mul3A_663 = arith.muli %add3A_645, %mul3A_662 : i32
      %add3A_664 = arith.constant 12480 : i32
      %add3A_665 = arith.addi %add3A_664, %mul3A_663 : i32
      %get3A_666 = arith.index_cast %add3A_665 : i32 to index
      %get3A_667 = tpu.vector_load %arg16[%get3A_666] {strides = array<i32>} : memref<18720xf32, #tpu.memory_space<vmem>>, vector<16xf32>,
      %and3A_668 = arith.constant 1 : i32
      %and3A_669 = vector.broadcast %and3A_668 : i32 to vector<16xi32>
      %and3A_670 = arith.andi %get3A_649, %and3A_669 : vector<16xi32>
      %eq3A_671 = arith.constant 1 : i32
      %eq3A_672 = vector.broadcast %eq3A_671 : i32 to vector<16xi32>
      %eq3A_673 = arith.cmpi eq, %and3A_670, %eq3A_672 : vector<16xi32>
      %sub3A_674 = vector.broadcast %scan3A_85 : f32 to vector<16xf32>
      %sub3A_675 = arith.subf %sub3A_674, %get3A_655 : vector<16xf32>
      %select_n3A_676 = arith.select %eq3A_673, %get3A_655, %sub3A_675 : vector<16xi1>, vector<16xf32>
      %and3A_677 = arith.constant 1 : i32
      %and3A_678 = vector.broadcast %and3A_677 : i32 to vector<16xi32>
      %and3A_679 = arith.andi %get3A_651, %and3A_678 : vector<16xi32>
      %eq3A_680 = arith.constant 1 : i32
      %eq3A_681 = vector.broadcast %eq3A_680 : i32 to vector<16xi32>
      %eq3A_682 = arith.cmpi eq, %and3A_679, %eq3A_681 : vector<16xi32>
      %sub3A_683 = vector.broadcast %scan3A_85 : f32 to vector<16xf32>
      %sub3A_684 = arith.subf %sub3A_683, %get3A_661 : vector<16xf32>
      %select_n3A_685 = arith.select %eq3A_682, %get3A_661, %sub3A_684 : vector<16xi1>, vector<16xf32>
      %and3A_686 = arith.constant 1 : i32
      %and3A_687 = vector.broadcast %and3A_686 : i32 to vector<16xi32>
      %and3A_688 = arith.andi %get3A_653, %and3A_687 : vector<16xi32>
      %eq3A_689 = arith.constant 1 : i32
      %eq3A_690 = vector.broadcast %eq3A_689 : i32 to vector<16xi32>
      %eq3A_691 = arith.cmpi eq, %and3A_688, %eq3A_690 : vector<16xi32>
      %sub3A_692 = vector.broadcast %scan3A_85 : f32 to vector<16xf32>
      %sub3A_693 = arith.subf %sub3A_692, %get3A_667 : vector<16xf32>
      %select_n3A_694 = arith.select %eq3A_691, %get3A_667, %sub3A_693 : vector<16xi1>, vector<16xf32>
      %mul3A_695 = arith.mulf %select_n3A_676, %select_n3A_685 : vector<16xf32>
      %mul3A_696 = arith.mulf %mul3A_695, %select_n3A_694 : vector<16xf32>
      %lt3A_697 = arith.constant 2097152 : i32
      %lt3A_698 = vector.broadcast %lt3A_697 : i32 to vector<16xi32>
      %lt3A_699 = arith.cmpi slt, %get3A_649, %lt3A_698 : vector<16xi32>
      %select_n3A_700 = arith.select %lt3A_699, %mul3A_696, %broadcast_in_dim3A_3 : vector<16xi1>, vector<16xf32>
      %add3A_701 = arith.addf %add3A_641, %select_n3A_700 : vector<16xf32>
      %mul3A_702 = arith.constant 6 : i32
      %mul3A_703 = arith.muli %scan3A_400, %mul3A_702 : i32
      %add3A_704 = arith.constant 5 : i32
      %add3A_705 = arith.addi %mul3A_703, %add3A_704 : i32
      %mul3A_706 = arith.constant 16 : i32
      %mul3A_707 = arith.muli %add3A_705, %mul3A_706 : i32
      %get3A_708 = arith.index_cast %mul3A_707 : i32 to index
      %get3A_709 = tpu.vector_load %arg10[%get3A_708] {strides = array<i32>} : memref<6240xi32, #tpu.memory_space<vmem>>, vector<16xi32>,
      %get3A_710 = arith.index_cast %mul3A_707 : i32 to index
      %get3A_711 = tpu.vector_load %arg11[%get3A_710] {strides = array<i32>} : memref<6240xi32, #tpu.memory_space<vmem>>, vector<16xi32>,
      %get3A_712 = arith.index_cast %mul3A_707 : i32 to index
      %get3A_713 = tpu.vector_load %arg12[%get3A_712] {strides = array<i32>} : memref<6240xi32, #tpu.memory_space<vmem>>, vector<16xi32>,
      %get3A_714 = arith.index_cast %mul3A_707 : i32 to index
      %get3A_715 = tpu.vector_load %arg16[%get3A_714] {strides = array<i32>} : memref<18720xf32, #tpu.memory_space<vmem>>, vector<16xf32>,
      %mul3A_716 = arith.constant 16 : i32
      %mul3A_717 = arith.muli %add3A_705, %mul3A_716 : i32
      %add3A_718 = arith.constant 6240 : i32
      %add3A_719 = arith.addi %add3A_718, %mul3A_717 : i32
      %get3A_720 = arith.index_cast %add3A_719 : i32 to index
      %get3A_721 = tpu.vector_load %arg16[%get3A_720] {strides = array<i32>} : memref<18720xf32, #tpu.memory_space<vmem>>, vector<16xf32>,
      %mul3A_722 = arith.constant 16 : i32
      %mul3A_723 = arith.muli %add3A_705, %mul3A_722 : i32
      %add3A_724 = arith.constant 12480 : i32
      %add3A_725 = arith.addi %add3A_724, %mul3A_723 : i32
      %get3A_726 = arith.index_cast %add3A_725 : i32 to index
      %get3A_727 = tpu.vector_load %arg16[%get3A_726] {strides = array<i32>} : memref<18720xf32, #tpu.memory_space<vmem>>, vector<16xf32>,
      %and3A_728 = arith.constant 1 : i32
      %and3A_729 = vector.broadcast %and3A_728 : i32 to vector<16xi32>
      %and3A_730 = arith.andi %get3A_709, %and3A_729 : vector<16xi32>
      %eq3A_731 = arith.constant 1 : i32
      %eq3A_732 = vector.broadcast %eq3A_731 : i32 to vector<16xi32>
      %eq3A_733 = arith.cmpi eq, %and3A_730, %eq3A_732 : vector<16xi32>
      %sub3A_734 = vector.broadcast %scan3A_85 : f32 to vector<16xf32>
      %sub3A_735 = arith.subf %sub3A_734, %get3A_715 : vector<16xf32>
      %select_n3A_736 = arith.select %eq3A_733, %get3A_715, %sub3A_735 : vector<16xi1>, vector<16xf32>
      %and3A_737 = arith.constant 1 : i32
      %and3A_738 = vector.broadcast %and3A_737 : i32 to vector<16xi32>
      %and3A_739 = arith.andi %get3A_711, %and3A_738 : vector<16xi32>
      %eq3A_740 = arith.constant 1 : i32
      %eq3A_741 = vector.broadcast %eq3A_740 : i32 to vector<16xi32>
      %eq3A_742 = arith.cmpi eq, %and3A_739, %eq3A_741 : vector<16xi32>
      %sub3A_743 = vector.broadcast %scan3A_85 : f32 to vector<16xf32>
      %sub3A_744 = arith.subf %sub3A_743, %get3A_721 : vector<16xf32>
      %select_n3A_745 = arith.select %eq3A_742, %get3A_721, %sub3A_744 : vector<16xi1>, vector<16xf32>
      %and3A_746 = arith.constant 1 : i32
      %and3A_747 = vector.broadcast %and3A_746 : i32 to vector<16xi32>
      %and3A_748 = arith.andi %get3A_713, %and3A_747 : vector<16xi32>
      %eq3A_749 = arith.constant 1 : i32
      %eq3A_750 = vector.broadcast %eq3A_749 : i32 to vector<16xi32>
      %eq3A_751 = arith.cmpi eq, %and3A_748, %eq3A_750 : vector<16xi32>
      %sub3A_752 = vector.broadcast %scan3A_85 : f32 to vector<16xf32>
      %sub3A_753 = arith.subf %sub3A_752, %get3A_727 : vector<16xf32>
      %select_n3A_754 = arith.select %eq3A_751, %get3A_727, %sub3A_753 : vector<16xi1>, vector<16xf32>
      %mul3A_755 = arith.mulf %select_n3A_736, %select_n3A_745 : vector<16xf32>
      %mul3A_756 = arith.mulf %mul3A_755, %select_n3A_754 : vector<16xf32>
      %lt3A_757 = arith.constant 2097152 : i32
      %lt3A_758 = vector.broadcast %lt3A_757 : i32 to vector<16xi32>
      %lt3A_759 = arith.cmpi slt, %get3A_709, %lt3A_758 : vector<16xi32>
      %select_n3A_760 = arith.select %lt3A_759, %mul3A_756, %broadcast_in_dim3A_3 : vector<16xi1>, vector<16xf32>
      %add3A_761 = arith.addf %add3A_701, %select_n3A_760 : vector<16xf32>
      scf.yield %add3A_761 : vector<16xf32>
    }
    %scan3A_91 = arith.constant 65 : i32
    %add3A_92 = arith.constant 18720 : i32
    %add3A_93 = arith.addi %mul3A_2, %add3A_92 : i32
    %dma_start3A_94 = tpu.memref_slice %arg3[%add3A_93] : memref<800000xi32, #tpu.memory_space<hbm>> -> memref<6240xi32, #tpu.memory_space<hbm>>
    %dma_start3A_95 = tpu.memref_slice %arg3[%add3A_93] : memref<800000xi32, #tpu.memory_space<hbm>> -> memref<6240xi32, #tpu.memory_space<hbm>>
    tpu.enqueue_dma source(%dma_start3A_95 : memref<6240xi32, #tpu.memory_space<hbm>>) target(%arg10 : memref<6240xi32, #tpu.memory_space<vmem>>) target_semaphore(%arg24 : memref<!tpu.dma_semaphore, #tpu.memory_space<semaphore_mem>>)
    %dma_start3A_96 = tpu.memref_slice %arg4[%add3A_93] : memref<800000xi32, #tpu.memory_space<hbm>> -> memref<6240xi32, #tpu.memory_space<hbm>>
    %dma_start3A_97 = tpu.memref_slice %arg4[%add3A_93] : memref<800000xi32, #tpu.memory_space<hbm>> -> memref<6240xi32, #tpu.memory_space<hbm>>
    tpu.enqueue_dma source(%dma_start3A_97 : memref<6240xi32, #tpu.memory_space<hbm>>) target(%arg11 : memref<6240xi32, #tpu.memory_space<vmem>>) target_semaphore(%arg24 : memref<!tpu.dma_semaphore, #tpu.memory_space<semaphore_mem>>)
    %dma_start3A_98 = tpu.memref_slice %arg5[%add3A_93] : memref<800000xi32, #tpu.memory_space<hbm>> -> memref<6240xi32, #tpu.memory_space<hbm>>
    %dma_start3A_99 = tpu.memref_slice %arg5[%add3A_93] : memref<800000xi32, #tpu.memory_space<hbm>> -> memref<6240xi32, #tpu.memory_space<hbm>>
    tpu.enqueue_dma source(%dma_start3A_99 : memref<6240xi32, #tpu.memory_space<hbm>>) target(%arg12 : memref<6240xi32, #tpu.memory_space<vmem>>) target_semaphore(%arg24 : memref<!tpu.dma_semaphore, #tpu.memory_space<semaphore_mem>>)
    %dma_wait3A_100 = tpu.memref_slice %arg3[%add3A_93] : memref<800000xi32, #tpu.memory_space<hbm>> -> memref<6240xi32, #tpu.memory_space<hbm>>
    %dma_wait3A_101 = tpu.memref_slice %arg3[%add3A_93] : memref<800000xi32, #tpu.memory_space<hbm>> -> memref<6240xi32, #tpu.memory_space<hbm>>
    tpu.wait_dma2 semaphore(%arg24 : memref<!tpu.dma_semaphore, #tpu.memory_space<semaphore_mem>>) src(%dma_wait3A_101 : memref<6240xi32, #tpu.memory_space<hbm>>) dst(%arg10 : memref<6240xi32, #tpu.memory_space<vmem>>)
    %dma_wait3A_102 = tpu.memref_slice %arg4[%add3A_93] : memref<800000xi32, #tpu.memory_space<hbm>> -> memref<6240xi32, #tpu.memory_space<hbm>>
    %dma_wait3A_103 = tpu.memref_slice %arg4[%add3A_93] : memref<800000xi32, #tpu.memory_space<hbm>> -> memref<6240xi32, #tpu.memory_space<hbm>>
    tpu.wait_dma2 semaphore(%arg24 : memref<!tpu.dma_semaphore, #tpu.memory_space<semaphore_mem>>) src(%dma_wait3A_103 : memref<6240xi32, #tpu.memory_space<hbm>>) dst(%arg11 : memref<6240xi32, #tpu.memory_space<vmem>>)
    %dma_wait3A_104 = tpu.memref_slice %arg5[%add3A_93] : memref<800000xi32, #tpu.memory_space<hbm>> -> memref<6240xi32, #tpu.memory_space<hbm>>
    %dma_wait3A_105 = tpu.memref_slice %arg5[%add3A_93] : memref<800000xi32, #tpu.memory_space<hbm>> -> memref<6240xi32, #tpu.memory_space<hbm>>
    tpu.wait_dma2 semaphore(%arg24 : memref<!tpu.dma_semaphore, #tpu.memory_space<semaphore_mem>>) src(%dma_wait3A_105 : memref<6240xi32, #tpu.memory_space<hbm>>) dst(%arg12 : memref<6240xi32, #tpu.memory_space<vmem>>)
    %scan3A_106 = arith.constant 0 : i32
    %scan3A_107 = arith.constant 0 : i32
    %scan3A_108 = arith.constant 65 : i32
    %scan3A_109 = arith.addi %scan3A_107, %scan3A_108 : i32
    %scan3A_110 = arith.constant 1 : i32
    scf.for %scan3A_400 = %scan3A_107 to %scan3A_109 step %scan3A_110  : i32 {
      %mul3A_401 = arith.constant 6 : i32
      %mul3A_402 = arith.muli %scan3A_400, %mul3A_401 : i32
      %add3A_403 = arith.constant 0 : i32
      %add3A_404 = arith.addi %mul3A_402, %add3A_403 : i32
      %mul3A_405 = arith.constant 16 : i32
      %mul3A_406 = arith.muli %add3A_404, %mul3A_405 : i32
      %get3A_407 = arith.index_cast %mul3A_406 : i32 to index
      %get3A_408 = tpu.vector_load %arg10[%get3A_407] {strides = array<i32>} : memref<6240xi32, #tpu.memory_space<vmem>>, vector<16xi32>,
      %get3A_409 = arith.index_cast %mul3A_406 : i32 to index
      %get3A_410 = tpu.vector_load %arg11[%get3A_409] {strides = array<i32>} : memref<6240xi32, #tpu.memory_space<vmem>>, vector<16xi32>,
      %get3A_411 = arith.index_cast %mul3A_406 : i32 to index
      %get3A_412 = tpu.vector_load %arg12[%get3A_411] {strides = array<i32>} : memref<6240xi32, #tpu.memory_space<vmem>>, vector<16xi32>,
      %and3A_413 = arith.constant 2097151 : i32
      %and3A_414 = vector.broadcast %and3A_413 : i32 to vector<16xi32>
      %and3A_415 = arith.andi %get3A_408, %and3A_414 : vector<16xi32>
      %shift_right_logical3A_416 = arith.constant 1 : i32
      %shift_right_logical3A_417 = vector.broadcast %shift_right_logical3A_416 : i32 to vector<16xi32>
      %shift_right_logical3A_418 = arith.shrui %and3A_415, %shift_right_logical3A_417 : vector<16xi32>
      %mul3A_419 = arith.constant 16 : i32
      %mul3A_420 = arith.muli %add3A_404, %mul3A_419 : i32
      %swap3A_421 = arith.index_cast %mul3A_420 : i32 to index
      %swap3A_422 = tpu.vector_load %arg14[%swap3A_421] {strides = array<i32>} : memref<18720xi32, #tpu.memory_space<vmem>>, vector<16xi32>,
      tpu.vector_store %arg14[%swap3A_421], %shift_right_logical3A_418 {strides = array<i32>} : memref<18720xi32, #tpu.memory_space<vmem>>, vector<16xi32>,
      %shift_right_logical3A_423 = arith.constant 1 : i32
      %shift_right_logical3A_424 = vector.broadcast %shift_right_logical3A_423 : i32 to vector<16xi32>
      %shift_right_logical3A_425 = arith.shrui %get3A_410, %shift_right_logical3A_424 : vector<16xi32>
      %mul3A_426 = arith.constant 16 : i32
      %mul3A_427 = arith.muli %add3A_404, %mul3A_426 : i32
      %add3A_428 = arith.constant 6240 : i32
      %add3A_429 = arith.addi %add3A_428, %mul3A_427 : i32
      %swap3A_430 = arith.index_cast %add3A_429 : i32 to index
      %swap3A_431 = tpu.vector_load %arg14[%swap3A_430] {strides = array<i32>} : memref<18720xi32, #tpu.memory_space<vmem>>, vector<16xi32>,
      tpu.vector_store %arg14[%swap3A_430], %shift_right_logical3A_425 {strides = array<i32>} : memref<18720xi32, #tpu.memory_space<vmem>>, vector<16xi32>,
      %shift_right_logical3A_432 = arith.constant 1 : i32
      %shift_right_logical3A_433 = vector.broadcast %shift_right_logical3A_432 : i32 to vector<16xi32>
      %shift_right_logical3A_434 = arith.shrui %get3A_412, %shift_right_logical3A_433 : vector<16xi32>
      %mul3A_435 = arith.constant 16 : i32
      %mul3A_436 = arith.muli %add3A_404, %mul3A_435 : i32
      %add3A_437 = arith.constant 12480 : i32
      %add3A_438 = arith.addi %add3A_437, %mul3A_436 : i32
      %swap3A_439 = arith.index_cast %add3A_438 : i32 to index
      %swap3A_440 = tpu.vector_load %arg14[%swap3A_439] {strides = array<i32>} : memref<18720xi32, #tpu.memory_space<vmem>>, vector<16xi32>,
      tpu.vector_store %arg14[%swap3A_439], %shift_right_logical3A_434 {strides = array<i32>} : memref<18720xi32, #tpu.memory_space<vmem>>, vector<16xi32>,
      %mul3A_441 = arith.constant 6 : i32
      %mul3A_442 = arith.muli %scan3A_400, %mul3A_441 : i32
      %add3A_443 = arith.constant 1 : i32
      %add3A_444 = arith.addi %mul3A_442, %add3A_443 : i32
      %mul3A_445 = arith.constant 16 : i32
      %mul3A_446 = arith.muli %add3A_444, %mul3A_445 : i32
      %get3A_447 = arith.index_cast %mul3A_446 : i32 to index
      %get3A_448 = tpu.vector_load %arg10[%get3A_447] {strides = array<i32>} : memref<6240xi32, #tpu.memory_space<vmem>>, vector<16xi32>,
      %get3A_449 = arith.index_cast %mul3A_446 : i32 to index
      %get3A_450 = tpu.vector_load %arg11[%get3A_449] {strides = array<i32>} : memref<6240xi32, #tpu.memory_space<vmem>>, vector<16xi32>,
      %get3A_451 = arith.index_cast %mul3A_446 : i32 to index
      %get3A_452 = tpu.vector_load %arg12[%get3A_451] {strides = array<i32>} : memref<6240xi32, #tpu.memory_space<vmem>>, vector<16xi32>,
      %and3A_453 = arith.constant 2097151 : i32
      %and3A_454 = vector.broadcast %and3A_453 : i32 to vector<16xi32>
      %and3A_455 = arith.andi %get3A_448, %and3A_454 : vector<16xi32>
      %shift_right_logical3A_456 = arith.constant 1 : i32
      %shift_right_logical3A_457 = vector.broadcast %shift_right_logical3A_456 : i32 to vector<16xi32>
      %shift_right_logical3A_458 = arith.shrui %and3A_455, %shift_right_logical3A_457 : vector<16xi32>
      %mul3A_459 = arith.constant 16 : i32
      %mul3A_460 = arith.muli %add3A_444, %mul3A_459 : i32
      %swap3A_461 = arith.index_cast %mul3A_460 : i32 to index
      %swap3A_462 = tpu.vector_load %arg14[%swap3A_461] {strides = array<i32>} : memref<18720xi32, #tpu.memory_space<vmem>>, vector<16xi32>,
      tpu.vector_store %arg14[%swap3A_461], %shift_right_logical3A_458 {strides = array<i32>} : memref<18720xi32, #tpu.memory_space<vmem>>, vector<16xi32>,
      %shift_right_logical3A_463 = arith.constant 1 : i32
      %shift_right_logical3A_464 = vector.broadcast %shift_right_logical3A_463 : i32 to vector<16xi32>
      %shift_right_logical3A_465 = arith.shrui %get3A_450, %shift_right_logical3A_464 : vector<16xi32>
      %mul3A_466 = arith.constant 16 : i32
      %mul3A_467 = arith.muli %add3A_444, %mul3A_466 : i32
      %add3A_468 = arith.constant 6240 : i32
      %add3A_469 = arith.addi %add3A_468, %mul3A_467 : i32
      %swap3A_470 = arith.index_cast %add3A_469 : i32 to index
      %swap3A_471 = tpu.vector_load %arg14[%swap3A_470] {strides = array<i32>} : memref<18720xi32, #tpu.memory_space<vmem>>, vector<16xi32>,
      tpu.vector_store %arg14[%swap3A_470], %shift_right_logical3A_465 {strides = array<i32>} : memref<18720xi32, #tpu.memory_space<vmem>>, vector<16xi32>,
      %shift_right_logical3A_472 = arith.constant 1 : i32
      %shift_right_logical3A_473 = vector.broadcast %shift_right_logical3A_472 : i32 to vector<16xi32>
      %shift_right_logical3A_474 = arith.shrui %get3A_452, %shift_right_logical3A_473 : vector<16xi32>
      %mul3A_475 = arith.constant 16 : i32
      %mul3A_476 = arith.muli %add3A_444, %mul3A_475 : i32
      %add3A_477 = arith.constant 12480 : i32
      %add3A_478 = arith.addi %add3A_477, %mul3A_476 : i32
      %swap3A_479 = arith.index_cast %add3A_478 : i32 to index
      %swap3A_480 = tpu.vector_load %arg14[%swap3A_479] {strides = array<i32>} : memref<18720xi32, #tpu.memory_space<vmem>>, vector<16xi32>,
      tpu.vector_store %arg14[%swap3A_479], %shift_right_logical3A_474 {strides = array<i32>} : memref<18720xi32, #tpu.memory_space<vmem>>, vector<16xi32>,
      %mul3A_481 = arith.constant 6 : i32
      %mul3A_482 = arith.muli %scan3A_400, %mul3A_481 : i32
      %add3A_483 = arith.constant 2 : i32
      %add3A_484 = arith.addi %mul3A_482, %add3A_483 : i32
      %mul3A_485 = arith.constant 16 : i32
      %mul3A_486 = arith.muli %add3A_484, %mul3A_485 : i32
      %get3A_487 = arith.index_cast %mul3A_486 : i32 to index
      %get3A_488 = tpu.vector_load %arg10[%get3A_487] {strides = array<i32>} : memref<6240xi32, #tpu.memory_space<vmem>>, vector<16xi32>,
      %get3A_489 = arith.index_cast %mul3A_486 : i32 to index
      %get3A_490 = tpu.vector_load %arg11[%get3A_489] {strides = array<i32>} : memref<6240xi32, #tpu.memory_space<vmem>>, vector<16xi32>,
      %get3A_491 = arith.index_cast %mul3A_486 : i32 to index
      %get3A_492 = tpu.vector_load %arg12[%get3A_491] {strides = array<i32>} : memref<6240xi32, #tpu.memory_space<vmem>>, vector<16xi32>,
      %and3A_493 = arith.constant 2097151 : i32
      %and3A_494 = vector.broadcast %and3A_493 : i32 to vector<16xi32>
      %and3A_495 = arith.andi %get3A_488, %and3A_494 : vector<16xi32>
      %shift_right_logical3A_496 = arith.constant 1 : i32
      %shift_right_logical3A_497 = vector.broadcast %shift_right_logical3A_496 : i32 to vector<16xi32>
      %shift_right_logical3A_498 = arith.shrui %and3A_495, %shift_right_logical3A_497 : vector<16xi32>
      %mul3A_499 = arith.constant 16 : i32
      %mul3A_500 = arith.muli %add3A_484, %mul3A_499 : i32
      %swap3A_501 = arith.index_cast %mul3A_500 : i32 to index
      %swap3A_502 = tpu.vector_load %arg14[%swap3A_501] {strides = array<i32>} : memref<18720xi32, #tpu.memory_space<vmem>>, vector<16xi32>,
      tpu.vector_store %arg14[%swap3A_501], %shift_right_logical3A_498 {strides = array<i32>} : memref<18720xi32, #tpu.memory_space<vmem>>, vector<16xi32>,
      %shift_right_logical3A_503 = arith.constant 1 : i32
      %shift_right_logical3A_504 = vector.broadcast %shift_right_logical3A_503 : i32 to vector<16xi32>
      %shift_right_logical3A_505 = arith.shrui %get3A_490, %shift_right_logical3A_504 : vector<16xi32>
      %mul3A_506 = arith.constant 16 : i32
      %mul3A_507 = arith.muli %add3A_484, %mul3A_506 : i32
      %add3A_508 = arith.constant 6240 : i32
      %add3A_509 = arith.addi %add3A_508, %mul3A_507 : i32
      %swap3A_510 = arith.index_cast %add3A_509 : i32 to index
      %swap3A_511 = tpu.vector_load %arg14[%swap3A_510] {strides = array<i32>} : memref<18720xi32, #tpu.memory_space<vmem>>, vector<16xi32>,
      tpu.vector_store %arg14[%swap3A_510], %shift_right_logical3A_505 {strides = array<i32>} : memref<18720xi32, #tpu.memory_space<vmem>>, vector<16xi32>,
      %shift_right_logical3A_512 = arith.constant 1 : i32
      %shift_right_logical3A_513 = vector.broadcast %shift_right_logical3A_512 : i32 to vector<16xi32>
      %shift_right_logical3A_514 = arith.shrui %get3A_492, %shift_right_logical3A_513 : vector<16xi32>
      %mul3A_515 = arith.constant 16 : i32
      %mul3A_516 = arith.muli %add3A_484, %mul3A_515 : i32
      %add3A_517 = arith.constant 12480 : i32
      %add3A_518 = arith.addi %add3A_517, %mul3A_516 : i32
      %swap3A_519 = arith.index_cast %add3A_518 : i32 to index
      %swap3A_520 = tpu.vector_load %arg14[%swap3A_519] {strides = array<i32>} : memref<18720xi32, #tpu.memory_space<vmem>>, vector<16xi32>,
      tpu.vector_store %arg14[%swap3A_519], %shift_right_logical3A_514 {strides = array<i32>} : memref<18720xi32, #tpu.memory_space<vmem>>, vector<16xi32>,
      %mul3A_521 = arith.constant 6 : i32
      %mul3A_522 = arith.muli %scan3A_400, %mul3A_521 : i32
      %add3A_523 = arith.constant 3 : i32
      %add3A_524 = arith.addi %mul3A_522, %add3A_523 : i32
      %mul3A_525 = arith.constant 16 : i32
      %mul3A_526 = arith.muli %add3A_524, %mul3A_525 : i32
      %get3A_527 = arith.index_cast %mul3A_526 : i32 to index
      %get3A_528 = tpu.vector_load %arg10[%get3A_527] {strides = array<i32>} : memref<6240xi32, #tpu.memory_space<vmem>>, vector<16xi32>,
      %get3A_529 = arith.index_cast %mul3A_526 : i32 to index
      %get3A_530 = tpu.vector_load %arg11[%get3A_529] {strides = array<i32>} : memref<6240xi32, #tpu.memory_space<vmem>>, vector<16xi32>,
      %get3A_531 = arith.index_cast %mul3A_526 : i32 to index
      %get3A_532 = tpu.vector_load %arg12[%get3A_531] {strides = array<i32>} : memref<6240xi32, #tpu.memory_space<vmem>>, vector<16xi32>,
      %and3A_533 = arith.constant 2097151 : i32
      %and3A_534 = vector.broadcast %and3A_533 : i32 to vector<16xi32>
      %and3A_535 = arith.andi %get3A_528, %and3A_534 : vector<16xi32>
      %shift_right_logical3A_536 = arith.constant 1 : i32
      %shift_right_logical3A_537 = vector.broadcast %shift_right_logical3A_536 : i32 to vector<16xi32>
      %shift_right_logical3A_538 = arith.shrui %and3A_535, %shift_right_logical3A_537 : vector<16xi32>
      %mul3A_539 = arith.constant 16 : i32
      %mul3A_540 = arith.muli %add3A_524, %mul3A_539 : i32
      %swap3A_541 = arith.index_cast %mul3A_540 : i32 to index
      %swap3A_542 = tpu.vector_load %arg14[%swap3A_541] {strides = array<i32>} : memref<18720xi32, #tpu.memory_space<vmem>>, vector<16xi32>,
      tpu.vector_store %arg14[%swap3A_541], %shift_right_logical3A_538 {strides = array<i32>} : memref<18720xi32, #tpu.memory_space<vmem>>, vector<16xi32>,
      %shift_right_logical3A_543 = arith.constant 1 : i32
      %shift_right_logical3A_544 = vector.broadcast %shift_right_logical3A_543 : i32 to vector<16xi32>
      %shift_right_logical3A_545 = arith.shrui %get3A_530, %shift_right_logical3A_544 : vector<16xi32>
      %mul3A_546 = arith.constant 16 : i32
      %mul3A_547 = arith.muli %add3A_524, %mul3A_546 : i32
      %add3A_548 = arith.constant 6240 : i32
      %add3A_549 = arith.addi %add3A_548, %mul3A_547 : i32
      %swap3A_550 = arith.index_cast %add3A_549 : i32 to index
      %swap3A_551 = tpu.vector_load %arg14[%swap3A_550] {strides = array<i32>} : memref<18720xi32, #tpu.memory_space<vmem>>, vector<16xi32>,
      tpu.vector_store %arg14[%swap3A_550], %shift_right_logical3A_545 {strides = array<i32>} : memref<18720xi32, #tpu.memory_space<vmem>>, vector<16xi32>,
      %shift_right_logical3A_552 = arith.constant 1 : i32
      %shift_right_logical3A_553 = vector.broadcast %shift_right_logical3A_552 : i32 to vector<16xi32>
      %shift_right_logical3A_554 = arith.shrui %get3A_532, %shift_right_logical3A_553 : vector<16xi32>
      %mul3A_555 = arith.constant 16 : i32
      %mul3A_556 = arith.muli %add3A_524, %mul3A_555 : i32
      %add3A_557 = arith.constant 12480 : i32
      %add3A_558 = arith.addi %add3A_557, %mul3A_556 : i32
      %swap3A_559 = arith.index_cast %add3A_558 : i32 to index
      %swap3A_560 = tpu.vector_load %arg14[%swap3A_559] {strides = array<i32>} : memref<18720xi32, #tpu.memory_space<vmem>>, vector<16xi32>,
      tpu.vector_store %arg14[%swap3A_559], %shift_right_logical3A_554 {strides = array<i32>} : memref<18720xi32, #tpu.memory_space<vmem>>, vector<16xi32>,
      %mul3A_561 = arith.constant 6 : i32
      %mul3A_562 = arith.muli %scan3A_400, %mul3A_561 : i32
      %add3A_563 = arith.constant 4 : i32
      %add3A_564 = arith.addi %mul3A_562, %add3A_563 : i32
      %mul3A_565 = arith.constant 16 : i32
      %mul3A_566 = arith.muli %add3A_564, %mul3A_565 : i32
      %get3A_567 = arith.index_cast %mul3A_566 : i32 to index
      %get3A_568 = tpu.vector_load %arg10[%get3A_567] {strides = array<i32>} : memref<6240xi32, #tpu.memory_space<vmem>>, vector<16xi32>,
      %get3A_569 = arith.index_cast %mul3A_566 : i32 to index
      %get3A_570 = tpu.vector_load %arg11[%get3A_569] {strides = array<i32>} : memref<6240xi32, #tpu.memory_space<vmem>>, vector<16xi32>,
      %get3A_571 = arith.index_cast %mul3A_566 : i32 to index
      %get3A_572 = tpu.vector_load %arg12[%get3A_571] {strides = array<i32>} : memref<6240xi32, #tpu.memory_space<vmem>>, vector<16xi32>,
      %and3A_573 = arith.constant 2097151 : i32
      %and3A_574 = vector.broadcast %and3A_573 : i32 to vector<16xi32>
      %and3A_575 = arith.andi %get3A_568, %and3A_574 : vector<16xi32>
      %shift_right_logical3A_576 = arith.constant 1 : i32
      %shift_right_logical3A_577 = vector.broadcast %shift_right_logical3A_576 : i32 to vector<16xi32>
      %shift_right_logical3A_578 = arith.shrui %and3A_575, %shift_right_logical3A_577 : vector<16xi32>
      %mul3A_579 = arith.constant 16 : i32
      %mul3A_580 = arith.muli %add3A_564, %mul3A_579 : i32
      %swap3A_581 = arith.index_cast %mul3A_580 : i32 to index
      %swap3A_582 = tpu.vector_load %arg14[%swap3A_581] {strides = array<i32>} : memref<18720xi32, #tpu.memory_space<vmem>>, vector<16xi32>,
      tpu.vector_store %arg14[%swap3A_581], %shift_right_logical3A_578 {strides = array<i32>} : memref<18720xi32, #tpu.memory_space<vmem>>, vector<16xi32>,
      %shift_right_logical3A_583 = arith.constant 1 : i32
      %shift_right_logical3A_584 = vector.broadcast %shift_right_logical3A_583 : i32 to vector<16xi32>
      %shift_right_logical3A_585 = arith.shrui %get3A_570, %shift_right_logical3A_584 : vector<16xi32>
      %mul3A_586 = arith.constant 16 : i32
      %mul3A_587 = arith.muli %add3A_564, %mul3A_586 : i32
      %add3A_588 = arith.constant 6240 : i32
      %add3A_589 = arith.addi %add3A_588, %mul3A_587 : i32
      %swap3A_590 = arith.index_cast %add3A_589 : i32 to index
      %swap3A_591 = tpu.vector_load %arg14[%swap3A_590] {strides = array<i32>} : memref<18720xi32, #tpu.memory_space<vmem>>, vector<16xi32>,
      tpu.vector_store %arg14[%swap3A_590], %shift_right_logical3A_585 {strides = array<i32>} : memref<18720xi32, #tpu.memory_space<vmem>>, vector<16xi32>,
      %shift_right_logical3A_592 = arith.constant 1 : i32
      %shift_right_logical3A_593 = vector.broadcast %shift_right_logical3A_592 : i32 to vector<16xi32>
      %shift_right_logical3A_594 = arith.shrui %get3A_572, %shift_right_logical3A_593 : vector<16xi32>
      %mul3A_595 = arith.constant 16 : i32
      %mul3A_596 = arith.muli %add3A_564, %mul3A_595 : i32
      %add3A_597 = arith.constant 12480 : i32
      %add3A_598 = arith.addi %add3A_597, %mul3A_596 : i32
      %swap3A_599 = arith.index_cast %add3A_598 : i32 to index
      %swap3A_600 = tpu.vector_load %arg14[%swap3A_599] {strides = array<i32>} : memref<18720xi32, #tpu.memory_space<vmem>>, vector<16xi32>,
      tpu.vector_store %arg14[%swap3A_599], %shift_right_logical3A_594 {strides = array<i32>} : memref<18720xi32, #tpu.memory_space<vmem>>, vector<16xi32>,
      %mul3A_601 = arith.constant 6 : i32
      %mul3A_602 = arith.muli %scan3A_400, %mul3A_601 : i32
      %add3A_603 = arith.constant 5 : i32
      %add3A_604 = arith.addi %mul3A_602, %add3A_603 : i32
      %mul3A_605 = arith.constant 16 : i32
      %mul3A_606 = arith.muli %add3A_604, %mul3A_605 : i32
      %get3A_607 = arith.index_cast %mul3A_606 : i32 to index
      %get3A_608 = tpu.vector_load %arg10[%get3A_607] {strides = array<i32>} : memref<6240xi32, #tpu.memory_space<vmem>>, vector<16xi32>,
      %get3A_609 = arith.index_cast %mul3A_606 : i32 to index
      %get3A_610 = tpu.vector_load %arg11[%get3A_609] {strides = array<i32>} : memref<6240xi32, #tpu.memory_space<vmem>>, vector<16xi32>,
      %get3A_611 = arith.index_cast %mul3A_606 : i32 to index
      %get3A_612 = tpu.vector_load %arg12[%get3A_611] {strides = array<i32>} : memref<6240xi32, #tpu.memory_space<vmem>>, vector<16xi32>,
      %and3A_613 = arith.constant 2097151 : i32
      %and3A_614 = vector.broadcast %and3A_613 : i32 to vector<16xi32>
      %and3A_615 = arith.andi %get3A_608, %and3A_614 : vector<16xi32>
      %shift_right_logical3A_616 = arith.constant 1 : i32
      %shift_right_logical3A_617 = vector.broadcast %shift_right_logical3A_616 : i32 to vector<16xi32>
      %shift_right_logical3A_618 = arith.shrui %and3A_615, %shift_right_logical3A_617 : vector<16xi32>
      %mul3A_619 = arith.constant 16 : i32
      %mul3A_620 = arith.muli %add3A_604, %mul3A_619 : i32
      %swap3A_621 = arith.index_cast %mul3A_620 : i32 to index
      %swap3A_622 = tpu.vector_load %arg14[%swap3A_621] {strides = array<i32>} : memref<18720xi32, #tpu.memory_space<vmem>>, vector<16xi32>,
      tpu.vector_store %arg14[%swap3A_621], %shift_right_logical3A_618 {strides = array<i32>} : memref<18720xi32, #tpu.memory_space<vmem>>, vector<16xi32>,
      %shift_right_logical3A_623 = arith.constant 1 : i32
      %shift_right_logical3A_624 = vector.broadcast %shift_right_logical3A_623 : i32 to vector<16xi32>
      %shift_right_logical3A_625 = arith.shrui %get3A_610, %shift_right_logical3A_624 : vector<16xi32>
      %mul3A_626 = arith.constant 16 : i32
      %mul3A_627 = arith.muli %add3A_604, %mul3A_626 : i32
      %add3A_628 = arith.constant 6240 : i32
      %add3A_629 = arith.addi %add3A_628, %mul3A_627 : i32
      %swap3A_630 = arith.index_cast %add3A_629 : i32 to index
      %swap3A_631 = tpu.vector_load %arg14[%swap3A_630] {strides = array<i32>} : memref<18720xi32, #tpu.memory_space<vmem>>, vector<16xi32>,
      tpu.vector_store %arg14[%swap3A_630], %shift_right_logical3A_625 {strides = array<i32>} : memref<18720xi32, #tpu.memory_space<vmem>>, vector<16xi32>,
      %shift_right_logical3A_632 = arith.constant 1 : i32
      %shift_right_logical3A_633 = vector.broadcast %shift_right_logical3A_632 : i32 to vector<16xi32>
      %shift_right_logical3A_634 = arith.shrui %get3A_612, %shift_right_logical3A_633 : vector<16xi32>
      %mul3A_635 = arith.constant 16 : i32
      %mul3A_636 = arith.muli %add3A_604, %mul3A_635 : i32
      %add3A_637 = arith.constant 12480 : i32
      %add3A_638 = arith.addi %add3A_637, %mul3A_636 : i32
      %swap3A_639 = arith.index_cast %add3A_638 : i32 to index
      %swap3A_640 = tpu.vector_load %arg14[%swap3A_639] {strides = array<i32>} : memref<18720xi32, #tpu.memory_space<vmem>>, vector<16xi32>,
      tpu.vector_store %arg14[%swap3A_639], %shift_right_logical3A_634 {strides = array<i32>} : memref<18720xi32, #tpu.memory_space<vmem>>, vector<16xi32>,
    }
    %scan3A_111 = arith.constant 65 : i32
    %dma_start3A_112 = arith.constant 0 : i32
    %dma_start3A_113 = tpu.memref_slice %arg2[%dma_start3A_112] : memref<1000000xf32, #tpu.memory_space<hbm>> -> memref<1000000xf32, #tpu.memory_space<hbm>>
    tpu.enqueue_indirect_dma source(%dma_start3A_113 : memref<1000000xf32, #tpu.memory_space<hbm>>) target(%arg16 : memref<18720xf32, #tpu.memory_space<vmem>>) offsets(%arg14 : memref<18720xi32, #tpu.memory_space<vmem>>) semaphore(%arg26 : memref<!tpu.dma_semaphore, #tpu.memory_space<semaphore_mem>>)
    %dma_wait3A_114 = arith.constant 0 : i32
    %dma_wait3A_115 = tpu.memref_slice %arg2[%dma_wait3A_114] : memref<1000000xf32, #tpu.memory_space<hbm>> -> memref<1000000xf32, #tpu.memory_space<hbm>>
    tpu.wait_indirect_dma semaphore(%arg25 : memref<!tpu.dma_semaphore, #tpu.memory_space<semaphore_mem>>) src(%dma_wait3A_115 : memref<1000000xf32, #tpu.memory_space<hbm>>) dst(%arg15 : memref<18720xf32, #tpu.memory_space<vmem>>)
    %scan3A_116 = arith.constant 1.000000e+00 : f32
    %scan3A_117 = arith.constant 0 : i32
    %scan3A_118 = arith.constant 65 : i32
    %scan3A_119 = arith.addi %scan3A_117, %scan3A_118 : i32
    %scan3A_120 = arith.constant 1 : i32
    %scan3A_121 = scf.for %scan3A_400 = %scan3A_117 to %scan3A_119 step %scan3A_120 iter_args(%scan3A_401 = %scan3A_90) -> (vector<16xf32>)  : i32 {
      %mul3A_402 = arith.constant 6 : i32
      %mul3A_403 = arith.muli %scan3A_400, %mul3A_402 : i32
      %add3A_404 = arith.constant 0 : i32
      %add3A_405 = arith.addi %mul3A_403, %add3A_404 : i32
      %mul3A_406 = arith.constant 16 : i32
      %mul3A_407 = arith.muli %add3A_405, %mul3A_406 : i32
      %get3A_408 = arith.index_cast %mul3A_407 : i32 to index
      %get3A_409 = tpu.vector_load %arg7[%get3A_408] {strides = array<i32>} : memref<6240xi32, #tpu.memory_space<vmem>>, vector<16xi32>,
      %get3A_410 = arith.index_cast %mul3A_407 : i32 to index
      %get3A_411 = tpu.vector_load %arg8[%get3A_410] {strides = array<i32>} : memref<6240xi32, #tpu.memory_space<vmem>>, vector<16xi32>,
      %get3A_412 = arith.index_cast %mul3A_407 : i32 to index
      %get3A_413 = tpu.vector_load %arg9[%get3A_412] {strides = array<i32>} : memref<6240xi32, #tpu.memory_space<vmem>>, vector<16xi32>,
      %get3A_414 = arith.index_cast %mul3A_407 : i32 to index
      %get3A_415 = tpu.vector_load %arg15[%get3A_414] {strides = array<i32>} : memref<18720xf32, #tpu.memory_space<vmem>>, vector<16xf32>,
      %mul3A_416 = arith.constant 16 : i32
      %mul3A_417 = arith.muli %add3A_405, %mul3A_416 : i32
      %add3A_418 = arith.constant 6240 : i32
      %add3A_419 = arith.addi %add3A_418, %mul3A_417 : i32
      %get3A_420 = arith.index_cast %add3A_419 : i32 to index
      %get3A_421 = tpu.vector_load %arg15[%get3A_420] {strides = array<i32>} : memref<18720xf32, #tpu.memory_space<vmem>>, vector<16xf32>,
      %mul3A_422 = arith.constant 16 : i32
      %mul3A_423 = arith.muli %add3A_405, %mul3A_422 : i32
      %add3A_424 = arith.constant 12480 : i32
      %add3A_425 = arith.addi %add3A_424, %mul3A_423 : i32
      %get3A_426 = arith.index_cast %add3A_425 : i32 to index
      %get3A_427 = tpu.vector_load %arg15[%get3A_426] {strides = array<i32>} : memref<18720xf32, #tpu.memory_space<vmem>>, vector<16xf32>,
      %and3A_428 = arith.constant 1 : i32
      %and3A_429 = vector.broadcast %and3A_428 : i32 to vector<16xi32>
      %and3A_430 = arith.andi %get3A_409, %and3A_429 : vector<16xi32>
      %eq3A_431 = arith.constant 1 : i32
      %eq3A_432 = vector.broadcast %eq3A_431 : i32 to vector<16xi32>
      %eq3A_433 = arith.cmpi eq, %and3A_430, %eq3A_432 : vector<16xi32>
      %sub3A_434 = vector.broadcast %scan3A_116 : f32 to vector<16xf32>
      %sub3A_435 = arith.subf %sub3A_434, %get3A_415 : vector<16xf32>
      %select_n3A_436 = arith.select %eq3A_433, %get3A_415, %sub3A_435 : vector<16xi1>, vector<16xf32>
      %and3A_437 = arith.constant 1 : i32
      %and3A_438 = vector.broadcast %and3A_437 : i32 to vector<16xi32>
      %and3A_439 = arith.andi %get3A_411, %and3A_438 : vector<16xi32>
      %eq3A_440 = arith.constant 1 : i32
      %eq3A_441 = vector.broadcast %eq3A_440 : i32 to vector<16xi32>
      %eq3A_442 = arith.cmpi eq, %and3A_439, %eq3A_441 : vector<16xi32>
      %sub3A_443 = vector.broadcast %scan3A_116 : f32 to vector<16xf32>
      %sub3A_444 = arith.subf %sub3A_443, %get3A_421 : vector<16xf32>
      %select_n3A_445 = arith.select %eq3A_442, %get3A_421, %sub3A_444 : vector<16xi1>, vector<16xf32>
      %and3A_446 = arith.constant 1 : i32
      %and3A_447 = vector.broadcast %and3A_446 : i32 to vector<16xi32>
      %and3A_448 = arith.andi %get3A_413, %and3A_447 : vector<16xi32>
      %eq3A_449 = arith.constant 1 : i32
      %eq3A_450 = vector.broadcast %eq3A_449 : i32 to vector<16xi32>
      %eq3A_451 = arith.cmpi eq, %and3A_448, %eq3A_450 : vector<16xi32>
      %sub3A_452 = vector.broadcast %scan3A_116 : f32 to vector<16xf32>
      %sub3A_453 = arith.subf %sub3A_452, %get3A_427 : vector<16xf32>
      %select_n3A_454 = arith.select %eq3A_451, %get3A_427, %sub3A_453 : vector<16xi1>, vector<16xf32>
      %mul3A_455 = arith.mulf %select_n3A_436, %select_n3A_445 : vector<16xf32>
      %mul3A_456 = arith.mulf %mul3A_455, %select_n3A_454 : vector<16xf32>
      %lt3A_457 = arith.constant 2097152 : i32
      %lt3A_458 = vector.broadcast %lt3A_457 : i32 to vector<16xi32>
      %lt3A_459 = arith.cmpi slt, %get3A_409, %lt3A_458 : vector<16xi32>
      %select_n3A_460 = arith.select %lt3A_459, %mul3A_456, %broadcast_in_dim3A_3 : vector<16xi1>, vector<16xf32>
      %add3A_461 = arith.addf %scan3A_401, %select_n3A_460 : vector<16xf32>
      %mul3A_462 = arith.constant 6 : i32
      %mul3A_463 = arith.muli %scan3A_400, %mul3A_462 : i32
      %add3A_464 = arith.constant 1 : i32
      %add3A_465 = arith.addi %mul3A_463, %add3A_464 : i32
      %mul3A_466 = arith.constant 16 : i32
      %mul3A_467 = arith.muli %add3A_465, %mul3A_466 : i32
      %get3A_468 = arith.index_cast %mul3A_467 : i32 to index
      %get3A_469 = tpu.vector_load %arg7[%get3A_468] {strides = array<i32>} : memref<6240xi32, #tpu.memory_space<vmem>>, vector<16xi32>,
      %get3A_470 = arith.index_cast %mul3A_467 : i32 to index
      %get3A_471 = tpu.vector_load %arg8[%get3A_470] {strides = array<i32>} : memref<6240xi32, #tpu.memory_space<vmem>>, vector<16xi32>,
      %get3A_472 = arith.index_cast %mul3A_467 : i32 to index
      %get3A_473 = tpu.vector_load %arg9[%get3A_472] {strides = array<i32>} : memref<6240xi32, #tpu.memory_space<vmem>>, vector<16xi32>,
      %get3A_474 = arith.index_cast %mul3A_467 : i32 to index
      %get3A_475 = tpu.vector_load %arg15[%get3A_474] {strides = array<i32>} : memref<18720xf32, #tpu.memory_space<vmem>>, vector<16xf32>,
      %mul3A_476 = arith.constant 16 : i32
      %mul3A_477 = arith.muli %add3A_465, %mul3A_476 : i32
      %add3A_478 = arith.constant 6240 : i32
      %add3A_479 = arith.addi %add3A_478, %mul3A_477 : i32
      %get3A_480 = arith.index_cast %add3A_479 : i32 to index
      %get3A_481 = tpu.vector_load %arg15[%get3A_480] {strides = array<i32>} : memref<18720xf32, #tpu.memory_space<vmem>>, vector<16xf32>,
      %mul3A_482 = arith.constant 16 : i32
      %mul3A_483 = arith.muli %add3A_465, %mul3A_482 : i32
      %add3A_484 = arith.constant 12480 : i32
      %add3A_485 = arith.addi %add3A_484, %mul3A_483 : i32
      %get3A_486 = arith.index_cast %add3A_485 : i32 to index
      %get3A_487 = tpu.vector_load %arg15[%get3A_486] {strides = array<i32>} : memref<18720xf32, #tpu.memory_space<vmem>>, vector<16xf32>,
      %and3A_488 = arith.constant 1 : i32
      %and3A_489 = vector.broadcast %and3A_488 : i32 to vector<16xi32>
      %and3A_490 = arith.andi %get3A_469, %and3A_489 : vector<16xi32>
      %eq3A_491 = arith.constant 1 : i32
      %eq3A_492 = vector.broadcast %eq3A_491 : i32 to vector<16xi32>
      %eq3A_493 = arith.cmpi eq, %and3A_490, %eq3A_492 : vector<16xi32>
      %sub3A_494 = vector.broadcast %scan3A_116 : f32 to vector<16xf32>
      %sub3A_495 = arith.subf %sub3A_494, %get3A_475 : vector<16xf32>
      %select_n3A_496 = arith.select %eq3A_493, %get3A_475, %sub3A_495 : vector<16xi1>, vector<16xf32>
      %and3A_497 = arith.constant 1 : i32
      %and3A_498 = vector.broadcast %and3A_497 : i32 to vector<16xi32>
      %and3A_499 = arith.andi %get3A_471, %and3A_498 : vector<16xi32>
      %eq3A_500 = arith.constant 1 : i32
      %eq3A_501 = vector.broadcast %eq3A_500 : i32 to vector<16xi32>
      %eq3A_502 = arith.cmpi eq, %and3A_499, %eq3A_501 : vector<16xi32>
      %sub3A_503 = vector.broadcast %scan3A_116 : f32 to vector<16xf32>
      %sub3A_504 = arith.subf %sub3A_503, %get3A_481 : vector<16xf32>
      %select_n3A_505 = arith.select %eq3A_502, %get3A_481, %sub3A_504 : vector<16xi1>, vector<16xf32>
      %and3A_506 = arith.constant 1 : i32
      %and3A_507 = vector.broadcast %and3A_506 : i32 to vector<16xi32>
      %and3A_508 = arith.andi %get3A_473, %and3A_507 : vector<16xi32>
      %eq3A_509 = arith.constant 1 : i32
      %eq3A_510 = vector.broadcast %eq3A_509 : i32 to vector<16xi32>
      %eq3A_511 = arith.cmpi eq, %and3A_508, %eq3A_510 : vector<16xi32>
      %sub3A_512 = vector.broadcast %scan3A_116 : f32 to vector<16xf32>
      %sub3A_513 = arith.subf %sub3A_512, %get3A_487 : vector<16xf32>
      %select_n3A_514 = arith.select %eq3A_511, %get3A_487, %sub3A_513 : vector<16xi1>, vector<16xf32>
      %mul3A_515 = arith.mulf %select_n3A_496, %select_n3A_505 : vector<16xf32>
      %mul3A_516 = arith.mulf %mul3A_515, %select_n3A_514 : vector<16xf32>
      %lt3A_517 = arith.constant 2097152 : i32
      %lt3A_518 = vector.broadcast %lt3A_517 : i32 to vector<16xi32>
      %lt3A_519 = arith.cmpi slt, %get3A_469, %lt3A_518 : vector<16xi32>
      %select_n3A_520 = arith.select %lt3A_519, %mul3A_516, %broadcast_in_dim3A_3 : vector<16xi1>, vector<16xf32>
      %add3A_521 = arith.addf %add3A_461, %select_n3A_520 : vector<16xf32>
      %mul3A_522 = arith.constant 6 : i32
      %mul3A_523 = arith.muli %scan3A_400, %mul3A_522 : i32
      %add3A_524 = arith.constant 2 : i32
      %add3A_525 = arith.addi %mul3A_523, %add3A_524 : i32
      %mul3A_526 = arith.constant 16 : i32
      %mul3A_527 = arith.muli %add3A_525, %mul3A_526 : i32
      %get3A_528 = arith.index_cast %mul3A_527 : i32 to index
      %get3A_529 = tpu.vector_load %arg7[%get3A_528] {strides = array<i32>} : memref<6240xi32, #tpu.memory_space<vmem>>, vector<16xi32>,
      %get3A_530 = arith.index_cast %mul3A_527 : i32 to index
      %get3A_531 = tpu.vector_load %arg8[%get3A_530] {strides = array<i32>} : memref<6240xi32, #tpu.memory_space<vmem>>, vector<16xi32>,
      %get3A_532 = arith.index_cast %mul3A_527 : i32 to index
      %get3A_533 = tpu.vector_load %arg9[%get3A_532] {strides = array<i32>} : memref<6240xi32, #tpu.memory_space<vmem>>, vector<16xi32>,
      %get3A_534 = arith.index_cast %mul3A_527 : i32 to index
      %get3A_535 = tpu.vector_load %arg15[%get3A_534] {strides = array<i32>} : memref<18720xf32, #tpu.memory_space<vmem>>, vector<16xf32>,
      %mul3A_536 = arith.constant 16 : i32
      %mul3A_537 = arith.muli %add3A_525, %mul3A_536 : i32
      %add3A_538 = arith.constant 6240 : i32
      %add3A_539 = arith.addi %add3A_538, %mul3A_537 : i32
      %get3A_540 = arith.index_cast %add3A_539 : i32 to index
      %get3A_541 = tpu.vector_load %arg15[%get3A_540] {strides = array<i32>} : memref<18720xf32, #tpu.memory_space<vmem>>, vector<16xf32>,
      %mul3A_542 = arith.constant 16 : i32
      %mul3A_543 = arith.muli %add3A_525, %mul3A_542 : i32
      %add3A_544 = arith.constant 12480 : i32
      %add3A_545 = arith.addi %add3A_544, %mul3A_543 : i32
      %get3A_546 = arith.index_cast %add3A_545 : i32 to index
      %get3A_547 = tpu.vector_load %arg15[%get3A_546] {strides = array<i32>} : memref<18720xf32, #tpu.memory_space<vmem>>, vector<16xf32>,
      %and3A_548 = arith.constant 1 : i32
      %and3A_549 = vector.broadcast %and3A_548 : i32 to vector<16xi32>
      %and3A_550 = arith.andi %get3A_529, %and3A_549 : vector<16xi32>
      %eq3A_551 = arith.constant 1 : i32
      %eq3A_552 = vector.broadcast %eq3A_551 : i32 to vector<16xi32>
      %eq3A_553 = arith.cmpi eq, %and3A_550, %eq3A_552 : vector<16xi32>
      %sub3A_554 = vector.broadcast %scan3A_116 : f32 to vector<16xf32>
      %sub3A_555 = arith.subf %sub3A_554, %get3A_535 : vector<16xf32>
      %select_n3A_556 = arith.select %eq3A_553, %get3A_535, %sub3A_555 : vector<16xi1>, vector<16xf32>
      %and3A_557 = arith.constant 1 : i32
      %and3A_558 = vector.broadcast %and3A_557 : i32 to vector<16xi32>
      %and3A_559 = arith.andi %get3A_531, %and3A_558 : vector<16xi32>
      %eq3A_560 = arith.constant 1 : i32
      %eq3A_561 = vector.broadcast %eq3A_560 : i32 to vector<16xi32>
      %eq3A_562 = arith.cmpi eq, %and3A_559, %eq3A_561 : vector<16xi32>
      %sub3A_563 = vector.broadcast %scan3A_116 : f32 to vector<16xf32>
      %sub3A_564 = arith.subf %sub3A_563, %get3A_541 : vector<16xf32>
      %select_n3A_565 = arith.select %eq3A_562, %get3A_541, %sub3A_564 : vector<16xi1>, vector<16xf32>
      %and3A_566 = arith.constant 1 : i32
      %and3A_567 = vector.broadcast %and3A_566 : i32 to vector<16xi32>
      %and3A_568 = arith.andi %get3A_533, %and3A_567 : vector<16xi32>
      %eq3A_569 = arith.constant 1 : i32
      %eq3A_570 = vector.broadcast %eq3A_569 : i32 to vector<16xi32>
      %eq3A_571 = arith.cmpi eq, %and3A_568, %eq3A_570 : vector<16xi32>
      %sub3A_572 = vector.broadcast %scan3A_116 : f32 to vector<16xf32>
      %sub3A_573 = arith.subf %sub3A_572, %get3A_547 : vector<16xf32>
      %select_n3A_574 = arith.select %eq3A_571, %get3A_547, %sub3A_573 : vector<16xi1>, vector<16xf32>
      %mul3A_575 = arith.mulf %select_n3A_556, %select_n3A_565 : vector<16xf32>
      %mul3A_576 = arith.mulf %mul3A_575, %select_n3A_574 : vector<16xf32>
      %lt3A_577 = arith.constant 2097152 : i32
      %lt3A_578 = vector.broadcast %lt3A_577 : i32 to vector<16xi32>
      %lt3A_579 = arith.cmpi slt, %get3A_529, %lt3A_578 : vector<16xi32>
      %select_n3A_580 = arith.select %lt3A_579, %mul3A_576, %broadcast_in_dim3A_3 : vector<16xi1>, vector<16xf32>
      %add3A_581 = arith.addf %add3A_521, %select_n3A_580 : vector<16xf32>
      %mul3A_582 = arith.constant 6 : i32
      %mul3A_583 = arith.muli %scan3A_400, %mul3A_582 : i32
      %add3A_584 = arith.constant 3 : i32
      %add3A_585 = arith.addi %mul3A_583, %add3A_584 : i32
      %mul3A_586 = arith.constant 16 : i32
      %mul3A_587 = arith.muli %add3A_585, %mul3A_586 : i32
      %get3A_588 = arith.index_cast %mul3A_587 : i32 to index
      %get3A_589 = tpu.vector_load %arg7[%get3A_588] {strides = array<i32>} : memref<6240xi32, #tpu.memory_space<vmem>>, vector<16xi32>,
      %get3A_590 = arith.index_cast %mul3A_587 : i32 to index
      %get3A_591 = tpu.vector_load %arg8[%get3A_590] {strides = array<i32>} : memref<6240xi32, #tpu.memory_space<vmem>>, vector<16xi32>,
      %get3A_592 = arith.index_cast %mul3A_587 : i32 to index
      %get3A_593 = tpu.vector_load %arg9[%get3A_592] {strides = array<i32>} : memref<6240xi32, #tpu.memory_space<vmem>>, vector<16xi32>,
      %get3A_594 = arith.index_cast %mul3A_587 : i32 to index
      %get3A_595 = tpu.vector_load %arg15[%get3A_594] {strides = array<i32>} : memref<18720xf32, #tpu.memory_space<vmem>>, vector<16xf32>,
      %mul3A_596 = arith.constant 16 : i32
      %mul3A_597 = arith.muli %add3A_585, %mul3A_596 : i32
      %add3A_598 = arith.constant 6240 : i32
      %add3A_599 = arith.addi %add3A_598, %mul3A_597 : i32
      %get3A_600 = arith.index_cast %add3A_599 : i32 to index
      %get3A_601 = tpu.vector_load %arg15[%get3A_600] {strides = array<i32>} : memref<18720xf32, #tpu.memory_space<vmem>>, vector<16xf32>,
      %mul3A_602 = arith.constant 16 : i32
      %mul3A_603 = arith.muli %add3A_585, %mul3A_602 : i32
      %add3A_604 = arith.constant 12480 : i32
      %add3A_605 = arith.addi %add3A_604, %mul3A_603 : i32
      %get3A_606 = arith.index_cast %add3A_605 : i32 to index
      %get3A_607 = tpu.vector_load %arg15[%get3A_606] {strides = array<i32>} : memref<18720xf32, #tpu.memory_space<vmem>>, vector<16xf32>,
      %and3A_608 = arith.constant 1 : i32
      %and3A_609 = vector.broadcast %and3A_608 : i32 to vector<16xi32>
      %and3A_610 = arith.andi %get3A_589, %and3A_609 : vector<16xi32>
      %eq3A_611 = arith.constant 1 : i32
      %eq3A_612 = vector.broadcast %eq3A_611 : i32 to vector<16xi32>
      %eq3A_613 = arith.cmpi eq, %and3A_610, %eq3A_612 : vector<16xi32>
      %sub3A_614 = vector.broadcast %scan3A_116 : f32 to vector<16xf32>
      %sub3A_615 = arith.subf %sub3A_614, %get3A_595 : vector<16xf32>
      %select_n3A_616 = arith.select %eq3A_613, %get3A_595, %sub3A_615 : vector<16xi1>, vector<16xf32>
      %and3A_617 = arith.constant 1 : i32
      %and3A_618 = vector.broadcast %and3A_617 : i32 to vector<16xi32>
      %and3A_619 = arith.andi %get3A_591, %and3A_618 : vector<16xi32>
      %eq3A_620 = arith.constant 1 : i32
      %eq3A_621 = vector.broadcast %eq3A_620 : i32 to vector<16xi32>
      %eq3A_622 = arith.cmpi eq, %and3A_619, %eq3A_621 : vector<16xi32>
      %sub3A_623 = vector.broadcast %scan3A_116 : f32 to vector<16xf32>
      %sub3A_624 = arith.subf %sub3A_623, %get3A_601 : vector<16xf32>
      %select_n3A_625 = arith.select %eq3A_622, %get3A_601, %sub3A_624 : vector<16xi1>, vector<16xf32>
      %and3A_626 = arith.constant 1 : i32
      %and3A_627 = vector.broadcast %and3A_626 : i32 to vector<16xi32>
      %and3A_628 = arith.andi %get3A_593, %and3A_627 : vector<16xi32>
      %eq3A_629 = arith.constant 1 : i32
      %eq3A_630 = vector.broadcast %eq3A_629 : i32 to vector<16xi32>
      %eq3A_631 = arith.cmpi eq, %and3A_628, %eq3A_630 : vector<16xi32>
      %sub3A_632 = vector.broadcast %scan3A_116 : f32 to vector<16xf32>
      %sub3A_633 = arith.subf %sub3A_632, %get3A_607 : vector<16xf32>
      %select_n3A_634 = arith.select %eq3A_631, %get3A_607, %sub3A_633 : vector<16xi1>, vector<16xf32>
      %mul3A_635 = arith.mulf %select_n3A_616, %select_n3A_625 : vector<16xf32>
      %mul3A_636 = arith.mulf %mul3A_635, %select_n3A_634 : vector<16xf32>
      %lt3A_637 = arith.constant 2097152 : i32
      %lt3A_638 = vector.broadcast %lt3A_637 : i32 to vector<16xi32>
      %lt3A_639 = arith.cmpi slt, %get3A_589, %lt3A_638 : vector<16xi32>
      %select_n3A_640 = arith.select %lt3A_639, %mul3A_636, %broadcast_in_dim3A_3 : vector<16xi1>, vector<16xf32>
      %add3A_641 = arith.addf %add3A_581, %select_n3A_640 : vector<16xf32>
      %mul3A_642 = arith.constant 6 : i32
      %mul3A_643 = arith.muli %scan3A_400, %mul3A_642 : i32
      %add3A_644 = arith.constant 4 : i32
      %add3A_645 = arith.addi %mul3A_643, %add3A_644 : i32
      %mul3A_646 = arith.constant 16 : i32
      %mul3A_647 = arith.muli %add3A_645, %mul3A_646 : i32
      %get3A_648 = arith.index_cast %mul3A_647 : i32 to index
      %get3A_649 = tpu.vector_load %arg7[%get3A_648] {strides = array<i32>} : memref<6240xi32, #tpu.memory_space<vmem>>, vector<16xi32>,
      %get3A_650 = arith.index_cast %mul3A_647 : i32 to index
      %get3A_651 = tpu.vector_load %arg8[%get3A_650] {strides = array<i32>} : memref<6240xi32, #tpu.memory_space<vmem>>, vector<16xi32>,
      %get3A_652 = arith.index_cast %mul3A_647 : i32 to index
      %get3A_653 = tpu.vector_load %arg9[%get3A_652] {strides = array<i32>} : memref<6240xi32, #tpu.memory_space<vmem>>, vector<16xi32>,
      %get3A_654 = arith.index_cast %mul3A_647 : i32 to index
      %get3A_655 = tpu.vector_load %arg15[%get3A_654] {strides = array<i32>} : memref<18720xf32, #tpu.memory_space<vmem>>, vector<16xf32>,
      %mul3A_656 = arith.constant 16 : i32
      %mul3A_657 = arith.muli %add3A_645, %mul3A_656 : i32
      %add3A_658 = arith.constant 6240 : i32
      %add3A_659 = arith.addi %add3A_658, %mul3A_657 : i32
      %get3A_660 = arith.index_cast %add3A_659 : i32 to index
      %get3A_661 = tpu.vector_load %arg15[%get3A_660] {strides = array<i32>} : memref<18720xf32, #tpu.memory_space<vmem>>, vector<16xf32>,
      %mul3A_662 = arith.constant 16 : i32
      %mul3A_663 = arith.muli %add3A_645, %mul3A_662 : i32
      %add3A_664 = arith.constant 12480 : i32
      %add3A_665 = arith.addi %add3A_664, %mul3A_663 : i32
      %get3A_666 = arith.index_cast %add3A_665 : i32 to index
      %get3A_667 = tpu.vector_load %arg15[%get3A_666] {strides = array<i32>} : memref<18720xf32, #tpu.memory_space<vmem>>, vector<16xf32>,
      %and3A_668 = arith.constant 1 : i32
      %and3A_669 = vector.broadcast %and3A_668 : i32 to vector<16xi32>
      %and3A_670 = arith.andi %get3A_649, %and3A_669 : vector<16xi32>
      %eq3A_671 = arith.constant 1 : i32
      %eq3A_672 = vector.broadcast %eq3A_671 : i32 to vector<16xi32>
      %eq3A_673 = arith.cmpi eq, %and3A_670, %eq3A_672 : vector<16xi32>
      %sub3A_674 = vector.broadcast %scan3A_116 : f32 to vector<16xf32>
      %sub3A_675 = arith.subf %sub3A_674, %get3A_655 : vector<16xf32>
      %select_n3A_676 = arith.select %eq3A_673, %get3A_655, %sub3A_675 : vector<16xi1>, vector<16xf32>
      %and3A_677 = arith.constant 1 : i32
      %and3A_678 = vector.broadcast %and3A_677 : i32 to vector<16xi32>
      %and3A_679 = arith.andi %get3A_651, %and3A_678 : vector<16xi32>
      %eq3A_680 = arith.constant 1 : i32
      %eq3A_681 = vector.broadcast %eq3A_680 : i32 to vector<16xi32>
      %eq3A_682 = arith.cmpi eq, %and3A_679, %eq3A_681 : vector<16xi32>
      %sub3A_683 = vector.broadcast %scan3A_116 : f32 to vector<16xf32>
      %sub3A_684 = arith.subf %sub3A_683, %get3A_661 : vector<16xf32>
      %select_n3A_685 = arith.select %eq3A_682, %get3A_661, %sub3A_684 : vector<16xi1>, vector<16xf32>
      %and3A_686 = arith.constant 1 : i32
      %and3A_687 = vector.broadcast %and3A_686 : i32 to vector<16xi32>
      %and3A_688 = arith.andi %get3A_653, %and3A_687 : vector<16xi32>
      %eq3A_689 = arith.constant 1 : i32
      %eq3A_690 = vector.broadcast %eq3A_689 : i32 to vector<16xi32>
      %eq3A_691 = arith.cmpi eq, %and3A_688, %eq3A_690 : vector<16xi32>
      %sub3A_692 = vector.broadcast %scan3A_116 : f32 to vector<16xf32>
      %sub3A_693 = arith.subf %sub3A_692, %get3A_667 : vector<16xf32>
      %select_n3A_694 = arith.select %eq3A_691, %get3A_667, %sub3A_693 : vector<16xi1>, vector<16xf32>
      %mul3A_695 = arith.mulf %select_n3A_676, %select_n3A_685 : vector<16xf32>
      %mul3A_696 = arith.mulf %mul3A_695, %select_n3A_694 : vector<16xf32>
      %lt3A_697 = arith.constant 2097152 : i32
      %lt3A_698 = vector.broadcast %lt3A_697 : i32 to vector<16xi32>
      %lt3A_699 = arith.cmpi slt, %get3A_649, %lt3A_698 : vector<16xi32>
      %select_n3A_700 = arith.select %lt3A_699, %mul3A_696, %broadcast_in_dim3A_3 : vector<16xi1>, vector<16xf32>
      %add3A_701 = arith.addf %add3A_641, %select_n3A_700 : vector<16xf32>
      %mul3A_702 = arith.constant 6 : i32
      %mul3A_703 = arith.muli %scan3A_400, %mul3A_702 : i32
      %add3A_704 = arith.constant 5 : i32
      %add3A_705 = arith.addi %mul3A_703, %add3A_704 : i32
      %mul3A_706 = arith.constant 16 : i32
      %mul3A_707 = arith.muli %add3A_705, %mul3A_706 : i32
      %get3A_708 = arith.index_cast %mul3A_707 : i32 to index
      %get3A_709 = tpu.vector_load %arg7[%get3A_708] {strides = array<i32>} : memref<6240xi32, #tpu.memory_space<vmem>>, vector<16xi32>,
      %get3A_710 = arith.index_cast %mul3A_707 : i32 to index
      %get3A_711 = tpu.vector_load %arg8[%get3A_710] {strides = array<i32>} : memref<6240xi32, #tpu.memory_space<vmem>>, vector<16xi32>,
      %get3A_712 = arith.index_cast %mul3A_707 : i32 to index
      %get3A_713 = tpu.vector_load %arg9[%get3A_712] {strides = array<i32>} : memref<6240xi32, #tpu.memory_space<vmem>>, vector<16xi32>,
      %get3A_714 = arith.index_cast %mul3A_707 : i32 to index
      %get3A_715 = tpu.vector_load %arg15[%get3A_714] {strides = array<i32>} : memref<18720xf32, #tpu.memory_space<vmem>>, vector<16xf32>,
      %mul3A_716 = arith.constant 16 : i32
      %mul3A_717 = arith.muli %add3A_705, %mul3A_716 : i32
      %add3A_718 = arith.constant 6240 : i32
      %add3A_719 = arith.addi %add3A_718, %mul3A_717 : i32
      %get3A_720 = arith.index_cast %add3A_719 : i32 to index
      %get3A_721 = tpu.vector_load %arg15[%get3A_720] {strides = array<i32>} : memref<18720xf32, #tpu.memory_space<vmem>>, vector<16xf32>,
      %mul3A_722 = arith.constant 16 : i32
      %mul3A_723 = arith.muli %add3A_705, %mul3A_722 : i32
      %add3A_724 = arith.constant 12480 : i32
      %add3A_725 = arith.addi %add3A_724, %mul3A_723 : i32
      %get3A_726 = arith.index_cast %add3A_725 : i32 to index
      %get3A_727 = tpu.vector_load %arg15[%get3A_726] {strides = array<i32>} : memref<18720xf32, #tpu.memory_space<vmem>>, vector<16xf32>,
      %and3A_728 = arith.constant 1 : i32
      %and3A_729 = vector.broadcast %and3A_728 : i32 to vector<16xi32>
      %and3A_730 = arith.andi %get3A_709, %and3A_729 : vector<16xi32>
      %eq3A_731 = arith.constant 1 : i32
      %eq3A_732 = vector.broadcast %eq3A_731 : i32 to vector<16xi32>
      %eq3A_733 = arith.cmpi eq, %and3A_730, %eq3A_732 : vector<16xi32>
      %sub3A_734 = vector.broadcast %scan3A_116 : f32 to vector<16xf32>
      %sub3A_735 = arith.subf %sub3A_734, %get3A_715 : vector<16xf32>
      %select_n3A_736 = arith.select %eq3A_733, %get3A_715, %sub3A_735 : vector<16xi1>, vector<16xf32>
      %and3A_737 = arith.constant 1 : i32
      %and3A_738 = vector.broadcast %and3A_737 : i32 to vector<16xi32>
      %and3A_739 = arith.andi %get3A_711, %and3A_738 : vector<16xi32>
      %eq3A_740 = arith.constant 1 : i32
      %eq3A_741 = vector.broadcast %eq3A_740 : i32 to vector<16xi32>
      %eq3A_742 = arith.cmpi eq, %and3A_739, %eq3A_741 : vector<16xi32>
      %sub3A_743 = vector.broadcast %scan3A_116 : f32 to vector<16xf32>
      %sub3A_744 = arith.subf %sub3A_743, %get3A_721 : vector<16xf32>
      %select_n3A_745 = arith.select %eq3A_742, %get3A_721, %sub3A_744 : vector<16xi1>, vector<16xf32>
      %and3A_746 = arith.constant 1 : i32
      %and3A_747 = vector.broadcast %and3A_746 : i32 to vector<16xi32>
      %and3A_748 = arith.andi %get3A_713, %and3A_747 : vector<16xi32>
      %eq3A_749 = arith.constant 1 : i32
      %eq3A_750 = vector.broadcast %eq3A_749 : i32 to vector<16xi32>
      %eq3A_751 = arith.cmpi eq, %and3A_748, %eq3A_750 : vector<16xi32>
      %sub3A_752 = vector.broadcast %scan3A_116 : f32 to vector<16xf32>
      %sub3A_753 = arith.subf %sub3A_752, %get3A_727 : vector<16xf32>
      %select_n3A_754 = arith.select %eq3A_751, %get3A_727, %sub3A_753 : vector<16xi1>, vector<16xf32>
      %mul3A_755 = arith.mulf %select_n3A_736, %select_n3A_745 : vector<16xf32>
      %mul3A_756 = arith.mulf %mul3A_755, %select_n3A_754 : vector<16xf32>
      %lt3A_757 = arith.constant 2097152 : i32
      %lt3A_758 = vector.broadcast %lt3A_757 : i32 to vector<16xi32>
      %lt3A_759 = arith.cmpi slt, %get3A_709, %lt3A_758 : vector<16xi32>
      %select_n3A_760 = arith.select %lt3A_759, %mul3A_756, %broadcast_in_dim3A_3 : vector<16xi1>, vector<16xf32>
      %add3A_761 = arith.addf %add3A_701, %select_n3A_760 : vector<16xf32>
      scf.yield %add3A_761 : vector<16xf32>
    }
    %scan3A_122 = arith.constant 65 : i32
    %dma_wait3A_123 = arith.constant 0 : i32
    %dma_wait3A_124 = tpu.memref_slice %arg2[%dma_wait3A_123] : memref<1000000xf32, #tpu.memory_space<hbm>> -> memref<1000000xf32, #tpu.memory_space<hbm>>
    tpu.wait_indirect_dma semaphore(%arg26 : memref<!tpu.dma_semaphore, #tpu.memory_space<semaphore_mem>>) src(%dma_wait3A_124 : memref<1000000xf32, #tpu.memory_space<hbm>>) dst(%arg16 : memref<18720xf32, #tpu.memory_space<vmem>>)
    %scan3A_125 = arith.constant 1.000000e+00 : f32
    %scan3A_126 = arith.constant 0 : i32
    %scan3A_127 = arith.constant 65 : i32
    %scan3A_128 = arith.addi %scan3A_126, %scan3A_127 : i32
    %scan3A_129 = arith.constant 1 : i32
    %scan3A_130 = scf.for %scan3A_400 = %scan3A_126 to %scan3A_128 step %scan3A_129 iter_args(%scan3A_401 = %scan3A_121) -> (vector<16xf32>)  : i32 {
      %mul3A_402 = arith.constant 6 : i32
      %mul3A_403 = arith.muli %scan3A_400, %mul3A_402 : i32
      %add3A_404 = arith.constant 0 : i32
      %add3A_405 = arith.addi %mul3A_403, %add3A_404 : i32
      %mul3A_406 = arith.constant 16 : i32
      %mul3A_407 = arith.muli %add3A_405, %mul3A_406 : i32
      %get3A_408 = arith.index_cast %mul3A_407 : i32 to index
      %get3A_409 = tpu.vector_load %arg10[%get3A_408] {strides = array<i32>} : memref<6240xi32, #tpu.memory_space<vmem>>, vector<16xi32>,
      %get3A_410 = arith.index_cast %mul3A_407 : i32 to index
      %get3A_411 = tpu.vector_load %arg11[%get3A_410] {strides = array<i32>} : memref<6240xi32, #tpu.memory_space<vmem>>, vector<16xi32>,
      %get3A_412 = arith.index_cast %mul3A_407 : i32 to index
      %get3A_413 = tpu.vector_load %arg12[%get3A_412] {strides = array<i32>} : memref<6240xi32, #tpu.memory_space<vmem>>, vector<16xi32>,
      %get3A_414 = arith.index_cast %mul3A_407 : i32 to index
      %get3A_415 = tpu.vector_load %arg16[%get3A_414] {strides = array<i32>} : memref<18720xf32, #tpu.memory_space<vmem>>, vector<16xf32>,
      %mul3A_416 = arith.constant 16 : i32
      %mul3A_417 = arith.muli %add3A_405, %mul3A_416 : i32
      %add3A_418 = arith.constant 6240 : i32
      %add3A_419 = arith.addi %add3A_418, %mul3A_417 : i32
      %get3A_420 = arith.index_cast %add3A_419 : i32 to index
      %get3A_421 = tpu.vector_load %arg16[%get3A_420] {strides = array<i32>} : memref<18720xf32, #tpu.memory_space<vmem>>, vector<16xf32>,
      %mul3A_422 = arith.constant 16 : i32
      %mul3A_423 = arith.muli %add3A_405, %mul3A_422 : i32
      %add3A_424 = arith.constant 12480 : i32
      %add3A_425 = arith.addi %add3A_424, %mul3A_423 : i32
      %get3A_426 = arith.index_cast %add3A_425 : i32 to index
      %get3A_427 = tpu.vector_load %arg16[%get3A_426] {strides = array<i32>} : memref<18720xf32, #tpu.memory_space<vmem>>, vector<16xf32>,
      %and3A_428 = arith.constant 1 : i32
      %and3A_429 = vector.broadcast %and3A_428 : i32 to vector<16xi32>
      %and3A_430 = arith.andi %get3A_409, %and3A_429 : vector<16xi32>
      %eq3A_431 = arith.constant 1 : i32
      %eq3A_432 = vector.broadcast %eq3A_431 : i32 to vector<16xi32>
      %eq3A_433 = arith.cmpi eq, %and3A_430, %eq3A_432 : vector<16xi32>
      %sub3A_434 = vector.broadcast %scan3A_125 : f32 to vector<16xf32>
      %sub3A_435 = arith.subf %sub3A_434, %get3A_415 : vector<16xf32>
      %select_n3A_436 = arith.select %eq3A_433, %get3A_415, %sub3A_435 : vector<16xi1>, vector<16xf32>
      %and3A_437 = arith.constant 1 : i32
      %and3A_438 = vector.broadcast %and3A_437 : i32 to vector<16xi32>
      %and3A_439 = arith.andi %get3A_411, %and3A_438 : vector<16xi32>
      %eq3A_440 = arith.constant 1 : i32
      %eq3A_441 = vector.broadcast %eq3A_440 : i32 to vector<16xi32>
      %eq3A_442 = arith.cmpi eq, %and3A_439, %eq3A_441 : vector<16xi32>
      %sub3A_443 = vector.broadcast %scan3A_125 : f32 to vector<16xf32>
      %sub3A_444 = arith.subf %sub3A_443, %get3A_421 : vector<16xf32>
      %select_n3A_445 = arith.select %eq3A_442, %get3A_421, %sub3A_444 : vector<16xi1>, vector<16xf32>
      %and3A_446 = arith.constant 1 : i32
      %and3A_447 = vector.broadcast %and3A_446 : i32 to vector<16xi32>
      %and3A_448 = arith.andi %get3A_413, %and3A_447 : vector<16xi32>
      %eq3A_449 = arith.constant 1 : i32
      %eq3A_450 = vector.broadcast %eq3A_449 : i32 to vector<16xi32>
      %eq3A_451 = arith.cmpi eq, %and3A_448, %eq3A_450 : vector<16xi32>
      %sub3A_452 = vector.broadcast %scan3A_125 : f32 to vector<16xf32>
      %sub3A_453 = arith.subf %sub3A_452, %get3A_427 : vector<16xf32>
      %select_n3A_454 = arith.select %eq3A_451, %get3A_427, %sub3A_453 : vector<16xi1>, vector<16xf32>
      %mul3A_455 = arith.mulf %select_n3A_436, %select_n3A_445 : vector<16xf32>
      %mul3A_456 = arith.mulf %mul3A_455, %select_n3A_454 : vector<16xf32>
      %lt3A_457 = arith.constant 2097152 : i32
      %lt3A_458 = vector.broadcast %lt3A_457 : i32 to vector<16xi32>
      %lt3A_459 = arith.cmpi slt, %get3A_409, %lt3A_458 : vector<16xi32>
      %select_n3A_460 = arith.select %lt3A_459, %mul3A_456, %broadcast_in_dim3A_3 : vector<16xi1>, vector<16xf32>
      %add3A_461 = arith.addf %scan3A_401, %select_n3A_460 : vector<16xf32>
      %mul3A_462 = arith.constant 6 : i32
      %mul3A_463 = arith.muli %scan3A_400, %mul3A_462 : i32
      %add3A_464 = arith.constant 1 : i32
      %add3A_465 = arith.addi %mul3A_463, %add3A_464 : i32
      %mul3A_466 = arith.constant 16 : i32
      %mul3A_467 = arith.muli %add3A_465, %mul3A_466 : i32
      %get3A_468 = arith.index_cast %mul3A_467 : i32 to index
      %get3A_469 = tpu.vector_load %arg10[%get3A_468] {strides = array<i32>} : memref<6240xi32, #tpu.memory_space<vmem>>, vector<16xi32>,
      %get3A_470 = arith.index_cast %mul3A_467 : i32 to index
      %get3A_471 = tpu.vector_load %arg11[%get3A_470] {strides = array<i32>} : memref<6240xi32, #tpu.memory_space<vmem>>, vector<16xi32>,
      %get3A_472 = arith.index_cast %mul3A_467 : i32 to index
      %get3A_473 = tpu.vector_load %arg12[%get3A_472] {strides = array<i32>} : memref<6240xi32, #tpu.memory_space<vmem>>, vector<16xi32>,
      %get3A_474 = arith.index_cast %mul3A_467 : i32 to index
      %get3A_475 = tpu.vector_load %arg16[%get3A_474] {strides = array<i32>} : memref<18720xf32, #tpu.memory_space<vmem>>, vector<16xf32>,
      %mul3A_476 = arith.constant 16 : i32
      %mul3A_477 = arith.muli %add3A_465, %mul3A_476 : i32
      %add3A_478 = arith.constant 6240 : i32
      %add3A_479 = arith.addi %add3A_478, %mul3A_477 : i32
      %get3A_480 = arith.index_cast %add3A_479 : i32 to index
      %get3A_481 = tpu.vector_load %arg16[%get3A_480] {strides = array<i32>} : memref<18720xf32, #tpu.memory_space<vmem>>, vector<16xf32>,
      %mul3A_482 = arith.constant 16 : i32
      %mul3A_483 = arith.muli %add3A_465, %mul3A_482 : i32
      %add3A_484 = arith.constant 12480 : i32
      %add3A_485 = arith.addi %add3A_484, %mul3A_483 : i32
      %get3A_486 = arith.index_cast %add3A_485 : i32 to index
      %get3A_487 = tpu.vector_load %arg16[%get3A_486] {strides = array<i32>} : memref<18720xf32, #tpu.memory_space<vmem>>, vector<16xf32>,
      %and3A_488 = arith.constant 1 : i32
      %and3A_489 = vector.broadcast %and3A_488 : i32 to vector<16xi32>
      %and3A_490 = arith.andi %get3A_469, %and3A_489 : vector<16xi32>
      %eq3A_491 = arith.constant 1 : i32
      %eq3A_492 = vector.broadcast %eq3A_491 : i32 to vector<16xi32>
      %eq3A_493 = arith.cmpi eq, %and3A_490, %eq3A_492 : vector<16xi32>
      %sub3A_494 = vector.broadcast %scan3A_125 : f32 to vector<16xf32>
      %sub3A_495 = arith.subf %sub3A_494, %get3A_475 : vector<16xf32>
      %select_n3A_496 = arith.select %eq3A_493, %get3A_475, %sub3A_495 : vector<16xi1>, vector<16xf32>
      %and3A_497 = arith.constant 1 : i32
      %and3A_498 = vector.broadcast %and3A_497 : i32 to vector<16xi32>
      %and3A_499 = arith.andi %get3A_471, %and3A_498 : vector<16xi32>
      %eq3A_500 = arith.constant 1 : i32
      %eq3A_501 = vector.broadcast %eq3A_500 : i32 to vector<16xi32>
      %eq3A_502 = arith.cmpi eq, %and3A_499, %eq3A_501 : vector<16xi32>
      %sub3A_503 = vector.broadcast %scan3A_125 : f32 to vector<16xf32>
      %sub3A_504 = arith.subf %sub3A_503, %get3A_481 : vector<16xf32>
      %select_n3A_505 = arith.select %eq3A_502, %get3A_481, %sub3A_504 : vector<16xi1>, vector<16xf32>
      %and3A_506 = arith.constant 1 : i32
      %and3A_507 = vector.broadcast %and3A_506 : i32 to vector<16xi32>
      %and3A_508 = arith.andi %get3A_473, %and3A_507 : vector<16xi32>
      %eq3A_509 = arith.constant 1 : i32
      %eq3A_510 = vector.broadcast %eq3A_509 : i32 to vector<16xi32>
      %eq3A_511 = arith.cmpi eq, %and3A_508, %eq3A_510 : vector<16xi32>
      %sub3A_512 = vector.broadcast %scan3A_125 : f32 to vector<16xf32>
      %sub3A_513 = arith.subf %sub3A_512, %get3A_487 : vector<16xf32>
      %select_n3A_514 = arith.select %eq3A_511, %get3A_487, %sub3A_513 : vector<16xi1>, vector<16xf32>
      %mul3A_515 = arith.mulf %select_n3A_496, %select_n3A_505 : vector<16xf32>
      %mul3A_516 = arith.mulf %mul3A_515, %select_n3A_514 : vector<16xf32>
      %lt3A_517 = arith.constant 2097152 : i32
      %lt3A_518 = vector.broadcast %lt3A_517 : i32 to vector<16xi32>
      %lt3A_519 = arith.cmpi slt, %get3A_469, %lt3A_518 : vector<16xi32>
      %select_n3A_520 = arith.select %lt3A_519, %mul3A_516, %broadcast_in_dim3A_3 : vector<16xi1>, vector<16xf32>
      %add3A_521 = arith.addf %add3A_461, %select_n3A_520 : vector<16xf32>
      %mul3A_522 = arith.constant 6 : i32
      %mul3A_523 = arith.muli %scan3A_400, %mul3A_522 : i32
      %add3A_524 = arith.constant 2 : i32
      %add3A_525 = arith.addi %mul3A_523, %add3A_524 : i32
      %mul3A_526 = arith.constant 16 : i32
      %mul3A_527 = arith.muli %add3A_525, %mul3A_526 : i32
      %get3A_528 = arith.index_cast %mul3A_527 : i32 to index
      %get3A_529 = tpu.vector_load %arg10[%get3A_528] {strides = array<i32>} : memref<6240xi32, #tpu.memory_space<vmem>>, vector<16xi32>,
      %get3A_530 = arith.index_cast %mul3A_527 : i32 to index
      %get3A_531 = tpu.vector_load %arg11[%get3A_530] {strides = array<i32>} : memref<6240xi32, #tpu.memory_space<vmem>>, vector<16xi32>,
      %get3A_532 = arith.index_cast %mul3A_527 : i32 to index
      %get3A_533 = tpu.vector_load %arg12[%get3A_532] {strides = array<i32>} : memref<6240xi32, #tpu.memory_space<vmem>>, vector<16xi32>,
      %get3A_534 = arith.index_cast %mul3A_527 : i32 to index
      %get3A_535 = tpu.vector_load %arg16[%get3A_534] {strides = array<i32>} : memref<18720xf32, #tpu.memory_space<vmem>>, vector<16xf32>,
      %mul3A_536 = arith.constant 16 : i32
      %mul3A_537 = arith.muli %add3A_525, %mul3A_536 : i32
      %add3A_538 = arith.constant 6240 : i32
      %add3A_539 = arith.addi %add3A_538, %mul3A_537 : i32
      %get3A_540 = arith.index_cast %add3A_539 : i32 to index
      %get3A_541 = tpu.vector_load %arg16[%get3A_540] {strides = array<i32>} : memref<18720xf32, #tpu.memory_space<vmem>>, vector<16xf32>,
      %mul3A_542 = arith.constant 16 : i32
      %mul3A_543 = arith.muli %add3A_525, %mul3A_542 : i32
      %add3A_544 = arith.constant 12480 : i32
      %add3A_545 = arith.addi %add3A_544, %mul3A_543 : i32
      %get3A_546 = arith.index_cast %add3A_545 : i32 to index
      %get3A_547 = tpu.vector_load %arg16[%get3A_546] {strides = array<i32>} : memref<18720xf32, #tpu.memory_space<vmem>>, vector<16xf32>,
      %and3A_548 = arith.constant 1 : i32
      %and3A_549 = vector.broadcast %and3A_548 : i32 to vector<16xi32>
      %and3A_550 = arith.andi %get3A_529, %and3A_549 : vector<16xi32>
      %eq3A_551 = arith.constant 1 : i32
      %eq3A_552 = vector.broadcast %eq3A_551 : i32 to vector<16xi32>
      %eq3A_553 = arith.cmpi eq, %and3A_550, %eq3A_552 : vector<16xi32>
      %sub3A_554 = vector.broadcast %scan3A_125 : f32 to vector<16xf32>
      %sub3A_555 = arith.subf %sub3A_554, %get3A_535 : vector<16xf32>
      %select_n3A_556 = arith.select %eq3A_553, %get3A_535, %sub3A_555 : vector<16xi1>, vector<16xf32>
      %and3A_557 = arith.constant 1 : i32
      %and3A_558 = vector.broadcast %and3A_557 : i32 to vector<16xi32>
      %and3A_559 = arith.andi %get3A_531, %and3A_558 : vector<16xi32>
      %eq3A_560 = arith.constant 1 : i32
      %eq3A_561 = vector.broadcast %eq3A_560 : i32 to vector<16xi32>
      %eq3A_562 = arith.cmpi eq, %and3A_559, %eq3A_561 : vector<16xi32>
      %sub3A_563 = vector.broadcast %scan3A_125 : f32 to vector<16xf32>
      %sub3A_564 = arith.subf %sub3A_563, %get3A_541 : vector<16xf32>
      %select_n3A_565 = arith.select %eq3A_562, %get3A_541, %sub3A_564 : vector<16xi1>, vector<16xf32>
      %and3A_566 = arith.constant 1 : i32
      %and3A_567 = vector.broadcast %and3A_566 : i32 to vector<16xi32>
      %and3A_568 = arith.andi %get3A_533, %and3A_567 : vector<16xi32>
      %eq3A_569 = arith.constant 1 : i32
      %eq3A_570 = vector.broadcast %eq3A_569 : i32 to vector<16xi32>
      %eq3A_571 = arith.cmpi eq, %and3A_568, %eq3A_570 : vector<16xi32>
      %sub3A_572 = vector.broadcast %scan3A_125 : f32 to vector<16xf32>
      %sub3A_573 = arith.subf %sub3A_572, %get3A_547 : vector<16xf32>
      %select_n3A_574 = arith.select %eq3A_571, %get3A_547, %sub3A_573 : vector<16xi1>, vector<16xf32>
      %mul3A_575 = arith.mulf %select_n3A_556, %select_n3A_565 : vector<16xf32>
      %mul3A_576 = arith.mulf %mul3A_575, %select_n3A_574 : vector<16xf32>
      %lt3A_577 = arith.constant 2097152 : i32
      %lt3A_578 = vector.broadcast %lt3A_577 : i32 to vector<16xi32>
      %lt3A_579 = arith.cmpi slt, %get3A_529, %lt3A_578 : vector<16xi32>
      %select_n3A_580 = arith.select %lt3A_579, %mul3A_576, %broadcast_in_dim3A_3 : vector<16xi1>, vector<16xf32>
      %add3A_581 = arith.addf %add3A_521, %select_n3A_580 : vector<16xf32>
      %mul3A_582 = arith.constant 6 : i32
      %mul3A_583 = arith.muli %scan3A_400, %mul3A_582 : i32
      %add3A_584 = arith.constant 3 : i32
      %add3A_585 = arith.addi %mul3A_583, %add3A_584 : i32
      %mul3A_586 = arith.constant 16 : i32
      %mul3A_587 = arith.muli %add3A_585, %mul3A_586 : i32
      %get3A_588 = arith.index_cast %mul3A_587 : i32 to index
      %get3A_589 = tpu.vector_load %arg10[%get3A_588] {strides = array<i32>} : memref<6240xi32, #tpu.memory_space<vmem>>, vector<16xi32>,
      %get3A_590 = arith.index_cast %mul3A_587 : i32 to index
      %get3A_591 = tpu.vector_load %arg11[%get3A_590] {strides = array<i32>} : memref<6240xi32, #tpu.memory_space<vmem>>, vector<16xi32>,
      %get3A_592 = arith.index_cast %mul3A_587 : i32 to index
      %get3A_593 = tpu.vector_load %arg12[%get3A_592] {strides = array<i32>} : memref<6240xi32, #tpu.memory_space<vmem>>, vector<16xi32>,
      %get3A_594 = arith.index_cast %mul3A_587 : i32 to index
      %get3A_595 = tpu.vector_load %arg16[%get3A_594] {strides = array<i32>} : memref<18720xf32, #tpu.memory_space<vmem>>, vector<16xf32>,
      %mul3A_596 = arith.constant 16 : i32
      %mul3A_597 = arith.muli %add3A_585, %mul3A_596 : i32
      %add3A_598 = arith.constant 6240 : i32
      %add3A_599 = arith.addi %add3A_598, %mul3A_597 : i32
      %get3A_600 = arith.index_cast %add3A_599 : i32 to index
      %get3A_601 = tpu.vector_load %arg16[%get3A_600] {strides = array<i32>} : memref<18720xf32, #tpu.memory_space<vmem>>, vector<16xf32>,
      %mul3A_602 = arith.constant 16 : i32
      %mul3A_603 = arith.muli %add3A_585, %mul3A_602 : i32
      %add3A_604 = arith.constant 12480 : i32
      %add3A_605 = arith.addi %add3A_604, %mul3A_603 : i32
      %get3A_606 = arith.index_cast %add3A_605 : i32 to index
      %get3A_607 = tpu.vector_load %arg16[%get3A_606] {strides = array<i32>} : memref<18720xf32, #tpu.memory_space<vmem>>, vector<16xf32>,
      %and3A_608 = arith.constant 1 : i32
      %and3A_609 = vector.broadcast %and3A_608 : i32 to vector<16xi32>
      %and3A_610 = arith.andi %get3A_589, %and3A_609 : vector<16xi32>
      %eq3A_611 = arith.constant 1 : i32
      %eq3A_612 = vector.broadcast %eq3A_611 : i32 to vector<16xi32>
      %eq3A_613 = arith.cmpi eq, %and3A_610, %eq3A_612 : vector<16xi32>
      %sub3A_614 = vector.broadcast %scan3A_125 : f32 to vector<16xf32>
      %sub3A_615 = arith.subf %sub3A_614, %get3A_595 : vector<16xf32>
      %select_n3A_616 = arith.select %eq3A_613, %get3A_595, %sub3A_615 : vector<16xi1>, vector<16xf32>
      %and3A_617 = arith.constant 1 : i32
      %and3A_618 = vector.broadcast %and3A_617 : i32 to vector<16xi32>
      %and3A_619 = arith.andi %get3A_591, %and3A_618 : vector<16xi32>
      %eq3A_620 = arith.constant 1 : i32
      %eq3A_621 = vector.broadcast %eq3A_620 : i32 to vector<16xi32>
      %eq3A_622 = arith.cmpi eq, %and3A_619, %eq3A_621 : vector<16xi32>
      %sub3A_623 = vector.broadcast %scan3A_125 : f32 to vector<16xf32>
      %sub3A_624 = arith.subf %sub3A_623, %get3A_601 : vector<16xf32>
      %select_n3A_625 = arith.select %eq3A_622, %get3A_601, %sub3A_624 : vector<16xi1>, vector<16xf32>
      %and3A_626 = arith.constant 1 : i32
      %and3A_627 = vector.broadcast %and3A_626 : i32 to vector<16xi32>
      %and3A_628 = arith.andi %get3A_593, %and3A_627 : vector<16xi32>
      %eq3A_629 = arith.constant 1 : i32
      %eq3A_630 = vector.broadcast %eq3A_629 : i32 to vector<16xi32>
      %eq3A_631 = arith.cmpi eq, %and3A_628, %eq3A_630 : vector<16xi32>
      %sub3A_632 = vector.broadcast %scan3A_125 : f32 to vector<16xf32>
      %sub3A_633 = arith.subf %sub3A_632, %get3A_607 : vector<16xf32>
      %select_n3A_634 = arith.select %eq3A_631, %get3A_607, %sub3A_633 : vector<16xi1>, vector<16xf32>
      %mul3A_635 = arith.mulf %select_n3A_616, %select_n3A_625 : vector<16xf32>
      %mul3A_636 = arith.mulf %mul3A_635, %select_n3A_634 : vector<16xf32>
      %lt3A_637 = arith.constant 2097152 : i32
      %lt3A_638 = vector.broadcast %lt3A_637 : i32 to vector<16xi32>
      %lt3A_639 = arith.cmpi slt, %get3A_589, %lt3A_638 : vector<16xi32>
      %select_n3A_640 = arith.select %lt3A_639, %mul3A_636, %broadcast_in_dim3A_3 : vector<16xi1>, vector<16xf32>
      %add3A_641 = arith.addf %add3A_581, %select_n3A_640 : vector<16xf32>
      %mul3A_642 = arith.constant 6 : i32
      %mul3A_643 = arith.muli %scan3A_400, %mul3A_642 : i32
      %add3A_644 = arith.constant 4 : i32
      %add3A_645 = arith.addi %mul3A_643, %add3A_644 : i32
      %mul3A_646 = arith.constant 16 : i32
      %mul3A_647 = arith.muli %add3A_645, %mul3A_646 : i32
      %get3A_648 = arith.index_cast %mul3A_647 : i32 to index
      %get3A_649 = tpu.vector_load %arg10[%get3A_648] {strides = array<i32>} : memref<6240xi32, #tpu.memory_space<vmem>>, vector<16xi32>,
      %get3A_650 = arith.index_cast %mul3A_647 : i32 to index
      %get3A_651 = tpu.vector_load %arg11[%get3A_650] {strides = array<i32>} : memref<6240xi32, #tpu.memory_space<vmem>>, vector<16xi32>,
      %get3A_652 = arith.index_cast %mul3A_647 : i32 to index
      %get3A_653 = tpu.vector_load %arg12[%get3A_652] {strides = array<i32>} : memref<6240xi32, #tpu.memory_space<vmem>>, vector<16xi32>,
      %get3A_654 = arith.index_cast %mul3A_647 : i32 to index
      %get3A_655 = tpu.vector_load %arg16[%get3A_654] {strides = array<i32>} : memref<18720xf32, #tpu.memory_space<vmem>>, vector<16xf32>,
      %mul3A_656 = arith.constant 16 : i32
      %mul3A_657 = arith.muli %add3A_645, %mul3A_656 : i32
      %add3A_658 = arith.constant 6240 : i32
      %add3A_659 = arith.addi %add3A_658, %mul3A_657 : i32
      %get3A_660 = arith.index_cast %add3A_659 : i32 to index
      %get3A_661 = tpu.vector_load %arg16[%get3A_660] {strides = array<i32>} : memref<18720xf32, #tpu.memory_space<vmem>>, vector<16xf32>,
      %mul3A_662 = arith.constant 16 : i32
      %mul3A_663 = arith.muli %add3A_645, %mul3A_662 : i32
      %add3A_664 = arith.constant 12480 : i32
      %add3A_665 = arith.addi %add3A_664, %mul3A_663 : i32
      %get3A_666 = arith.index_cast %add3A_665 : i32 to index
      %get3A_667 = tpu.vector_load %arg16[%get3A_666] {strides = array<i32>} : memref<18720xf32, #tpu.memory_space<vmem>>, vector<16xf32>,
      %and3A_668 = arith.constant 1 : i32
      %and3A_669 = vector.broadcast %and3A_668 : i32 to vector<16xi32>
      %and3A_670 = arith.andi %get3A_649, %and3A_669 : vector<16xi32>
      %eq3A_671 = arith.constant 1 : i32
      %eq3A_672 = vector.broadcast %eq3A_671 : i32 to vector<16xi32>
      %eq3A_673 = arith.cmpi eq, %and3A_670, %eq3A_672 : vector<16xi32>
      %sub3A_674 = vector.broadcast %scan3A_125 : f32 to vector<16xf32>
      %sub3A_675 = arith.subf %sub3A_674, %get3A_655 : vector<16xf32>
      %select_n3A_676 = arith.select %eq3A_673, %get3A_655, %sub3A_675 : vector<16xi1>, vector<16xf32>
      %and3A_677 = arith.constant 1 : i32
      %and3A_678 = vector.broadcast %and3A_677 : i32 to vector<16xi32>
      %and3A_679 = arith.andi %get3A_651, %and3A_678 : vector<16xi32>
      %eq3A_680 = arith.constant 1 : i32
      %eq3A_681 = vector.broadcast %eq3A_680 : i32 to vector<16xi32>
      %eq3A_682 = arith.cmpi eq, %and3A_679, %eq3A_681 : vector<16xi32>
      %sub3A_683 = vector.broadcast %scan3A_125 : f32 to vector<16xf32>
      %sub3A_684 = arith.subf %sub3A_683, %get3A_661 : vector<16xf32>
      %select_n3A_685 = arith.select %eq3A_682, %get3A_661, %sub3A_684 : vector<16xi1>, vector<16xf32>
      %and3A_686 = arith.constant 1 : i32
      %and3A_687 = vector.broadcast %and3A_686 : i32 to vector<16xi32>
      %and3A_688 = arith.andi %get3A_653, %and3A_687 : vector<16xi32>
      %eq3A_689 = arith.constant 1 : i32
      %eq3A_690 = vector.broadcast %eq3A_689 : i32 to vector<16xi32>
      %eq3A_691 = arith.cmpi eq, %and3A_688, %eq3A_690 : vector<16xi32>
      %sub3A_692 = vector.broadcast %scan3A_125 : f32 to vector<16xf32>
      %sub3A_693 = arith.subf %sub3A_692, %get3A_667 : vector<16xf32>
      %select_n3A_694 = arith.select %eq3A_691, %get3A_667, %sub3A_693 : vector<16xi1>, vector<16xf32>
      %mul3A_695 = arith.mulf %select_n3A_676, %select_n3A_685 : vector<16xf32>
      %mul3A_696 = arith.mulf %mul3A_695, %select_n3A_694 : vector<16xf32>
      %lt3A_697 = arith.constant 2097152 : i32
      %lt3A_698 = vector.broadcast %lt3A_697 : i32 to vector<16xi32>
      %lt3A_699 = arith.cmpi slt, %get3A_649, %lt3A_698 : vector<16xi32>
      %select_n3A_700 = arith.select %lt3A_699, %mul3A_696, %broadcast_in_dim3A_3 : vector<16xi1>, vector<16xf32>
      %add3A_701 = arith.addf %add3A_641, %select_n3A_700 : vector<16xf32>
      %mul3A_702 = arith.constant 6 : i32
      %mul3A_703 = arith.muli %scan3A_400, %mul3A_702 : i32
      %add3A_704 = arith.constant 5 : i32
      %add3A_705 = arith.addi %mul3A_703, %add3A_704 : i32
      %mul3A_706 = arith.constant 16 : i32
      %mul3A_707 = arith.muli %add3A_705, %mul3A_706 : i32
      %get3A_708 = arith.index_cast %mul3A_707 : i32 to index
      %get3A_709 = tpu.vector_load %arg10[%get3A_708] {strides = array<i32>} : memref<6240xi32, #tpu.memory_space<vmem>>, vector<16xi32>,
      %get3A_710 = arith.index_cast %mul3A_707 : i32 to index
      %get3A_711 = tpu.vector_load %arg11[%get3A_710] {strides = array<i32>} : memref<6240xi32, #tpu.memory_space<vmem>>, vector<16xi32>,
      %get3A_712 = arith.index_cast %mul3A_707 : i32 to index
      %get3A_713 = tpu.vector_load %arg12[%get3A_712] {strides = array<i32>} : memref<6240xi32, #tpu.memory_space<vmem>>, vector<16xi32>,
      %get3A_714 = arith.index_cast %mul3A_707 : i32 to index
      %get3A_715 = tpu.vector_load %arg16[%get3A_714] {strides = array<i32>} : memref<18720xf32, #tpu.memory_space<vmem>>, vector<16xf32>,
      %mul3A_716 = arith.constant 16 : i32
      %mul3A_717 = arith.muli %add3A_705, %mul3A_716 : i32
      %add3A_718 = arith.constant 6240 : i32
      %add3A_719 = arith.addi %add3A_718, %mul3A_717 : i32
      %get3A_720 = arith.index_cast %add3A_719 : i32 to index
      %get3A_721 = tpu.vector_load %arg16[%get3A_720] {strides = array<i32>} : memref<18720xf32, #tpu.memory_space<vmem>>, vector<16xf32>,
      %mul3A_722 = arith.constant 16 : i32
      %mul3A_723 = arith.muli %add3A_705, %mul3A_722 : i32
      %add3A_724 = arith.constant 12480 : i32
      %add3A_725 = arith.addi %add3A_724, %mul3A_723 : i32
      %get3A_726 = arith.index_cast %add3A_725 : i32 to index
      %get3A_727 = tpu.vector_load %arg16[%get3A_726] {strides = array<i32>} : memref<18720xf32, #tpu.memory_space<vmem>>, vector<16xf32>,
      %and3A_728 = arith.constant 1 : i32
      %and3A_729 = vector.broadcast %and3A_728 : i32 to vector<16xi32>
      %and3A_730 = arith.andi %get3A_709, %and3A_729 : vector<16xi32>
      %eq3A_731 = arith.constant 1 : i32
      %eq3A_732 = vector.broadcast %eq3A_731 : i32 to vector<16xi32>
      %eq3A_733 = arith.cmpi eq, %and3A_730, %eq3A_732 : vector<16xi32>
      %sub3A_734 = vector.broadcast %scan3A_125 : f32 to vector<16xf32>
      %sub3A_735 = arith.subf %sub3A_734, %get3A_715 : vector<16xf32>
      %select_n3A_736 = arith.select %eq3A_733, %get3A_715, %sub3A_735 : vector<16xi1>, vector<16xf32>
      %and3A_737 = arith.constant 1 : i32
      %and3A_738 = vector.broadcast %and3A_737 : i32 to vector<16xi32>
      %and3A_739 = arith.andi %get3A_711, %and3A_738 : vector<16xi32>
      %eq3A_740 = arith.constant 1 : i32
      %eq3A_741 = vector.broadcast %eq3A_740 : i32 to vector<16xi32>
      %eq3A_742 = arith.cmpi eq, %and3A_739, %eq3A_741 : vector<16xi32>
      %sub3A_743 = vector.broadcast %scan3A_125 : f32 to vector<16xf32>
      %sub3A_744 = arith.subf %sub3A_743, %get3A_721 : vector<16xf32>
      %select_n3A_745 = arith.select %eq3A_742, %get3A_721, %sub3A_744 : vector<16xi1>, vector<16xf32>
      %and3A_746 = arith.constant 1 : i32
      %and3A_747 = vector.broadcast %and3A_746 : i32 to vector<16xi32>
      %and3A_748 = arith.andi %get3A_713, %and3A_747 : vector<16xi32>
      %eq3A_749 = arith.constant 1 : i32
      %eq3A_750 = vector.broadcast %eq3A_749 : i32 to vector<16xi32>
      %eq3A_751 = arith.cmpi eq, %and3A_748, %eq3A_750 : vector<16xi32>
      %sub3A_752 = vector.broadcast %scan3A_125 : f32 to vector<16xf32>
      %sub3A_753 = arith.subf %sub3A_752, %get3A_727 : vector<16xf32>
      %select_n3A_754 = arith.select %eq3A_751, %get3A_727, %sub3A_753 : vector<16xi1>, vector<16xf32>
      %mul3A_755 = arith.mulf %select_n3A_736, %select_n3A_745 : vector<16xf32>
      %mul3A_756 = arith.mulf %mul3A_755, %select_n3A_754 : vector<16xf32>
      %lt3A_757 = arith.constant 2097152 : i32
      %lt3A_758 = vector.broadcast %lt3A_757 : i32 to vector<16xi32>
      %lt3A_759 = arith.cmpi slt, %get3A_709, %lt3A_758 : vector<16xi32>
      %select_n3A_760 = arith.select %lt3A_759, %mul3A_756, %broadcast_in_dim3A_3 : vector<16xi1>, vector<16xf32>
      %add3A_761 = arith.addf %add3A_701, %select_n3A_760 : vector<16xf32>
      scf.yield %add3A_761 : vector<16xf32>
    }
    %scan3A_131 = arith.constant 65 : i32
    %add3A_132 = arith.constant 24960 : i32
    %add3A_133 = arith.addi %mul3A_2, %add3A_132 : i32
    "tpu.region"() ({
      %run_scoped3A = tpu.sem_alloc : memref<!tpu.dma_semaphore, #tpu.memory_space<semaphore_mem>>
      %dma_start3A_400 = arith.constant 0 : i32
      %dma_start3A_401 = tpu.memref_slice %arg17[%dma_start3A_400] : memref<48xi32, #tpu.memory_space<vmem>> -> memref<40xi32, #tpu.memory_space<vmem>>
      %dma_start3A_402 = tpu.memref_slice %arg3[%add3A_133] : memref<800000xi32, #tpu.memory_space<hbm>> -> memref<40xi32, #tpu.memory_space<hbm>>
      %dma_start3A_403 = arith.constant 0 : i32
      %dma_start3A_404 = tpu.memref_slice %arg17[%dma_start3A_403] : memref<48xi32, #tpu.memory_space<vmem>> -> memref<40xi32, #tpu.memory_space<vmem>>
      %dma_start3A_405 = tpu.memref_slice %arg3[%add3A_133] : memref<800000xi32, #tpu.memory_space<hbm>> -> memref<40xi32, #tpu.memory_space<hbm>>
      tpu.enqueue_dma source(%dma_start3A_405 : memref<40xi32, #tpu.memory_space<hbm>>) target(%dma_start3A_404 : memref<40xi32, #tpu.memory_space<vmem>>) target_semaphore(%run_scoped3A : memref<!tpu.dma_semaphore, #tpu.memory_space<semaphore_mem>>)
      %dma_wait3A_406 = arith.constant 0 : i32
      %dma_wait3A_407 = tpu.memref_slice %arg17[%dma_wait3A_406] : memref<48xi32, #tpu.memory_space<vmem>> -> memref<40xi32, #tpu.memory_space<vmem>>
      %dma_wait3A_408 = tpu.memref_slice %arg3[%add3A_133] : memref<800000xi32, #tpu.memory_space<hbm>> -> memref<40xi32, #tpu.memory_space<hbm>>
      %dma_wait3A_409 = arith.constant 0 : i32
      %dma_wait3A_410 = tpu.memref_slice %arg17[%dma_wait3A_409] : memref<48xi32, #tpu.memory_space<vmem>> -> memref<40xi32, #tpu.memory_space<vmem>>
      %dma_wait3A_411 = tpu.memref_slice %arg3[%add3A_133] : memref<800000xi32, #tpu.memory_space<hbm>> -> memref<40xi32, #tpu.memory_space<hbm>>
      tpu.wait_dma2 semaphore(%run_scoped3A : memref<!tpu.dma_semaphore, #tpu.memory_space<semaphore_mem>>) src(%dma_wait3A_411 : memref<40xi32, #tpu.memory_space<hbm>>) dst(%dma_wait3A_410 : memref<40xi32, #tpu.memory_space<vmem>>)
      tpu.yield
    }) : () -> ()
    "tpu.region"() ({
      %run_scoped3A = tpu.sem_alloc : memref<!tpu.dma_semaphore, #tpu.memory_space<semaphore_mem>>
      %dma_start3A_400 = arith.constant 0 : i32
      %dma_start3A_401 = tpu.memref_slice %arg18[%dma_start3A_400] : memref<48xi32, #tpu.memory_space<vmem>> -> memref<40xi32, #tpu.memory_space<vmem>>
      %dma_start3A_402 = tpu.memref_slice %arg4[%add3A_133] : memref<800000xi32, #tpu.memory_space<hbm>> -> memref<40xi32, #tpu.memory_space<hbm>>
      %dma_start3A_403 = arith.constant 0 : i32
      %dma_start3A_404 = tpu.memref_slice %arg18[%dma_start3A_403] : memref<48xi32, #tpu.memory_space<vmem>> -> memref<40xi32, #tpu.memory_space<vmem>>
      %dma_start3A_405 = tpu.memref_slice %arg4[%add3A_133] : memref<800000xi32, #tpu.memory_space<hbm>> -> memref<40xi32, #tpu.memory_space<hbm>>
      tpu.enqueue_dma source(%dma_start3A_405 : memref<40xi32, #tpu.memory_space<hbm>>) target(%dma_start3A_404 : memref<40xi32, #tpu.memory_space<vmem>>) target_semaphore(%run_scoped3A : memref<!tpu.dma_semaphore, #tpu.memory_space<semaphore_mem>>)
      %dma_wait3A_406 = arith.constant 0 : i32
      %dma_wait3A_407 = tpu.memref_slice %arg18[%dma_wait3A_406] : memref<48xi32, #tpu.memory_space<vmem>> -> memref<40xi32, #tpu.memory_space<vmem>>
      %dma_wait3A_408 = tpu.memref_slice %arg4[%add3A_133] : memref<800000xi32, #tpu.memory_space<hbm>> -> memref<40xi32, #tpu.memory_space<hbm>>
      %dma_wait3A_409 = arith.constant 0 : i32
      %dma_wait3A_410 = tpu.memref_slice %arg18[%dma_wait3A_409] : memref<48xi32, #tpu.memory_space<vmem>> -> memref<40xi32, #tpu.memory_space<vmem>>
      %dma_wait3A_411 = tpu.memref_slice %arg4[%add3A_133] : memref<800000xi32, #tpu.memory_space<hbm>> -> memref<40xi32, #tpu.memory_space<hbm>>
      tpu.wait_dma2 semaphore(%run_scoped3A : memref<!tpu.dma_semaphore, #tpu.memory_space<semaphore_mem>>) src(%dma_wait3A_411 : memref<40xi32, #tpu.memory_space<hbm>>) dst(%dma_wait3A_410 : memref<40xi32, #tpu.memory_space<vmem>>)
      tpu.yield
    }) : () -> ()
    "tpu.region"() ({
      %run_scoped3A = tpu.sem_alloc : memref<!tpu.dma_semaphore, #tpu.memory_space<semaphore_mem>>
      %dma_start3A_400 = arith.constant 0 : i32
      %dma_start3A_401 = tpu.memref_slice %arg19[%dma_start3A_400] : memref<48xi32, #tpu.memory_space<vmem>> -> memref<40xi32, #tpu.memory_space<vmem>>
      %dma_start3A_402 = tpu.memref_slice %arg5[%add3A_133] : memref<800000xi32, #tpu.memory_space<hbm>> -> memref<40xi32, #tpu.memory_space<hbm>>
      %dma_start3A_403 = arith.constant 0 : i32
      %dma_start3A_404 = tpu.memref_slice %arg19[%dma_start3A_403] : memref<48xi32, #tpu.memory_space<vmem>> -> memref<40xi32, #tpu.memory_space<vmem>>
      %dma_start3A_405 = tpu.memref_slice %arg5[%add3A_133] : memref<800000xi32, #tpu.memory_space<hbm>> -> memref<40xi32, #tpu.memory_space<hbm>>
      tpu.enqueue_dma source(%dma_start3A_405 : memref<40xi32, #tpu.memory_space<hbm>>) target(%dma_start3A_404 : memref<40xi32, #tpu.memory_space<vmem>>) target_semaphore(%run_scoped3A : memref<!tpu.dma_semaphore, #tpu.memory_space<semaphore_mem>>)
      %dma_wait3A_406 = arith.constant 0 : i32
      %dma_wait3A_407 = tpu.memref_slice %arg19[%dma_wait3A_406] : memref<48xi32, #tpu.memory_space<vmem>> -> memref<40xi32, #tpu.memory_space<vmem>>
      %dma_wait3A_408 = tpu.memref_slice %arg5[%add3A_133] : memref<800000xi32, #tpu.memory_space<hbm>> -> memref<40xi32, #tpu.memory_space<hbm>>
      %dma_wait3A_409 = arith.constant 0 : i32
      %dma_wait3A_410 = tpu.memref_slice %arg19[%dma_wait3A_409] : memref<48xi32, #tpu.memory_space<vmem>> -> memref<40xi32, #tpu.memory_space<vmem>>
      %dma_wait3A_411 = tpu.memref_slice %arg5[%add3A_133] : memref<800000xi32, #tpu.memory_space<hbm>> -> memref<40xi32, #tpu.memory_space<hbm>>
      tpu.wait_dma2 semaphore(%run_scoped3A : memref<!tpu.dma_semaphore, #tpu.memory_space<semaphore_mem>>) src(%dma_wait3A_411 : memref<40xi32, #tpu.memory_space<hbm>>) dst(%dma_wait3A_410 : memref<40xi32, #tpu.memory_space<vmem>>)
      tpu.yield
    }) : () -> ()
    %get3A = arith.constant 0 : index
    %get3A_134 = tpu.vector_load %arg17[%get3A] {strides = array<i32>} : memref<48xi32, #tpu.memory_space<vmem>>, vector<16xi32>,
    %and3A = arith.constant 2097151 : i32
    %and3A_135 = vector.broadcast %and3A : i32 to vector<16xi32>
    %and3A_136 = arith.andi %get3A_134, %and3A_135 : vector<16xi32>
    %shift_right_logical3A = arith.constant 1 : i32
    %shift_right_logical3A_137 = vector.broadcast %shift_right_logical3A : i32 to vector<16xi32>
    %shift_right_logical3A_138 = arith.shrui %and3A_136, %shift_right_logical3A_137 : vector<16xi32>
    %swap3A_139 = arith.constant 0 : index
    %swap3A_140 = tpu.vector_load %arg20[%swap3A_139] {strides = array<i32>} : memref<144xi32, #tpu.memory_space<vmem>>, vector<16xi32>,
    tpu.vector_store %arg20[%swap3A_139], %shift_right_logical3A_138 {strides = array<i32>} : memref<144xi32, #tpu.memory_space<vmem>>, vector<16xi32>,
    %get3A_141 = arith.constant 0 : index
    %get3A_142 = tpu.vector_load %arg18[%get3A_141] {strides = array<i32>} : memref<48xi32, #tpu.memory_space<vmem>>, vector<16xi32>,
    %and3A_143 = arith.constant 2097151 : i32
    %and3A_144 = vector.broadcast %and3A_143 : i32 to vector<16xi32>
    %and3A_145 = arith.andi %get3A_142, %and3A_144 : vector<16xi32>
    %shift_right_logical3A_146 = arith.constant 1 : i32
    %shift_right_logical3A_147 = vector.broadcast %shift_right_logical3A_146 : i32 to vector<16xi32>
    %shift_right_logical3A_148 = arith.shrui %and3A_145, %shift_right_logical3A_147 : vector<16xi32>
    %swap3A_149 = arith.constant 48 : index
    %swap3A_150 = tpu.vector_load %arg20[%swap3A_149] {strides = array<i32>} : memref<144xi32, #tpu.memory_space<vmem>>, vector<16xi32>,
    tpu.vector_store %arg20[%swap3A_149], %shift_right_logical3A_148 {strides = array<i32>} : memref<144xi32, #tpu.memory_space<vmem>>, vector<16xi32>,
    %get3A_151 = arith.constant 0 : index
    %get3A_152 = tpu.vector_load %arg19[%get3A_151] {strides = array<i32>} : memref<48xi32, #tpu.memory_space<vmem>>, vector<16xi32>,
    %and3A_153 = arith.constant 2097151 : i32
    %and3A_154 = vector.broadcast %and3A_153 : i32 to vector<16xi32>
    %and3A_155 = arith.andi %get3A_152, %and3A_154 : vector<16xi32>
    %shift_right_logical3A_156 = arith.constant 1 : i32
    %shift_right_logical3A_157 = vector.broadcast %shift_right_logical3A_156 : i32 to vector<16xi32>
    %shift_right_logical3A_158 = arith.shrui %and3A_155, %shift_right_logical3A_157 : vector<16xi32>
    %swap3A_159 = arith.constant 96 : index
    %swap3A_160 = tpu.vector_load %arg20[%swap3A_159] {strides = array<i32>} : memref<144xi32, #tpu.memory_space<vmem>>, vector<16xi32>,
    tpu.vector_store %arg20[%swap3A_159], %shift_right_logical3A_158 {strides = array<i32>} : memref<144xi32, #tpu.memory_space<vmem>>, vector<16xi32>,
    %get3A_161 = arith.constant 16 : index
    %get3A_162 = tpu.vector_load %arg17[%get3A_161] {strides = array<i32>} : memref<48xi32, #tpu.memory_space<vmem>>, vector<16xi32>,
    %and3A_163 = arith.constant 2097151 : i32
    %and3A_164 = vector.broadcast %and3A_163 : i32 to vector<16xi32>
    %and3A_165 = arith.andi %get3A_162, %and3A_164 : vector<16xi32>
    %shift_right_logical3A_166 = arith.constant 1 : i32
    %shift_right_logical3A_167 = vector.broadcast %shift_right_logical3A_166 : i32 to vector<16xi32>
    %shift_right_logical3A_168 = arith.shrui %and3A_165, %shift_right_logical3A_167 : vector<16xi32>
    %swap3A_169 = arith.constant 16 : index
    %swap3A_170 = tpu.vector_load %arg20[%swap3A_169] {strides = array<i32>} : memref<144xi32, #tpu.memory_space<vmem>>, vector<16xi32>,
    tpu.vector_store %arg20[%swap3A_169], %shift_right_logical3A_168 {strides = array<i32>} : memref<144xi32, #tpu.memory_space<vmem>>, vector<16xi32>,
    %get3A_171 = arith.constant 16 : index
    %get3A_172 = tpu.vector_load %arg18[%get3A_171] {strides = array<i32>} : memref<48xi32, #tpu.memory_space<vmem>>, vector<16xi32>,
    %and3A_173 = arith.constant 2097151 : i32
    %and3A_174 = vector.broadcast %and3A_173 : i32 to vector<16xi32>
    %and3A_175 = arith.andi %get3A_172, %and3A_174 : vector<16xi32>
    %shift_right_logical3A_176 = arith.constant 1 : i32
    %shift_right_logical3A_177 = vector.broadcast %shift_right_logical3A_176 : i32 to vector<16xi32>
    %shift_right_logical3A_178 = arith.shrui %and3A_175, %shift_right_logical3A_177 : vector<16xi32>
    %swap3A_179 = arith.constant 64 : index
    %swap3A_180 = tpu.vector_load %arg20[%swap3A_179] {strides = array<i32>} : memref<144xi32, #tpu.memory_space<vmem>>, vector<16xi32>,
    tpu.vector_store %arg20[%swap3A_179], %shift_right_logical3A_178 {strides = array<i32>} : memref<144xi32, #tpu.memory_space<vmem>>, vector<16xi32>,
    %get3A_181 = arith.constant 16 : index
    %get3A_182 = tpu.vector_load %arg19[%get3A_181] {strides = array<i32>} : memref<48xi32, #tpu.memory_space<vmem>>, vector<16xi32>,
    %and3A_183 = arith.constant 2097151 : i32
    %and3A_184 = vector.broadcast %and3A_183 : i32 to vector<16xi32>
    %and3A_185 = arith.andi %get3A_182, %and3A_184 : vector<16xi32>
    %shift_right_logical3A_186 = arith.constant 1 : i32
    %shift_right_logical3A_187 = vector.broadcast %shift_right_logical3A_186 : i32 to vector<16xi32>
    %shift_right_logical3A_188 = arith.shrui %and3A_185, %shift_right_logical3A_187 : vector<16xi32>
    %swap3A_189 = arith.constant 112 : index
    %swap3A_190 = tpu.vector_load %arg20[%swap3A_189] {strides = array<i32>} : memref<144xi32, #tpu.memory_space<vmem>>, vector<16xi32>,
    tpu.vector_store %arg20[%swap3A_189], %shift_right_logical3A_188 {strides = array<i32>} : memref<144xi32, #tpu.memory_space<vmem>>, vector<16xi32>,
    %get3A_191 = arith.constant 32 : index
    %get3A_192 = tpu.vector_load %arg17[%get3A_191] {strides = array<i32>} : memref<48xi32, #tpu.memory_space<vmem>>, vector<16xi32>,
    %and3A_193 = arith.constant 2097151 : i32
    %and3A_194 = vector.broadcast %and3A_193 : i32 to vector<16xi32>
    %and3A_195 = arith.andi %get3A_192, %and3A_194 : vector<16xi32>
    %shift_right_logical3A_196 = arith.constant 1 : i32
    %shift_right_logical3A_197 = vector.broadcast %shift_right_logical3A_196 : i32 to vector<16xi32>
    %shift_right_logical3A_198 = arith.shrui %and3A_195, %shift_right_logical3A_197 : vector<16xi32>
    %swap3A_199 = arith.constant 32 : index
    %swap3A_200 = tpu.vector_load %arg20[%swap3A_199] {strides = array<i32>} : memref<144xi32, #tpu.memory_space<vmem>>, vector<16xi32>,
    tpu.vector_store %arg20[%swap3A_199], %shift_right_logical3A_198 {strides = array<i32>} : memref<144xi32, #tpu.memory_space<vmem>>, vector<16xi32>,
    %get3A_201 = arith.constant 32 : index
    %get3A_202 = tpu.vector_load %arg18[%get3A_201] {strides = array<i32>} : memref<48xi32, #tpu.memory_space<vmem>>, vector<16xi32>,
    %and3A_203 = arith.constant 2097151 : i32
    %and3A_204 = vector.broadcast %and3A_203 : i32 to vector<16xi32>
    %and3A_205 = arith.andi %get3A_202, %and3A_204 : vector<16xi32>
    %shift_right_logical3A_206 = arith.constant 1 : i32
    %shift_right_logical3A_207 = vector.broadcast %shift_right_logical3A_206 : i32 to vector<16xi32>
    %shift_right_logical3A_208 = arith.shrui %and3A_205, %shift_right_logical3A_207 : vector<16xi32>
    %swap3A_209 = arith.constant 80 : index
    %swap3A_210 = tpu.vector_load %arg20[%swap3A_209] {strides = array<i32>} : memref<144xi32, #tpu.memory_space<vmem>>, vector<16xi32>,
    tpu.vector_store %arg20[%swap3A_209], %shift_right_logical3A_208 {strides = array<i32>} : memref<144xi32, #tpu.memory_space<vmem>>, vector<16xi32>,
    %get3A_211 = arith.constant 32 : index
    %get3A_212 = tpu.vector_load %arg19[%get3A_211] {strides = array<i32>} : memref<48xi32, #tpu.memory_space<vmem>>, vector<16xi32>,
    %and3A_213 = arith.constant 2097151 : i32
    %and3A_214 = vector.broadcast %and3A_213 : i32 to vector<16xi32>
    %and3A_215 = arith.andi %get3A_212, %and3A_214 : vector<16xi32>
    %shift_right_logical3A_216 = arith.constant 1 : i32
    %shift_right_logical3A_217 = vector.broadcast %shift_right_logical3A_216 : i32 to vector<16xi32>
    %shift_right_logical3A_218 = arith.shrui %and3A_215, %shift_right_logical3A_217 : vector<16xi32>
    %swap3A_219 = arith.constant 128 : index
    %swap3A_220 = tpu.vector_load %arg20[%swap3A_219] {strides = array<i32>} : memref<144xi32, #tpu.memory_space<vmem>>, vector<16xi32>,
    tpu.vector_store %arg20[%swap3A_219], %shift_right_logical3A_218 {strides = array<i32>} : memref<144xi32, #tpu.memory_space<vmem>>, vector<16xi32>,
    %dma_start3A_221 = arith.constant 0 : i32
    %dma_start3A_222 = tpu.memref_slice %arg2[%dma_start3A_221] : memref<1000000xf32, #tpu.memory_space<hbm>> -> memref<1000000xf32, #tpu.memory_space<hbm>>
    tpu.enqueue_indirect_dma source(%dma_start3A_222 : memref<1000000xf32, #tpu.memory_space<hbm>>) target(%arg21 : memref<144xf32, #tpu.memory_space<vmem>>) offsets(%arg20 : memref<144xi32, #tpu.memory_space<vmem>>) semaphore(%arg23 : memref<!tpu.dma_semaphore, #tpu.memory_space<semaphore_mem>>)
    %dma_wait3A_223 = arith.constant 0 : i32
    %dma_wait3A_224 = tpu.memref_slice %arg2[%dma_wait3A_223] : memref<1000000xf32, #tpu.memory_space<hbm>> -> memref<1000000xf32, #tpu.memory_space<hbm>>
    tpu.wait_indirect_dma semaphore(%arg23 : memref<!tpu.dma_semaphore, #tpu.memory_space<semaphore_mem>>) src(%dma_wait3A_224 : memref<1000000xf32, #tpu.memory_space<hbm>>) dst(%arg21 : memref<144xf32, #tpu.memory_space<vmem>>)
    %broadcast_in_dim3A_225 = arith.constant 1.000000e+00 : f32
    %broadcast_in_dim3A_226 = vector.broadcast %broadcast_in_dim3A_225 : f32 to vector<16xf32>
    %get3A_227 = arith.constant 0 : index
    %get3A_228 = tpu.vector_load %arg17[%get3A_227] {strides = array<i32>} : memref<48xi32, #tpu.memory_space<vmem>>, vector<16xi32>,
    %get3A_229 = arith.constant 0 : index
    %get3A_230 = tpu.vector_load %arg21[%get3A_229] {strides = array<i32>} : memref<144xf32, #tpu.memory_space<vmem>>, vector<16xf32>,
    %and3A_231 = arith.constant 1 : i32
    %and3A_232 = vector.broadcast %and3A_231 : i32 to vector<16xi32>
    %and3A_233 = arith.andi %get3A_228, %and3A_232 : vector<16xi32>
    %eq3A = arith.constant 1 : i32
    %eq3A_234 = vector.broadcast %eq3A : i32 to vector<16xi32>
    %eq3A_235 = arith.cmpi eq, %and3A_233, %eq3A_234 : vector<16xi32>
    %sub3A = arith.constant 1.000000e+00 : f32
    %sub3A_236 = vector.broadcast %sub3A : f32 to vector<16xf32>
    %sub3A_237 = arith.subf %sub3A_236, %get3A_230 : vector<16xf32>
    %select_n3A = arith.select %eq3A_235, %get3A_230, %sub3A_237 : vector<16xi1>, vector<16xf32>
    %mul3A_238 = arith.mulf %broadcast_in_dim3A_226, %select_n3A : vector<16xf32>
    %get3A_239 = arith.constant 0 : index
    %get3A_240 = tpu.vector_load %arg18[%get3A_239] {strides = array<i32>} : memref<48xi32, #tpu.memory_space<vmem>>, vector<16xi32>,
    %get3A_241 = arith.constant 48 : index
    %get3A_242 = tpu.vector_load %arg21[%get3A_241] {strides = array<i32>} : memref<144xf32, #tpu.memory_space<vmem>>, vector<16xf32>,
    %and3A_243 = arith.constant 1 : i32
    %and3A_244 = vector.broadcast %and3A_243 : i32 to vector<16xi32>
    %and3A_245 = arith.andi %get3A_240, %and3A_244 : vector<16xi32>
    %eq3A_246 = arith.constant 1 : i32
    %eq3A_247 = vector.broadcast %eq3A_246 : i32 to vector<16xi32>
    %eq3A_248 = arith.cmpi eq, %and3A_245, %eq3A_247 : vector<16xi32>
    %sub3A_249 = arith.constant 1.000000e+00 : f32
    %sub3A_250 = vector.broadcast %sub3A_249 : f32 to vector<16xf32>
    %sub3A_251 = arith.subf %sub3A_250, %get3A_242 : vector<16xf32>
    %select_n3A_252 = arith.select %eq3A_248, %get3A_242, %sub3A_251 : vector<16xi1>, vector<16xf32>
    %mul3A_253 = arith.mulf %mul3A_238, %select_n3A_252 : vector<16xf32>
    %get3A_254 = arith.constant 0 : index
    %get3A_255 = tpu.vector_load %arg19[%get3A_254] {strides = array<i32>} : memref<48xi32, #tpu.memory_space<vmem>>, vector<16xi32>,
    %get3A_256 = arith.constant 96 : index
    %get3A_257 = tpu.vector_load %arg21[%get3A_256] {strides = array<i32>} : memref<144xf32, #tpu.memory_space<vmem>>, vector<16xf32>,
    %and3A_258 = arith.constant 1 : i32
    %and3A_259 = vector.broadcast %and3A_258 : i32 to vector<16xi32>
    %and3A_260 = arith.andi %get3A_255, %and3A_259 : vector<16xi32>
    %eq3A_261 = arith.constant 1 : i32
    %eq3A_262 = vector.broadcast %eq3A_261 : i32 to vector<16xi32>
    %eq3A_263 = arith.cmpi eq, %and3A_260, %eq3A_262 : vector<16xi32>
    %sub3A_264 = arith.constant 1.000000e+00 : f32
    %sub3A_265 = vector.broadcast %sub3A_264 : f32 to vector<16xf32>
    %sub3A_266 = arith.subf %sub3A_265, %get3A_257 : vector<16xf32>
    %select_n3A_267 = arith.select %eq3A_263, %get3A_257, %sub3A_266 : vector<16xi1>, vector<16xf32>
    %mul3A_268 = arith.mulf %mul3A_253, %select_n3A_267 : vector<16xf32>
    %add3A_269 = arith.constant 0 : i32
    %add3A_270 = vector.broadcast %add3A_269 : i32 to vector<16xi32>
    %add3A_271 = arith.addi %add3A_270, %iota3A : vector<16xi32>
    %lt3A = arith.constant 40 : i32
    %lt3A_272 = vector.broadcast %lt3A : i32 to vector<16xi32>
    %lt3A_273 = arith.cmpi slt, %add3A_271, %lt3A_272 : vector<16xi32>
    %lt3A_274 = arith.constant 2097152 : i32
    %lt3A_275 = vector.broadcast %lt3A_274 : i32 to vector<16xi32>
    %lt3A_276 = arith.cmpi slt, %get3A_228, %lt3A_275 : vector<16xi32>
    %and3A_277 = arith.andi %lt3A_273, %lt3A_276 : vector<16xi1>
    %select_n3A_278 = arith.select %and3A_277, %mul3A_268, %broadcast_in_dim3A_3 : vector<16xi1>, vector<16xf32>
    %add3A_279 = arith.addf %scan3A_130, %select_n3A_278 : vector<16xf32>
    %broadcast_in_dim3A_280 = arith.constant 1.000000e+00 : f32
    %broadcast_in_dim3A_281 = vector.broadcast %broadcast_in_dim3A_280 : f32 to vector<16xf32>
    %get3A_282 = arith.constant 16 : index
    %get3A_283 = tpu.vector_load %arg17[%get3A_282] {strides = array<i32>} : memref<48xi32, #tpu.memory_space<vmem>>, vector<16xi32>,
    %get3A_284 = arith.constant 16 : index
    %get3A_285 = tpu.vector_load %arg21[%get3A_284] {strides = array<i32>} : memref<144xf32, #tpu.memory_space<vmem>>, vector<16xf32>,
    %and3A_286 = arith.constant 1 : i32
    %and3A_287 = vector.broadcast %and3A_286 : i32 to vector<16xi32>
    %and3A_288 = arith.andi %get3A_283, %and3A_287 : vector<16xi32>
    %eq3A_289 = arith.constant 1 : i32
    %eq3A_290 = vector.broadcast %eq3A_289 : i32 to vector<16xi32>
    %eq3A_291 = arith.cmpi eq, %and3A_288, %eq3A_290 : vector<16xi32>
    %sub3A_292 = arith.constant 1.000000e+00 : f32
    %sub3A_293 = vector.broadcast %sub3A_292 : f32 to vector<16xf32>
    %sub3A_294 = arith.subf %sub3A_293, %get3A_285 : vector<16xf32>
    %select_n3A_295 = arith.select %eq3A_291, %get3A_285, %sub3A_294 : vector<16xi1>, vector<16xf32>
    %mul3A_296 = arith.mulf %broadcast_in_dim3A_281, %select_n3A_295 : vector<16xf32>
    %get3A_297 = arith.constant 16 : index
    %get3A_298 = tpu.vector_load %arg18[%get3A_297] {strides = array<i32>} : memref<48xi32, #tpu.memory_space<vmem>>, vector<16xi32>,
    %get3A_299 = arith.constant 64 : index
    %get3A_300 = tpu.vector_load %arg21[%get3A_299] {strides = array<i32>} : memref<144xf32, #tpu.memory_space<vmem>>, vector<16xf32>,
    %and3A_301 = arith.constant 1 : i32
    %and3A_302 = vector.broadcast %and3A_301 : i32 to vector<16xi32>
    %and3A_303 = arith.andi %get3A_298, %and3A_302 : vector<16xi32>
    %eq3A_304 = arith.constant 1 : i32
    %eq3A_305 = vector.broadcast %eq3A_304 : i32 to vector<16xi32>
    %eq3A_306 = arith.cmpi eq, %and3A_303, %eq3A_305 : vector<16xi32>
    %sub3A_307 = arith.constant 1.000000e+00 : f32
    %sub3A_308 = vector.broadcast %sub3A_307 : f32 to vector<16xf32>
    %sub3A_309 = arith.subf %sub3A_308, %get3A_300 : vector<16xf32>
    %select_n3A_310 = arith.select %eq3A_306, %get3A_300, %sub3A_309 : vector<16xi1>, vector<16xf32>
    %mul3A_311 = arith.mulf %mul3A_296, %select_n3A_310 : vector<16xf32>
    %get3A_312 = arith.constant 16 : index
    %get3A_313 = tpu.vector_load %arg19[%get3A_312] {strides = array<i32>} : memref<48xi32, #tpu.memory_space<vmem>>, vector<16xi32>,
    %get3A_314 = arith.constant 112 : index
    %get3A_315 = tpu.vector_load %arg21[%get3A_314] {strides = array<i32>} : memref<144xf32, #tpu.memory_space<vmem>>, vector<16xf32>,
    %and3A_316 = arith.constant 1 : i32
    %and3A_317 = vector.broadcast %and3A_316 : i32 to vector<16xi32>
    %and3A_318 = arith.andi %get3A_313, %and3A_317 : vector<16xi32>
    %eq3A_319 = arith.constant 1 : i32
    %eq3A_320 = vector.broadcast %eq3A_319 : i32 to vector<16xi32>
    %eq3A_321 = arith.cmpi eq, %and3A_318, %eq3A_320 : vector<16xi32>
    %sub3A_322 = arith.constant 1.000000e+00 : f32
    %sub3A_323 = vector.broadcast %sub3A_322 : f32 to vector<16xf32>
    %sub3A_324 = arith.subf %sub3A_323, %get3A_315 : vector<16xf32>
    %select_n3A_325 = arith.select %eq3A_321, %get3A_315, %sub3A_324 : vector<16xi1>, vector<16xf32>
    %mul3A_326 = arith.mulf %mul3A_311, %select_n3A_325 : vector<16xf32>
    %add3A_327 = arith.constant 16 : i32
    %add3A_328 = vector.broadcast %add3A_327 : i32 to vector<16xi32>
    %add3A_329 = arith.addi %add3A_328, %iota3A : vector<16xi32>
    %lt3A_330 = arith.constant 40 : i32
    %lt3A_331 = vector.broadcast %lt3A_330 : i32 to vector<16xi32>
    %lt3A_332 = arith.cmpi slt, %add3A_329, %lt3A_331 : vector<16xi32>
    %lt3A_333 = arith.constant 2097152 : i32
    %lt3A_334 = vector.broadcast %lt3A_333 : i32 to vector<16xi32>
    %lt3A_335 = arith.cmpi slt, %get3A_283, %lt3A_334 : vector<16xi32>
    %and3A_336 = arith.andi %lt3A_332, %lt3A_335 : vector<16xi1>
    %select_n3A_337 = arith.select %and3A_336, %mul3A_326, %broadcast_in_dim3A_3 : vector<16xi1>, vector<16xf32>
    %add3A_338 = arith.addf %add3A_279, %select_n3A_337 : vector<16xf32>
    %broadcast_in_dim3A_339 = arith.constant 1.000000e+00 : f32
    %broadcast_in_dim3A_340 = vector.broadcast %broadcast_in_dim3A_339 : f32 to vector<16xf32>
    %get3A_341 = arith.constant 32 : index
    %get3A_342 = tpu.vector_load %arg17[%get3A_341] {strides = array<i32>} : memref<48xi32, #tpu.memory_space<vmem>>, vector<16xi32>,
    %get3A_343 = arith.constant 32 : index
    %get3A_344 = tpu.vector_load %arg21[%get3A_343] {strides = array<i32>} : memref<144xf32, #tpu.memory_space<vmem>>, vector<16xf32>,
    %and3A_345 = arith.constant 1 : i32
    %and3A_346 = vector.broadcast %and3A_345 : i32 to vector<16xi32>
    %and3A_347 = arith.andi %get3A_342, %and3A_346 : vector<16xi32>
    %eq3A_348 = arith.constant 1 : i32
    %eq3A_349 = vector.broadcast %eq3A_348 : i32 to vector<16xi32>
    %eq3A_350 = arith.cmpi eq, %and3A_347, %eq3A_349 : vector<16xi32>
    %sub3A_351 = arith.constant 1.000000e+00 : f32
    %sub3A_352 = vector.broadcast %sub3A_351 : f32 to vector<16xf32>
    %sub3A_353 = arith.subf %sub3A_352, %get3A_344 : vector<16xf32>
    %select_n3A_354 = arith.select %eq3A_350, %get3A_344, %sub3A_353 : vector<16xi1>, vector<16xf32>
    %mul3A_355 = arith.mulf %broadcast_in_dim3A_340, %select_n3A_354 : vector<16xf32>
    %get3A_356 = arith.constant 32 : index
    %get3A_357 = tpu.vector_load %arg18[%get3A_356] {strides = array<i32>} : memref<48xi32, #tpu.memory_space<vmem>>, vector<16xi32>,
    %get3A_358 = arith.constant 80 : index
    %get3A_359 = tpu.vector_load %arg21[%get3A_358] {strides = array<i32>} : memref<144xf32, #tpu.memory_space<vmem>>, vector<16xf32>,
    %and3A_360 = arith.constant 1 : i32
    %and3A_361 = vector.broadcast %and3A_360 : i32 to vector<16xi32>
    %and3A_362 = arith.andi %get3A_357, %and3A_361 : vector<16xi32>
    %eq3A_363 = arith.constant 1 : i32
    %eq3A_364 = vector.broadcast %eq3A_363 : i32 to vector<16xi32>
    %eq3A_365 = arith.cmpi eq, %and3A_362, %eq3A_364 : vector<16xi32>
    %sub3A_366 = arith.constant 1.000000e+00 : f32
    %sub3A_367 = vector.broadcast %sub3A_366 : f32 to vector<16xf32>
    %sub3A_368 = arith.subf %sub3A_367, %get3A_359 : vector<16xf32>
    %select_n3A_369 = arith.select %eq3A_365, %get3A_359, %sub3A_368 : vector<16xi1>, vector<16xf32>
    %mul3A_370 = arith.mulf %mul3A_355, %select_n3A_369 : vector<16xf32>
    %get3A_371 = arith.constant 32 : index
    %get3A_372 = tpu.vector_load %arg19[%get3A_371] {strides = array<i32>} : memref<48xi32, #tpu.memory_space<vmem>>, vector<16xi32>,
    %get3A_373 = arith.constant 128 : index
    %get3A_374 = tpu.vector_load %arg21[%get3A_373] {strides = array<i32>} : memref<144xf32, #tpu.memory_space<vmem>>, vector<16xf32>,
    %and3A_375 = arith.constant 1 : i32
    %and3A_376 = vector.broadcast %and3A_375 : i32 to vector<16xi32>
    %and3A_377 = arith.andi %get3A_372, %and3A_376 : vector<16xi32>
    %eq3A_378 = arith.constant 1 : i32
    %eq3A_379 = vector.broadcast %eq3A_378 : i32 to vector<16xi32>
    %eq3A_380 = arith.cmpi eq, %and3A_377, %eq3A_379 : vector<16xi32>
    %sub3A_381 = arith.constant 1.000000e+00 : f32
    %sub3A_382 = vector.broadcast %sub3A_381 : f32 to vector<16xf32>
    %sub3A_383 = arith.subf %sub3A_382, %get3A_374 : vector<16xf32>
    %select_n3A_384 = arith.select %eq3A_380, %get3A_374, %sub3A_383 : vector<16xi1>, vector<16xf32>
    %mul3A_385 = arith.mulf %mul3A_370, %select_n3A_384 : vector<16xf32>
    %add3A_386 = arith.constant 32 : i32
    %add3A_387 = vector.broadcast %add3A_386 : i32 to vector<16xi32>
    %add3A_388 = arith.addi %add3A_387, %iota3A : vector<16xi32>
    %lt3A_389 = arith.constant 40 : i32
    %lt3A_390 = vector.broadcast %lt3A_389 : i32 to vector<16xi32>
    %lt3A_391 = arith.cmpi slt, %add3A_388, %lt3A_390 : vector<16xi32>
    %lt3A_392 = arith.constant 2097152 : i32
    %lt3A_393 = vector.broadcast %lt3A_392 : i32 to vector<16xi32>
    %lt3A_394 = arith.cmpi slt, %get3A_342, %lt3A_393 : vector<16xi32>
    %and3A_395 = arith.andi %lt3A_391, %lt3A_394 : vector<16xi1>
    %select_n3A_396 = arith.select %and3A_395, %mul3A_385, %broadcast_in_dim3A_3 : vector<16xi1>, vector<16xf32>
    %add3A_397 = arith.addf %add3A_338, %select_n3A_396 : vector<16xf32>
    %swap3A_398 = arith.constant 0 : index
    %swap3A_399 = tpu.vector_load %arg22[%swap3A_398] {strides = array<i32>} : memref<16xf32, #tpu.memory_space<vmem>>, vector<16xf32>,
    tpu.vector_store %arg22[%swap3A_398], %add3A_397 {strides = array<i32>} : memref<16xf32, #tpu.memory_space<vmem>>, vector<16xf32>,
    "tpu.region"() ({
      %run_scoped3A = tpu.sem_alloc : memref<!tpu.dma_semaphore, #tpu.memory_space<semaphore_mem>>
      %dma_start3A_400 = arith.constant 0 : i32
      %dma_start3A_401 = tpu.memref_slice %arg6[%add3A, %dma_start3A_400] : memref<32x16xf32, #tpu.memory_space<hbm>> -> memref<1x16xf32, #tpu.memory_space<hbm>>
      %dma_start3A_402 = tpu.memref_squeeze %dma_start3A_401 : memref<1x16xf32, #tpu.memory_space<hbm>> -> memref<16xf32, #tpu.memory_space<hbm>>
      %dma_start3A_403 = arith.constant 0 : i32
      %dma_start3A_404 = tpu.memref_slice %arg6[%add3A, %dma_start3A_403] : memref<32x16xf32, #tpu.memory_space<hbm>> -> memref<1x16xf32, #tpu.memory_space<hbm>>
      %dma_start3A_405 = tpu.memref_squeeze %dma_start3A_404 : memref<1x16xf32, #tpu.memory_space<hbm>> -> memref<16xf32, #tpu.memory_space<hbm>>
      tpu.enqueue_dma source(%arg22 : memref<16xf32, #tpu.memory_space<vmem>>) target(%dma_start3A_405 : memref<16xf32, #tpu.memory_space<hbm>>) target_semaphore(%run_scoped3A : memref<!tpu.dma_semaphore, #tpu.memory_space<semaphore_mem>>)
      %dma_wait3A_406 = arith.constant 0 : i32
      %dma_wait3A_407 = tpu.memref_slice %arg6[%add3A, %dma_wait3A_406] : memref<32x16xf32, #tpu.memory_space<hbm>> -> memref<1x16xf32, #tpu.memory_space<hbm>>
      %dma_wait3A_408 = tpu.memref_squeeze %dma_wait3A_407 : memref<1x16xf32, #tpu.memory_space<hbm>> -> memref<16xf32, #tpu.memory_space<hbm>>
      %dma_wait3A_409 = arith.constant 0 : i32
      %dma_wait3A_410 = tpu.memref_slice %arg6[%add3A, %dma_wait3A_409] : memref<32x16xf32, #tpu.memory_space<hbm>> -> memref<1x16xf32, #tpu.memory_space<hbm>>
      %dma_wait3A_411 = tpu.memref_squeeze %dma_wait3A_410 : memref<1x16xf32, #tpu.memory_space<hbm>> -> memref<16xf32, #tpu.memory_space<hbm>>
      tpu.wait_dma2 semaphore(%run_scoped3A : memref<!tpu.dma_semaphore, #tpu.memory_space<semaphore_mem>>) src(%arg22 : memref<16xf32, #tpu.memory_space<vmem>>) dst(%dma_wait3A_411 : memref<16xf32, #tpu.memory_space<hbm>>)
      tpu.yield
    }) : () -> ()
    return
  }
}

module attributes {stable_mosaic.version = 14 : i64} {
  func.func @_finish_body(%arg0: memref<32x16xf32, #tpu.memory_space<vmem>>, %arg1: memref<32x1xf32, #tpu.memory_space<vmem>>, %arg2: memref<1x8xf32, #tpu.memory_space<vmem>>, %arg3: memref<1x8xf32, #tpu.memory_space<vmem>>, %arg4: memref<1x1xf32, #tpu.memory_space<vmem>>) attributes {dimension_semantics = [], scalar_prefetch = 0 : i64, scratch_operands = 0 : i64, tpu.core_type = #tpu.core_type<tc>} {
    %get3A = arith.constant 0 : index
    %get3A_0 = arith.constant 0 : index
    %get3A_1 = vector.load %arg3[%get3A, %get3A_0] : memref<1x8xf32, #tpu.memory_space<vmem>>, vector<1x8xf32>
    %get3A_2 = arith.constant 0 : index
    %get3A_3 = arith.constant 0 : index
    %get3A_4 = vector.load %arg2[%get3A_2, %get3A_3] : memref<1x8xf32, #tpu.memory_space<vmem>>, vector<1x8xf32>
    %add3A = arith.constant 1.000000e+05 : f32
    %add3A_5 = vector.broadcast %add3A : f32 to vector<1x8xf32>
    %add3A_6 = arith.addf %add3A_5, %get3A_4 : vector<1x8xf32>
    %mul3A = arith.mulf %get3A_1, %add3A_6 : vector<1x8xf32>
    %reduce_sum3A = vector.shape_cast %mul3A : vector<1x8xf32> to vector<1x1x8xf32>
    %reduce_sum3A_7 = arith.constant dense<0.000000e+00> : vector<1xf32>
    %reduce_sum3A_8 = vector.multi_reduction <add>, %reduce_sum3A, %reduce_sum3A_7 [1, 2] : vector<1x1x8xf32> to vector<1xf32>
    %reduce_sum3A_9 = vector.shape_cast %reduce_sum3A_8 : vector<1xf32> to vector<1x1x1xf32>
    %reduce_sum3A_10 = vector.extract %reduce_sum3A_9[0, 0, 0] : f32 from vector<1x1x1xf32>
    %get3A_11 = arith.constant 0 : index
    %get3A_12 = arith.constant 0 : index
    %get3A_13 = vector.load %arg0[%get3A_11, %get3A_12] : memref<32x16xf32, #tpu.memory_space<vmem>>, vector<32x16xf32>
    %get3A_14 = arith.constant 0 : index
    %get3A_15 = arith.constant 0 : index
    %get3A_16 = vector.load %arg1[%get3A_14, %get3A_15] : memref<32x1xf32, #tpu.memory_space<vmem>>, vector<32x1xf32>
    %mul3A_17 = vector.broadcast %get3A_16 : vector<32x1xf32> to vector<32x16xf32>
    %mul3A_18 = arith.mulf %get3A_13, %mul3A_17 : vector<32x16xf32>
    %reduce_sum3A_19 = vector.shape_cast %mul3A_18 : vector<32x16xf32> to vector<1x32x16xf32>
    %reduce_sum3A_20 = arith.constant dense<0.000000e+00> : vector<1xf32>
    %reduce_sum3A_21 = vector.multi_reduction <add>, %reduce_sum3A_19, %reduce_sum3A_20 [1, 2] : vector<1x32x16xf32> to vector<1xf32>
    %reduce_sum3A_22 = vector.shape_cast %reduce_sum3A_21 : vector<1xf32> to vector<1x1x1xf32>
    %reduce_sum3A_23 = vector.extract %reduce_sum3A_22[0, 0, 0] : f32 from vector<1x1x1xf32>
    %sub3A = arith.subf %reduce_sum3A_10, %reduce_sum3A_23 : f32
    %reshape3A = vector.broadcast %sub3A : f32 to vector<1x1xf32>
    %swap3A = arith.constant 0 : index
    %swap3A_24 = arith.constant 0 : index
    %swap3A_25 = vector.load %arg4[%swap3A, %swap3A_24] : memref<1x1xf32, #tpu.memory_space<vmem>>, vector<1x1xf32>
    tpu.vector_store %arg4[%swap3A, %swap3A_24], %reshape3A {strides = array<i32>} : memref<1x1xf32, #tpu.memory_space<vmem>>, vector<1x1xf32>,
    return
  }
}

</mosaic_0001>

<sc_bundles>
// kernel: kernel.4.cloned.1.call-start
scs
__scs_entry_jumppad:
0x0: {  	(pc) =	sbr.rel $0x88, $3  }
0x1: {  	(tag) =	ssettag $0x0;
	lr =	simm.s32 $0x1  }
0x2: {  	[smem:$0x3F9B] =	sst lr;
	_ =	strace $0xD0000000  }
0x3: {  	_ = 	snop  }
0x4: {  	_ = 	snop  }
0x5: {  	_ = 	snop  }
0x6: {  	_ = 	snop  }
0x7: {  	_ = 	snop  }
__scs_overlays_trampoline_lowered:
0x8: {  	[smem:$0x3FAA] =	sst s0  }
0x9: {  	[smem:$0x3FAB] =	sst s1  }
0xa: {  	[smem:$0x3FAC] =	sst s2  }
0xb: {  	[smem:$0x3FAD] =	sst s3  }
0xc: {  	[smem:$0x3FAE] =	sst s4  }
0xd: {  	[smem:$0x3FAF] =	sst s5  }
0xe: {  	[smem:$0x3FB0] =	sst s6  }
0xf: {  	[smem:$0x3FB1] =	sst s7  }
0x10: {  	[smem:$0x3FB2] =	sst s8  }
0x11: {  	[smem:$0x3FB3] =	sst s9;
	s0 =	simm.s32 @!p0 $0x0  }
0x12: {  	s1 =	sld [smem:$0x3F99];
	s0 =	simm.s32 @p0 $0x1  }
0x13: {  	[smem:$0x3FB4] =	sst s0;
	s0 =	simm.s32 @!p1 $0x0  }
0x14: {  	s2 =	sld [smem:$0x3F98];
	s0 =	simm.s32 @p1 $0x1  }
0x15: {  	[smem:$0x3FB5] =	sst s0;
	s0 =	simm.s32 @!p2 $0x0  }
0x16: {  	s3 =	sld [smem:$0x3FDB];
	s0 =	simm.s32 @p2 $0x1  }
0x17: {  	s4 =	simm.s32 $0x1BF5;
	[smem:$0x3FB7] =	sst s0  }
0x18: {  	s0 =	sld [smem:$0x3F9A];
	_ =	swait.ge [sflag:s4], $0x0  }
0x19: {  	s7 =	sld [smem:$0x3F9B]  }
0x1a: {  	s8 =	sadd.s32 $0xFFFFE003, lr  }
0x1b: {  	s9 =	sadd.s32 $0xFFFFFEF7, lr;
	s5 =	simm.s32 $0xFFFFFFFF;
	p2 =	slt.u32 s8, $0xFFFFF086  }
0x1c: {  	p1 =	slt.u32 s9, $0xF7A;
	s5 =	simm.s32 @!p2 $0x0  }
0x1d: {  	s5 =	simm.s32 @p1 $0x1;
	p0 =	seq.s32 s7, s2  }
0x1e: {  	s7 =	smul.u32 @!p0 $0xF7A, s2;
	p2 =	seq.s32 @!p0 s5, $0x0  }
0x1f: {  	s9 =	smul.u32 $0xF7A, s1;
	s8 =	simm.s32 @!p0 $0x1BF5;
	p2 =	por !p2, p0  }
0x20: {  	[sflag:s8] =	ssyncset.s32 @!p0 $0xFFFFF086;
	s6 =	sadd.s32 @!p0 s3, s7;
	s7 =	simm.s32 @!p0 $0x108  }
0x21: {  	s3 =	sadd.s32 s3, s9;
	s6 =	sadd.s32 @!p0 $0x88, s6;
	s7 =	simm.s32 @p2 $0x1082  }
0x22: {  	[simem:s7], [sflag:s8] =	dma.local @!p0 [hbm:s6], $0xF7A  }
0x23: {  	s9 =	sor.u32 $0xD0000000, s2;
	s6 =	simm.s32 $0x108;
	_ =	swait.ge @!p0 [sflag:s8], $0x0  }
0x24: {  	s3 =	sadd.s32 $0x88, s3;
	s6 =	simm.s32 @!p1 $0x1082;
	[sflag:s4] =	ssyncset.s32 $0xFFFFF086  }
0x25: {  	[simem:s6], [sflag:s4] =	dma.local [hbm:s3], $0xF7A  }
0x26: {  	[smem:$0x3F9B] =	sst s1;
	(tag) =	ssettag s2;
	_ =	strace s9  }
0x27: {  	s1 =	sld [smem:$0x3FAB]  }
0x28: {  	s2 =	sld [smem:$0x3FAC]  }
0x29: {  	s4 =	sld [smem:$0x3FAE]  }
0x2a: {  	p0 =	seq.s32 s5, $0x0;
	s5 =	sld [smem:$0x3FAF]  }
0x2b: {  	s6 =	sld [smem:$0x3FB0]  }
0x2c: {  	s7 =	sld [smem:$0x3FB1]  }
0x2d: {  	s3 =	simm.s32 $0x108;
	s8 =	sld [smem:$0x3FB2]  }
0x2e: {  	s3 =	simm.s32 @!p0 $0x1082;
	s9 =	sld [smem:$0x3FB3]  }
0x2f: {  	lr =	sadd.s32 s0, s3;
	s0 =	sld [smem:$0x3FAA]  }
0x30: {  	s3 =	sld [smem:$0x3FAD]  }
0x31: {  	[smem:$0x3FB6] =	sst s10  }
0x32: {  	s10 =	sld [smem:$0x3FB4];
	_ =	sdelay $0x3  }
0x33: {  	p0 =	seq.s32 s10, $0x1;
	s10 =	sld [smem:$0x3FB6];
	_ =	sdelay $0x3  }
0x34: {  	[smem:$0x3FB6] =	sst s10  }
0x35: {  	s10 =	sld [smem:$0x3FB5];
	_ =	sdelay $0x3  }
0x36: {  	p1 =	seq.s32 s10, $0x1;
	s10 =	sld [smem:$0x3FB6];
	_ =	sdelay $0x3  }
0x37: {  	[smem:$0x3FB6] =	sst s10  }
0x38: {  	s10 =	sld [smem:$0x3FB7]  }
0x39: {  	_ = 	snop;
	(pc) =	sbr.ind lr, $3  }
0x3a: {  	_ = 	snop  }
0x3b: {  	_ = 	snop  }
0x3c: {  	p2 =	seq.s32 s10, $0x1;
	s10 =	sld [smem:$0x3FB6]  }
0x3d: {  	_ =	shalt  }
0x3e: {  	_ =	shalt  }
0x3f: {  	_ =	shalt  }
0x40: {  	_ =	shalt  }
0x41: {  	_ =	shalt  }
0x42: {  	_ =	shalt  }
0x43: {  	_ =	shalt  }
0x44: {  	_ =	shalt  }
0x45: {  	_ =	shalt  }
0x46: {  	_ =	shalt  }
0x47: {  	_ =	shalt  }
0x48: {  	_ =	shalt  }
0x49: {  	_ =	shalt  }
0x4a: {  	_ =	shalt  }
0x4b: {  	_ =	shalt  }
0x4c: {  	_ =	shalt  }
0x4d: {  	_ =	shalt  }
0x4e: {  	_ =	shalt  }
0x4f: {  	_ =	shalt  }
0x50: {  	_ =	shalt  }
0x51: {  	_ =	shalt  }
0x52: {  	_ =	shalt  }
0x53: {  	_ =	shalt  }
0x54: {  	_ =	shalt  }
0x55: {  	_ =	shalt  }
0x56: {  	_ =	shalt  }
0x57: {  	_ =	shalt  }
0x58: {  	_ =	shalt  }
0x59: {  	_ =	shalt  }
0x5a: {  	_ =	shalt  }
0x5b: {  	_ =	shalt  }
0x5c: {  	_ =	shalt  }
0x5d: {  	_ =	shalt  }
0x5e: {  	_ =	shalt  }
0x5f: {  	_ =	shalt  }
0x60: {  	_ =	shalt  }
0x61: {  	_ =	shalt  }
0x62: {  	_ =	shalt  }
0x63: {  	_ =	shalt  }
0x64: {  	_ =	shalt  }
0x65: {  	_ =	shalt  }
0x66: {  	_ =	shalt  }
0x67: {  	_ =	shalt  }
0x68: {  	_ =	shalt  }
0x69: {  	_ =	shalt  }
0x6a: {  	_ =	shalt  }
0x6b: {  	_ =	shalt  }
0x6c: {  	_ =	shalt  }
0x6d: {  	_ =	shalt  }
0x6e: {  	_ =	shalt  }
0x6f: {  	_ =	shalt  }
0x70: {  	_ =	shalt  }
0x71: {  	_ =	shalt  }
0x72: {  	_ =	shalt  }
0x73: {  	_ =	shalt  }
0x74: {  	_ =	shalt  }
0x75: {  	_ =	shalt  }
0x76: {  	_ =	shalt  }
0x77: {  	_ =	shalt  }
0x78: {  	_ =	shalt  }
0x79: {  	_ =	shalt  }
0x7a: {  	_ =	shalt  }
0x7b: {  	_ =	shalt  }
0x7c: {  	_ =	shalt  }
0x7d: {  	_ =	shalt  }
0x7e: {  	_ =	shalt  }
0x7f: {  	_ =	shalt  }
0x80: {  	_ =	shalt  }
0x81: {  	_ =	shalt  }
0x82: {  	_ =	shalt  }
0x83: {  	_ =	shalt  }
0x84: {  	_ =	shalt  }
0x85: {  	_ =	shalt  }
0x86: {  	_ =	shalt  }
0x87: {  	_ =	shalt  }
.Lfunc_end0:
.L_simem_size_0:
called_computation_lowered:
.L_overlay_start_0:
0x88: {  	s2 =	sld [smem:$0x3FD9]  }
0x89: {  	s3 =	sld [smem:$0x3FFE];
	_ =	sdelay $0x1  }
0x8a: {  	s1 =	srdreg.scid  }
0x8b: {  	s0 =	sand.u32 $0x1, s1  }
0x8c: {  	s17 =	sshll.u32 s0, $0xA;
	s2 =	sadd.s32 s3, s2  }
0x8d: {  	s2 =	sadd.s32 s2, s17  }
0x8e: {  	[smem:$0x3FC2] =	sst s2  }
0x8f: {  	_ = 	snop  }
0x90: {  	s2 =	sld [smem:$0x3FC9];
	(tm) =	ssettm $0x1  }
0x91: {  	s18 =	sld [smem:$0x3FFB];
	_ =	sdelay $0x3  }
0x92: {  	_ =	strace s18  }
0x93: {  	s3 =	sld [smem:$0x3FFC];
	_ =	sdelay $0x3  }
0x94: {  	_ =	strace s3  }
0x95: {  	s3 =	sld [smem:$0x3FFD];
	_ =	sdelay $0x3  }
0x96: {  	_ =	strace s3  }
0x97: {  	_ =	strace $0x8FFFFFFF  }
0x98: {  	s19 =	sld [smem:$0x3FDB];
	_ =	sdelay $0x1  }
0x99: {  	s4 =	simm.s32 $_scs_section_size  }
0x9a: {  	s5 =	simm.s32 $_size__tile_overlayer_lowered;
	s6 =	simm.s32 $_tile_overlayer_lowered  }
0x9b: {  	s22 =	simm.s32 $0x1BFF;
	s21 =	sshll.u32 s6, $0x1;
	s3 =	sadd.s32 s4, s19  }
0x9c: {  	s7 =	simm.s32 $0x0;
	s20 =	sshll.u32 s5, $0x1;
	s5 =	sadd.s32 s21, s3  }
0x9d: {  	[timem:s7], [sflag:s22] =	dma.local [hbm:s5], s20  }
0x9e: {  	_ =	swait.ge [sflag:s22], s20  }
0x9f: {  	s4 =	ssub.s32 $0x0, s20;
	[sflag:s22] =	ssyncset.done $0x0  }
0xa0: {  	[sflag:s22] =	ssyncadd.s32 s4;
	_ =	sdelay $0x1  }
0xa1: {  	s23 =	simm.s32 $0x1B8B  }
0xa2: {  	_ =	swait.ge [sflag:s23], $0x1  }
0xa3: {  	[sflag:s23] =	ssyncset.done $0x0  }
0xa4: {  	s25 =	simm.s32 $0x1B8E;
	s24 =	sld [smem:$0x3FFE];
	[sflag:s23] =	ssyncadd.s32 $0xFFFFFFFF  }
0xa5: {  	s26 =	simm.s32 $execute0_lowered;
	[smem:$0x3FD2] =	sst s25  }
0xa6: {  	s5 =	sshll.u32 s26, $0x1;
	_ =	strace $0x80000046;
	[dreg:$0x1] =	wrdreg $0xFFFFFFFF  }
0xa7: {  	s28 =	simm.s32 $_size_execute0_lowered;
	s3 =	sadd.s32 s3, s5;
	[dreg:$0x0] =	wrdreg $0x0  }
0xa8: {  	s5 =	sshll.u32 s28, $0x1;
	[dreg:$0x2] =	wrdreg s3  }
0xa9: {  	[dreg:$0x3] =	wrdreg s5  }
0xaa: {  	[dreg:$0x4] =	wrdreg $0xC0  }
0xab: {  	_ =	task [dreg:s7], $0x5FFFF  }
0xac: {  	[dreg:$0x1] =	wrdreg $0xFFFFFFFF  }
0xad: {  	[dreg:$0x0] =	wrdreg $0x60  }
0xae: {  	[dreg:$0x2] =	wrdreg s2  }
0xaf: {  	[dreg:$0x3] =	wrdreg s24  }
0xb0: {  	[dreg:$0x4] =	wrdreg $0x9  }
0xb1: {  	_ =	task.clear_ibuf [dreg:s7], $0x5FFFF;
	_ =	strace $0x90000046  }
0xb2: {  	s29 =	simm.s32 $0x9;
	_ =	strace $0x80000048  }
0xb3: {  	_ =	swait.ge [sflag:s29], $0x1  }
0xb4: {  	[sflag:s29] =	ssyncadd.s32 $0xFFFFFFFF  }
0xb5: {  	_ =	strace $0x90000048  }
0xb6: {  	_ =	sfence  }
0xb7: {  	s30 =	sld [smem:$0x0];
	_ =	sdelay $0x2  }
0xb8: {  	s31 =	sshll.u32 s1, $0xD;
	s1 =	sshrl.u32 s1, $0x2  }
0xb9: {  	s3 =	sand.u32 $0x4000, s31;
	s1 =	sadd.s32 s1, s30  }
0xba: {  	s0 =	sor.u32 s3, s0;
	s1 =	sshll.u32 s1, $0x11  }
0xbb: {  	s0 =	sor.u32 s1, s0  }
0xbc: {  	s0 =	sadd.s32 $0x8F2B, s0  }
0xbd: {  	[sflag:s0] =	ssyncadd.remote.s32 $0x1  }
0xbe: {  	_ =	sfence.sel $0xFFFF  }
0xbf: {  	[dreg:$0x0] =	wrdreg $0xFFFFFFFF;
	(pc) =	sbr.abs _section_cstart, $3  }
0xc0: {  	[dreg:$0x1] =	wrdreg $0xFFFFFFFF  }
0xc1: {  	_ =	task.clear_ibuf [dreg:s7], $0x2FFFF;
	_ =	strace $0x9FFFFFFF  }
0xc2: {  	(tm) =	ssettm $0x7FFFFFFF  }
0xc3: {  	_ =	shalt  }
tec
execute0_lowered:
.L_overlay_start_1:
0x0: {  	(tag) =	ssettag $0x1  }
0x1: {  	s1 =	rddreg [dreg:$0x0]  }
0x2: {  	s0 =	rddreg [dreg:$0x1];
	s3 =	simm.s32 $0x0  }
0x3: {  	s2 =	srdreg.scid;
	s4 =	stileid.u32;
	s23 =	simm.s32 $0x1  }
0x4: {  	s31 =	simm.s32 $0x2;
	s21 =	simm.s32 $0x3;
	s22 =	simm.s32 $0x4  }
0x5: {  	[smem:$0x7FF] =	sst s3;
	s2 =	sand.u32 $0x1, s2;
	s4 =	sshll.u32 s4, $0x1  }
0x6: {  	s5 =	sadd.s32 $0x32800, s0;
	s6 =	sadd.s32 $0x1800, s0;
	s18 =	sadd.s32 $0x1A000, s0  }
0x7: {  	_ =	strace $0x80000047;
	s4 =	sor.u32 s2, s4;
	s2 =	ssub.s32 $0x2, s2  }
0x8: {  	s7 =	smul.u32 $0x61A8, s4;
	s4 =	sshll.u32 s4, $0x4;
	s24 =	sshrl.u32 s2, $0x1  }
0x9: {  	s0 =	sadd.s32 s4, s0;
	s2 =	ssub.s32 s2, s24;
	s24 =	simm.s32 $0x4920  }
0xa: {  	s14 =	sshrl.u32 s7, $0x3;
	s19 =	sadd.s32 $0x4B000, s0;
	s20 =	smax.u32 s2, $0x1  }
0xb: {  	s25 =	sadd.s32 s5, s14;
	s26 =	sadd.s32 $0x30C, s14;
	s7 =	sadd.s32 s6, s14  }
0xc: {  	s28 =	sadd.s32 s18, s14;
	s29 =	sadd.s32 $0x618, s14;
	[dreg:$0x3] =	wrdreg s25  }
0xd: {  	s15 =	sadd.s32 $0x924, s14;
	s30 =	sadd.s32 $0xC30, s14;
	[dreg:$0x4] =	wrdreg s7  }
0xe: {  	[dreg:$0x5] =	wrdreg s28;
	s7 =	sadd.s32 s5, s26;
	s8 =	sadd.s32 s6, s26  }
0xf: {  	s9 =	sadd.s32 s18, s26;
	s10 =	sadd.s32 s5, s29;
	s11 =	sadd.s32 s6, s29  }
0x10: {  	s12 =	sadd.s32 s18, s29;
	s13 =	sadd.s32 s5, s15;
	s14 =	sadd.s32 s6, s15  }
0x11: {  	s15 =	sadd.s32 s18, s15;
	s16 =	sadd.s32 s5, s30;
	s17 =	sadd.s32 s6, s30  }
0x12: {  	v0 =	vimm.s32 $0x0;
	s18 =	sadd.s32 s18, s30;
	s25 =	simm.s32 $0x5;
	s26 =	simm.s32 $0x0  }
.LBB2_1:
0x13: {  	[tilespmem:$0x1B920] =	vst v0  }
0x14: {  	[tilespmem:$0x1B9A0] =	vst v0  }
0x15: {  	[tilespmem:$0x1BA20] =	vst v0;
	s0 =	rddreg [dreg:$0x3]  }
0x16: {  	[tilespmem:s3], [sflag:$0x1] =	stream.linear.gather [hbm4b:s0+s3], $0x1860, $0x38;
	[tilespmem:$0x1BD00] =	vst v63  }
0x17: {  	s6 =	rddreg [dreg:$0x4];
	s2 =	simm.s32 $0x1880  }
0x18: {  	[tilespmem:s2], [sflag:$0x1] =	stream.linear.gather [hbm4b:s6+s3], $0x1860, $0x38;
	[tilespmem:$0x1BD00] =	vst v63  }
0x19: {  	s4 =	rddreg [dreg:$0x5];
	s5 =	simm.s32 $0x3100  }
0x1a: {  	[tilespmem:s5], [sflag:$0x1] =	stream.linear.gather [hbm4b:s4+s3], $0x1860, $0x38;
	[tilespmem:$0x1BD00] =	vst v63  }
0x1b: {  	_ =	swait.ge [sflag:s23], $0x1860  }
0x1c: {  	[sflag:s23] =	ssyncset.done $0x0  }
0x1d: {  	[sflag:s23] =	ssyncadd.s32 $0xFFFFE7A0  }
0x1e: {  	_ =	swait.ge [sflag:s23], $0x1860  }
0x1f: {  	[sflag:s23] =	ssyncset.done $0x0  }
0x20: {  	[sflag:s23] =	ssyncadd.s32 $0xFFFFE7A0  }
0x21: {  	_ =	swait.ge [sflag:s23], $0x1860  }
0x22: {  	[sflag:s23] =	ssyncset.done $0x0  }
0x23: {  	s28 =	simm.s32 $0x3130;
	[sflag:s23] =	ssyncadd.s32 $0xFFFFE7A0  }
0x24: {  	s6 =	simm.s32 $0x30;
	v1 =	vld [tilespmem:s28+$0xFFFFFFD0]  }
0x25: {  	v2 =	vld [tilespmem:s6+$0xFFFFFFD0]  }
0x26: {  	s29 =	simm.s32 $0x18B0  }
0x27: {  	v3 =	vld [tilespmem:s29+$0xFFFFFFD0];
	_ =	sdelay $0x2  }
0x28: {  	s0 =	simm.s32 $0xAB90;
	v2 =	vshrl.u32 v2, $0x1;
	v1 =	vshrl.u32 v1, $0x1  }
0x29: {  	v2 =	vand.u32 $0xFFFFF, v2;
	[tilespmem:s0+$0x1830] =	vst v1  }
0x2a: {  	v1 =	vshrl.u32 v3, $0x1;
	[tilespmem:s0+$0xFFFFE770] =	vst v2  }
0x2b: {  	[tilespmem:s0+$0xFFFFFFD0] =	vst v1  }
0x2c: {  	v1 =	vld [tilespmem:s29+$0xFFFFFFE0]  }
0x2d: {  	v2 =	vld [tilespmem:s6+$0xFFFFFFE0];
	_ =	sdelay $0x1  }
0x2e: {  	v3 =	vld [tilespmem:s28+$0xFFFFFFE0];
	_ =	sdelay $0x2  }
0x2f: {  	v2 =	vshrl.u32 v2, $0x1;
	v1 =	vshrl.u32 v1, $0x1  }
0x30: {  	v2 =	vand.u32 $0xFFFFF, v2;
	[tilespmem:s0+$0xFFFFFFE0] =	vst v1  }
0x31: {  	v1 =	vshrl.u32 v3, $0x1;
	[tilespmem:s0+$0xFFFFE780] =	vst v2  }
0x32: {  	[tilespmem:s0+$0x1840] =	vst v1  }
0x33: {  	v1 =	vld [tilespmem:s6+$0xFFFFFFF0];
	_ =	sdelay $0x1  }
0x34: {  	v2 =	vld [tilespmem:s29+$0xFFFFFFF0]  }
0x35: {  	v3 =	vld [tilespmem:s28+$0xFFFFFFF0];
	_ =	sdelay $0x1  }
0x36: {  	v1 =	vshrl.u32 v1, $0x1  }
0x37: {  	v1 =	vand.u32 $0xFFFFF, v1  }
0x38: {  	s4 =	sand.u32 $0x3FE0, s3;
	[tilespmem:s0+$0xFFFFE790] =	vst v1;
	v1 =	vshrl.u32 v2, $0x1  }
0x39: {  	[tilespmem:s4+$0xAB80] =	vst v1;
	v1 =	vshrl.u32 v3, $0x1  }
0x3a: {  	[tilespmem:s0+$0x1850] =	vst v1  }
0x3b: {  	v1 =	vld [tilespmem:s28+$0x0]  }
0x3c: {  	v2 =	vld [tilespmem:s29+$0x0]  }
0x3d: {  	v3 =	vld [tilespmem:s6+$0x0];
	_ =	sdelay $0x3  }
0x3e: {  	v1 =	vshrl.u32 v1, $0x1  }
0x3f: {  	v2 =	vshrl.u32 v2, $0x1;
	[tilespmem:s0+$0x1860] =	vst v1;
	v1 =	vshrl.u32 v3, $0x1  }
0x40: {  	[tilespmem:s0+$0x0] =	vst v2;
	v1 =	vand.u32 $0xFFFFF, v1  }
0x41: {  	[tilespmem:s0+$0xFFFFE7A0] =	vst v1  }
0x42: {  	v1 =	vld [tilespmem:s6+$0x10]  }
0x43: {  	v2 =	vld [tilespmem:s29+$0x10];
	_ =	sdelay $0x1  }
0x44: {  	v3 =	vld [tilespmem:s28+$0x10];
	_ =	sdelay $0x2  }
0x45: {  	v1 =	vshrl.u32 v1, $0x1;
	v2 =	vshrl.u32 v2, $0x1  }
0x46: {  	v1 =	vand.u32 $0xFFFFF, v1;
	[tilespmem:s0+$0x10] =	vst v2  }
0x47: {  	[tilespmem:s0+$0xFFFFE7B0] =	vst v1;
	v1 =	vshrl.u32 v3, $0x1  }
0x48: {  	s30 =	simm.s32 $0x60;
	[tilespmem:s4+$0xC400] =	vst v1  }
0x49: {  	s2 =	simm.s32 $0xAB90;
	s5 =	simm.s32 $0x90;
	s4 =	simm.s32 $0x3130;
	v1 =	vld [tilespmem:s6+$0x20]  }
.LBB2_2:
0x4a: {  	s0 =	sadd.s32 $0x60, s0  }
0x4b: {  	v2 =	vld [tilespmem:s29+$0x20];
	s28 =	sadd.s32 $0x60, s28;
	s29 =	sadd.s32 $0x60, s29;
	s6 =	smov.u32 s30  }
0x4c: {  	p0 =	sne.s32 s30, $0x1800;
	s30 =	sadd.s32 $0x60, s30;
	v3 =	vld [tilespmem:s4+$0x20];
	s4 =	smov.u32 s28  }
0x4d: {  	_ =	sdelay $0x1  }
0x4e: {  	v1 =	vshrl.u32 v1, $0x1  }
0x4f: {  	v1 =	vand.u32 $0xFFFFF, v1;
	v2 =	vshrl.u32 v2, $0x1  }
0x50: {  	[tilespmem:s2+$0xFFFFE7C0] =	vst v1;
	v1 =	vshrl.u32 v3, $0x1  }
0x51: {  	[tilespmem:s2+$0x20] =	vst v2  }
0x52: {  	[tilespmem:s2+$0x1880] =	vst v1;
	s2 =	smov.u32 s0  }
0x53: {  	v1 =	vld [tilespmem:s28+$0xFFFFFFD0]  }
0x54: {  	v2 =	vld [tilespmem:s5+$0xFFFFFFD0]  }
0x55: {  	v3 =	vld [tilespmem:s29+$0xFFFFFFD0];
	_ =	sdelay $0x3  }
0x56: {  	v1 =	vshrl.u32 v1, $0x1;
	v2 =	vshrl.u32 v2, $0x1  }
0x57: {  	v2 =	vand.u32 $0xFFFFF, v2;
	v3 =	vshrl.u32 v3, $0x1;
	[tilespmem:s0+$0x1830] =	vst v1  }
0x58: {  	[tilespmem:s0+$0xFFFFE770] =	vst v2  }
0x59: {  	[tilespmem:s0+$0xFFFFFFD0] =	vst v3  }
0x5a: {  	v1 =	vld [tilespmem:s29+$0xFFFFFFE0]  }
0x5b: {  	v2 =	vld [tilespmem:s5+$0xFFFFFFE0]  }
0x5c: {  	v3 =	vld [tilespmem:s28+$0xFFFFFFE0];
	_ =	sdelay $0x3  }
0x5d: {  	v1 =	vshrl.u32 v1, $0x1;
	v2 =	vshrl.u32 v2, $0x1  }
0x5e: {  	v2 =	vand.u32 $0xFFFFF, v2;
	[tilespmem:s0+$0xFFFFFFE0] =	vst v1;
	v1 =	vshrl.u32 v3, $0x1  }
0x5f: {  	[tilespmem:s0+$0xFFFFE780] =	vst v2  }
0x60: {  	[tilespmem:s0+$0x1840] =	vst v1  }
0x61: {  	v1 =	vld [tilespmem:s5+$0xFFFFFFF0]  }
0x62: {  	v2 =	vld [tilespmem:s29+$0xFFFFFFF0];
	_ =	sdelay $0x1  }
0x63: {  	v3 =	vld [tilespmem:s28+$0xFFFFFFF0];
	_ =	sdelay $0x1  }
0x64: {  	v1 =	vshrl.u32 v1, $0x1  }
0x65: {  	v1 =	vand.u32 $0xFFFFF, v1  }
0x66: {  	s6 =	sand.u32 $0x3FE0, s6;
	[tilespmem:s0+$0xFFFFE790] =	vst v1;
	v1 =	vshrl.u32 v2, $0x1  }
0x67: {  	[tilespmem:s6+$0xAB80] =	vst v1;
	v1 =	vshrl.u32 v3, $0x1  }
0x68: {  	[tilespmem:s0+$0x1850] =	vst v1  }
0x69: {  	v1 =	vld [tilespmem:s28+$0x0]  }
0x6a: {  	v2 =	vld [tilespmem:s29+$0x0]  }
0x6b: {  	v3 =	vld [tilespmem:s5+$0x0];
	_ =	sdelay $0x2  }
0x6c: {  	v1 =	vshrl.u32 v1, $0x1  }
0x6d: {  	v2 =	vshrl.u32 v2, $0x1;
	[tilespmem:s0+$0x1860] =	vst v1  }
0x6e: {  	v1 =	vshrl.u32 v3, $0x1;
	[tilespmem:s0+$0x0] =	vst v2  }
0x6f: {  	v1 =	vand.u32 $0xFFFFF, v1  }
0x70: {  	[tilespmem:s0+$0xFFFFE7A0] =	vst v1  }
0x71: {  	v1 =	vld [tilespmem:s5+$0x10]  }
0x72: {  	v2 =	vld [tilespmem:s29+$0x10]  }
0x73: {  	v3 =	vld [tilespmem:s28+$0x10];
	_ =	sdelay $0x2  }
0x74: {  	v1 =	vshrl.u32 v1, $0x1  }
.Ltmp0:
0x75: {  	v1 =	vand.u32 $0xFFFFF, v1;
	v2 =	vshrl.u32 v2, $0x1;
	(pc) =	sbr.rel @p0 .LBB2_2-.Ltmp0, $4  }
0x76: {  	[tilespmem:s0+$0xFFFFE7B0] =	vst v1  }
0x77: {  	v1 =	vshrl.u32 v3, $0x1;
	[tilespmem:s0+$0x10] =	vst v2  }
0x78: {  	[tilespmem:s6+$0xC400] =	vst v1  }
0x79: {  	v1 =	vld [tilespmem:s5+$0x20];
	s5 =	sadd.s32 $0x60, s5  }
0x7a: {  	_ = 	snop  }
0x7b: {  	v2 =	vld [tilespmem:s29+$0x20]  }
0x7c: {  	v3 =	vld [tilespmem:s4+$0x20];
	_ =	sdelay $0x1  }
0x7d: {  	v1 =	vshrl.u32 v1, $0x1  }
0x7e: {  	v1 =	vand.u32 $0xFFFFF, v1  }
0x7f: {  	v2 =	vshrl.u32 v2, $0x1;
	[tilespmem:s2+$0xFFFFE7C0] =	vst v1  }
0x80: {  	v1 =	vshrl.u32 v3, $0x1;
	[tilespmem:s2+$0x20] =	vst v2  }
0x81: {  	s0 =	simm.s32 $0x9300;
	s5 =	simm.s32 $0x12600;
	[tilespmem:s2+$0x1880] =	vst v1  }
0x82: {  	[tilespmem:s5], [sflag:$0x3] =	stream.indirect.gather [hbm4b:s1+s24], $0x1, s0, s24, $0xb8;
	[tilespmem:$0x1BD00] =	vst v63  }
0x83: {  	s6 =	simm.s32 $0x4980;
	s2 =	simm.s32 $0x0  }
0x84: {  	[tilespmem:s6], [sflag:$0x2] =	stream.linear.gather [hbm4b:s7+s2], $0x1860, $0x38;
	[tilespmem:$0x1BD00] =	vst v63  }
0x85: {  	s4 =	simm.s32 $0x6200  }
0x86: {  	[tilespmem:s4], [sflag:$0x2] =	stream.linear.gather [hbm4b:s8+s2], $0x1860, $0x38;
	[tilespmem:$0x1BD00] =	vst v63  }
0x87: {  	s5 =	simm.s32 $0x7A80  }
0x88: {  	[tilespmem:s5], [sflag:$0x2] =	stream.linear.gather [hbm4b:s9+s2], $0x1860, $0x38;
	[tilespmem:$0x1BD00] =	vst v63  }
0x89: {  	_ =	swait.ge [sflag:s31], $0x1860  }
0x8a: {  	[sflag:s31] =	ssyncset.done $0x0  }
0x8b: {  	[sflag:s31] =	ssyncadd.s32 $0xFFFFE7A0  }
0x8c: {  	_ =	swait.ge [sflag:s31], $0x1860  }
0x8d: {  	[sflag:s31] =	ssyncset.done $0x0  }
0x8e: {  	[sflag:s31] =	ssyncadd.s32 $0xFFFFE7A0  }
0x8f: {  	_ =	swait.ge [sflag:s31], $0x1860  }
0x90: {  	[sflag:s31] =	ssyncset.done $0x0  }
0x91: {  	s28 =	simm.s32 $0x7AB0;
	[sflag:s31] =	ssyncadd.s32 $0xFFFFE7A0  }
0x92: {  	s6 =	simm.s32 $0x49B0;
	v1 =	vld [tilespmem:s28+$0xFFFFFFD0]  }
0x93: {  	v2 =	vld [tilespmem:s6+$0xFFFFFFD0]  }
0x94: {  	s29 =	simm.s32 $0x6230  }
0x95: {  	v3 =	vld [tilespmem:s29+$0xFFFFFFD0];
	_ =	sdelay $0x2  }
0x96: {  	s0 =	simm.s32 $0xF510;
	v2 =	vshrl.u32 v2, $0x1;
	v1 =	vshrl.u32 v1, $0x1  }
0x97: {  	v2 =	vand.u32 $0xFFFFF, v2;
	[tilespmem:s0+$0x1830] =	vst v1  }
0x98: {  	v1 =	vshrl.u32 v3, $0x1;
	[tilespmem:s0+$0xFFFFE770] =	vst v2  }
0x99: {  	[tilespmem:s0+$0xFFFFFFD0] =	vst v1  }
0x9a: {  	v1 =	vld [tilespmem:s29+$0xFFFFFFE0]  }
0x9b: {  	v2 =	vld [tilespmem:s6+$0xFFFFFFE0];
	_ =	sdelay $0x1  }
0x9c: {  	v3 =	vld [tilespmem:s28+$0xFFFFFFE0];
	_ =	sdelay $0x2  }
0x9d: {  	v2 =	vshrl.u32 v2, $0x1;
	v1 =	vshrl.u32 v1, $0x1  }
0x9e: {  	v2 =	vand.u32 $0xFFFFF, v2;
	[tilespmem:s0+$0xFFFFFFE0] =	vst v1  }
0x9f: {  	v1 =	vshrl.u32 v3, $0x1;
	[tilespmem:s0+$0xFFFFE780] =	vst v2  }
0xa0: {  	[tilespmem:s0+$0x1840] =	vst v1  }
0xa1: {  	v1 =	vld [tilespmem:s6+$0xFFFFFFF0];
	_ =	sdelay $0x1  }
0xa2: {  	v2 =	vld [tilespmem:s29+$0xFFFFFFF0]  }
0xa3: {  	v3 =	vld [tilespmem:s28+$0xFFFFFFF0];
	_ =	sdelay $0x1  }
0xa4: {  	v1 =	vshrl.u32 v1, $0x1  }
0xa5: {  	v1 =	vand.u32 $0xFFFFF, v1  }
0xa6: {  	s2 =	sand.u32 $0x3FE0, s2;
	[tilespmem:s0+$0xFFFFE790] =	vst v1;
	v1 =	vshrl.u32 v2, $0x1  }
0xa7: {  	[tilespmem:s2+$0xF500] =	vst v1;
	v1 =	vshrl.u32 v3, $0x1  }
0xa8: {  	[tilespmem:s0+$0x1850] =	vst v1  }
0xa9: {  	v1 =	vld [tilespmem:s28+$0x0]  }
0xaa: {  	v2 =	vld [tilespmem:s29+$0x0]  }
0xab: {  	v3 =	vld [tilespmem:s6+$0x0];
	_ =	sdelay $0x3  }
0xac: {  	v1 =	vshrl.u32 v1, $0x1  }
0xad: {  	v2 =	vshrl.u32 v2, $0x1;
	[tilespmem:s0+$0x1860] =	vst v1;
	v1 =	vshrl.u32 v3, $0x1  }
0xae: {  	[tilespmem:s0+$0x0] =	vst v2;
	v1 =	vand.u32 $0xFFFFF, v1  }
0xaf: {  	[tilespmem:s0+$0xFFFFE7A0] =	vst v1  }
0xb0: {  	v1 =	vld [tilespmem:s6+$0x10]  }
0xb1: {  	v2 =	vld [tilespmem:s29+$0x10];
	_ =	sdelay $0x1  }
0xb2: {  	v3 =	vld [tilespmem:s28+$0x10];
	_ =	sdelay $0x2  }
0xb3: {  	v1 =	vshrl.u32 v1, $0x1;
	v2 =	vshrl.u32 v2, $0x1  }
0xb4: {  	v1 =	vand.u32 $0xFFFFF, v1;
	[tilespmem:s0+$0x10] =	vst v2  }
0xb5: {  	[tilespmem:s0+$0xFFFFE7B0] =	vst v1;
	v1 =	vshrl.u32 v3, $0x1  }
0xb6: {  	s30 =	simm.s32 $0x60;
	[tilespmem:s2+$0x10D80] =	vst v1  }
0xb7: {  	s4 =	simm.s32 $0x7AB0;
	s5 =	simm.s32 $0x4A10;
	s2 =	simm.s32 $0xF510;
	v1 =	vld [tilespmem:s6+$0x20]  }
.LBB2_4:
0xb8: {  	s0 =	sadd.s32 $0x60, s0  }
0xb9: {  	v2 =	vld [tilespmem:s29+$0x20];
	s28 =	sadd.s32 $0x60, s28;
	s29 =	sadd.s32 $0x60, s29;
	s6 =	smov.u32 s30  }
0xba: {  	p0 =	sne.s32 s30, $0x1800;
	s30 =	sadd.s32 $0x60, s30;
	v3 =	vld [tilespmem:s4+$0x20];
	s4 =	smov.u32 s28  }
0xbb: {  	_ =	sdelay $0x1  }
0xbc: {  	v1 =	vshrl.u32 v1, $0x1  }
0xbd: {  	v1 =	vand.u32 $0xFFFFF, v1;
	v2 =	vshrl.u32 v2, $0x1  }
0xbe: {  	[tilespmem:s2+$0xFFFFE7C0] =	vst v1;
	v1 =	vshrl.u32 v3, $0x1  }
0xbf: {  	[tilespmem:s2+$0x20] =	vst v2  }
0xc0: {  	[tilespmem:s2+$0x1880] =	vst v1;
	s2 =	smov.u32 s0  }
0xc1: {  	v1 =	vld [tilespmem:s28+$0xFFFFFFD0]  }
0xc2: {  	v2 =	vld [tilespmem:s5+$0xFFFFFFD0]  }
0xc3: {  	v3 =	vld [tilespmem:s29+$0xFFFFFFD0];
	_ =	sdelay $0x3  }
0xc4: {  	v1 =	vshrl.u32 v1, $0x1;
	v2 =	vshrl.u32 v2, $0x1  }
0xc5: {  	v2 =	vand.u32 $0xFFFFF, v2;
	v3 =	vshrl.u32 v3, $0x1;
	[tilespmem:s0+$0x1830] =	vst v1  }
0xc6: {  	[tilespmem:s0+$0xFFFFE770] =	vst v2  }
0xc7: {  	[tilespmem:s0+$0xFFFFFFD0] =	vst v3  }
0xc8: {  	v1 =	vld [tilespmem:s29+$0xFFFFFFE0]  }
0xc9: {  	v2 =	vld [tilespmem:s5+$0xFFFFFFE0]  }
0xca: {  	v3 =	vld [tilespmem:s28+$0xFFFFFFE0];
	_ =	sdelay $0x3  }
0xcb: {  	v1 =	vshrl.u32 v1, $0x1;
	v2 =	vshrl.u32 v2, $0x1  }
0xcc: {  	v2 =	vand.u32 $0xFFFFF, v2;
	[tilespmem:s0+$0xFFFFFFE0] =	vst v1;
	v1 =	vshrl.u32 v3, $0x1  }
0xcd: {  	[tilespmem:s0+$0xFFFFE780] =	vst v2  }
0xce: {  	[tilespmem:s0+$0x1840] =	vst v1  }
0xcf: {  	v1 =	vld [tilespmem:s5+$0xFFFFFFF0]  }
0xd0: {  	v2 =	vld [tilespmem:s29+$0xFFFFFFF0];
	_ =	sdelay $0x1  }
0xd1: {  	v3 =	vld [tilespmem:s28+$0xFFFFFFF0];
	_ =	sdelay $0x1  }
0xd2: {  	v1 =	vshrl.u32 v1, $0x1  }
0xd3: {  	v1 =	vand.u32 $0xFFFFF, v1  }
0xd4: {  	s6 =	sand.u32 $0x3FE0, s6;
	[tilespmem:s0+$0xFFFFE790] =	vst v1;
	v1 =	vshrl.u32 v2, $0x1  }
0xd5: {  	[tilespmem:s6+$0xF500] =	vst v1;
	v1 =	vshrl.u32 v3, $0x1  }
0xd6: {  	[tilespmem:s0+$0x1850] =	vst v1  }
0xd7: {  	v1 =	vld [tilespmem:s28+$0x0]  }
0xd8: {  	v2 =	vld [tilespmem:s29+$0x0]  }
0xd9: {  	v3 =	vld [tilespmem:s5+$0x0];
	_ =	sdelay $0x2  }
0xda: {  	v1 =	vshrl.u32 v1, $0x1  }
0xdb: {  	v2 =	vshrl.u32 v2, $0x1;
	[tilespmem:s0+$0x1860] =	vst v1  }
0xdc: {  	v1 =	vshrl.u32 v3, $0x1;
	[tilespmem:s0+$0x0] =	vst v2  }
0xdd: {  	v1 =	vand.u32 $0xFFFFF, v1  }
0xde: {  	[tilespmem:s0+$0xFFFFE7A0] =	vst v1  }
0xdf: {  	v1 =	vld [tilespmem:s5+$0x10]  }
0xe0: {  	v2 =	vld [tilespmem:s29+$0x10]  }
0xe1: {  	v3 =	vld [tilespmem:s28+$0x10];
	_ =	sdelay $0x2  }
0xe2: {  	v1 =	vshrl.u32 v1, $0x1  }
.Ltmp1:
0xe3: {  	v1 =	vand.u32 $0xFFFFF, v1;
	v2 =	vshrl.u32 v2, $0x1;
	(pc) =	sbr.rel @p0 .LBB2_4-.Ltmp1, $4  }
0xe4: {  	[tilespmem:s0+$0xFFFFE7B0] =	vst v1  }
0xe5: {  	v1 =	vshrl.u32 v3, $0x1;
	[tilespmem:s0+$0x10] =	vst v2  }
0xe6: {  	[tilespmem:s6+$0x10D80] =	vst v1  }
0xe7: {  	v1 =	vld [tilespmem:s5+$0x20];
	s5 =	sadd.s32 $0x60, s5  }
0xe8: {  	_ = 	snop  }
0xe9: {  	v2 =	vld [tilespmem:s29+$0x20]  }
0xea: {  	v3 =	vld [tilespmem:s4+$0x20];
	_ =	sdelay $0x1  }
0xeb: {  	v1 =	vshrl.u32 v1, $0x1  }
0xec: {  	v1 =	vand.u32 $0xFFFFF, v1  }
0xed: {  	v2 =	vshrl.u32 v2, $0x1;
	[tilespmem:s2+$0xFFFFE7C0] =	vst v1  }
0xee: {  	v1 =	vshrl.u32 v3, $0x1;
	[tilespmem:s2+$0x20] =	vst v2  }
0xef: {  	s0 =	simm.s32 $0xDC80;
	s6 =	simm.s32 $0x16F80;
	[tilespmem:s2+$0x1880] =	vst v1  }
0xf0: {  	[tilespmem:s6], [sflag:$0x4] =	stream.indirect.gather [hbm4b:s1+s24], $0x1, s0, s24, $0xb8;
	[tilespmem:$0x1BD00] =	vst v63  }
0xf1: {  	_ =	swait.ge [sflag:s21], $0x4920  }
0xf2: {  	[sflag:s21] =	ssyncset.done $0x0  }
0xf3: {  	s2 =	simm.s32 $0x13E90;
	[sflag:s21] =	ssyncadd.s32 $0xFFFFB6E0  }
0xf4: {  	s0 =	simm.s32 $0x30;
	v1 =	vld [tilespmem:s2+$0xFFFFE7A0]  }
0xf5: {  	s6 =	simm.s32 $0x18B0;
	v6 =	vld [tilespmem:s0+$0xFFFFFFF0]  }
0xf6: {  	s28 =	simm.s32 $0x3130;
	v4 =	vld [tilespmem:s6+$0xFFFFFFF0]  }
0xf7: {  	v5 =	vld [tilespmem:s28+$0xFFFFFFD0]  }
0xf8: {  	v7 =	vld [tilespmem:s2+$0x1830]  }
0xf9: {  	v8 =	vld [tilespmem:s6+$0xFFFFFFD0]  }
0xfa: {  	v9 =	vld [tilespmem:s2+$0xFFFFE770]  }
0xfb: {  	v10 =	vld [tilespmem:s2+$0xFFFFFFD0]  }
0xfc: {  	v11 =	vld [tilespmem:s0+$0xFFFFFFD0]  }
0xfd: {  	v12 =	vld [tilespmem:s0+$0xFFFFFFE0]  }
0xfe: {  	v13 =	vld [tilespmem:s6+$0xFFFFFFE0]  }
0xff: {  	v14 =	vld [tilespmem:s2+$0xFFFFE780]  }
0x100: {  	v15 =	vld [tilespmem:s2+$0xFFFFFFE0]  }
0x101: {  	v21 =	vld [tilespmem:s2+$0x0]  }
0x102: {  	v17 =	vimm.f32 $0.0e+00;
	s5 =	simm.s32 $0x0;
	v16 =	vld [tilespmem:s2+$0x1840];
	v2 =	vsub.f32 $1.000000000e+00, v1  }
0x103: {  	s5 =	sand.u32 $0x3FE0, s5;
	v3 =	vld [tilespmem:s0+$0x0];
	v18 =	vsub.f32 $1.000000000e+00, v10;
	v19 =	vand.u32 $0x1, v12;
	v20 =	vand.u32 $0x1, v11  }
0x104: {  	v25 =	vld [tilespmem:s5+$0x13E80];
	v22 =	vsub.f32 $1.000000000e+00, v7;
	v13 =	vand.u32 $0x1, v13;
	v23 =	vsub.f32 $1.000000000e+00, v14  }
0x105: {  	v29 =	vld [tilespmem:s28+$0x0];
	v24 =	vsub.f32 $1.000000000e+00, v9;
	v8 =	vand.u32 $0x1, v8;
	v5 =	vand.u32 $0x1, v5  }
0x106: {  	v26 =	vsub.f32 $1.000000000e+00, v21;
	v28 =	vand.u32 $0x1, v4;
	v4 =	vld [tilespmem:s2+$0x20];
	vm0 =	veq.s32 v19, $0x0  }
0x107: {  	v19 =	vld [tilespmem:s2+$0xFFFFE790];
	vm1 =	veq.s32 v13, $0x0;
	v13 =	vsub.f32 $1.000000000e+00, v15;
	vm2 =	veq.s32 v20, $0x0  }
0x108: {  	vm4 =	veq.s32 v28, $0x0;
	v23 =	vsel vm0, v23, v14;
	vm0 =	veq.s32 v8, $0x0;
	v8 =	vld [tilespmem:s28+$0xFFFFFFF0]  }
0x109: {  	v9 =	vsel vm2, v24, v9;
	v10 =	vsel vm0, v18, v10;
	v24 =	vsel vm1, v13, v15;
	v13 =	vld [tilespmem:s6+$0x0]  }
0x10a: {  	v20 =	vld [tilespmem:s2+$0x1850];
	vm0 =	veq.s32 v5, $0x0;
	v15 =	vand.u32 $0x1, v6;
	v18 =	vsub.f32 $1.000000000e+00, v25  }
0x10b: {  	v14 =	vld [tilespmem:s28+$0xFFFFFFE0];
	v10 =	vmul.f32 v10, v9;
	v9 =	vand.u32 $0x1, v3;
	vm1 =	veq.s32 v15, $0x0  }
0x10c: {  	v5 =	vld [tilespmem:s5+$0x15700];
	v7 =	vsel vm0, v22, v7;
	vm0 =	vlt.s32 v11, $0x200000;
	v22 =	vsub.f32 $1.000000000e+00, v16  }
0x10d: {  	v15 =	vld [tilespmem:s2+$0x1860];
	v18 =	vsel vm4, v18, v25;
	v10 =	vmul.f32 v7, v10;
	v8 =	vand.u32 $0x1, v8  }
0x10e: {  	v11 =	vld [tilespmem:s2+$0xFFFFE7B0];
	v27 =	vsub.f32 $1.000000000e+00, v19;
	vm2 =	veq.s32 v8, $0x0;
	v8 =	vand.u32 $0x1, v13  }
0x10f: {  	v13 =	vsub.f32 $1.000000000e+00, v20;
	v25 =	vnsel vm0, $0x0, v10;
	v10 =	vld [tilespmem:s0+$0x20];
	vm3 =	veq.s32 v8, $0x0  }
0x110: {  	v23 =	vmul.f32 v24, v23;
	v30 =	vand.u32 $0x1, v14;
	v14 =	vsel vm3, v26, v21;
	v26 =	vld [tilespmem:s6+$0x10]  }
0x111: {  	v19 =	vsel vm1, v27, v19;
	v20 =	vsel vm2, v13, v20;
	vm2 =	vlt.s32 v6, $0x200000;
	v6 =	vld [tilespmem:s2+$0x1880]  }
0x112: {  	v7 =	vsub.f32 $1.000000000e+00, v4;
	vm1 =	veq.s32 v30, $0x0;
	v21 =	vmul.f32 v18, v19;
	v19 =	vld [tilespmem:s2+$0x10]  }
0x113: {  	vm0 =	vlt.s32 v12, $0x200000;
	v8 =	vsub.f32 $1.000000000e+00, v5;
	v27 =	vsel vm1, v22, v16;
	v22 =	vld [tilespmem:s28+$0x10]  }
0x114: {  	v24 =	vsub.f32 $1.000000000e+00, v11;
	v13 =	vld [tilespmem:s0+$0x10];
	v18 =	vand.u32 $0x1, v29;
	v16 =	vmul.f32 v20, v21  }
0x115: {  	vm1 =	veq.s32 v18, $0x0;
	v18 =	vld [tilespmem:s28+$0x20];
	v21 =	vsub.f32 $1.000000000e+00, v15;
	v20 =	vadd.f32 v25, v17  }
0x116: {  	s29 =	simm.s32 $0x13EF0;
	v17 =	vnsel vm2, $0x0, v16;
	v16 =	vld [tilespmem:s2+$0xFFFFE7C0];
	v25 =	vand.u32 $0x1, v26;
	v12 =	vsub.f32 $1.000000000e+00, v6  }
0x117: {  	s30 =	simm.s32 $0x1910;
	s5 =	simm.s32 $0x60;
	s0 =	simm.s32 $0x90;
	v26 =	vmul.f32 v27, v23;
	v23 =	vld [tilespmem:s6+$0x20];
	vm2 =	veq.s32 v25, $0x0;
	v25 =	vsub.f32 $1.000000000e+00, v19  }
.LBB2_6:
0x118: {  	s2 =	smov.u32 s5  }
0x119: {  	s4 =	sand.u32 $0x3FE0, s5;
	v27 =	vld [tilespmem:s29+$0xFFFFE7A0];
	vm3 =	veq.s32 v9, $0x0;
	v9 =	vsel vm1, v21, v15;
	v15 =	vand.u32 $0x1, v13;
	s28 =	sadd.s32 $0x60, s28;
	s2 =	sadd.s32 $0x60, s5  }
0x11a: {  	p0 =	sne.s32 s5, $0x1800;
	vm1 =	vlt.s32 v3, $0x200000;
	v1 =	vsel vm3, v2, v1;
	vm3 =	veq.s32 v15, $0x0;
	v21 =	vld [tilespmem:s0+$0xFFFFFFF0]  }
0x11b: {  	v2 =	vnsel vm0, $0x0, v26;
	v3 =	vsel vm2, v25, v19;
	v26 =	vmul.f32 v14, v1;
	v15 =	vld [tilespmem:s30+$0xFFFFFFF0]  }
0x11c: {  	vm0 =	vlt.s32 v13, $0x200000;
	v13 =	vand.u32 $0x1, v18;
	v11 =	vsel vm3, v24, v11;
	v14 =	vld [tilespmem:s28+$0xFFFFFFD0]  }
0x11d: {  	v19 =	vadd.f32 v2, v20;
	v24 =	vand.u32 $0x1, v22;
	v2 =	vmul.f32 v9, v26;
	v18 =	vld [tilespmem:s29+$0x1830]  }
0x11e: {  	v20 =	vand.u32 $0x1, v10;
	vm2 =	veq.s32 v24, $0x0;
	v22 =	vsub.f32 $1.000000000e+00, v16;
	v1 =	vmovc v27;
	v9 =	vld [tilespmem:s30+$0xFFFFFFD0]  }
0x11f: {  	v5 =	vsel vm2, v8, v5;
	v8 =	vand.u32 $0x1, v23;
	v25 =	vnsel vm1, $0x0, v2;
	v24 =	vld [tilespmem:s29+$0xFFFFE770]  }
0x120: {  	v3 =	vmul.f32 v3, v11;
	v2 =	vsub.f32 $1.000000000e+00, v1;
	vm1 =	veq.s32 v20, $0x0;
	v23 =	vld [tilespmem:s29+$0xFFFFFFD0]  }
0x121: {  	v17 =	vadd.f32 v17, v19;
	v16 =	vsel vm1, v22, v16;
	vm1 =	vlt.s32 v10, $0x200000;
	v11 =	vld [tilespmem:s0+$0xFFFFFFD0]  }
0x122: {  	vm3 =	veq.s32 v13, $0x0;
	v3 =	vmul.f32 v5, v3;
	vm2 =	veq.s32 v8, $0x0;
	v22 =	vld [tilespmem:s0+$0xFFFFFFE0]  }
0x123: {  	v6 =	vsel vm3, v12, v6;
	v4 =	vsel vm2, v7, v4;
	v8 =	vadd.f32 v25, v17;
	v5 =	vld [tilespmem:s30+$0xFFFFFFE0]  }
0x124: {  	v3 =	vnsel vm0, $0x0, v3;
	v4 =	vmul.f32 v4, v16;
	v7 =	vld [tilespmem:s29+$0xFFFFE780]  }
0x125: {  	v8 =	vadd.f32 v3, v8;
	v10 =	vld [tilespmem:s29+$0xFFFFFFE0]  }
0x126: {  	v4 =	vmul.f32 v6, v4;
	v12 =	vsub.f32 $1.000000000e+00, v23;
	v16 =	vld [tilespmem:s29+$0x1840]  }
0x127: {  	v6 =	vand.u32 $0x1, v22;
	v3 =	vld [tilespmem:s0+$0x0]  }
0x128: {  	v17 =	vsub.f32 $1.000000000e+00, v18;
	v4 =	vnsel vm1, $0x0, v4;
	v13 =	vand.u32 $0x1, v11;
	v19 =	vld [tilespmem:s29+$0x0]  }
0x129: {  	vm0 =	veq.s32 v6, $0x0;
	v5 =	vand.u32 $0x1, v5;
	v6 =	vsub.f32 $1.000000000e+00, v7;
	v20 =	vld [tilespmem:s29+$0xFFFFE790]  }
0x12a: {  	v25 =	vsub.f32 $1.000000000e+00, v24;
	vm1 =	veq.s32 v5, $0x0;
	v5 =	vsub.f32 $1.000000000e+00, v10;
	v26 =	vld [tilespmem:s4+$0x13E80]  }
0x12b: {  	v9 =	vand.u32 $0x1, v9;
	vm2 =	veq.s32 v13, $0x0;
	v27 =	vsel vm0, v6, v7;
	v6 =	vld [tilespmem:s29+$0x1850]  }
0x12c: {  	v7 =	vsel vm2, v25, v24;
	vm0 =	veq.s32 v9, $0x0;
	v24 =	vadd.f32 v4, v8;
	v13 =	vld [tilespmem:s28+$0xFFFFFFF0]  }
0x12d: {  	v8 =	vand.u32 $0x1, v14;
	v4 =	vsel vm0, v12, v23;
	v10 =	vsel vm1, v5, v10;
	v12 =	vld [tilespmem:s30+$0x0]  }
0x12e: {  	vm0 =	veq.s32 v8, $0x0;
	v9 =	vand.u32 $0x1, v3;
	v7 =	vmul.f32 v4, v7;
	v8 =	vld [tilespmem:s28+$0xFFFFFFE0]  }
0x12f: {  	v4 =	vand.u32 $0x1, v21;
	v14 =	vsub.f32 $1.000000000e+00, v19;
	v23 =	vsub.f32 $1.000000000e+00, v26;
	v5 =	vld [tilespmem:s4+$0x15700]  }
0x130: {  	v28 =	vand.u32 $0x1, v15;
	vm1 =	veq.s32 v4, $0x0;
	v25 =	vsub.f32 $1.000000000e+00, v20;
	v29 =	vld [tilespmem:s28+$0x0]  }
0x131: {  	v17 =	vsel vm0, v17, v18;
	vm0 =	vlt.s32 v11, $0x200000;
	v11 =	vand.u32 $0x1, v13;
	v4 =	vld [tilespmem:s29+$0x20]  }
0x132: {  	v18 =	vsub.f32 $1.000000000e+00, v16;
	vm2 =	veq.s32 v11, $0x0;
	v15 =	vld [tilespmem:s29+$0x1860];
	v11 =	vand.u32 $0x1, v12  }
0x133: {  	v13 =	vsub.f32 $1.000000000e+00, v6;
	v12 =	vand.u32 $0x1, v8;
	vm3 =	veq.s32 v11, $0x0;
	v11 =	vld [tilespmem:s29+$0xFFFFE7B0]  }
0x134: {  	vm4 =	veq.s32 v28, $0x0;
	v14 =	vsel vm3, v14, v19;
	v28 =	vld [tilespmem:s30+$0x10];
	v8 =	vsub.f32 $1.000000000e+00, v5  }
0x135: {  	v19 =	vsel vm1, v25, v20;
	v20 =	vsel vm2, v13, v6;
	vm2 =	vlt.s32 v21, $0x200000;
	v13 =	vld [tilespmem:s0+$0x10]  }
0x136: {  	v17 =	vmul.f32 v17, v7;
	v21 =	vsel vm4, v23, v26;
	v6 =	vld [tilespmem:s29+$0x1880];
	v7 =	vsub.f32 $1.000000000e+00, v4  }
0x137: {  	vm1 =	veq.s32 v12, $0x0;
	v12 =	vmul.f32 v21, v19;
	v21 =	vand.u32 $0x1, v29;
	v19 =	vld [tilespmem:s29+$0x10]  }
.Ltmp2:
0x138: {  	v17 =	vnsel vm0, $0x0, v17;
	v23 =	vsel vm1, v18, v16;
	vm1 =	veq.s32 v21, $0x0;
	v18 =	vld [tilespmem:s28+$0x20];
	(pc) =	sbr.rel @p0 .LBB2_6-.Ltmp2, $4  }
0x139: {  	v25 =	vmul.f32 v10, v27;
	v12 =	vmul.f32 v20, v12;
	v21 =	vsub.f32 $1.000000000e+00, v15;
	v10 =	vld [tilespmem:s0+$0x20]  }
0x13a: {  	vm0 =	vlt.s32 v22, $0x200000;
	v20 =	vadd.f32 v17, v24;
	v24 =	vsub.f32 $1.000000000e+00, v11;
	v22 =	vld [tilespmem:s28+$0x10]  }
0x13b: {  	s5 =	smov.u32 s2;
	v17 =	vnsel vm2, $0x0, v12;
	v27 =	vand.u32 $0x1, v28;
	v16 =	vld [tilespmem:s29+$0xFFFFE7C0];
	v12 =	vsub.f32 $1.000000000e+00, v6  }
0x13c: {  	v26 =	vmul.f32 v23, v25;
	s0 =	sadd.s32 $0x60, s0;
	vm2 =	veq.s32 v27, $0x0;
	s29 =	sadd.s32 $0x60, s29;
	v25 =	vsub.f32 $1.000000000e+00, v19;
	v23 =	vld [tilespmem:s30+$0x20];
	s30 =	sadd.s32 $0x60, s30  }
0x13d: {  	s2 =	simm.s32 $0x0  }
0x13e: {  	[tilespmem:s2], [sflag:$0x1] =	stream.linear.gather [hbm4b:s10+s2], $0x1860, $0x38;
	[tilespmem:$0x1BD00] =	vst v63  }
0x13f: {  	s0 =	simm.s32 $0x1880  }
0x140: {  	[tilespmem:s0], [sflag:$0x1] =	stream.linear.gather [hbm4b:s11+s2], $0x1860, $0x38;
	[tilespmem:$0x1BD00] =	vst v63  }
0x141: {  	s5 =	simm.s32 $0x3100  }
0x142: {  	[tilespmem:s5], [sflag:$0x1] =	stream.linear.gather [hbm4b:s12+s2], $0x1860, $0x38;
	[tilespmem:$0x1BD00] =	vst v63  }
0x143: {  	_ =	swait.ge [sflag:s23], $0x1860  }
0x144: {  	[sflag:s23] =	ssyncset.done $0x0  }
0x145: {  	[sflag:s23] =	ssyncadd.s32 $0xFFFFE7A0  }
0x146: {  	_ =	swait.ge [sflag:s23], $0x1860  }
0x147: {  	[sflag:s23] =	ssyncset.done $0x0  }
0x148: {  	[sflag:s23] =	ssyncadd.s32 $0xFFFFE7A0  }
0x149: {  	_ =	swait.ge [sflag:s23], $0x1860  }
0x14a: {  	[sflag:s23] =	ssyncset.done $0x0  }
0x14b: {  	s28 =	simm.s32 $0x3130;
	[sflag:s23] =	ssyncadd.s32 $0xFFFFE7A0  }
0x14c: {  	s6 =	simm.s32 $0x30;
	v27 =	vld [tilespmem:s28+$0xFFFFFFD0]  }
0x14d: {  	s29 =	simm.s32 $0x18B0;
	v28 =	vld [tilespmem:s6+$0xFFFFFFD0]  }
0x14e: {  	v29 =	vld [tilespmem:s29+$0xFFFFFFD0];
	_ =	sdelay $0x3  }
0x14f: {  	s30 =	simm.s32 $0xAB90;
	v27 =	vshrl.u32 v27, $0x1  }
0x150: {  	v28 =	vshrl.u32 v28, $0x1;
	v48 =	vshrl.u32 v29, $0x1;
	[tilespmem:s30+$0x1830] =	vst v27  }
0x151: {  	v28 =	vand.u32 $0xFFFFF, v28;
	[tilespmem:s30+$0xFFFFFFD0] =	vst v48  }
0x152: {  	[tilespmem:s30+$0xFFFFE770] =	vst v28  }
0x153: {  	v27 =	vld [tilespmem:s29+$0xFFFFFFE0]  }
0x154: {  	v28 =	vld [tilespmem:s6+$0xFFFFFFE0]  }
0x155: {  	v49 =	vld [tilespmem:s28+$0xFFFFFFE0];
	_ =	sdelay $0x3  }
0x156: {  	v27 =	vshrl.u32 v27, $0x1  }
0x157: {  	v28 =	vshrl.u32 v28, $0x1;
	v50 =	vshrl.u32 v49, $0x1;
	[tilespmem:s30+$0xFFFFFFE0] =	vst v27  }
0x158: {  	v28 =	vand.u32 $0xFFFFF, v28;
	[tilespmem:s30+$0x1840] =	vst v50  }
0x159: {  	[tilespmem:s30+$0xFFFFE780] =	vst v28  }
0x15a: {  	v27 =	vld [tilespmem:s6+$0xFFFFFFF0];
	_ =	sdelay $0x1  }
0x15b: {  	v28 =	vld [tilespmem:s29+$0xFFFFFFF0]  }
0x15c: {  	v51 =	vld [tilespmem:s28+$0xFFFFFFF0];
	_ =	sdelay $0x1  }
0x15d: {  	v27 =	vshrl.u32 v27, $0x1  }
0x15e: {  	v27 =	vand.u32 $0xFFFFF, v27  }
0x15f: {  	s4 =	sand.u32 $0x3FE0, s2;
	v52 =	vshrl.u32 v28, $0x1;
	[tilespmem:s30+$0xFFFFE790] =	vst v27  }
0x160: {  	v53 =	vshrl.u32 v51, $0x1;
	[tilespmem:s4+$0xAB80] =	vst v52  }
0x161: {  	[tilespmem:s30+$0x1850] =	vst v53  }
0x162: {  	v27 =	vld [tilespmem:s28+$0x0]  }
0x163: {  	v54 =	vld [tilespmem:s29+$0x0]  }
0x164: {  	v55 =	vld [tilespmem:s6+$0x0];
	_ =	sdelay $0x1  }
0x165: {  	vm3 =	veq.s32 v9, $0x0;
	v56 =	vsel vm1, v21, v15;
	vm8 =	vlt.s32 v3, $0x200000  }
0x166: {  	vm10 =	vlt.s32 v13, $0x200000;
	v1 =	vsel vm3, v2, v1;
	v2 =	vand.u32 $0x1, v13  }
0x167: {  	v58 =	vsel vm2, v25, v19;
	v61 =	vand.u32 $0x1, v10;
	v3 =	vshrl.u32 v27, $0x1  }
0x168: {  	vm9 =	veq.s32 v2, $0x0;
	v57 =	vshrl.u32 v54, $0x1;
	[tilespmem:s30+$0x1860] =	vst v3;
	v3 =	vshrl.u32 v55, $0x1  }
0x169: {  	v2 =	vnsel vm0, $0x0, v26;
	v1 =	vmul.f32 v14, v1;
	[tilespmem:s30+$0x0] =	vst v57;
	v3 =	vand.u32 $0xFFFFF, v3  }
0x16a: {  	v59 =	vand.u32 $0x1, v22;
	vm12 =	veq.s32 v61, $0x0;
	v11 =	vsel vm9, v24, v11;
	[tilespmem:s30+$0xFFFFE7A0] =	vst v3  }
0x16b: {  	v2 =	vadd.f32 v2, v20;
	vm11 =	veq.s32 v59, $0x0;
	v62 =	vsub.f32 $1.000000000e+00, v16;
	v60 =	vld [tilespmem:s6+$0x10]  }
0x16c: {  	v1 =	vmul.f32 v56, v1;
	v5 =	vsel vm11, v8, v5;
	v8 =	vand.u32 $0x1, v23;
	v63 =	vld [tilespmem:s29+$0x10]  }
0x16d: {  	v11 =	vmul.f32 v58, v11;
	v2 =	vadd.f32 v17, v2;
	vm13 =	veq.s32 v8, $0x0  }
0x16e: {  	v13 =	vsel vm12, v62, v16;
	v4 =	vsel vm13, v7, v4;
	v3 =	vand.u32 $0x1, v18;
	v8 =	vld [tilespmem:s28+$0x10]  }
0x16f: {  	v1 =	vnsel vm8, $0x0, v1;
	vm14 =	veq.s32 v3, $0x0;
	v3 =	vmul.f32 v4, v13  }
0x170: {  	v5 =	vmul.f32 v5, v11;
	v1 =	vadd.f32 v1, v2;
	v2 =	vsel vm14, v12, v6  }
0x171: {  	v2 =	vmul.f32 v2, v3;
	v4 =	vshrl.u32 v60, $0x1;
	v3 =	vshrl.u32 v63, $0x1  }
0x172: {  	v5 =	vnsel vm10, $0x0, v5;
	v4 =	vand.u32 $0xFFFFF, v4;
	[tilespmem:s30+$0x10] =	vst v3  }
0x173: {  	vm15 =	vlt.s32 v10, $0x200000;
	v1 =	vadd.f32 v5, v1;
	v3 =	vshrl.u32 v8, $0x1;
	[tilespmem:s30+$0xFFFFE7B0] =	vst v4  }
0x174: {  	s0 =	simm.s32 $0xAB90;
	v2 =	vnsel vm15, $0x0, v2;
	[tilespmem:s4+$0xC400] =	vst v3  }
0x175: {  	s2 =	simm.s32 $0x60;
	s5 =	simm.s32 $0x90;
	v6 =	vadd.f32 v2, v1;
	s4 =	simm.s32 $0x3130;
	v1 =	vld [tilespmem:s6+$0x20]  }
.LBB2_8:
0x176: {  	s30 =	sadd.s32 $0x60, s30  }
0x177: {  	v2 =	vld [tilespmem:s29+$0x20];
	s28 =	sadd.s32 $0x60, s28;
	s29 =	sadd.s32 $0x60, s29;
	s6 =	smov.u32 s2  }
0x178: {  	p0 =	sne.s32 s2, $0x1800;
	s2 =	sadd.s32 $0x60, s2;
	v3 =	vld [tilespmem:s4+$0x20];
	s4 =	smov.u32 s28  }
0x179: {  	_ =	sdelay $0x1  }
0x17a: {  	v1 =	vshrl.u32 v1, $0x1  }
0x17b: {  	v1 =	vand.u32 $0xFFFFF, v1;
	v2 =	vshrl.u32 v2, $0x1  }
0x17c: {  	[tilespmem:s0+$0xFFFFE7C0] =	vst v1;
	v1 =	vshrl.u32 v3, $0x1  }
0x17d: {  	[tilespmem:s0+$0x20] =	vst v2  }
0x17e: {  	[tilespmem:s0+$0x1880] =	vst v1;
	s0 =	smov.u32 s30  }
0x17f: {  	v1 =	vld [tilespmem:s28+$0xFFFFFFD0]  }
0x180: {  	v2 =	vld [tilespmem:s5+$0xFFFFFFD0]  }
0x181: {  	v3 =	vld [tilespmem:s29+$0xFFFFFFD0];
	_ =	sdelay $0x3  }
0x182: {  	v1 =	vshrl.u32 v1, $0x1;
	v2 =	vshrl.u32 v2, $0x1  }
0x183: {  	v2 =	vand.u32 $0xFFFFF, v2;
	v3 =	vshrl.u32 v3, $0x1;
	[tilespmem:s30+$0x1830] =	vst v1  }
0x184: {  	[tilespmem:s30+$0xFFFFE770] =	vst v2  }
0x185: {  	[tilespmem:s30+$0xFFFFFFD0] =	vst v3  }
0x186: {  	v1 =	vld [tilespmem:s29+$0xFFFFFFE0]  }
0x187: {  	v2 =	vld [tilespmem:s5+$0xFFFFFFE0]  }
0x188: {  	v3 =	vld [tilespmem:s28+$0xFFFFFFE0];
	_ =	sdelay $0x3  }
0x189: {  	v1 =	vshrl.u32 v1, $0x1;
	v2 =	vshrl.u32 v2, $0x1  }
0x18a: {  	v2 =	vand.u32 $0xFFFFF, v2;
	[tilespmem:s30+$0xFFFFFFE0] =	vst v1;
	v1 =	vshrl.u32 v3, $0x1  }
0x18b: {  	[tilespmem:s30+$0xFFFFE780] =	vst v2  }
0x18c: {  	[tilespmem:s30+$0x1840] =	vst v1  }
0x18d: {  	v1 =	vld [tilespmem:s5+$0xFFFFFFF0]  }
0x18e: {  	v2 =	vld [tilespmem:s29+$0xFFFFFFF0];
	_ =	sdelay $0x1  }
0x18f: {  	v3 =	vld [tilespmem:s28+$0xFFFFFFF0];
	_ =	sdelay $0x1  }
0x190: {  	v1 =	vshrl.u32 v1, $0x1  }
0x191: {  	v1 =	vand.u32 $0xFFFFF, v1  }
0x192: {  	s6 =	sand.u32 $0x3FE0, s6;
	[tilespmem:s30+$0xFFFFE790] =	vst v1;
	v1 =	vshrl.u32 v2, $0x1  }
0x193: {  	[tilespmem:s6+$0xAB80] =	vst v1;
	v1 =	vshrl.u32 v3, $0x1  }
0x194: {  	[tilespmem:s30+$0x1850] =	vst v1  }
0x195: {  	v1 =	vld [tilespmem:s28+$0x0]  }
0x196: {  	v2 =	vld [tilespmem:s29+$0x0]  }
0x197: {  	v3 =	vld [tilespmem:s5+$0x0];
	_ =	sdelay $0x2  }
0x198: {  	v1 =	vshrl.u32 v1, $0x1  }
0x199: {  	v2 =	vshrl.u32 v2, $0x1;
	[tilespmem:s30+$0x1860] =	vst v1  }
0x19a: {  	v1 =	vshrl.u32 v3, $0x1;
	[tilespmem:s30+$0x0] =	vst v2  }
0x19b: {  	v1 =	vand.u32 $0xFFFFF, v1  }
0x19c: {  	[tilespmem:s30+$0xFFFFE7A0] =	vst v1  }
0x19d: {  	v1 =	vld [tilespmem:s5+$0x10]  }
0x19e: {  	v2 =	vld [tilespmem:s29+$0x10]  }
0x19f: {  	v3 =	vld [tilespmem:s28+$0x10];
	_ =	sdelay $0x2  }
0x1a0: {  	v1 =	vshrl.u32 v1, $0x1  }
.Ltmp3:
0x1a1: {  	v1 =	vand.u32 $0xFFFFF, v1;
	v2 =	vshrl.u32 v2, $0x1;
	(pc) =	sbr.rel @p0 .LBB2_8-.Ltmp3, $4  }
0x1a2: {  	[tilespmem:s30+$0xFFFFE7B0] =	vst v1  }
0x1a3: {  	v1 =	vshrl.u32 v3, $0x1;
	[tilespmem:s30+$0x10] =	vst v2  }
0x1a4: {  	[tilespmem:s6+$0xC400] =	vst v1  }
0x1a5: {  	v1 =	vld [tilespmem:s5+$0x20];
	s5 =	sadd.s32 $0x60, s5  }
0x1a6: {  	_ = 	snop  }
0x1a7: {  	v2 =	vld [tilespmem:s29+$0x20]  }
0x1a8: {  	v3 =	vld [tilespmem:s4+$0x20];
	_ =	sdelay $0x1  }
0x1a9: {  	v1 =	vshrl.u32 v1, $0x1  }
0x1aa: {  	v1 =	vand.u32 $0xFFFFF, v1  }
0x1ab: {  	v2 =	vshrl.u32 v2, $0x1;
	[tilespmem:s0+$0xFFFFE7C0] =	vst v1  }
0x1ac: {  	v1 =	vshrl.u32 v3, $0x1;
	[tilespmem:s0+$0x20] =	vst v2  }
0x1ad: {  	s6 =	simm.s32 $0x9300;
	s2 =	simm.s32 $0x12600;
	[tilespmem:s0+$0x1880] =	vst v1  }
0x1ae: {  	[tilespmem:s2], [sflag:$0x3] =	stream.indirect.gather [hbm4b:s1+s24], $0x1, s6, s24, $0xb8;
	[tilespmem:$0x1BD00] =	vst v63  }
0x1af: {  	_ =	swait.ge [sflag:s22], $0x4920  }
0x1b0: {  	[sflag:s22] =	ssyncset.done $0x0  }
0x1b1: {  	s2 =	simm.s32 $0x18810;
	[sflag:s22] =	ssyncadd.s32 $0xFFFFB6E0  }
0x1b2: {  	s0 =	simm.s32 $0x49B0;
	v1 =	vld [tilespmem:s2+$0xFFFFE7A0]  }
0x1b3: {  	s6 =	simm.s32 $0x6230;
	v7 =	vld [tilespmem:s0+$0xFFFFFFF0]  }
0x1b4: {  	s28 =	simm.s32 $0x7AB0;
	v4 =	vld [tilespmem:s6+$0xFFFFFFF0]  }
0x1b5: {  	v5 =	vld [tilespmem:s28+$0xFFFFFFD0]  }
0x1b6: {  	v8 =	vld [tilespmem:s2+$0x1830]  }
0x1b7: {  	v9 =	vld [tilespmem:s6+$0xFFFFFFD0]  }
0x1b8: {  	v10 =	vld [tilespmem:s2+$0xFFFFE770]  }
0x1b9: {  	v11 =	vld [tilespmem:s2+$0xFFFFFFD0]  }
0x1ba: {  	v12 =	vld [tilespmem:s0+$0xFFFFFFD0]  }
0x1bb: {  	v16 =	vld [tilespmem:s0+$0xFFFFFFE0]  }
0x1bc: {  	v13 =	vld [tilespmem:s6+$0xFFFFFFE0]  }
0x1bd: {  	v14 =	vld [tilespmem:s2+$0xFFFFE780]  }
0x1be: {  	v15 =	vld [tilespmem:s2+$0xFFFFFFE0]  }
0x1bf: {  	v21 =	vld [tilespmem:s2+$0x0]  }
0x1c0: {  	s5 =	simm.s32 $0x0;
	v17 =	vld [tilespmem:s2+$0x1840];
	v2 =	vsub.f32 $1.000000000e+00, v1  }
0x1c1: {  	s5 =	sand.u32 $0x3FE0, s5;
	v3 =	vld [tilespmem:s0+$0x0];
	v18 =	vsub.f32 $1.000000000e+00, v11;
	v19 =	vand.u32 $0x1, v16;
	v20 =	vand.u32 $0x1, v12  }
0x1c2: {  	v25 =	vld [tilespmem:s5+$0x18800];
	v22 =	vsub.f32 $1.000000000e+00, v8;
	v13 =	vand.u32 $0x1, v13;
	v23 =	vsub.f32 $1.000000000e+00, v14  }
0x1c3: {  	v29 =	vld [tilespmem:s28+$0x0];
	v24 =	vsub.f32 $1.000000000e+00, v10;
	v9 =	vand.u32 $0x1, v9;
	v5 =	vand.u32 $0x1, v5  }
0x1c4: {  	v26 =	vsub.f32 $1.000000000e+00, v21;
	v28 =	vand.u32 $0x1, v4;
	v4 =	vld [tilespmem:s2+$0x20];
	vm0 =	veq.s32 v19, $0x0  }
0x1c5: {  	v19 =	vld [tilespmem:s2+$0xFFFFE790];
	vm1 =	veq.s32 v13, $0x0;
	v13 =	vsub.f32 $1.000000000e+00, v15;
	vm2 =	veq.s32 v20, $0x0  }
0x1c6: {  	vm4 =	veq.s32 v28, $0x0;
	v23 =	vsel vm0, v23, v14;
	vm0 =	veq.s32 v9, $0x0;
	v9 =	vld [tilespmem:s28+$0xFFFFFFF0]  }
0x1c7: {  	v10 =	vsel vm2, v24, v10;
	v11 =	vsel vm0, v18, v11;
	v24 =	vsel vm1, v13, v15;
	v13 =	vld [tilespmem:s6+$0x0]  }
0x1c8: {  	v20 =	vld [tilespmem:s2+$0x1850];
	vm0 =	veq.s32 v5, $0x0;
	v15 =	vand.u32 $0x1, v7;
	v18 =	vsub.f32 $1.000000000e+00, v25  }
0x1c9: {  	v14 =	vld [tilespmem:s28+$0xFFFFFFE0];
	v11 =	vmul.f32 v11, v10;
	v10 =	vand.u32 $0x1, v3;
	vm1 =	veq.s32 v15, $0x0  }
0x1ca: {  	v5 =	vld [tilespmem:s5+$0x1A080];
	v8 =	vsel vm0, v22, v8;
	vm0 =	vlt.s32 v12, $0x200000;
	v22 =	vsub.f32 $1.000000000e+00, v17  }
0x1cb: {  	v15 =	vld [tilespmem:s2+$0x1860];
	v18 =	vsel vm4, v18, v25;
	v11 =	vmul.f32 v8, v11;
	v9 =	vand.u32 $0x1, v9  }
0x1cc: {  	v12 =	vld [tilespmem:s2+$0xFFFFE7B0];
	v27 =	vsub.f32 $1.000000000e+00, v19;
	vm2 =	veq.s32 v9, $0x0;
	v9 =	vand.u32 $0x1, v13  }
0x1cd: {  	v13 =	vsub.f32 $1.000000000e+00, v20;
	v25 =	vnsel vm0, $0x0, v11;
	v11 =	vld [tilespmem:s0+$0x20];
	vm3 =	veq.s32 v9, $0x0  }
0x1ce: {  	v23 =	vmul.f32 v24, v23;
	v30 =	vand.u32 $0x1, v14;
	v14 =	vsel vm3, v26, v21;
	v26 =	vld [tilespmem:s6+$0x10]  }
0x1cf: {  	v19 =	vsel vm1, v27, v19;
	v20 =	vsel vm2, v13, v20;
	vm2 =	vlt.s32 v7, $0x200000;
	v7 =	vld [tilespmem:s2+$0x1880]  }
0x1d0: {  	v8 =	vsub.f32 $1.000000000e+00, v4;
	vm1 =	veq.s32 v30, $0x0;
	v21 =	vmul.f32 v18, v19;
	v19 =	vld [tilespmem:s2+$0x10]  }
0x1d1: {  	vm0 =	vlt.s32 v16, $0x200000;
	v16 =	vld [tilespmem:s2+$0xFFFFE7C0];
	v9 =	vsub.f32 $1.000000000e+00, v5;
	v27 =	vsel vm1, v22, v17  }
0x1d2: {  	v24 =	vsub.f32 $1.000000000e+00, v12;
	v13 =	vld [tilespmem:s0+$0x10];
	v18 =	vand.u32 $0x1, v29;
	v17 =	vmul.f32 v20, v21  }
0x1d3: {  	v22 =	vld [tilespmem:s28+$0x10];
	vm1 =	veq.s32 v18, $0x0;
	v21 =	vsub.f32 $1.000000000e+00, v15;
	v20 =	vadd.f32 v25, v6  }
0x1d4: {  	s29 =	simm.s32 $0x18870;
	v18 =	vld [tilespmem:s28+$0x20];
	v17 =	vnsel vm2, $0x0, v17;
	v25 =	vand.u32 $0x1, v26;
	v6 =	vsub.f32 $1.000000000e+00, v7  }
0x1d5: {  	s30 =	simm.s32 $0x6290;
	s5 =	simm.s32 $0x60;
	s0 =	simm.s32 $0x4A10;
	v26 =	vmul.f32 v27, v23;
	v23 =	vld [tilespmem:s6+$0x20];
	vm2 =	veq.s32 v25, $0x0;
	v25 =	vsub.f32 $1.000000000e+00, v19  }
.LBB2_10:
0x1d6: {  	s2 =	smov.u32 s5  }
0x1d7: {  	s4 =	sand.u32 $0x3FE0, s5;
	v27 =	vld [tilespmem:s29+$0xFFFFE7A0];
	vm3 =	veq.s32 v10, $0x0;
	v10 =	vsel vm1, v21, v15;
	v15 =	vand.u32 $0x1, v13;
	s28 =	sadd.s32 $0x60, s28;
	s2 =	sadd.s32 $0x60, s5  }
0x1d8: {  	p0 =	sne.s32 s5, $0x1800;
	vm1 =	vlt.s32 v3, $0x200000;
	v1 =	vsel vm3, v2, v1;
	vm3 =	veq.s32 v15, $0x0;
	v21 =	vld [tilespmem:s0+$0xFFFFFFF0]  }
0x1d9: {  	v2 =	vnsel vm0, $0x0, v26;
	v3 =	vsel vm2, v25, v19;
	v26 =	vmul.f32 v14, v1;
	v15 =	vld [tilespmem:s30+$0xFFFFFFF0]  }
0x1da: {  	vm0 =	vlt.s32 v13, $0x200000;
	v13 =	vand.u32 $0x1, v18;
	v12 =	vsel vm3, v24, v12;
	v14 =	vld [tilespmem:s28+$0xFFFFFFD0]  }
0x1db: {  	v19 =	vadd.f32 v2, v20;
	v24 =	vand.u32 $0x1, v22;
	v2 =	vmul.f32 v10, v26;
	v18 =	vld [tilespmem:s29+$0x1830]  }
0x1dc: {  	v20 =	vand.u32 $0x1, v11;
	vm2 =	veq.s32 v24, $0x0;
	v22 =	vsub.f32 $1.000000000e+00, v16;
	v1 =	vmovc v27;
	v10 =	vld [tilespmem:s30+$0xFFFFFFD0]  }
0x1dd: {  	v5 =	vsel vm2, v9, v5;
	v9 =	vand.u32 $0x1, v23;
	v25 =	vnsel vm1, $0x0, v2;
	v24 =	vld [tilespmem:s29+$0xFFFFE770]  }
0x1de: {  	v3 =	vmul.f32 v3, v12;
	v2 =	vsub.f32 $1.000000000e+00, v1;
	vm1 =	veq.s32 v20, $0x0;
	v23 =	vld [tilespmem:s29+$0xFFFFFFD0]  }
0x1df: {  	v17 =	vadd.f32 v17, v19;
	v16 =	vsel vm1, v22, v16;
	vm1 =	vlt.s32 v11, $0x200000;
	v12 =	vld [tilespmem:s0+$0xFFFFFFD0]  }
0x1e0: {  	vm3 =	veq.s32 v13, $0x0;
	v3 =	vmul.f32 v5, v3;
	vm2 =	veq.s32 v9, $0x0;
	v22 =	vld [tilespmem:s0+$0xFFFFFFE0]  }
0x1e1: {  	v6 =	vsel vm3, v6, v7;
	v4 =	vsel vm2, v8, v4;
	v9 =	vadd.f32 v25, v17;
	v5 =	vld [tilespmem:s30+$0xFFFFFFE0]  }
0x1e2: {  	v3 =	vnsel vm0, $0x0, v3;
	v4 =	vmul.f32 v4, v16;
	v7 =	vld [tilespmem:s29+$0xFFFFE780]  }
0x1e3: {  	v9 =	vadd.f32 v3, v9;
	v8 =	vld [tilespmem:s29+$0xFFFFFFE0]  }
0x1e4: {  	v4 =	vmul.f32 v6, v4;
	v11 =	vsub.f32 $1.000000000e+00, v23;
	v16 =	vld [tilespmem:s29+$0x1840]  }
0x1e5: {  	v6 =	vand.u32 $0x1, v22;
	v3 =	vld [tilespmem:s0+$0x0]  }
0x1e6: {  	v17 =	vsub.f32 $1.000000000e+00, v18;
	v4 =	vnsel vm1, $0x0, v4;
	v13 =	vand.u32 $0x1, v12;
	v19 =	vld [tilespmem:s29+$0x0]  }
0x1e7: {  	vm0 =	veq.s32 v6, $0x0;
	v5 =	vand.u32 $0x1, v5;
	v6 =	vsub.f32 $1.000000000e+00, v7;
	v20 =	vld [tilespmem:s29+$0xFFFFE790]  }
0x1e8: {  	v25 =	vsub.f32 $1.000000000e+00, v24;
	vm1 =	veq.s32 v5, $0x0;
	v5 =	vsub.f32 $1.000000000e+00, v8;
	v26 =	vld [tilespmem:s4+$0x18800]  }
0x1e9: {  	v10 =	vand.u32 $0x1, v10;
	vm2 =	veq.s32 v13, $0x0;
	v6 =	vsel vm0, v6, v7;
	v7 =	vld [tilespmem:s29+$0x1850]  }
0x1ea: {  	v13 =	vsel vm2, v25, v24;
	v25 =	vadd.f32 v4, v9;
	vm0 =	veq.s32 v10, $0x0;
	v24 =	vld [tilespmem:s28+$0xFFFFFFF0]  }
0x1eb: {  	v9 =	vand.u32 $0x1, v14;
	v4 =	vsel vm0, v11, v23;
	v11 =	vsel vm1, v5, v8;
	v8 =	vld [tilespmem:s30+$0x0]  }
0x1ec: {  	vm0 =	veq.s32 v9, $0x0;
	v10 =	vand.u32 $0x1, v3;
	v23 =	vmul.f32 v4, v13;
	v9 =	vld [tilespmem:s28+$0xFFFFFFE0]  }
0x1ed: {  	v4 =	vand.u32 $0x1, v21;
	v13 =	vsub.f32 $1.000000000e+00, v19;
	v27 =	vsub.f32 $1.000000000e+00, v26;
	v5 =	vld [tilespmem:s4+$0x1A080]  }
0x1ee: {  	v14 =	vand.u32 $0x1, v15;
	vm1 =	veq.s32 v4, $0x0;
	v28 =	vsub.f32 $1.000000000e+00, v20;
	v29 =	vld [tilespmem:s28+$0x0]  }
0x1ef: {  	v17 =	vsel vm0, v17, v18;
	vm0 =	vlt.s32 v12, $0x200000;
	v12 =	vand.u32 $0x1, v24;
	v4 =	vld [tilespmem:s29+$0x20]  }
0x1f0: {  	v18 =	vsub.f32 $1.000000000e+00, v16;
	vm2 =	veq.s32 v12, $0x0;
	v15 =	vld [tilespmem:s29+$0x1860];
	v8 =	vand.u32 $0x1, v8  }
0x1f1: {  	v30 =	vsub.f32 $1.000000000e+00, v7;
	v24 =	vand.u32 $0x1, v9;
	vm3 =	veq.s32 v8, $0x0;
	v12 =	vld [tilespmem:s29+$0xFFFFE7B0]  }
0x1f2: {  	vm4 =	veq.s32 v14, $0x0;
	v14 =	vsel vm3, v13, v19;
	v31 =	vld [tilespmem:s30+$0x10];
	v9 =	vsub.f32 $1.000000000e+00, v5  }
0x1f3: {  	v19 =	vsel vm1, v28, v20;
	v20 =	vsel vm2, v30, v7;
	vm2 =	vlt.s32 v21, $0x200000;
	v13 =	vld [tilespmem:s0+$0x10]  }
0x1f4: {  	v17 =	vmul.f32 v17, v23;
	v21 =	vsel vm4, v27, v26;
	v7 =	vld [tilespmem:s29+$0x1880];
	v8 =	vsub.f32 $1.000000000e+00, v4  }
0x1f5: {  	vm1 =	veq.s32 v24, $0x0;
	v21 =	vmul.f32 v21, v19;
	v23 =	vand.u32 $0x1, v29;
	v19 =	vld [tilespmem:s29+$0x10]  }
.Ltmp4:
0x1f6: {  	v17 =	vnsel vm0, $0x0, v17;
	v26 =	vsel vm1, v18, v16;
	vm1 =	veq.s32 v23, $0x0;
	v18 =	vld [tilespmem:s28+$0x20];
	(pc) =	sbr.rel @p0 .LBB2_10-.Ltmp4, $4  }
0x1f7: {  	v23 =	vmul.f32 v11, v6;
	v6 =	vmul.f32 v20, v21;
	v21 =	vsub.f32 $1.000000000e+00, v15;
	v11 =	vld [tilespmem:s0+$0x20]  }
0x1f8: {  	vm0 =	vlt.s32 v22, $0x200000;
	v20 =	vadd.f32 v17, v25;
	v24 =	vsub.f32 $1.000000000e+00, v12;
	v22 =	vld [tilespmem:s28+$0x10]  }
0x1f9: {  	s5 =	smov.u32 s2;
	v17 =	vnsel vm2, $0x0, v6;
	v25 =	vand.u32 $0x1, v31;
	v16 =	vld [tilespmem:s29+$0xFFFFE7C0];
	v6 =	vsub.f32 $1.000000000e+00, v7  }
0x1fa: {  	v26 =	vmul.f32 v26, v23;
	s0 =	sadd.s32 $0x60, s0;
	vm2 =	veq.s32 v25, $0x0;
	s29 =	sadd.s32 $0x60, s29;
	v25 =	vsub.f32 $1.000000000e+00, v19;
	v23 =	vld [tilespmem:s30+$0x20];
	s30 =	sadd.s32 $0x60, s30  }
0x1fb: {  	s2 =	simm.s32 $0x0;
	s0 =	simm.s32 $0x4980  }
0x1fc: {  	[tilespmem:s0], [sflag:$0x2] =	stream.linear.gather [hbm4b:s13+s2], $0x1860, $0x38;
	[tilespmem:$0x1BD00] =	vst v63  }
0x1fd: {  	s4 =	simm.s32 $0x6200  }
0x1fe: {  	[tilespmem:s4], [sflag:$0x2] =	stream.linear.gather [hbm4b:s14+s2], $0x1860, $0x38;
	[tilespmem:$0x1BD00] =	vst v63  }
0x1ff: {  	s5 =	simm.s32 $0x7A80  }
0x200: {  	[tilespmem:s5], [sflag:$0x2] =	stream.linear.gather [hbm4b:s15+s2], $0x1860, $0x38;
	[tilespmem:$0x1BD00] =	vst v63  }
0x201: {  	_ =	swait.ge [sflag:s31], $0x1860  }
0x202: {  	[sflag:s31] =	ssyncset.done $0x0  }
0x203: {  	[sflag:s31] =	ssyncadd.s32 $0xFFFFE7A0  }
0x204: {  	_ =	swait.ge [sflag:s31], $0x1860  }
0x205: {  	[sflag:s31] =	ssyncset.done $0x0  }
0x206: {  	[sflag:s31] =	ssyncadd.s32 $0xFFFFE7A0  }
0x207: {  	_ =	swait.ge [sflag:s31], $0x1860  }
0x208: {  	[sflag:s31] =	ssyncset.done $0x0  }
0x209: {  	s28 =	simm.s32 $0x7AB0;
	[sflag:s31] =	ssyncadd.s32 $0xFFFFE7A0  }
0x20a: {  	s6 =	simm.s32 $0x49B0;
	v27 =	vld [tilespmem:s28+$0xFFFFFFD0]  }
0x20b: {  	s29 =	simm.s32 $0x6230;
	v28 =	vld [tilespmem:s6+$0xFFFFFFD0]  }
0x20c: {  	v29 =	vld [tilespmem:s29+$0xFFFFFFD0];
	_ =	sdelay $0x3  }
0x20d: {  	s30 =	simm.s32 $0xF510;
	v27 =	vshrl.u32 v27, $0x1  }
0x20e: {  	v28 =	vshrl.u32 v28, $0x1;
	v45 =	vshrl.u32 v29, $0x1;
	[tilespmem:s30+$0x1830] =	vst v27  }
0x20f: {  	v28 =	vand.u32 $0xFFFFF, v28;
	[tilespmem:s30+$0xFFFFFFD0] =	vst v45  }
0x210: {  	[tilespmem:s30+$0xFFFFE770] =	vst v28  }
0x211: {  	v27 =	vld [tilespmem:s29+$0xFFFFFFE0]  }
0x212: {  	v28 =	vld [tilespmem:s6+$0xFFFFFFE0]  }
0x213: {  	v46 =	vld [tilespmem:s28+$0xFFFFFFE0];
	_ =	sdelay $0x3  }
0x214: {  	v27 =	vshrl.u32 v27, $0x1  }
0x215: {  	v28 =	vshrl.u32 v28, $0x1;
	v47 =	vshrl.u32 v46, $0x1;
	[tilespmem:s30+$0xFFFFFFE0] =	vst v27  }
0x216: {  	v28 =	vand.u32 $0xFFFFF, v28;
	[tilespmem:s30+$0x1840] =	vst v47  }
0x217: {  	[tilespmem:s30+$0xFFFFE780] =	vst v28  }
0x218: {  	v27 =	vld [tilespmem:s6+$0xFFFFFFF0];
	_ =	sdelay $0x1  }
0x219: {  	v28 =	vld [tilespmem:s29+$0xFFFFFFF0]  }
0x21a: {  	v48 =	vld [tilespmem:s28+$0xFFFFFFF0];
	_ =	sdelay $0x1  }
0x21b: {  	v27 =	vshrl.u32 v27, $0x1  }
0x21c: {  	v27 =	vand.u32 $0xFFFFF, v27  }
0x21d: {  	s4 =	sand.u32 $0x3FE0, s2;
	v49 =	vshrl.u32 v28, $0x1;
	[tilespmem:s30+$0xFFFFE790] =	vst v27  }
0x21e: {  	v50 =	vshrl.u32 v48, $0x1;
	[tilespmem:s4+$0xF500] =	vst v49  }
0x21f: {  	[tilespmem:s30+$0x1850] =	vst v50  }
0x220: {  	v27 =	vld [tilespmem:s28+$0x0]  }
0x221: {  	v51 =	vld [tilespmem:s29+$0x0]  }
0x222: {  	v52 =	vld [tilespmem:s6+$0x0];
	_ =	sdelay $0x1  }
0x223: {  	vm3 =	veq.s32 v10, $0x0;
	v53 =	vsel vm1, v21, v15;
	vm8 =	vlt.s32 v3, $0x200000  }
0x224: {  	vm10 =	vlt.s32 v13, $0x200000;
	v1 =	vsel vm3, v2, v1;
	v2 =	vand.u32 $0x1, v13  }
0x225: {  	v55 =	vsel vm2, v25, v19;
	v58 =	vand.u32 $0x1, v11;
	v3 =	vshrl.u32 v27, $0x1  }
0x226: {  	vm9 =	veq.s32 v2, $0x0;
	v54 =	vshrl.u32 v51, $0x1;
	[tilespmem:s30+$0x1860] =	vst v3;
	v3 =	vshrl.u32 v52, $0x1  }
0x227: {  	v2 =	vnsel vm0, $0x0, v26;
	v1 =	vmul.f32 v14, v1;
	[tilespmem:s30+$0x0] =	vst v54;
	v3 =	vand.u32 $0xFFFFF, v3  }
0x228: {  	v56 =	vand.u32 $0x1, v22;
	vm12 =	veq.s32 v58, $0x0;
	v12 =	vsel vm9, v24, v12;
	[tilespmem:s30+$0xFFFFE7A0] =	vst v3  }
0x229: {  	v2 =	vadd.f32 v2, v20;
	vm11 =	veq.s32 v56, $0x0;
	v59 =	vsub.f32 $1.000000000e+00, v16;
	v57 =	vld [tilespmem:s6+$0x10]  }
0x22a: {  	v1 =	vmul.f32 v53, v1;
	v5 =	vsel vm11, v9, v5;
	v60 =	vand.u32 $0x1, v23;
	v61 =	vld [tilespmem:s29+$0x10]  }
0x22b: {  	v12 =	vmul.f32 v55, v12;
	v2 =	vadd.f32 v17, v2;
	vm13 =	veq.s32 v60, $0x0  }
0x22c: {  	v13 =	vsel vm12, v59, v16;
	v4 =	vsel vm13, v8, v4;
	v3 =	vand.u32 $0x1, v18;
	v62 =	vld [tilespmem:s28+$0x10]  }
0x22d: {  	v1 =	vnsel vm8, $0x0, v1;
	vm14 =	veq.s32 v3, $0x0;
	v3 =	vmul.f32 v4, v13  }
0x22e: {  	v5 =	vmul.f32 v5, v12;
	v1 =	vadd.f32 v1, v2;
	v2 =	vsel vm14, v6, v7  }
0x22f: {  	v2 =	vmul.f32 v2, v3;
	v63 =	vshrl.u32 v57, $0x1;
	v3 =	vshrl.u32 v61, $0x1  }
0x230: {  	v5 =	vnsel vm10, $0x0, v5;
	v4 =	vand.u32 $0xFFFFF, v63;
	[tilespmem:s30+$0x10] =	vst v3  }
0x231: {  	vm15 =	vlt.s32 v11, $0x200000;
	v1 =	vadd.f32 v5, v1;
	v3 =	vshrl.u32 v62, $0x1;
	[tilespmem:s30+$0xFFFFE7B0] =	vst v4  }
0x232: {  	s0 =	simm.s32 $0xF510;
	v2 =	vnsel vm15, $0x0, v2;
	[tilespmem:s4+$0x10D80] =	vst v3  }
0x233: {  	s2 =	simm.s32 $0x60;
	s5 =	simm.s32 $0x4A10;
	v1 =	vadd.f32 v2, v1;
	s4 =	simm.s32 $0x7AB0;
	v2 =	vld [tilespmem:s6+$0x20]  }
.LBB2_12:
0x234: {  	s30 =	sadd.s32 $0x60, s30  }
0x235: {  	v3 =	vld [tilespmem:s29+$0x20];
	s28 =	sadd.s32 $0x60, s28;
	s29 =	sadd.s32 $0x60, s29;
	s6 =	smov.u32 s2  }
0x236: {  	p0 =	sne.s32 s2, $0x1800;
	s2 =	sadd.s32 $0x60, s2;
	v4 =	vld [tilespmem:s4+$0x20];
	s4 =	smov.u32 s28  }
0x237: {  	_ =	sdelay $0x1  }
0x238: {  	v2 =	vshrl.u32 v2, $0x1  }
0x239: {  	v2 =	vand.u32 $0xFFFFF, v2;
	v3 =	vshrl.u32 v3, $0x1  }
0x23a: {  	[tilespmem:s0+$0xFFFFE7C0] =	vst v2;
	v2 =	vshrl.u32 v4, $0x1  }
0x23b: {  	[tilespmem:s0+$0x20] =	vst v3  }
0x23c: {  	[tilespmem:s0+$0x1880] =	vst v2;
	s0 =	smov.u32 s30  }
0x23d: {  	v2 =	vld [tilespmem:s28+$0xFFFFFFD0]  }
0x23e: {  	v3 =	vld [tilespmem:s5+$0xFFFFFFD0]  }
0x23f: {  	v4 =	vld [tilespmem:s29+$0xFFFFFFD0];
	_ =	sdelay $0x3  }
0x240: {  	v2 =	vshrl.u32 v2, $0x1;
	v3 =	vshrl.u32 v3, $0x1  }
0x241: {  	v3 =	vand.u32 $0xFFFFF, v3;
	v4 =	vshrl.u32 v4, $0x1;
	[tilespmem:s30+$0x1830] =	vst v2  }
0x242: {  	[tilespmem:s30+$0xFFFFE770] =	vst v3  }
0x243: {  	[tilespmem:s30+$0xFFFFFFD0] =	vst v4  }
0x244: {  	v2 =	vld [tilespmem:s29+$0xFFFFFFE0]  }
0x245: {  	v3 =	vld [tilespmem:s5+$0xFFFFFFE0]  }
0x246: {  	v4 =	vld [tilespmem:s28+$0xFFFFFFE0];
	_ =	sdelay $0x3  }
0x247: {  	v2 =	vshrl.u32 v2, $0x1;
	v3 =	vshrl.u32 v3, $0x1  }
0x248: {  	v3 =	vand.u32 $0xFFFFF, v3;
	[tilespmem:s30+$0xFFFFFFE0] =	vst v2;
	v2 =	vshrl.u32 v4, $0x1  }
0x249: {  	[tilespmem:s30+$0xFFFFE780] =	vst v3  }
0x24a: {  	[tilespmem:s30+$0x1840] =	vst v2  }
0x24b: {  	v2 =	vld [tilespmem:s5+$0xFFFFFFF0]  }
0x24c: {  	v3 =	vld [tilespmem:s29+$0xFFFFFFF0];
	_ =	sdelay $0x1  }
0x24d: {  	v4 =	vld [tilespmem:s28+$0xFFFFFFF0];
	_ =	sdelay $0x1  }
0x24e: {  	v2 =	vshrl.u32 v2, $0x1  }
0x24f: {  	v2 =	vand.u32 $0xFFFFF, v2  }
0x250: {  	s6 =	sand.u32 $0x3FE0, s6;
	[tilespmem:s30+$0xFFFFE790] =	vst v2;
	v2 =	vshrl.u32 v3, $0x1  }
0x251: {  	[tilespmem:s6+$0xF500] =	vst v2;
	v2 =	vshrl.u32 v4, $0x1  }
0x252: {  	[tilespmem:s30+$0x1850] =	vst v2  }
0x253: {  	v2 =	vld [tilespmem:s28+$0x0]  }
0x254: {  	v3 =	vld [tilespmem:s29+$0x0]  }
0x255: {  	v4 =	vld [tilespmem:s5+$0x0];
	_ =	sdelay $0x2  }
0x256: {  	v2 =	vshrl.u32 v2, $0x1  }
0x257: {  	v3 =	vshrl.u32 v3, $0x1;
	[tilespmem:s30+$0x1860] =	vst v2  }
0x258: {  	v2 =	vshrl.u32 v4, $0x1;
	[tilespmem:s30+$0x0] =	vst v3  }
0x259: {  	v2 =	vand.u32 $0xFFFFF, v2  }
0x25a: {  	[tilespmem:s30+$0xFFFFE7A0] =	vst v2  }
0x25b: {  	v2 =	vld [tilespmem:s5+$0x10]  }
0x25c: {  	v3 =	vld [tilespmem:s29+$0x10]  }
0x25d: {  	v4 =	vld [tilespmem:s28+$0x10];
	_ =	sdelay $0x2  }
0x25e: {  	v2 =	vshrl.u32 v2, $0x1  }
.Ltmp5:
0x25f: {  	v2 =	vand.u32 $0xFFFFF, v2;
	v3 =	vshrl.u32 v3, $0x1;
	(pc) =	sbr.rel @p0 .LBB2_12-.Ltmp5, $4  }
0x260: {  	[tilespmem:s30+$0xFFFFE7B0] =	vst v2  }
0x261: {  	v2 =	vshrl.u32 v4, $0x1;
	[tilespmem:s30+$0x10] =	vst v3  }
0x262: {  	[tilespmem:s6+$0x10D80] =	vst v2  }
0x263: {  	v2 =	vld [tilespmem:s5+$0x20];
	s5 =	sadd.s32 $0x60, s5  }
0x264: {  	_ = 	snop  }
0x265: {  	v3 =	vld [tilespmem:s29+$0x20]  }
0x266: {  	v4 =	vld [tilespmem:s4+$0x20];
	_ =	sdelay $0x1  }
0x267: {  	v2 =	vshrl.u32 v2, $0x1  }
0x268: {  	v2 =	vand.u32 $0xFFFFF, v2  }
0x269: {  	v3 =	vshrl.u32 v3, $0x1;
	[tilespmem:s0+$0xFFFFE7C0] =	vst v2  }
0x26a: {  	v2 =	vshrl.u32 v4, $0x1;
	[tilespmem:s0+$0x20] =	vst v3  }
0x26b: {  	s6 =	simm.s32 $0xDC80;
	s2 =	simm.s32 $0x16F80;
	[tilespmem:s0+$0x1880] =	vst v2  }
0x26c: {  	[tilespmem:s2], [sflag:$0x4] =	stream.indirect.gather [hbm4b:s1+s24], $0x1, s6, s24, $0xb8;
	[tilespmem:$0x1BD00] =	vst v63  }
0x26d: {  	_ =	swait.ge [sflag:s21], $0x4920  }
0x26e: {  	[sflag:s21] =	ssyncset.done $0x0  }
0x26f: {  	s2 =	simm.s32 $0x13E90;
	[sflag:s21] =	ssyncadd.s32 $0xFFFFB6E0  }
0x270: {  	s0 =	simm.s32 $0x30;
	v2 =	vld [tilespmem:s2+$0xFFFFE7A0]  }
0x271: {  	s6 =	simm.s32 $0x18B0;
	v7 =	vld [tilespmem:s0+$0xFFFFFFF0]  }
0x272: {  	s28 =	simm.s32 $0x3130;
	v5 =	vld [tilespmem:s6+$0xFFFFFFF0]  }
0x273: {  	v6 =	vld [tilespmem:s28+$0xFFFFFFD0]  }
0x274: {  	v8 =	vld [tilespmem:s2+$0x1830]  }
0x275: {  	v9 =	vld [tilespmem:s6+$0xFFFFFFD0]  }
0x276: {  	v10 =	vld [tilespmem:s2+$0xFFFFE770]  }
0x277: {  	v11 =	vld [tilespmem:s2+$0xFFFFFFD0]  }
0x278: {  	v12 =	vld [tilespmem:s0+$0xFFFFFFD0]  }
0x279: {  	v14 =	vld [tilespmem:s0+$0xFFFFFFE0]  }
0x27a: {  	v13 =	vld [tilespmem:s6+$0xFFFFFFE0]  }
0x27b: {  	v15 =	vld [tilespmem:s2+$0xFFFFE780]  }
0x27c: {  	v16 =	vld [tilespmem:s2+$0xFFFFFFE0]  }
0x27d: {  	v17 =	vld [tilespmem:s2+$0x1840]  }
0x27e: {  	s5 =	simm.s32 $0x0;
	v4 =	vld [tilespmem:s0+$0x0];
	v3 =	vsub.f32 $1.000000000e+00, v2  }
0x27f: {  	s5 =	sand.u32 $0x3FE0, s5;
	v21 =	vld [tilespmem:s2+$0x0];
	v18 =	vsub.f32 $1.000000000e+00, v11;
	v19 =	vand.u32 $0x1, v14;
	v20 =	vand.u32 $0x1, v12  }
0x280: {  	v25 =	vld [tilespmem:s5+$0x13E80];
	v22 =	vsub.f32 $1.000000000e+00, v8;
	v13 =	vand.u32 $0x1, v13;
	v23 =	vsub.f32 $1.000000000e+00, v15  }
0x281: {  	v24 =	vsub.f32 $1.000000000e+00, v10;
	v9 =	vand.u32 $0x1, v9;
	vm0 =	veq.s32 v19, $0x0;
	v19 =	vld [tilespmem:s2+$0xFFFFE790]  }
0x282: {  	vm1 =	veq.s32 v13, $0x0;
	v13 =	vsub.f32 $1.000000000e+00, v16;
	vm2 =	veq.s32 v20, $0x0;
	v20 =	vld [tilespmem:s2+$0x1850]  }
0x283: {  	v6 =	vand.u32 $0x1, v6;
	v23 =	vsel vm0, v23, v15;
	vm0 =	veq.s32 v9, $0x0;
	v9 =	vld [tilespmem:s28+$0xFFFFFFF0]  }
0x284: {  	v10 =	vsel vm2, v24, v10;
	v11 =	vsel vm0, v18, v11;
	v18 =	vsel vm1, v13, v16;
	v13 =	vld [tilespmem:s6+$0x0]  }
0x285: {  	v26 =	vsub.f32 $1.000000000e+00, v25;
	v15 =	vand.u32 $0x1, v7;
	v24 =	vmul.f32 v11, v10;
	v11 =	vld [tilespmem:s28+$0xFFFFFFE0]  }
0x286: {  	v29 =	vld [tilespmem:s28+$0x0];
	v27 =	vsub.f32 $1.000000000e+00, v21;
	vm0 =	veq.s32 v6, $0x0;
	vm1 =	veq.s32 v15, $0x0  }
0x287: {  	v6 =	vld [tilespmem:s5+$0x15700];
	v15 =	vand.u32 $0x1, v5;
	v10 =	vand.u32 $0x1, v4;
	v8 =	vsel vm0, v22, v8  }
0x288: {  	v5 =	vld [tilespmem:s2+$0x20];
	vm0 =	vlt.s32 v12, $0x200000;
	v12 =	vsub.f32 $1.000000000e+00, v17;
	v9 =	vand.u32 $0x1, v9  }
0x289: {  	v16 =	vld [tilespmem:s2+$0x1860];
	v23 =	vmul.f32 v18, v23;
	v28 =	vsub.f32 $1.000000000e+00, v19;
	vm2 =	veq.s32 v9, $0x0  }
0x28a: {  	v18 =	vld [tilespmem:s2+$0xFFFFE7C0];
	v9 =	vand.u32 $0x1, v13;
	v22 =	vand.u32 $0x1, v11;
	v11 =	vsub.f32 $1.000000000e+00, v20  }
0x28b: {  	vm4 =	veq.s32 v15, $0x0;
	v13 =	vld [tilespmem:s2+$0xFFFFE7B0];
	v19 =	vsel vm1, v28, v19;
	vm3 =	veq.s32 v9, $0x0  }
0x28c: {  	v9 =	vsub.f32 $1.000000000e+00, v6;
	v15 =	vsel vm3, v27, v21;
	v27 =	vld [tilespmem:s6+$0x10];
	v21 =	vsel vm2, v11, v20  }
0x28d: {  	vm2 =	vlt.s32 v7, $0x200000;
	v20 =	vmul.f32 v8, v24;
	v24 =	vsel vm4, v26, v25;
	v7 =	vld [tilespmem:s2+$0x1880]  }
0x28e: {  	vm1 =	veq.s32 v22, $0x0;
	v8 =	vsub.f32 $1.000000000e+00, v5;
	v22 =	vmul.f32 v24, v19;
	v19 =	vld [tilespmem:s2+$0x10]  }
0x28f: {  	v11 =	vld [tilespmem:s0+$0x10];
	v28 =	vsel vm1, v12, v17;
	v25 =	vsub.f32 $1.000000000e+00, v16;
	v24 =	vand.u32 $0x1, v29  }
0x290: {  	v12 =	vld [tilespmem:s0+$0x20];
	v26 =	vnsel vm0, $0x0, v20;
	vm1 =	veq.s32 v24, $0x0;
	v17 =	vmul.f32 v21, v22  }
0x291: {  	v20 =	vld [tilespmem:s28+$0x20];
	vm0 =	vlt.s32 v14, $0x200000;
	v24 =	vsub.f32 $1.000000000e+00, v13;
	v21 =	vadd.f32 v26, v1  }
0x292: {  	s29 =	simm.s32 $0x13EF0;
	v22 =	vld [tilespmem:s28+$0x10];
	v1 =	vand.u32 $0x1, v27;
	v27 =	vmul.f32 v28, v23;
	v17 =	vnsel vm2, $0x0, v17  }
0x293: {  	s30 =	simm.s32 $0x1910;
	s5 =	simm.s32 $0x60;
	s0 =	simm.s32 $0x90;
	v23 =	vld [tilespmem:s6+$0x20];
	v14 =	vsub.f32 $1.000000000e+00, v7;
	vm2 =	veq.s32 v1, $0x0;
	v26 =	vsub.f32 $1.000000000e+00, v19  }
.LBB2_14:
0x294: {  	s2 =	smov.u32 s5  }
0x295: {  	s4 =	sand.u32 $0x3FE0, s5;
	v28 =	vld [tilespmem:s29+$0xFFFFE7A0];
	vm3 =	veq.s32 v10, $0x0;
	v10 =	vsel vm1, v25, v16;
	v16 =	vand.u32 $0x1, v11;
	s28 =	sadd.s32 $0x60, s28;
	s2 =	sadd.s32 $0x60, s5  }
0x296: {  	p0 =	sne.s32 s5, $0x1800;
	vm1 =	vlt.s32 v4, $0x200000;
	v2 =	vsel vm3, v3, v2;
	vm3 =	veq.s32 v16, $0x0;
	v1 =	vld [tilespmem:s0+$0xFFFFFFF0]  }
0x297: {  	v3 =	vnsel vm0, $0x0, v27;
	v4 =	vsel vm2, v26, v19;
	v25 =	vmul.f32 v15, v2;
	v16 =	vld [tilespmem:s30+$0xFFFFFFF0]  }
0x298: {  	vm0 =	vlt.s32 v11, $0x200000;
	v11 =	vand.u32 $0x1, v20;
	v13 =	vsel vm3, v24, v13;
	v15 =	vld [tilespmem:s28+$0xFFFFFFD0]  }
0x299: {  	v20 =	vadd.f32 v3, v21;
	v24 =	vand.u32 $0x1, v22;
	v3 =	vmul.f32 v10, v25;
	v19 =	vld [tilespmem:s29+$0x1830]  }
0x29a: {  	v21 =	vand.u32 $0x1, v12;
	vm2 =	veq.s32 v24, $0x0;
	v22 =	vsub.f32 $1.000000000e+00, v18;
	v2 =	vmovc v28;
	v10 =	vld [tilespmem:s30+$0xFFFFFFD0]  }
0x29b: {  	v6 =	vsel vm2, v9, v6;
	v9 =	vand.u32 $0x1, v23;
	v25 =	vnsel vm1, $0x0, v3;
	v24 =	vld [tilespmem:s29+$0xFFFFE770]  }
0x29c: {  	v4 =	vmul.f32 v4, v13;
	v3 =	vsub.f32 $1.000000000e+00, v2;
	vm1 =	veq.s32 v21, $0x0;
	v23 =	vld [tilespmem:s29+$0xFFFFFFD0]  }
0x29d: {  	v17 =	vadd.f32 v17, v20;
	v18 =	vsel vm1, v22, v18;
	vm1 =	vlt.s32 v12, $0x200000;
	v13 =	vld [tilespmem:s0+$0xFFFFFFD0]  }
0x29e: {  	vm3 =	veq.s32 v11, $0x0;
	v4 =	vmul.f32 v6, v4;
	vm2 =	veq.s32 v9, $0x0;
	v22 =	vld [tilespmem:s0+$0xFFFFFFE0]  }
0x29f: {  	v7 =	vsel vm3, v14, v7;
	v5 =	vsel vm2, v8, v5;
	v9 =	vadd.f32 v25, v17;
	v6 =	vld [tilespmem:s30+$0xFFFFFFE0]  }
0x2a0: {  	v4 =	vnsel vm0, $0x0, v4;
	v5 =	vmul.f32 v5, v18;
	v8 =	vld [tilespmem:s29+$0xFFFFE780]  }
0x2a1: {  	v9 =	vadd.f32 v4, v9;
	v11 =	vld [tilespmem:s29+$0xFFFFFFE0]  }
0x2a2: {  	v5 =	vmul.f32 v7, v5;
	v12 =	vsub.f32 $1.000000000e+00, v23;
	v14 =	vld [tilespmem:s29+$0x1840]  }
0x2a3: {  	v7 =	vand.u32 $0x1, v22;
	v4 =	vld [tilespmem:s0+$0x0]  }
0x2a4: {  	v18 =	vsub.f32 $1.000000000e+00, v19;
	v5 =	vnsel vm1, $0x0, v5;
	v17 =	vand.u32 $0x1, v13;
	v20 =	vld [tilespmem:s29+$0x0]  }
0x2a5: {  	vm0 =	veq.s32 v7, $0x0;
	v6 =	vand.u32 $0x1, v6;
	v7 =	vsub.f32 $1.000000000e+00, v8;
	v21 =	vld [tilespmem:s29+$0xFFFFE790]  }
0x2a6: {  	v25 =	vsub.f32 $1.000000000e+00, v24;
	vm1 =	veq.s32 v6, $0x0;
	v6 =	vsub.f32 $1.000000000e+00, v11;
	v26 =	vld [tilespmem:s4+$0x13E80]  }
0x2a7: {  	v10 =	vand.u32 $0x1, v10;
	vm2 =	veq.s32 v17, $0x0;
	v17 =	vsel vm0, v7, v8;
	v7 =	vld [tilespmem:s29+$0x1850]  }
0x2a8: {  	v27 =	vadd.f32 v5, v9;
	v8 =	vsel vm2, v25, v24;
	vm0 =	veq.s32 v10, $0x0;
	v24 =	vld [tilespmem:s28+$0xFFFFFFF0]  }
0x2a9: {  	v9 =	vand.u32 $0x1, v15;
	v5 =	vsel vm0, v12, v23;
	v12 =	vsel vm1, v6, v11;
	v11 =	vld [tilespmem:s30+$0x0]  }
0x2aa: {  	vm0 =	veq.s32 v9, $0x0;
	v10 =	vand.u32 $0x1, v4;
	v8 =	vmul.f32 v5, v8;
	v9 =	vld [tilespmem:s28+$0xFFFFFFE0]  }
0x2ab: {  	v5 =	vand.u32 $0x1, v1;
	v15 =	vsub.f32 $1.000000000e+00, v20;
	v23 =	vsub.f32 $1.000000000e+00, v26;
	v6 =	vld [tilespmem:s4+$0x15700]  }
0x2ac: {  	v28 =	vand.u32 $0x1, v16;
	vm1 =	veq.s32 v5, $0x0;
	v25 =	vsub.f32 $1.000000000e+00, v21;
	v29 =	vld [tilespmem:s28+$0x0]  }
0x2ad: {  	v18 =	vsel vm0, v18, v19;
	vm0 =	vlt.s32 v13, $0x200000;
	v13 =	vand.u32 $0x1, v24;
	v5 =	vld [tilespmem:s29+$0x20]  }
0x2ae: {  	v24 =	vsub.f32 $1.000000000e+00, v14;
	vm2 =	veq.s32 v13, $0x0;
	v16 =	vld [tilespmem:s29+$0x1860];
	v11 =	vand.u32 $0x1, v11  }
0x2af: {  	v30 =	vsub.f32 $1.000000000e+00, v7;
	v19 =	vand.u32 $0x1, v9;
	vm3 =	veq.s32 v11, $0x0;
	v13 =	vld [tilespmem:s29+$0xFFFFE7B0]  }
0x2b0: {  	vm4 =	veq.s32 v28, $0x0;
	v15 =	vsel vm3, v15, v20;
	v28 =	vld [tilespmem:s30+$0x10];
	v9 =	vsub.f32 $1.000000000e+00, v6  }
0x2b1: {  	v20 =	vsel vm1, v25, v21;
	v21 =	vsel vm2, v30, v7;
	vm2 =	vlt.s32 v1, $0x200000;
	v11 =	vld [tilespmem:s0+$0x10]  }
0x2b2: {  	v1 =	vmul.f32 v18, v8;
	v18 =	vsel vm4, v23, v26;
	v7 =	vld [tilespmem:s29+$0x1880];
	v8 =	vsub.f32 $1.000000000e+00, v5  }
0x2b3: {  	vm1 =	veq.s32 v19, $0x0;
	v18 =	vmul.f32 v18, v20;
	v20 =	vand.u32 $0x1, v29;
	v19 =	vld [tilespmem:s29+$0x10]  }
.Ltmp6:
0x2b4: {  	v23 =	vsel vm1, v24, v14;
	v1 =	vnsel vm0, $0x0, v1;
	vm1 =	veq.s32 v20, $0x0;
	v20 =	vld [tilespmem:s28+$0x20];
	(pc) =	sbr.rel @p0 .LBB2_14-.Ltmp6, $4  }
0x2b5: {  	v26 =	vmul.f32 v12, v17;
	v14 =	vmul.f32 v21, v18;
	v25 =	vsub.f32 $1.000000000e+00, v16;
	v12 =	vld [tilespmem:s0+$0x20]  }
0x2b6: {  	vm0 =	vlt.s32 v22, $0x200000;
	v21 =	vadd.f32 v1, v27;
	v24 =	vsub.f32 $1.000000000e+00, v13;
	v22 =	vld [tilespmem:s28+$0x10]  }
0x2b7: {  	s5 =	smov.u32 s2;
	v17 =	vnsel vm2, $0x0, v14;
	v1 =	vand.u32 $0x1, v28;
	v18 =	vld [tilespmem:s29+$0xFFFFE7C0];
	v14 =	vsub.f32 $1.000000000e+00, v7  }
0x2b8: {  	v27 =	vmul.f32 v23, v26;
	s0 =	sadd.s32 $0x60, s0;
	vm2 =	veq.s32 v1, $0x0;
	s29 =	sadd.s32 $0x60, s29;
	v26 =	vsub.f32 $1.000000000e+00, v19;
	v23 =	vld [tilespmem:s30+$0x20];
	s30 =	sadd.s32 $0x60, s30  }
0x2b9: {  	_ =	swait.ge [sflag:s22], $0x4920  }
0x2ba: {  	[sflag:s22] =	ssyncset.done $0x0  }
0x2bb: {  	s0 =	simm.s32 $0x18810;
	[sflag:s22] =	ssyncadd.s32 $0xFFFFB6E0  }
0x2bc: {  	s4 =	simm.s32 $0x49B0;
	v1 =	vld [tilespmem:s0+$0xFFFFE7A0]  }
0x2bd: {  	vm3 =	veq.s32 v10, $0x0;
	v10 =	vsel vm1, v25, v16;
	s2 =	simm.s32 $0x6230;
	v25 =	vld [tilespmem:s4+$0xFFFFFFF0]  }
0x2be: {  	v16 =	vand.u32 $0x1, v11;
	vm1 =	vlt.s32 v4, $0x200000;
	s28 =	simm.s32 $0x7AB0;
	v2 =	vsel vm3, v3, v2;
	v4 =	vld [tilespmem:s2+$0xFFFFFFF0]  }
0x2bf: {  	vm3 =	veq.s32 v16, $0x0;
	v2 =	vmul.f32 v15, v2;
	v15 =	vsel vm2, v26, v19;
	v19 =	vld [tilespmem:s28+$0xFFFFFFD0]  }
0x2c0: {  	v3 =	vnsel vm0, $0x0, v27;
	v16 =	vand.u32 $0x1, v20;
	v13 =	vsel vm3, v24, v13;
	v20 =	vld [tilespmem:s0+$0x1830]  }
0x2c1: {  	v3 =	vadd.f32 v3, v21;
	v28 =	vld [tilespmem:s28+$0x0];
	v2 =	vmul.f32 v10, v2;
	v10 =	vand.u32 $0x1, v22  }
0x2c2: {  	v21 =	vsub.f32 $1.000000000e+00, v18;
	v13 =	vmul.f32 v15, v13;
	v22 =	vld [tilespmem:s2+$0xFFFFFFD0];
	vm0 =	veq.s32 v10, $0x0  }
0x2c3: {  	v10 =	vand.u32 $0x1, v12;
	v6 =	vsel vm0, v9, v6;
	v9 =	vand.u32 $0x1, v23;
	v23 =	vld [tilespmem:s0+$0xFFFFE770]  }
0x2c4: {  	v2 =	vnsel vm1, $0x0, v2;
	vm0 =	veq.s32 v10, $0x0;
	vm1 =	veq.s32 v9, $0x0;
	v9 =	vld [tilespmem:s0+$0xFFFFFFD0]  }
0x2c5: {  	v3 =	vadd.f32 v17, v3;
	v10 =	vsel vm0, v21, v18;
	vm0 =	veq.s32 v16, $0x0;
	v16 =	vld [tilespmem:s4+$0xFFFFFFE0]  }
0x2c6: {  	v6 =	vmul.f32 v6, v13;
	v5 =	vsel vm1, v8, v5;
	v8 =	vld [tilespmem:s4+$0xFFFFFFD0]  }
0x2c7: {  	v2 =	vadd.f32 v2, v3;
	v3 =	vsel vm0, v14, v7;
	v7 =	vld [tilespmem:s2+$0xFFFFFFE0];
	v5 =	vmul.f32 v5, v10  }
0x2c8: {  	vm1 =	vlt.s32 v11, $0x200000;
	vm0 =	vlt.s32 v12, $0x200000;
	v11 =	vld [tilespmem:s0+$0x1840]  }
0x2c9: {  	v27 =	vand.u32 $0x1, v4;
	v6 =	vnsel vm1, $0x0, v6;
	v3 =	vmul.f32 v3, v5;
	v5 =	vld [tilespmem:s0+$0xFFFFE780]  }
0x2ca: {  	v15 =	vsub.f32 $1.000000000e+00, v20;
	vm4 =	veq.s32 v27, $0x0;
	v2 =	vadd.f32 v6, v2;
	v6 =	vld [tilespmem:s0+$0xFFFFFFE0]  }
0x2cb: {  	s5 =	simm.s32 $0x0;
	v17 =	vld [tilespmem:s0+$0x0];
	v21 =	vsub.f32 $1.000000000e+00, v23;
	v10 =	vsub.f32 $1.000000000e+00, v9;
	v13 =	vand.u32 $0x1, v16  }
0x2cc: {  	s5 =	sand.u32 $0x3FE0, s5;
	v18 =	vld [tilespmem:s0+$0xFFFFE790];
	v3 =	vnsel vm0, $0x0, v3;
	v14 =	vand.u32 $0x1, v8;
	v7 =	vand.u32 $0x1, v7  }
0x2cd: {  	v29 =	vsub.f32 $1.000000000e+00, v11;
	v12 =	vadd.f32 v3, v2;
	vm1 =	veq.s32 v7, $0x0;
	v7 =	vld [tilespmem:s5+$0x18800]  }
0x2ce: {  	v4 =	vld [tilespmem:s0+$0x20];
	vm0 =	veq.s32 v13, $0x0;
	v2 =	vsub.f32 $1.000000000e+00, v1;
	v13 =	vsub.f32 $1.000000000e+00, v5  }
0x2cf: {  	vm2 =	veq.s32 v14, $0x0;
	v14 =	vand.u32 $0x1, v22;
	v22 =	vld [tilespmem:s0+$0x1850];
	v24 =	vsub.f32 $1.000000000e+00, v6  }
0x2d0: {  	v3 =	vld [tilespmem:s4+$0x0];
	v26 =	vsel vm0, v13, v5;
	v5 =	vsel vm2, v21, v23;
	vm0 =	veq.s32 v14, $0x0  }
0x2d1: {  	v13 =	vld [tilespmem:s28+$0xFFFFFFF0];
	v21 =	vsel vm1, v24, v6;
	v14 =	vand.u32 $0x1, v25;
	v24 =	vsub.f32 $1.000000000e+00, v17  }
0x2d2: {  	v6 =	vld [tilespmem:s2+$0x0];
	v9 =	vsel vm0, v10, v9;
	v10 =	vand.u32 $0x1, v19;
	v23 =	vsub.f32 $1.000000000e+00, v7  }
0x2d3: {  	vm1 =	veq.s32 v14, $0x0;
	v14 =	vsub.f32 $1.000000000e+00, v18;
	vm0 =	veq.s32 v10, $0x0;
	v10 =	vld [tilespmem:s28+$0xFFFFFFE0]  }
0x2d4: {  	v31 =	vsub.f32 $1.000000000e+00, v22;
	v26 =	vmul.f32 v21, v26;
	v19 =	vmul.f32 v9, v5;
	v5 =	vld [tilespmem:s5+$0x1A080]  }
0x2d5: {  	v9 =	vand.u32 $0x1, v3;
	v20 =	vsel vm0, v15, v20;
	vm0 =	vlt.s32 v8, $0x200000;
	v15 =	vld [tilespmem:s0+$0x1860]  }
0x2d6: {  	v18 =	vsel vm1, v14, v18;
	v14 =	vld [tilespmem:s4+$0x10];
	v20 =	vmul.f32 v20, v19;
	v19 =	vsel vm4, v23, v7  }
0x2d7: {  	v7 =	vsub.f32 $1.000000000e+00, v4;
	v6 =	vand.u32 $0x1, v6;
	v23 =	vmul.f32 v19, v18;
	v19 =	vld [tilespmem:s0+$0x10]  }
0x2d8: {  	v8 =	vand.u32 $0x1, v13;
	v18 =	vand.u32 $0x1, v28;
	vm3 =	veq.s32 v6, $0x0;
	v6 =	vld [tilespmem:s0+$0x1880]  }
0x2d9: {  	vm2 =	veq.s32 v8, $0x0;
	v30 =	vand.u32 $0x1, v10;
	v13 =	vsel vm3, v24, v17;
	v17 =	vld [tilespmem:s2+$0x10]  }
0x2da: {  	v10 =	vld [tilespmem:s0+$0xFFFFE7B0];
	v8 =	vsub.f32 $1.000000000e+00, v5;
	v22 =	vsel vm2, v31, v22;
	vm2 =	vlt.s32 v25, $0x200000  }
0x2db: {  	v24 =	vnsel vm0, $0x0, v20;
	vm1 =	veq.s32 v30, $0x0;
	v22 =	vmul.f32 v22, v23;
	v23 =	vld [tilespmem:s28+$0x10]  }
0x2dc: {  	vm0 =	vlt.s32 v16, $0x200000;
	v25 =	vsel vm1, v29, v11;
	vm1 =	veq.s32 v18, $0x0;
	v18 =	vld [tilespmem:s28+$0x20]  }
0x2dd: {  	v20 =	vsub.f32 $1.000000000e+00, v15;
	v21 =	vadd.f32 v24, v12;
	v11 =	vld [tilespmem:s4+$0x20];
	v16 =	vnsel vm2, $0x0, v22  }
0x2de: {  	s29 =	simm.s32 $0x18870;
	v25 =	vmul.f32 v25, v26;
	v26 =	vsub.f32 $1.000000000e+00, v19;
	v22 =	vand.u32 $0x1, v17;
	v17 =	vld [tilespmem:s0+$0xFFFFE7C0]  }
0x2df: {  	s30 =	simm.s32 $0x6290;
	s5 =	simm.s32 $0x60;
	v12 =	vsub.f32 $1.000000000e+00, v6;
	v24 =	vsub.f32 $1.000000000e+00, v10;
	s0 =	simm.s32 $0x4A10;
	vm2 =	veq.s32 v22, $0x0;
	v22 =	vld [tilespmem:s2+$0x20]  }
.LBB2_16:
0x2e0: {  	s2 =	smov.u32 s5  }
0x2e1: {  	s4 =	sand.u32 $0x3FE0, s5;
	v27 =	vld [tilespmem:s29+$0xFFFFE7A0];
	vm3 =	veq.s32 v9, $0x0;
	v9 =	vsel vm1, v20, v15;
	v15 =	vand.u32 $0x1, v14;
	s28 =	sadd.s32 $0x60, s28;
	s2 =	sadd.s32 $0x60, s5  }
0x2e2: {  	p0 =	sne.s32 s5, $0x1800;
	vm1 =	vlt.s32 v3, $0x200000;
	v1 =	vsel vm3, v2, v1;
	vm3 =	veq.s32 v15, $0x0;
	v20 =	vld [tilespmem:s0+$0xFFFFFFF0]  }
0x2e3: {  	v2 =	vnsel vm0, $0x0, v25;
	v3 =	vsel vm2, v26, v19;
	v25 =	vmul.f32 v13, v1;
	v15 =	vld [tilespmem:s30+$0xFFFFFFF0]  }
0x2e4: {  	vm0 =	vlt.s32 v14, $0x200000;
	v14 =	vand.u32 $0x1, v18;
	v10 =	vsel vm3, v24, v10;
	v13 =	vld [tilespmem:s28+$0xFFFFFFD0]  }
0x2e5: {  	v19 =	vadd.f32 v2, v21;
	v24 =	vand.u32 $0x1, v23;
	v2 =	vmul.f32 v9, v25;
	v18 =	vld [tilespmem:s29+$0x1830]  }
0x2e6: {  	v21 =	vand.u32 $0x1, v11;
	vm2 =	veq.s32 v24, $0x0;
	v23 =	vsub.f32 $1.000000000e+00, v17;
	v1 =	vmovc v27;
	v9 =	vld [tilespmem:s30+$0xFFFFFFD0]  }
0x2e7: {  	v5 =	vsel vm2, v8, v5;
	v8 =	vand.u32 $0x1, v22;
	v25 =	vnsel vm1, $0x0, v2;
	v24 =	vld [tilespmem:s29+$0xFFFFE770]  }
0x2e8: {  	v3 =	vmul.f32 v3, v10;
	v2 =	vsub.f32 $1.000000000e+00, v1;
	vm1 =	veq.s32 v21, $0x0;
	v22 =	vld [tilespmem:s29+$0xFFFFFFD0]  }
0x2e9: {  	v16 =	vadd.f32 v16, v19;
	v17 =	vsel vm1, v23, v17;
	vm1 =	vlt.s32 v11, $0x200000;
	v10 =	vld [tilespmem:s0+$0xFFFFFFD0]  }
0x2ea: {  	vm3 =	veq.s32 v14, $0x0;
	v3 =	vmul.f32 v5, v3;
	vm2 =	veq.s32 v8, $0x0;
	v23 =	vld [tilespmem:s0+$0xFFFFFFE0]  }
0x2eb: {  	v6 =	vsel vm3, v12, v6;
	v4 =	vsel vm2, v7, v4;
	v8 =	vadd.f32 v25, v16;
	v5 =	vld [tilespmem:s30+$0xFFFFFFE0]  }
0x2ec: {  	v3 =	vnsel vm0, $0x0, v3;
	v4 =	vmul.f32 v4, v17;
	v7 =	vld [tilespmem:s29+$0xFFFFE780]  }
0x2ed: {  	v8 =	vadd.f32 v3, v8;
	v11 =	vld [tilespmem:s29+$0xFFFFFFE0]  }
0x2ee: {  	v4 =	vmul.f32 v6, v4;
	v12 =	vsub.f32 $1.000000000e+00, v22;
	v16 =	vld [tilespmem:s29+$0x1840]  }
0x2ef: {  	v6 =	vand.u32 $0x1, v23;
	v3 =	vld [tilespmem:s0+$0x0]  }
0x2f0: {  	v17 =	vsub.f32 $1.000000000e+00, v18;
	v4 =	vnsel vm1, $0x0, v4;
	v14 =	vand.u32 $0x1, v10;
	v19 =	vld [tilespmem:s29+$0x0]  }
0x2f1: {  	vm0 =	veq.s32 v6, $0x0;
	v5 =	vand.u32 $0x1, v5;
	v6 =	vsub.f32 $1.000000000e+00, v7;
	v21 =	vld [tilespmem:s29+$0xFFFFE790]  }
0x2f2: {  	v25 =	vsub.f32 $1.000000000e+00, v24;
	vm1 =	veq.s32 v5, $0x0;
	v5 =	vsub.f32 $1.000000000e+00, v11;
	v26 =	vld [tilespmem:s4+$0x18800]  }
0x2f3: {  	v9 =	vand.u32 $0x1, v9;
	vm2 =	veq.s32 v14, $0x0;
	v27 =	vsel vm0, v6, v7;
	v6 =	vld [tilespmem:s29+$0x1850]  }
0x2f4: {  	v7 =	vsel vm2, v25, v24;
	vm0 =	veq.s32 v9, $0x0;
	v24 =	vadd.f32 v4, v8;
	v14 =	vld [tilespmem:s28+$0xFFFFFFF0]  }
0x2f5: {  	v8 =	vand.u32 $0x1, v13;
	v4 =	vsel vm0, v12, v22;
	v11 =	vsel vm1, v5, v11;
	v12 =	vld [tilespmem:s30+$0x0]  }
0x2f6: {  	vm0 =	veq.s32 v8, $0x0;
	v9 =	vand.u32 $0x1, v3;
	v7 =	vmul.f32 v4, v7;
	v8 =	vld [tilespmem:s28+$0xFFFFFFE0]  }
0x2f7: {  	v4 =	vand.u32 $0x1, v20;
	v13 =	vsub.f32 $1.000000000e+00, v19;
	v22 =	vsub.f32 $1.000000000e+00, v26;
	v5 =	vld [tilespmem:s4+$0x1A080]  }
0x2f8: {  	v28 =	vand.u32 $0x1, v15;
	vm1 =	veq.s32 v4, $0x0;
	v25 =	vsub.f32 $1.000000000e+00, v21;
	v29 =	vld [tilespmem:s28+$0x0]  }
0x2f9: {  	v17 =	vsel vm0, v17, v18;
	vm0 =	vlt.s32 v10, $0x200000;
	v10 =	vand.u32 $0x1, v14;
	v4 =	vld [tilespmem:s29+$0x20]  }
0x2fa: {  	v18 =	vsub.f32 $1.000000000e+00, v16;
	vm2 =	veq.s32 v10, $0x0;
	v15 =	vld [tilespmem:s29+$0x1860];
	v10 =	vand.u32 $0x1, v12  }
0x2fb: {  	v14 =	vsub.f32 $1.000000000e+00, v6;
	v12 =	vand.u32 $0x1, v8;
	vm3 =	veq.s32 v10, $0x0;
	v10 =	vld [tilespmem:s29+$0xFFFFE7B0]  }
0x2fc: {  	vm4 =	veq.s32 v28, $0x0;
	v13 =	vsel vm3, v13, v19;
	v28 =	vld [tilespmem:s30+$0x10];
	v8 =	vsub.f32 $1.000000000e+00, v5  }
0x2fd: {  	v19 =	vsel vm1, v25, v21;
	v21 =	vsel vm2, v14, v6;
	vm2 =	vlt.s32 v20, $0x200000;
	v14 =	vld [tilespmem:s0+$0x10]  }
0x2fe: {  	v17 =	vmul.f32 v17, v7;
	v20 =	vsel vm4, v22, v26;
	v6 =	vld [tilespmem:s29+$0x1880];
	v7 =	vsub.f32 $1.000000000e+00, v4  }
0x2ff: {  	vm1 =	veq.s32 v12, $0x0;
	v12 =	vmul.f32 v20, v19;
	v20 =	vand.u32 $0x1, v29;
	v19 =	vld [tilespmem:s29+$0x10]  }
.Ltmp7:
0x300: {  	v17 =	vnsel vm0, $0x0, v17;
	v22 =	vsel vm1, v18, v16;
	vm1 =	veq.s32 v20, $0x0;
	v18 =	vld [tilespmem:s28+$0x20];
	(pc) =	sbr.rel @p0 .LBB2_16-.Ltmp7, $4  }
0x301: {  	v25 =	vmul.f32 v11, v27;
	v12 =	vmul.f32 v21, v12;
	v20 =	vsub.f32 $1.000000000e+00, v15;
	v11 =	vld [tilespmem:s0+$0x20]  }
0x302: {  	vm0 =	vlt.s32 v23, $0x200000;
	v21 =	vadd.f32 v17, v24;
	v24 =	vsub.f32 $1.000000000e+00, v10;
	v23 =	vld [tilespmem:s28+$0x10]  }
0x303: {  	s5 =	smov.u32 s2;
	v16 =	vnsel vm2, $0x0, v12;
	v26 =	vand.u32 $0x1, v28;
	v17 =	vld [tilespmem:s29+$0xFFFFE7C0];
	v12 =	vsub.f32 $1.000000000e+00, v6  }
0x304: {  	v25 =	vmul.f32 v22, v25;
	s0 =	sadd.s32 $0x60, s0;
	vm2 =	veq.s32 v26, $0x0;
	s29 =	sadd.s32 $0x60, s29;
	v26 =	vsub.f32 $1.000000000e+00, v19;
	v22 =	vld [tilespmem:s30+$0x20];
	s30 =	sadd.s32 $0x60, s30  }
0x305: {  	s0 =	simm.s32 $0x1B900  }
0x306: {  	[tilespmem:s0], [sflag:$0x5] =	stream.linear.gather [hbm4b:s16+s3], $0x28, $0x38;
	[tilespmem:$0x1BD00] =	vst v63  }
0x307: {  	_ =	swait.ge [sflag:s25], $0x28  }
0x308: {  	[sflag:s25] =	ssyncset.done $0x0  }
0x309: {  	s6 =	simm.s32 $0x1B980;
	[sflag:s25] =	ssyncadd.s32 $0xFFFFFFD8  }
0x30a: {  	[tilespmem:s6], [sflag:$0x5] =	stream.linear.gather [hbm4b:s17+s3], $0x28, $0x38;
	[tilespmem:$0x1BD00] =	vst v63  }
0x30b: {  	_ =	swait.ge [sflag:s25], $0x28  }
0x30c: {  	[sflag:s25] =	ssyncset.done $0x0  }
0x30d: {  	s28 =	simm.s32 $0x1BA00;
	[sflag:s25] =	ssyncadd.s32 $0xFFFFFFD8  }
0x30e: {  	[tilespmem:s28], [sflag:$0x5] =	stream.linear.gather [hbm4b:s18+s3], $0x28, $0x38;
	[tilespmem:$0x1BD00] =	vst v63  }
0x30f: {  	_ =	swait.ge [sflag:s25], $0x28  }
0x310: {  	[sflag:s25] =	ssyncset.done $0x0  }
0x311: {  	[sflag:s25] =	ssyncadd.s32 $0xFFFFFFD8  }
0x312: {  	v27 =	vld [tilespmem:$0x1B900]  }
0x313: {  	v28 =	vld [tilespmem:$0x1B980]  }
0x314: {  	v29 =	vld [tilespmem:$0x1BA00]  }
0x315: {  	v30 =	vld [tilespmem:$0x1B910]  }
0x316: {  	v31 =	vld [tilespmem:$0x1B990]  }
0x317: {  	v32 =	vld [tilespmem:$0x1BA10];
	v27 =	vshrl.u32 v27, $0x1  }
0x318: {  	v33 =	vld [tilespmem:$0x1B920];
	v28 =	vshrl.u32 v28, $0x1;
	v27 =	vand.u32 $0xFFFFF, v27  }
0x319: {  	v48 =	vld [tilespmem:$0x1B9A0];
	v47 =	vshrl.u32 v29, $0x1;
	v46 =	vand.u32 $0xFFFFF, v28;
	[tilespmem:$0x1BA80] =	vst v27  }
0x31a: {  	v51 =	vld [tilespmem:$0x1BA20];
	v50 =	vshrl.u32 v30, $0x1;
	v49 =	vand.u32 $0xFFFFF, v47;
	[tilespmem:$0x1BAB0] =	vst v46  }
0x31b: {  	v53 =	vshrl.u32 v31, $0x1;
	v52 =	vand.u32 $0xFFFFF, v50;
	[tilespmem:$0x1BAE0] =	vst v49  }
0x31c: {  	v55 =	vshrl.u32 v32, $0x1;
	v54 =	vand.u32 $0xFFFFF, v53;
	[tilespmem:$0x1BA90] =	vst v52  }
0x31d: {  	v57 =	vshrl.u32 v33, $0x1;
	v56 =	vand.u32 $0xFFFFF, v55;
	[tilespmem:$0x1BAC0] =	vst v54  }
0x31e: {  	v59 =	vshrl.u32 v48, $0x1;
	v58 =	vand.u32 $0xFFFFF, v57;
	[tilespmem:$0x1BAF0] =	vst v56  }
0x31f: {  	v61 =	vshrl.u32 v51, $0x1;
	v60 =	vand.u32 $0xFFFFF, v59;
	[tilespmem:$0x1BAA0] =	vst v58  }
0x320: {  	v62 =	vand.u32 $0xFFFFF, v61;
	[tilespmem:$0x1BAD0] =	vst v60  }
0x321: {  	s29 =	simm.s32 $0x90;
	s2 =	simm.s32 $0x1BA80;
	s4 =	simm.s32 $0x1BB80;
	[tilespmem:$0x1BB00] =	vst v62  }
0x322: {  	[tilespmem:s4], [sflag:$0x1] =	stream.indirect.gather [hbm4b:s1+s29], $0x1, s2, s29, $0xb8;
	[tilespmem:$0x1BD00] =	vst v63  }
0x323: {  	_ =	swait.ge [sflag:s23], $0x90  }
0x324: {  	[sflag:s23] =	ssyncset.done $0x0  }
0x325: {  	vm3 =	veq.s32 v9, $0x0;
	[sflag:s23] =	ssyncadd.s32 $0xFFFFFF70  }
0x326: {  	v1 =	vsel vm3, v2, v1;
	v2 =	vnsel vm0, $0x0, v25;
	v25 =	vld [tilespmem:$0x1B900]  }
0x327: {  	v63 =	vsel vm1, v20, v15;
	v20 =	vand.u32 $0x1, v14;
	vm7 =	vlt.s32 v3, $0x200000;
	v27 =	vld [tilespmem:$0x1BB80]  }
0x328: {  	vm8 =	veq.s32 v20, $0x0;
	v3 =	vsel vm2, v26, v19;
	v1 =	vmul.f32 v13, v1;
	v30 =	vld [tilespmem:$0x1B980]  }
0x329: {  	v10 =	vsel vm8, v24, v10;
	v24 =	vand.u32 $0x1, v23;
	v2 =	vadd.f32 v2, v21;
	v31 =	vld [tilespmem:$0x1BBB0]  }
0x32a: {  	v26 =	vand.u32 $0x1, v18;
	vm10 =	veq.s32 v24, $0x0;
	v3 =	vmul.f32 v3, v10;
	v33 =	vld [tilespmem:$0x1BA00]  }
0x32b: {  	v1 =	vmul.f32 v63, v1;
	v5 =	vsel vm10, v8, v5;
	v2 =	vadd.f32 v16, v2;
	v34 =	vld [tilespmem:$0x1BBE0]  }
0x32c: {  	v29 =	vsub.f32 $1.000000000e+00, v17;
	v32 =	vand.u32 $0x1, v22;
	v28 =	vand.u32 $0x1, v11;
	v35 =	vld [tilespmem:$0x1B910]  }
0x32d: {  	v1 =	vnsel vm7, $0x0, v1;
	vm13 =	veq.s32 v32, $0x0;
	vm11 =	veq.s32 v28, $0x0;
	v36 =	vld [tilespmem:$0x1BB90]  }
0x32e: {  	v1 =	vadd.f32 v1, v2;
	v2 =	vsel vm13, v7, v4;
	v15 =	vsel vm11, v29, v17;
	v38 =	vld [tilespmem:$0x1B990]  }
0x32f: {  	vm14 =	veq.s32 v26, $0x0;
	v3 =	vmul.f32 v5, v3;
	v2 =	vmul.f32 v2, v15;
	v40 =	vld [tilespmem:$0x1BBC0]  }
0x330: {  	vm9 =	vlt.s32 v14, $0x200000;
	v6 =	vsel vm14, v12, v6;
	v44 =	vld [tilespmem:$0x1BBF0]  }
0x331: {  	v3 =	vnsel vm9, $0x0, v3;
	v2 =	vmul.f32 v6, v2;
	v45 =	vld [tilespmem:$0x1B920]  }
0x332: {  	vm12 =	vlt.s32 v11, $0x200000;
	v1 =	vadd.f32 v3, v1;
	v46 =	vld [tilespmem:$0x1BBA0]  }
0x333: {  	v49 =	vld [tilespmem:$0x1B9A0];
	v2 =	vnsel vm12, $0x0, v2  }
0x334: {  	v52 =	vld [tilespmem:$0x1BBD0];
	v1 =	vadd.f32 v2, v1;
	v3 =	vand.u32 $0x1, v25  }
0x335: {  	v56 =	vld [tilespmem:$0x1BC00];
	v37 =	vsub.f32 $1.000000000e+00, v27;
	v39 =	vsub.f32 $1.000000000e+00, v31;
	v42 =	vand.u32 $0x1, v33  }
0x336: {  	v43 =	vsub.f32 $1.000000000e+00, v34;
	v47 =	vand.u32 $0x1, v35;
	v48 =	vsub.f32 $1.000000000e+00, v36  }
0x337: {  	v50 =	vand.u32 $0x1, v38;
	v51 =	vsub.f32 $1.000000000e+00, v40;
	vm7 =	vlt.s32 v25, $0x200000  }
0x338: {  	v55 =	vsub.f32 $1.000000000e+00, v44;
	vm15 =	veq.s32 v3, $0x0;
	v3 =	vand.u32 $0x1, v30  }
0x339: {  	v57 =	vand.u32 $0x1, v45;
	v58 =	vsub.f32 $1.000000000e+00, v46;
	vm4 =	veq.s32 v3, $0x0;
	v3 =	vld [tilespmem:$0x1BA10]  }
0x33a: {  	v59 =	vand.u32 $0x1, v49;
	v60 =	vsub.f32 $1.000000000e+00, v52;
	v62 =	vsub.f32 $1.000000000e+00, v56  }
0x33b: {  	vm12 =	vlt.s32 v35, $0x200000;
	vm5 =	veq.s32 v42, $0x0;
	vm6 =	veq.s32 v47, $0x0  }
0x33c: {  	v53 =	vld [tilespmem:$0x1BA20];
	vm8 =	veq.s32 v50, $0x0;
	vm10 =	veq.s32 v57, $0x0;
	vm11 =	veq.s32 v59, $0x0  }
0x33d: {  	v41 =	vsel vm15, v37, v27;
	v7 =	vsel vm6, v48, v36;
	v8 =	vsel vm4, v39, v31  }
0x33e: {  	v54 =	vsel vm8, v51, v40;
	v6 =	vmul.f32 v8, v41;
	v3 =	vand.u32 $0x1, v3  }
0x33f: {  	v2 =	vsel vm5, v43, v34;
	v7 =	vmul.f32 v54, v7;
	vm9 =	veq.s32 v3, $0x0  }
0x340: {  	v5 =	vsel vm10, v58, v46;
	v2 =	vmul.f32 v2, v6;
	v3 =	vsel vm9, v55, v44  }
0x341: {  	v61 =	vsel vm11, v60, v52;
	v6 =	vand.u32 $0x1, v53;
	v3 =	vmul.f32 v3, v7  }
0x342: {  	v63 =	vmul.f32 v61, v5;
	vm13 =	veq.s32 v6, $0x0;
	v2 =	vnsel vm7, $0x0, v2  }
0x343: {  	v1 =	vadd.f32 v2, v1;
	v2 =	vnsel vm12, $0x0, v3;
	v3 =	vsel vm13, v62, v56  }
0x344: {  	vm14 =	vlt.s32 v45, $0x200000;
	vm15 =	vmmov $0xff;
	v3 =	vmul.f32 v3, v63  }
0x345: {  	vm0 =	vmand vm14, vm15;
	v1 =	vadd.f32 v2, v1  }
0x346: {  	v2 =	vnsel vm0, $0x0, v3  }
0x347: {  	s26 =	sadd.s32 $0x1, s26;
	v1 =	vadd.f32 v2, v1  }
0x348: {  	p0 =	sne.s32 s26, s20  }
.Ltmp8:
0x349: {  	s30 =	simm.s32 $0x1BC80;
	[tilespmem:$0x1BC80] =	vst v1;
	(pc) =	sbr.rel @p0 .LBB2_1-.Ltmp8, $4  }
0x34a: {  	[hbm4b:s19+s3] =	stream.linear.scatter [tilespmem:s30], [sflag:$0x5], $0x80, $0x38;
	[tilespmem:$0x1BD00] =	vst v63  }
0x34b: {  	_ =	swait.ge [sflag:s25], $0x80  }
0x34c: {  	[sflag:s25] =	ssyncset.done $0x0  }
0x34d: {  	[sflag:s25] =	ssyncadd.s32 $0xFFFFFF80  }
0x34e: {  	_ =	sfence.sel $0x180000  }
0x34f: {  	[bflag:$0x0] =	sbarrier.arrive $0xFFFF  }
0x350: {  	_ =	strace $0x90000047  }
0x351: {  	s0 =	stileid.u32;
	[bflag:$0x2] =	sbarrier.arrive $0xFFFF  }
0x352: {  	p0 =	sne.s32 s0, $0x0;
	s0 =	rddreg [dreg:$0x2]  }
0x353: {  	s0 =	sadd.s32 @!p0 $0x100000, s0  }
0x354: {  	[sflag:s0] =	ssyncadd.tile.s32 @!p0 $0x1;
	_ =	shalt  }
.Lfunc_end2:
_tile_overlayer_lowered:
.L_overlay_start_2:
0x355: {  	(tag) =	ssettag $0x2  }
0x356: {  	s0 =	rddreg [dreg:$0x0];
	s2 =	stileid.u32  }
0x357: {  	s1 =	rddreg [dreg:$0x1];
	p0 =	sne.s32 s2, $0x0  }
0x358: {  	s3 =	rddreg [dreg:$0x2];
	[bflag:$0x3] =	sbarrier.arrive $0xFFFF;
	s2 =	simm.s32 @!p0 $0x1C05  }
0x359: {  	[timem:s3], [sflag:s2] =	dma.local @!p0 [hbm:s0], s1  }
0x35a: {  	s0 =	simm.s32 @!p0 $0x5  }
0x35b: {  	_ =	swait.ge @!p0 [sflag:s0], s1  }
0x35c: {  	s1 =	ssub.s32 @!p0 $0x0, s1;
	[sflag:s0] =	ssyncset.done @!p0 $0x0  }
0x35d: {  	[sflag:s0] =	ssyncadd.s32 @!p0 s1  }
0x35e: {  	[bflag:$0x3] =	sbarrier.arrive $0xFFFF  }
0x35f: {  	_ =	shalt  }

</sc_bundles>
